<compile_context>
chip_gen: v7x
topology: tpu7x:2x2x1
jax: 0.10.2.dev20260603
libtpu: 0.0.44.dev20260713+nightly
codegen_flags: <defaults>
</compile_context>

<pallas_src>
import functools

import jax
import jax.numpy as jnp
from jax import lax
from jax.experimental import pallas as pl
from jax.experimental.pallas import tpu as pltpu
from jax.experimental.pallas import tpu_sc as plsc

G = 128
GGG = G * G * G
NCHAN = 5
CHUNK = 128
NGROUPS = CHUNK // 16
NBUF = 2
SBUF = 4
CELLS = 2048

_SC_PARAMS = pltpu.CompilerParams(
    needs_layout_passes=False, use_tc_tiling_on_sc=False)


def _sc_run(posflat, hflat, eflat, n_points, n_b):
    info = plsc.get_sparse_core_info()
    nc, ns = info.num_cores, info.num_subcores
    nw = nc * ns
    per_tile = n_points // nw
    n_chunks = per_tile // CHUNK
    cells_per_tile = GGG // ns
    n_bchunks = cells_per_tile // CELLS

    mesh = plsc.VectorSubcoreMesh(core_axis_name="c", subcore_axis_name="s")

    @functools.partial(
        pl.kernel,
        mesh=mesh,
        compiler_params=_SC_PARAMS,
        out_type=[
            jax.ShapeDtypeStruct((n_points,), jnp.float32),
            jax.ShapeDtypeStruct((n_points * 4,), jnp.float32),
        ],
        scratch_types=[
            pltpu.HBM((GGG, 8), jnp.float32),
            pltpu.VMEM((NBUF, NCHAN, CELLS + 16), jnp.float32),
            pltpu.VMEM((NBUF, CELLS, 8), jnp.float32),
            pltpu.VMEM((SBUF, 3, CHUNK), jnp.float32),
            pltpu.VMEM((SBUF, 3, CHUNK), jnp.float32),
            pltpu.VMEM((SBUF, 4, CHUNK), jnp.int32),
            pltpu.VMEM((SBUF, 4, CHUNK, 8), jnp.float32),
            pltpu.VMEM((SBUF, CHUNK), jnp.float32),
            pltpu.VMEM((SBUF, 4, CHUNK), jnp.float32),
            pltpu.SemaphoreType.DMA,
            pltpu.SemaphoreType.DMA,
            pltpu.SemaphoreType.DMA,
            pltpu.SemaphoreType.DMA,
            pltpu.SemaphoreType.DMA,
        ],
    )
    def k(pos_hbm, h_hbm, e_hbm, outh_hbm, oute_hbm,
          tbl_hbm, cbuf, tbuf, posbuf, wbuf, idxbuf, gbuf, obufh, obufe,
          sem_in, sem_tbl, sem_pos, sem_g, sem_out):
        sub = lax.axis_index("s")
        wid = sub * nc + lax.axis_index("c")
        tile_base = wid * per_tile
        build_base = sub * cells_per_tile
        lane = lax.iota(jnp.int32, 16)

        def in_copies(it):
            slot = lax.rem(it, NBUF)
            base = build_base + it * CELLS
            cps = [pltpu.make_async_copy(
                h_hbm.at[pl.ds(base, CELLS)],
                cbuf.at[slot, 0, pl.ds(0, CELLS)], sem_in)]
            for c in range(4):
                cps.append(pltpu.make_async_copy(
                    e_hbm.at[pl.ds(c * GGG + base, CELLS)],
                    cbuf.at[slot, c + 1, pl.ds(0, CELLS)], sem_in))
            return cps

        def tbl_copies(it):
            slot = lax.rem(it, NBUF)
            base = build_base + it * CELLS
            return [pltpu.make_async_copy(
                tbuf.at[slot], tbl_hbm.at[pl.ds(base, CELLS)], sem_tbl)]

        def build_compute(it):
            slot = lax.rem(it, NBUF)

            def body(gg, carry):
                i = gg * 16
                cellv = i + lane
                is_last = jnp.logical_and(lane == 15, lax.rem(gg, 8) == 7)
                vals = []
                for c in range(NCHAN):
                    v = cbuf[slot, c, pl.ds(i, 16)]
                    vs = cbuf[slot, c, pl.ds(i + 1, 16)]
                    vals.append((v, jnp.where(is_last, v, vs)))
                for s in range(2):
                    pairs = ((vals[0][s], vals[1][s]),
                             (vals[2][s], vals[3][s]),
                             (vals[4][s], vals[4][s]))
                    for w, (a, b) in enumerate(pairs):
                        pk = plsc.pack(a, b, format=plsc.PackFormat.INTERLEAVED)
                        word = plsc.bitcast(pk, jnp.float32)
                        plsc.store_scatter(
                            tbuf.at[slot],
                            [cellv, jnp.full((16,), s * 4 + w, jnp.int32)],
                            word)
                return carry

            lax.fori_loop(0, CELLS // 16, body, 0)

        for cp in in_copies(0):
            cp.start()
        for cp in in_copies(1):
            cp.start()

        def build_loop(it, carry):
            for cp in in_copies(it):
                cp.wait()

            @pl.when(it >= 2)
            def _():
                for cp in tbl_copies(it - 2):
                    cp.wait()

            build_compute(it)
            for cp in tbl_copies(it):
                cp.start()

            @pl.when(it + 2 < n_bchunks)
            def _():
                for cp in in_copies(it + 2):
                    cp.start()

            return carry

        lax.fori_loop(0, n_bchunks, build_loop, 0)
        for cp in tbl_copies(n_bchunks - 2):
            cp.wait()
        for cp in tbl_copies(n_bchunks - 1):
            cp.wait()
        plsc.subcore_barrier()

        def pos_copies(it):
            slot = lax.rem(it, SBUF)
            base = tile_base + it * CHUNK
            return [pltpu.make_async_copy(
                pos_hbm.at[pl.ds(d * n_points + base, CHUNK)],
                posbuf.at[slot, d], sem_pos) for d in range(3)]

        def gather_copies(it):
            slot = lax.rem(it, SBUF)
            return [pltpu.make_async_copy(tbl_hbm.at[idxbuf.at[slot, kk]],
                                          gbuf.at[slot, kk], sem_g)
                    for kk in range(4)]

        def out_copies(it):
            slot = lax.rem(it, SBUF)
            base = tile_base + it * CHUNK
            tq = base // n_b
            b0 = base - tq * n_b
            cps = [pltpu.make_async_copy(obufh.at[slot],
                                         outh_hbm.at[pl.ds(base, CHUNK)],
                                         sem_out)]
            for c in range(4):
                cps.append(pltpu.make_async_copy(
                    obufe.at[slot, c],
                    oute_hbm.at[pl.ds(tq * 4 * n_b + c * n_b + b0, CHUNK)],
                    sem_out))
            return cps

        def phase1(it):
            slot = lax.rem(it, SBUF)

            def body(g, carry):
                p = g * 16
                px = posbuf[slot, 0, pl.ds(p, 16)]
                py = posbuf[slot, 1, pl.ds(p, 16)]
                pz = posbuf[slot, 2, pl.ds(p, 16)]
                x = jnp.clip((px + 1.0) * (0.5 * (G - 1)), 0.0, float(G - 1))
                y = jnp.clip((py + 1.0) * (0.5 * (G - 1)), 0.0, float(G - 1))
                z = jnp.clip((pz + 1.0) * (0.5 * (G - 1)), 0.0, float(G - 1))
                xi = x.astype(jnp.int32)
                yi = y.astype(jnp.int32)
                zi = z.astype(jnp.int32)
                y1 = jnp.minimum(yi + 1, G - 1)
                z1 = jnp.minimum(zi + 1, G - 1)
                idxbuf[slot, 0, pl.ds(p, 16)] = (zi * G + yi) * G + xi
                idxbuf[slot, 1, pl.ds(p, 16)] = (zi * G + y1) * G + xi
                idxbuf[slot, 2, pl.ds(p, 16)] = (z1 * G + yi) * G + xi
                idxbuf[slot, 3, pl.ds(p, 16)] = (z1 * G + y1) * G + xi
                wbuf[slot, 0, pl.ds(p, 16)] = x - xi.astype(jnp.float32)
                wbuf[slot, 1, pl.ds(p, 16)] = y - yi.astype(jnp.float32)
                wbuf[slot, 2, pl.ds(p, 16)] = z - zi.astype(jnp.float32)
                return carry

            lax.fori_loop(0, NGROUPS, body, 0)

        def phase2(it):
            slot = lax.rem(it, SBUF)

            def body(g, carry):
                p = g * 16
                wx = wbuf[slot, 0, pl.ds(p, 16)]
                wy = wbuf[slot, 1, pl.ds(p, 16)]
                wz = wbuf[slot, 2, pl.ds(p, 16)]
                ux = 1.0 - wx
                wk = ((1.0 - wz) * (1.0 - wy), (1.0 - wz) * wy,
                      wz * (1.0 - wy), wz * wy)
                rowv = p + lane
                slotv = jnp.full((16,), slot, jnp.int32)
                accs = [None] * NCHAN
                for kk in range(4):
                    kv = jnp.full((16,), kk, jnp.int32)
                    for s, ws in ((0, wk[kk] * ux), (1, wk[kk] * wx)):
                        chans = []
                        for w in range(3):
                            word = plsc.load_gather(
                                gbuf,
                                [slotv, kv, rowv,
                                 jnp.full((16,), s * 4 + w, jnp.int32)])
                            a, b = plsc.unpack(
                                plsc.bitcast(word, jnp.bfloat16),
                                format=plsc.PackFormat.INTERLEAVED)
                            chans.extend((a, b))
                        for c in range(NCHAN):
                            term = ws * chans[c].astype(jnp.float32)
                            accs[c] = (term if accs[c] is None
                                       else accs[c] + term)
                obufh[slot, pl.ds(p, 16)] = accs[0]
                for c in range(1, NCHAN):
                    obufe[slot, c - 1, pl.ds(p, 16)] = accs[c]
                return carry

            lax.fori_loop(0, NGROUPS, body, 0)

        for j in range(4):
            for cp in pos_copies(j):
                cp.start()
        for j in range(2):
            for cp in pos_copies(j):
                cp.wait()
            phase1(j)
            for cp in gather_copies(j):
                cp.start()

        def loop_body(it, carry):
            @pl.when(it + 2 < n_chunks)
            def _():
                for cp in pos_copies(it + 2):
                    cp.wait()
                phase1(it + 2)
                for cp in gather_copies(it + 2):
                    cp.start()

            @pl.when(it + 4 < n_chunks)
            def _():
                for cp in pos_copies(it + 4):
                    cp.start()

            for cp in gather_copies(it):
                cp.wait()

            @pl.when(it >= SBUF)
            def _():
                for cp in out_copies(it - SBUF):
                    cp.wait()

            phase2(it)
            for cp in out_copies(it):
                cp.start()
            return carry

        lax.fori_loop(0, n_chunks, loop_body, 0)

        for j in range(SBUF):
            for cp in out_copies(n_chunks - SBUF + j):
                cp.wait()

    return k(posflat, hflat, eflat)


def kernel(positions, H, E):
    Bb, Tt, _ = positions.shape
    n_points = Bb * Tt
    posflat = positions.transpose(2, 1, 0).reshape(3 * n_points)
    outh, oute = _sc_run(posflat, H.reshape(GGG), E.reshape(4 * GGG),
                         n_points, Bb)
    return (outh.reshape(Tt, Bb).T,
            oute.reshape(Tt, 4, Bb).transpose(2, 0, 1))

# --- scband reference (transcript-rebuilt; emitter-appended) ---
"""Pipeline reference for scband-terrain3-d-33483565040111 (READ-ONLY COPY).

The authoritative reference and input builder live on the scoring server;
editing this copy changes nothing except your own understanding.
"""

import jax, jax.numpy as jnp
import numpy as np

G = 128
N_EMOTIONS = 4
B = 4096
T = 200


def setup_inputs(seed: int = 0) -> dict:
    key = jax.random.key(seed)
    k1, k2, k3 = jax.random.split(key, 3)
    positions = jax.random.uniform(k1, (B, T, 3), dtype=jnp.float32, minval=-1.0, maxval=1.0)
    # buffers materialized as inputs (randomized so the gather is nontrivial)
    H = jax.random.uniform(k2, (1, 1, G, G, G), dtype=jnp.float32)
    E = jax.random.uniform(k3, (1, N_EMOTIONS, G, G, G), dtype=jnp.float32)
    return {"positions": positions, "H": H, "E": E}


def _trilinear_sample(vol, pos):
    # vol: [C, D, Hd, W]; pos: [P, 3] with (x, y, z) in [-1, 1]
    # matches F.grid_sample(mode='bilinear', padding_mode='border', align_corners=True)
    C, D, Hd, W = vol.shape
    x = jnp.clip((pos[:, 0] + 1.0) * 0.5 * (W - 1), 0.0, float(W - 1))
    y = jnp.clip((pos[:, 1] + 1.0) * 0.5 * (Hd - 1), 0.0, float(Hd - 1))
    z = jnp.clip((pos[:, 2] + 1.0) * 0.5 * (D - 1), 0.0, float(D - 1))
    x0 = jnp.floor(x); y0 = jnp.floor(y); z0 = jnp.floor(z)
    wx = x - x0; wy = y - y0; wz = z - z0
    x0i = x0.astype(jnp.int32); y0i = y0.astype(jnp.int32); z0i = z0.astype(jnp.int32)
    x1i = jnp.minimum(x0i + 1, W - 1)
    y1i = jnp.minimum(y0i + 1, Hd - 1)
    z1i = jnp.minimum(z0i + 1, D - 1)
    v000 = vol[:, z0i, y0i, x0i]
    v001 = vol[:, z0i, y0i, x1i]
    v010 = vol[:, z0i, y1i, x0i]
    v011 = vol[:, z0i, y1i, x1i]
    v100 = vol[:, z1i, y0i, x0i]
    v101 = vol[:, z1i, y0i, x1i]
    v110 = vol[:, z1i, y1i, x0i]
    v111 = vol[:, z1i, y1i, x1i]
    out = (v000 * (1 - wz) * (1 - wy) * (1 - wx)
           + v001 * (1 - wz) * (1 - wy) * wx
           + v010 * (1 - wz) * wy * (1 - wx)
           + v011 * (1 - wz) * wy * wx
           + v100 * wz * (1 - wy) * (1 - wx)
           + v101 * wz * (1 - wy) * wx
           + v110 * wz * wy * (1 - wx)
           + v111 * wz * wy * wx)
    return out  # [C, P]


def reference(positions, H, E):
    Bb, Tt, _ = positions.shape
    pos = positions.reshape(Bb * Tt, 3)
    p_H = _trilinear_sample(H[0], pos).reshape(Bb, Tt)
    n_emotions = E.shape[1]
    p_E = _trilinear_sample(E[0], pos).reshape(n_emotions, Bb, Tt).transpose(1, 2, 0)
    return (p_H, p_E)

if __name__ == "__main__":
    import jax
    _d = setup_inputs()
    print(jax.jit(kernel)(*tuple(_d.values())))

</pallas_src>

<mosaic_0001>
#map = affine_map<(d0, d1) -> (0)>
module attributes {stable_mosaic.version = 14 : i64} {
  func.func @k(%arg0: i32, %arg1: i32, %arg2: memref<2457600xf32, #tpu.memory_space<hbm>>, %arg3: memref<2097152xf32, #tpu.memory_space<hbm>>, %arg4: memref<8388608xf32, #tpu.memory_space<hbm>>, %arg5: memref<819200xf32, #tpu.memory_space<hbm>>, %arg6: memref<3276800xf32, #tpu.memory_space<hbm>>, %arg7: memref<2097152x8xf32, #tpu.memory_space<hbm>>, %arg8: memref<2x5x2064xf32, #tpu.memory_space<vmem>>, %arg9: memref<2x2048x8xf32, #tpu.memory_space<vmem>>, %arg10: memref<4x3x128xf32, #tpu.memory_space<vmem>>, %arg11: memref<4x3x128xf32, #tpu.memory_space<vmem>>, %arg12: memref<4x4x128xi32, #tpu.memory_space<vmem>>, %arg13: memref<4x4x128x8xf32, #tpu.memory_space<vmem>>, %arg14: memref<4x128xf32, #tpu.memory_space<vmem>>, %arg15: memref<4x4x128xf32, #tpu.memory_space<vmem>>, %arg16: memref<!tpu.dma_semaphore, #tpu.memory_space<semaphore_mem>>, %arg17: memref<!tpu.dma_semaphore, #tpu.memory_space<semaphore_mem>>, %arg18: memref<!tpu.dma_semaphore, #tpu.memory_space<semaphore_mem>>, %arg19: memref<!tpu.dma_semaphore, #tpu.memory_space<semaphore_mem>>, %arg20: memref<!tpu.dma_semaphore, #tpu.memory_space<semaphore_mem>>) attributes {dimension_semantics = [#tpu.dimension_semantics<core_parallel>, #tpu.dimension_semantics<subcore_parallel>], iteration_bounds = array<i64: 2, 16>, scalar_prefetch = 0 : i64, scratch_operands = 14 : i64, tpu.core_type = #tpu.core_type<sc_vector_subcore>, window_params = [{transform_indices = #map}, {transform_indices = #map}, {transform_indices = #map}, {transform_indices = #map}, {transform_indices = #map}]} {
    %mul3A = arith.constant 2 : i32
    %mul3A_0 = arith.muli %arg1, %mul3A : i32
    %add3A = arith.addi %mul3A_0, %arg0 : i32
    %mul3A_1 = arith.constant 25600 : i32
    %mul3A_2 = arith.muli %add3A, %mul3A_1 : i32
    %mul3A_3 = arith.constant 131072 : i32
    %mul3A_4 = arith.muli %arg1, %mul3A_3 : i32
    %iota3A = tpu.iota {dimensions = array<i32: 0>} : vector<16xi32>
    %rem3A = arith.constant 0 : i32
    %rem3A_5 = arith.constant 2 : i32
    %rem3A_6 = arith.remsi %rem3A, %rem3A_5 : i32
    %add3A_7 = arith.constant 0 : i32
    %add3A_8 = arith.addi %mul3A_4, %add3A_7 : i32
    %add3A_9 = arith.constant 0 : i32
    %add3A_10 = arith.addi %add3A_9, %add3A_8 : i32
    %add3A_11 = arith.constant 2097152 : i32
    %add3A_12 = arith.addi %add3A_11, %add3A_8 : i32
    %add3A_13 = arith.constant 4194304 : i32
    %add3A_14 = arith.addi %add3A_13, %add3A_8 : i32
    %add3A_15 = arith.constant 6291456 : i32
    %add3A_16 = arith.addi %add3A_15, %add3A_8 : i32
    %dma_start3A = arith.constant 0 : i32
    %dma_start3A_17 = arith.constant 0 : i32
    %dma_start3A_18 = tpu.memref_slice %arg8[%rem3A_6, %dma_start3A, %dma_start3A_17] : memref<2x5x2064xf32, #tpu.memory_space<vmem>> -> memref<1x1x2048xf32, #tpu.memory_space<vmem>>
    %dma_start3A_19 = tpu.memref_squeeze %dma_start3A_18 : memref<1x1x2048xf32, #tpu.memory_space<vmem>> -> memref<2048xf32, #tpu.memory_space<vmem>>
    %dma_start3A_20 = tpu.memref_slice %arg3[%add3A_8] : memref<2097152xf32, #tpu.memory_space<hbm>> -> memref<2048xf32, #tpu.memory_space<hbm>>
    %dma_start3A_21 = arith.constant 0 : i32
    %dma_start3A_22 = tpu.memref_slice %arg8[%rem3A_6, %dma_start3A, %dma_start3A_21] : memref<2x5x2064xf32, #tpu.memory_space<vmem>> -> memref<1x1x2048xf32, #tpu.memory_space<vmem>>
    %dma_start3A_23 = tpu.memref_squeeze %dma_start3A_22 : memref<1x1x2048xf32, #tpu.memory_space<vmem>> -> memref<2048xf32, #tpu.memory_space<vmem>>
    %dma_start3A_24 = tpu.memref_slice %arg3[%add3A_8] : memref<2097152xf32, #tpu.memory_space<hbm>> -> memref<2048xf32, #tpu.memory_space<hbm>>
    tpu.enqueue_dma source(%dma_start3A_24 : memref<2048xf32, #tpu.memory_space<hbm>>) target(%dma_start3A_23 : memref<2048xf32, #tpu.memory_space<vmem>>) target_semaphore(%arg16 : memref<!tpu.dma_semaphore, #tpu.memory_space<semaphore_mem>>)
    %dma_start3A_25 = arith.constant 1 : i32
    %dma_start3A_26 = arith.constant 0 : i32
    %dma_start3A_27 = tpu.memref_slice %arg8[%rem3A_6, %dma_start3A_25, %dma_start3A_26] : memref<2x5x2064xf32, #tpu.memory_space<vmem>> -> memref<1x1x2048xf32, #tpu.memory_space<vmem>>
    %dma_start3A_28 = tpu.memref_squeeze %dma_start3A_27 : memref<1x1x2048xf32, #tpu.memory_space<vmem>> -> memref<2048xf32, #tpu.memory_space<vmem>>
    %dma_start3A_29 = tpu.memref_slice %arg4[%add3A_10] : memref<8388608xf32, #tpu.memory_space<hbm>> -> memref<2048xf32, #tpu.memory_space<hbm>>
    %dma_start3A_30 = arith.constant 0 : i32
    %dma_start3A_31 = tpu.memref_slice %arg8[%rem3A_6, %dma_start3A_25, %dma_start3A_30] : memref<2x5x2064xf32, #tpu.memory_space<vmem>> -> memref<1x1x2048xf32, #tpu.memory_space<vmem>>
    %dma_start3A_32 = tpu.memref_squeeze %dma_start3A_31 : memref<1x1x2048xf32, #tpu.memory_space<vmem>> -> memref<2048xf32, #tpu.memory_space<vmem>>
    %dma_start3A_33 = tpu.memref_slice %arg4[%add3A_10] : memref<8388608xf32, #tpu.memory_space<hbm>> -> memref<2048xf32, #tpu.memory_space<hbm>>
    tpu.enqueue_dma source(%dma_start3A_33 : memref<2048xf32, #tpu.memory_space<hbm>>) target(%dma_start3A_32 : memref<2048xf32, #tpu.memory_space<vmem>>) target_semaphore(%arg16 : memref<!tpu.dma_semaphore, #tpu.memory_space<semaphore_mem>>)
    %dma_start3A_34 = arith.constant 2 : i32
    %dma_start3A_35 = arith.constant 0 : i32
    %dma_start3A_36 = tpu.memref_slice %arg8[%rem3A_6, %dma_start3A_34, %dma_start3A_35] : memref<2x5x2064xf32, #tpu.memory_space<vmem>> -> memref<1x1x2048xf32, #tpu.memory_space<vmem>>
    %dma_start3A_37 = tpu.memref_squeeze %dma_start3A_36 : memref<1x1x2048xf32, #tpu.memory_space<vmem>> -> memref<2048xf32, #tpu.memory_space<vmem>>
    %dma_start3A_38 = tpu.memref_slice %arg4[%add3A_12] : memref<8388608xf32, #tpu.memory_space<hbm>> -> memref<2048xf32, #tpu.memory_space<hbm>>
    %dma_start3A_39 = arith.constant 0 : i32
    %dma_start3A_40 = tpu.memref_slice %arg8[%rem3A_6, %dma_start3A_34, %dma_start3A_39] : memref<2x5x2064xf32, #tpu.memory_space<vmem>> -> memref<1x1x2048xf32, #tpu.memory_space<vmem>>
    %dma_start3A_41 = tpu.memref_squeeze %dma_start3A_40 : memref<1x1x2048xf32, #tpu.memory_space<vmem>> -> memref<2048xf32, #tpu.memory_space<vmem>>
    %dma_start3A_42 = tpu.memref_slice %arg4[%add3A_12] : memref<8388608xf32, #tpu.memory_space<hbm>> -> memref<2048xf32, #tpu.memory_space<hbm>>
    tpu.enqueue_dma source(%dma_start3A_42 : memref<2048xf32, #tpu.memory_space<hbm>>) target(%dma_start3A_41 : memref<2048xf32, #tpu.memory_space<vmem>>) target_semaphore(%arg16 : memref<!tpu.dma_semaphore, #tpu.memory_space<semaphore_mem>>)
    %dma_start3A_43 = arith.constant 3 : i32
    %dma_start3A_44 = arith.constant 0 : i32
    %dma_start3A_45 = tpu.memref_slice %arg8[%rem3A_6, %dma_start3A_43, %dma_start3A_44] : memref<2x5x2064xf32, #tpu.memory_space<vmem>> -> memref<1x1x2048xf32, #tpu.memory_space<vmem>>
    %dma_start3A_46 = tpu.memref_squeeze %dma_start3A_45 : memref<1x1x2048xf32, #tpu.memory_space<vmem>> -> memref<2048xf32, #tpu.memory_space<vmem>>
    %dma_start3A_47 = tpu.memref_slice %arg4[%add3A_14] : memref<8388608xf32, #tpu.memory_space<hbm>> -> memref<2048xf32, #tpu.memory_space<hbm>>
    %dma_start3A_48 = arith.constant 0 : i32
    %dma_start3A_49 = tpu.memref_slice %arg8[%rem3A_6, %dma_start3A_43, %dma_start3A_48] : memref<2x5x2064xf32, #tpu.memory_space<vmem>> -> memref<1x1x2048xf32, #tpu.memory_space<vmem>>
    %dma_start3A_50 = tpu.memref_squeeze %dma_start3A_49 : memref<1x1x2048xf32, #tpu.memory_space<vmem>> -> memref<2048xf32, #tpu.memory_space<vmem>>
    %dma_start3A_51 = tpu.memref_slice %arg4[%add3A_14] : memref<8388608xf32, #tpu.memory_space<hbm>> -> memref<2048xf32, #tpu.memory_space<hbm>>
    tpu.enqueue_dma source(%dma_start3A_51 : memref<2048xf32, #tpu.memory_space<hbm>>) target(%dma_start3A_50 : memref<2048xf32, #tpu.memory_space<vmem>>) target_semaphore(%arg16 : memref<!tpu.dma_semaphore, #tpu.memory_space<semaphore_mem>>)
    %dma_start3A_52 = arith.constant 4 : i32
    %dma_start3A_53 = arith.constant 0 : i32
    %dma_start3A_54 = tpu.memref_slice %arg8[%rem3A_6, %dma_start3A_52, %dma_start3A_53] : memref<2x5x2064xf32, #tpu.memory_space<vmem>> -> memref<1x1x2048xf32, #tpu.memory_space<vmem>>
    %dma_start3A_55 = tpu.memref_squeeze %dma_start3A_54 : memref<1x1x2048xf32, #tpu.memory_space<vmem>> -> memref<2048xf32, #tpu.memory_space<vmem>>
    %dma_start3A_56 = tpu.memref_slice %arg4[%add3A_16] : memref<8388608xf32, #tpu.memory_space<hbm>> -> memref<2048xf32, #tpu.memory_space<hbm>>
    %dma_start3A_57 = arith.constant 0 : i32
    %dma_start3A_58 = tpu.memref_slice %arg8[%rem3A_6, %dma_start3A_52, %dma_start3A_57] : memref<2x5x2064xf32, #tpu.memory_space<vmem>> -> memref<1x1x2048xf32, #tpu.memory_space<vmem>>
    %dma_start3A_59 = tpu.memref_squeeze %dma_start3A_58 : memref<1x1x2048xf32, #tpu.memory_space<vmem>> -> memref<2048xf32, #tpu.memory_space<vmem>>
    %dma_start3A_60 = tpu.memref_slice %arg4[%add3A_16] : memref<8388608xf32, #tpu.memory_space<hbm>> -> memref<2048xf32, #tpu.memory_space<hbm>>
    tpu.enqueue_dma source(%dma_start3A_60 : memref<2048xf32, #tpu.memory_space<hbm>>) target(%dma_start3A_59 : memref<2048xf32, #tpu.memory_space<vmem>>) target_semaphore(%arg16 : memref<!tpu.dma_semaphore, #tpu.memory_space<semaphore_mem>>)
    %rem3A_61 = arith.constant 1 : i32
    %rem3A_62 = arith.constant 2 : i32
    %rem3A_63 = arith.remsi %rem3A_61, %rem3A_62 : i32
    %add3A_64 = arith.constant 2048 : i32
    %add3A_65 = arith.addi %mul3A_4, %add3A_64 : i32
    %add3A_66 = arith.constant 0 : i32
    %add3A_67 = arith.addi %add3A_66, %add3A_65 : i32
    %add3A_68 = arith.constant 2097152 : i32
    %add3A_69 = arith.addi %add3A_68, %add3A_65 : i32
    %add3A_70 = arith.constant 4194304 : i32
    %add3A_71 = arith.addi %add3A_70, %add3A_65 : i32
    %add3A_72 = arith.constant 6291456 : i32
    %add3A_73 = arith.addi %add3A_72, %add3A_65 : i32
    %dma_start3A_74 = arith.constant 0 : i32
    %dma_start3A_75 = arith.constant 0 : i32
    %dma_start3A_76 = tpu.memref_slice %arg8[%rem3A_63, %dma_start3A_74, %dma_start3A_75] : memref<2x5x2064xf32, #tpu.memory_space<vmem>> -> memref<1x1x2048xf32, #tpu.memory_space<vmem>>
    %dma_start3A_77 = tpu.memref_squeeze %dma_start3A_76 : memref<1x1x2048xf32, #tpu.memory_space<vmem>> -> memref<2048xf32, #tpu.memory_space<vmem>>
    %dma_start3A_78 = tpu.memref_slice %arg3[%add3A_65] : memref<2097152xf32, #tpu.memory_space<hbm>> -> memref<2048xf32, #tpu.memory_space<hbm>>
    %dma_start3A_79 = arith.constant 0 : i32
    %dma_start3A_80 = tpu.memref_slice %arg8[%rem3A_63, %dma_start3A_74, %dma_start3A_79] : memref<2x5x2064xf32, #tpu.memory_space<vmem>> -> memref<1x1x2048xf32, #tpu.memory_space<vmem>>
    %dma_start3A_81 = tpu.memref_squeeze %dma_start3A_80 : memref<1x1x2048xf32, #tpu.memory_space<vmem>> -> memref<2048xf32, #tpu.memory_space<vmem>>
    %dma_start3A_82 = tpu.memref_slice %arg3[%add3A_65] : memref<2097152xf32, #tpu.memory_space<hbm>> -> memref<2048xf32, #tpu.memory_space<hbm>>
    tpu.enqueue_dma source(%dma_start3A_82 : memref<2048xf32, #tpu.memory_space<hbm>>) target(%dma_start3A_81 : memref<2048xf32, #tpu.memory_space<vmem>>) target_semaphore(%arg16 : memref<!tpu.dma_semaphore, #tpu.memory_space<semaphore_mem>>)
    %dma_start3A_83 = arith.constant 1 : i32
    %dma_start3A_84 = arith.constant 0 : i32
    %dma_start3A_85 = tpu.memref_slice %arg8[%rem3A_63, %dma_start3A_83, %dma_start3A_84] : memref<2x5x2064xf32, #tpu.memory_space<vmem>> -> memref<1x1x2048xf32, #tpu.memory_space<vmem>>
    %dma_start3A_86 = tpu.memref_squeeze %dma_start3A_85 : memref<1x1x2048xf32, #tpu.memory_space<vmem>> -> memref<2048xf32, #tpu.memory_space<vmem>>
    %dma_start3A_87 = tpu.memref_slice %arg4[%add3A_67] : memref<8388608xf32, #tpu.memory_space<hbm>> -> memref<2048xf32, #tpu.memory_space<hbm>>
    %dma_start3A_88 = arith.constant 0 : i32
    %dma_start3A_89 = tpu.memref_slice %arg8[%rem3A_63, %dma_start3A_83, %dma_start3A_88] : memref<2x5x2064xf32, #tpu.memory_space<vmem>> -> memref<1x1x2048xf32, #tpu.memory_space<vmem>>
    %dma_start3A_90 = tpu.memref_squeeze %dma_start3A_89 : memref<1x1x2048xf32, #tpu.memory_space<vmem>> -> memref<2048xf32, #tpu.memory_space<vmem>>
    %dma_start3A_91 = tpu.memref_slice %arg4[%add3A_67] : memref<8388608xf32, #tpu.memory_space<hbm>> -> memref<2048xf32, #tpu.memory_space<hbm>>
    tpu.enqueue_dma source(%dma_start3A_91 : memref<2048xf32, #tpu.memory_space<hbm>>) target(%dma_start3A_90 : memref<2048xf32, #tpu.memory_space<vmem>>) target_semaphore(%arg16 : memref<!tpu.dma_semaphore, #tpu.memory_space<semaphore_mem>>)
    %dma_start3A_92 = arith.constant 2 : i32
    %dma_start3A_93 = arith.constant 0 : i32
    %dma_start3A_94 = tpu.memref_slice %arg8[%rem3A_63, %dma_start3A_92, %dma_start3A_93] : memref<2x5x2064xf32, #tpu.memory_space<vmem>> -> memref<1x1x2048xf32, #tpu.memory_space<vmem>>
    %dma_start3A_95 = tpu.memref_squeeze %dma_start3A_94 : memref<1x1x2048xf32, #tpu.memory_space<vmem>> -> memref<2048xf32, #tpu.memory_space<vmem>>
    %dma_start3A_96 = tpu.memref_slice %arg4[%add3A_69] : memref<8388608xf32, #tpu.memory_space<hbm>> -> memref<2048xf32, #tpu.memory_space<hbm>>
    %dma_start3A_97 = arith.constant 0 : i32
    %dma_start3A_98 = tpu.memref_slice %arg8[%rem3A_63, %dma_start3A_92, %dma_start3A_97] : memref<2x5x2064xf32, #tpu.memory_space<vmem>> -> memref<1x1x2048xf32, #tpu.memory_space<vmem>>
    %dma_start3A_99 = tpu.memref_squeeze %dma_start3A_98 : memref<1x1x2048xf32, #tpu.memory_space<vmem>> -> memref<2048xf32, #tpu.memory_space<vmem>>
    %dma_start3A_100 = tpu.memref_slice %arg4[%add3A_69] : memref<8388608xf32, #tpu.memory_space<hbm>> -> memref<2048xf32, #tpu.memory_space<hbm>>
    tpu.enqueue_dma source(%dma_start3A_100 : memref<2048xf32, #tpu.memory_space<hbm>>) target(%dma_start3A_99 : memref<2048xf32, #tpu.memory_space<vmem>>) target_semaphore(%arg16 : memref<!tpu.dma_semaphore, #tpu.memory_space<semaphore_mem>>)
    %dma_start3A_101 = arith.constant 3 : i32
    %dma_start3A_102 = arith.constant 0 : i32
    %dma_start3A_103 = tpu.memref_slice %arg8[%rem3A_63, %dma_start3A_101, %dma_start3A_102] : memref<2x5x2064xf32, #tpu.memory_space<vmem>> -> memref<1x1x2048xf32, #tpu.memory_space<vmem>>
    %dma_start3A_104 = tpu.memref_squeeze %dma_start3A_103 : memref<1x1x2048xf32, #tpu.memory_space<vmem>> -> memref<2048xf32, #tpu.memory_space<vmem>>
    %dma_start3A_105 = tpu.memref_slice %arg4[%add3A_71] : memref<8388608xf32, #tpu.memory_space<hbm>> -> memref<2048xf32, #tpu.memory_space<hbm>>
    %dma_start3A_106 = arith.constant 0 : i32
    %dma_start3A_107 = tpu.memref_slice %arg8[%rem3A_63, %dma_start3A_101, %dma_start3A_106] : memref<2x5x2064xf32, #tpu.memory_space<vmem>> -> memref<1x1x2048xf32, #tpu.memory_space<vmem>>
    %dma_start3A_108 = tpu.memref_squeeze %dma_start3A_107 : memref<1x1x2048xf32, #tpu.memory_space<vmem>> -> memref<2048xf32, #tpu.memory_space<vmem>>
    %dma_start3A_109 = tpu.memref_slice %arg4[%add3A_71] : memref<8388608xf32, #tpu.memory_space<hbm>> -> memref<2048xf32, #tpu.memory_space<hbm>>
    tpu.enqueue_dma source(%dma_start3A_109 : memref<2048xf32, #tpu.memory_space<hbm>>) target(%dma_start3A_108 : memref<2048xf32, #tpu.memory_space<vmem>>) target_semaphore(%arg16 : memref<!tpu.dma_semaphore, #tpu.memory_space<semaphore_mem>>)
    %dma_start3A_110 = arith.constant 4 : i32
    %dma_start3A_111 = arith.constant 0 : i32
    %dma_start3A_112 = tpu.memref_slice %arg8[%rem3A_63, %dma_start3A_110, %dma_start3A_111] : memref<2x5x2064xf32, #tpu.memory_space<vmem>> -> memref<1x1x2048xf32, #tpu.memory_space<vmem>>
    %dma_start3A_113 = tpu.memref_squeeze %dma_start3A_112 : memref<1x1x2048xf32, #tpu.memory_space<vmem>> -> memref<2048xf32, #tpu.memory_space<vmem>>
    %dma_start3A_114 = tpu.memref_slice %arg4[%add3A_73] : memref<8388608xf32, #tpu.memory_space<hbm>> -> memref<2048xf32, #tpu.memory_space<hbm>>
    %dma_start3A_115 = arith.constant 0 : i32
    %dma_start3A_116 = tpu.memref_slice %arg8[%rem3A_63, %dma_start3A_110, %dma_start3A_115] : memref<2x5x2064xf32, #tpu.memory_space<vmem>> -> memref<1x1x2048xf32, #tpu.memory_space<vmem>>
    %dma_start3A_117 = tpu.memref_squeeze %dma_start3A_116 : memref<1x1x2048xf32, #tpu.memory_space<vmem>> -> memref<2048xf32, #tpu.memory_space<vmem>>
    %dma_start3A_118 = tpu.memref_slice %arg4[%add3A_73] : memref<8388608xf32, #tpu.memory_space<hbm>> -> memref<2048xf32, #tpu.memory_space<hbm>>
    tpu.enqueue_dma source(%dma_start3A_118 : memref<2048xf32, #tpu.memory_space<hbm>>) target(%dma_start3A_117 : memref<2048xf32, #tpu.memory_space<vmem>>) target_semaphore(%arg16 : memref<!tpu.dma_semaphore, #tpu.memory_space<semaphore_mem>>)
    %scan3A = arith.constant 0 : i32
    %scan3A_119 = arith.constant 0 : i32
    %scan3A_120 = arith.constant 64 : i32
    %scan3A_121 = arith.addi %scan3A_119, %scan3A_120 : i32
    %scan3A_122 = arith.constant 1 : i32
    scf.for %scan3A_920 = %scan3A_119 to %scan3A_121 step %scan3A_122  : i32 {
      %rem3A_921 = arith.constant 2 : i32
      %rem3A_922 = arith.remsi %scan3A_920, %rem3A_921 : i32
      %mul3A_923 = arith.constant 2048 : i32
      %mul3A_924 = arith.muli %scan3A_920, %mul3A_923 : i32
      %add3A_925 = arith.addi %mul3A_4, %mul3A_924 : i32
      %add3A_926 = arith.constant 0 : i32
      %add3A_927 = arith.addi %add3A_926, %add3A_925 : i32
      %add3A_928 = arith.constant 2097152 : i32
      %add3A_929 = arith.addi %add3A_928, %add3A_925 : i32
      %add3A_930 = arith.constant 4194304 : i32
      %add3A_931 = arith.addi %add3A_930, %add3A_925 : i32
      %add3A_932 = arith.constant 6291456 : i32
      %add3A_933 = arith.addi %add3A_932, %add3A_925 : i32
      %dma_wait3A_934 = arith.constant 0 : i32
      %dma_wait3A_935 = arith.constant 0 : i32
      %dma_wait3A_936 = tpu.memref_slice %arg8[%rem3A_922, %dma_wait3A_934, %dma_wait3A_935] : memref<2x5x2064xf32, #tpu.memory_space<vmem>> -> memref<1x1x2048xf32, #tpu.memory_space<vmem>>
      %dma_wait3A_937 = tpu.memref_squeeze %dma_wait3A_936 : memref<1x1x2048xf32, #tpu.memory_space<vmem>> -> memref<2048xf32, #tpu.memory_space<vmem>>
      %dma_wait3A_938 = tpu.memref_slice %arg3[%add3A_925] : memref<2097152xf32, #tpu.memory_space<hbm>> -> memref<2048xf32, #tpu.memory_space<hbm>>
      %dma_wait3A_939 = arith.constant 0 : i32
      %dma_wait3A_940 = tpu.memref_slice %arg8[%rem3A_922, %dma_wait3A_934, %dma_wait3A_939] : memref<2x5x2064xf32, #tpu.memory_space<vmem>> -> memref<1x1x2048xf32, #tpu.memory_space<vmem>>
      %dma_wait3A_941 = tpu.memref_squeeze %dma_wait3A_940 : memref<1x1x2048xf32, #tpu.memory_space<vmem>> -> memref<2048xf32, #tpu.memory_space<vmem>>
      %dma_wait3A_942 = tpu.memref_slice %arg3[%add3A_925] : memref<2097152xf32, #tpu.memory_space<hbm>> -> memref<2048xf32, #tpu.memory_space<hbm>>
      tpu.wait_dma2 semaphore(%arg16 : memref<!tpu.dma_semaphore, #tpu.memory_space<semaphore_mem>>) src(%dma_wait3A_942 : memref<2048xf32, #tpu.memory_space<hbm>>) dst(%dma_wait3A_941 : memref<2048xf32, #tpu.memory_space<vmem>>)
      %dma_wait3A_943 = arith.constant 1 : i32
      %dma_wait3A_944 = arith.constant 0 : i32
      %dma_wait3A_945 = tpu.memref_slice %arg8[%rem3A_922, %dma_wait3A_943, %dma_wait3A_944] : memref<2x5x2064xf32, #tpu.memory_space<vmem>> -> memref<1x1x2048xf32, #tpu.memory_space<vmem>>
      %dma_wait3A_946 = tpu.memref_squeeze %dma_wait3A_945 : memref<1x1x2048xf32, #tpu.memory_space<vmem>> -> memref<2048xf32, #tpu.memory_space<vmem>>
      %dma_wait3A_947 = tpu.memref_slice %arg4[%add3A_927] : memref<8388608xf32, #tpu.memory_space<hbm>> -> memref<2048xf32, #tpu.memory_space<hbm>>
      %dma_wait3A_948 = arith.constant 0 : i32
      %dma_wait3A_949 = tpu.memref_slice %arg8[%rem3A_922, %dma_wait3A_943, %dma_wait3A_948] : memref<2x5x2064xf32, #tpu.memory_space<vmem>> -> memref<1x1x2048xf32, #tpu.memory_space<vmem>>
      %dma_wait3A_950 = tpu.memref_squeeze %dma_wait3A_949 : memref<1x1x2048xf32, #tpu.memory_space<vmem>> -> memref<2048xf32, #tpu.memory_space<vmem>>
      %dma_wait3A_951 = tpu.memref_slice %arg4[%add3A_927] : memref<8388608xf32, #tpu.memory_space<hbm>> -> memref<2048xf32, #tpu.memory_space<hbm>>
      tpu.wait_dma2 semaphore(%arg16 : memref<!tpu.dma_semaphore, #tpu.memory_space<semaphore_mem>>) src(%dma_wait3A_951 : memref<2048xf32, #tpu.memory_space<hbm>>) dst(%dma_wait3A_950 : memref<2048xf32, #tpu.memory_space<vmem>>)
      %dma_wait3A_952 = arith.constant 2 : i32
      %dma_wait3A_953 = arith.constant 0 : i32
      %dma_wait3A_954 = tpu.memref_slice %arg8[%rem3A_922, %dma_wait3A_952, %dma_wait3A_953] : memref<2x5x2064xf32, #tpu.memory_space<vmem>> -> memref<1x1x2048xf32, #tpu.memory_space<vmem>>
      %dma_wait3A_955 = tpu.memref_squeeze %dma_wait3A_954 : memref<1x1x2048xf32, #tpu.memory_space<vmem>> -> memref<2048xf32, #tpu.memory_space<vmem>>
      %dma_wait3A_956 = tpu.memref_slice %arg4[%add3A_929] : memref<8388608xf32, #tpu.memory_space<hbm>> -> memref<2048xf32, #tpu.memory_space<hbm>>
      %dma_wait3A_957 = arith.constant 0 : i32
      %dma_wait3A_958 = tpu.memref_slice %arg8[%rem3A_922, %dma_wait3A_952, %dma_wait3A_957] : memref<2x5x2064xf32, #tpu.memory_space<vmem>> -> memref<1x1x2048xf32, #tpu.memory_space<vmem>>
      %dma_wait3A_959 = tpu.memref_squeeze %dma_wait3A_958 : memref<1x1x2048xf32, #tpu.memory_space<vmem>> -> memref<2048xf32, #tpu.memory_space<vmem>>
      %dma_wait3A_960 = tpu.memref_slice %arg4[%add3A_929] : memref<8388608xf32, #tpu.memory_space<hbm>> -> memref<2048xf32, #tpu.memory_space<hbm>>
      tpu.wait_dma2 semaphore(%arg16 : memref<!tpu.dma_semaphore, #tpu.memory_space<semaphore_mem>>) src(%dma_wait3A_960 : memref<2048xf32, #tpu.memory_space<hbm>>) dst(%dma_wait3A_959 : memref<2048xf32, #tpu.memory_space<vmem>>)
      %dma_wait3A_961 = arith.constant 3 : i32
      %dma_wait3A_962 = arith.constant 0 : i32
      %dma_wait3A_963 = tpu.memref_slice %arg8[%rem3A_922, %dma_wait3A_961, %dma_wait3A_962] : memref<2x5x2064xf32, #tpu.memory_space<vmem>> -> memref<1x1x2048xf32, #tpu.memory_space<vmem>>
      %dma_wait3A_964 = tpu.memref_squeeze %dma_wait3A_963 : memref<1x1x2048xf32, #tpu.memory_space<vmem>> -> memref<2048xf32, #tpu.memory_space<vmem>>
      %dma_wait3A_965 = tpu.memref_slice %arg4[%add3A_931] : memref<8388608xf32, #tpu.memory_space<hbm>> -> memref<2048xf32, #tpu.memory_space<hbm>>
      %dma_wait3A_966 = arith.constant 0 : i32
      %dma_wait3A_967 = tpu.memref_slice %arg8[%rem3A_922, %dma_wait3A_961, %dma_wait3A_966] : memref<2x5x2064xf32, #tpu.memory_space<vmem>> -> memref<1x1x2048xf32, #tpu.memory_space<vmem>>
      %dma_wait3A_968 = tpu.memref_squeeze %dma_wait3A_967 : memref<1x1x2048xf32, #tpu.memory_space<vmem>> -> memref<2048xf32, #tpu.memory_space<vmem>>
      %dma_wait3A_969 = tpu.memref_slice %arg4[%add3A_931] : memref<8388608xf32, #tpu.memory_space<hbm>> -> memref<2048xf32, #tpu.memory_space<hbm>>
      tpu.wait_dma2 semaphore(%arg16 : memref<!tpu.dma_semaphore, #tpu.memory_space<semaphore_mem>>) src(%dma_wait3A_969 : memref<2048xf32, #tpu.memory_space<hbm>>) dst(%dma_wait3A_968 : memref<2048xf32, #tpu.memory_space<vmem>>)
      %dma_wait3A_970 = arith.constant 4 : i32
      %dma_wait3A_971 = arith.constant 0 : i32
      %dma_wait3A_972 = tpu.memref_slice %arg8[%rem3A_922, %dma_wait3A_970, %dma_wait3A_971] : memref<2x5x2064xf32, #tpu.memory_space<vmem>> -> memref<1x1x2048xf32, #tpu.memory_space<vmem>>
      %dma_wait3A_973 = tpu.memref_squeeze %dma_wait3A_972 : memref<1x1x2048xf32, #tpu.memory_space<vmem>> -> memref<2048xf32, #tpu.memory_space<vmem>>
      %dma_wait3A_974 = tpu.memref_slice %arg4[%add3A_933] : memref<8388608xf32, #tpu.memory_space<hbm>> -> memref<2048xf32, #tpu.memory_space<hbm>>
      %dma_wait3A_975 = arith.constant 0 : i32
      %dma_wait3A_976 = tpu.memref_slice %arg8[%rem3A_922, %dma_wait3A_970, %dma_wait3A_975] : memref<2x5x2064xf32, #tpu.memory_space<vmem>> -> memref<1x1x2048xf32, #tpu.memory_space<vmem>>
      %dma_wait3A_977 = tpu.memref_squeeze %dma_wait3A_976 : memref<1x1x2048xf32, #tpu.memory_space<vmem>> -> memref<2048xf32, #tpu.memory_space<vmem>>
      %dma_wait3A_978 = tpu.memref_slice %arg4[%add3A_933] : memref<8388608xf32, #tpu.memory_space<hbm>> -> memref<2048xf32, #tpu.memory_space<hbm>>
      tpu.wait_dma2 semaphore(%arg16 : memref<!tpu.dma_semaphore, #tpu.memory_space<semaphore_mem>>) src(%dma_wait3A_978 : memref<2048xf32, #tpu.memory_space<hbm>>) dst(%dma_wait3A_977 : memref<2048xf32, #tpu.memory_space<vmem>>)
      %ge3A = arith.constant 2 : i32
      %ge3A_979 = arith.cmpi sge, %scan3A_920, %ge3A : i32
      %convert_element_type3A = arith.extui %ge3A_979 : i1 to i32
      %cond3A = arith.constant 0 : i32
      %cond3A_980 = arith.cmpi ne, %convert_element_type3A, %cond3A : i32
      scf.if %cond3A_980 {
        %sub3A_1012 = arith.constant 2 : i32
        %sub3A_1013 = arith.subi %scan3A_920, %sub3A_1012 : i32
        %rem3A_1014 = arith.constant 2 : i32
        %rem3A_1015 = arith.remsi %sub3A_1013, %rem3A_1014 : i32
        %mul3A_1016 = arith.constant 2048 : i32
        %mul3A_1017 = arith.muli %sub3A_1013, %mul3A_1016 : i32
        %add3A_1018 = arith.addi %mul3A_4, %mul3A_1017 : i32
        %dma_wait3A_1019 = arith.constant 0 : i32
        %dma_wait3A_1020 = arith.constant 0 : i32
        %dma_wait3A_1021 = tpu.memref_slice %arg9[%rem3A_1015, %dma_wait3A_1019, %dma_wait3A_1020] : memref<2x2048x8xf32, #tpu.memory_space<vmem>> -> memref<1x2048x8xf32, #tpu.memory_space<vmem>>
        %dma_wait3A_1022 = tpu.memref_squeeze %dma_wait3A_1021 : memref<1x2048x8xf32, #tpu.memory_space<vmem>> -> memref<2048x8xf32, #tpu.memory_space<vmem>>
        %dma_wait3A_1023 = arith.constant 0 : i32
        %dma_wait3A_1024 = tpu.memref_slice %arg7[%add3A_1018, %dma_wait3A_1023] : memref<2097152x8xf32, #tpu.memory_space<hbm>> -> memref<2048x8xf32, #tpu.memory_space<hbm>>
        %dma_wait3A_1025 = arith.constant 0 : i32
        %dma_wait3A_1026 = tpu.memref_slice %arg7[%add3A_1018, %dma_wait3A_1025] : memref<2097152x8xf32, #tpu.memory_space<hbm>> -> memref<2048x8xf32, #tpu.memory_space<hbm>>
        %dma_wait3A_1027 = arith.constant 0 : i32
        %dma_wait3A_1028 = arith.constant 0 : i32
        %dma_wait3A_1029 = tpu.memref_slice %arg9[%rem3A_1015, %dma_wait3A_1027, %dma_wait3A_1028] : memref<2x2048x8xf32, #tpu.memory_space<vmem>> -> memref<1x2048x8xf32, #tpu.memory_space<vmem>>
        %dma_wait3A_1030 = tpu.memref_squeeze %dma_wait3A_1029 : memref<1x2048x8xf32, #tpu.memory_space<vmem>> -> memref<2048x8xf32, #tpu.memory_space<vmem>>
        tpu.wait_dma2 semaphore(%arg17 : memref<!tpu.dma_semaphore, #tpu.memory_space<semaphore_mem>>) src(%dma_wait3A_1030 : memref<2048x8xf32, #tpu.memory_space<vmem>>) dst(%dma_wait3A_1026 : memref<2048x8xf32, #tpu.memory_space<hbm>>)
      } else {
      }
      %rem3A_981 = arith.constant 2 : i32
      %rem3A_982 = arith.remsi %scan3A_920, %rem3A_981 : i32
      %scan3A_983 = arith.constant 0 : i32
      %scan3A_984 = arith.constant 0 : i32
      %scan3A_985 = arith.constant 128 : i32
      %scan3A_986 = arith.addi %scan3A_984, %scan3A_985 : i32
      %scan3A_987 = arith.constant 1 : i32
      scf.for %scan3A_1012 = %scan3A_984 to %scan3A_986 step %scan3A_987  : i32 {
        %mul3A_1013 = arith.constant 16 : i32
        %mul3A_1014 = arith.muli %scan3A_1012, %mul3A_1013 : i32
        %add3A_1015 = vector.broadcast %mul3A_1014 : i32 to vector<16xi32>
        %add3A_1016 = arith.addi %add3A_1015, %iota3A : vector<16xi32>
        %eq3A = arith.constant 15 : i32
        %eq3A_1017 = vector.broadcast %eq3A : i32 to vector<16xi32>
        %eq3A_1018 = arith.cmpi eq, %iota3A, %eq3A_1017 : vector<16xi32>
        %rem3A_1019 = arith.constant 8 : i32
        %rem3A_1020 = arith.remsi %scan3A_1012, %rem3A_1019 : i32
        %eq3A_1021 = arith.constant 7 : i32
        %eq3A_1022 = arith.cmpi eq, %rem3A_1020, %eq3A_1021 : i32
        %and3A_1023 = vector.broadcast %eq3A_1022 : i1 to vector<16xi1>
        %and3A_1024 = arith.andi %eq3A_1018, %and3A_1023 : vector<16xi1>
        %get3A = arith.constant 0 : i32
        %get3A_1025 = arith.index_cast %rem3A_982 : i32 to index
        %get3A_1026 = arith.index_cast %get3A : i32 to index
        %get3A_1027 = arith.index_cast %mul3A_1014 : i32 to index
        %get3A_1028 = tpu.vector_load %arg8[%get3A_1025, %get3A_1026, %get3A_1027] {strides = array<i32>} : memref<2x5x2064xf32, #tpu.memory_space<vmem>>, vector<16xf32>,
        %add3A_1029 = arith.constant 1 : i32
        %add3A_1030 = arith.addi %mul3A_1014, %add3A_1029 : i32
        %get3A_1031 = arith.constant 0 : i32
        %get3A_1032 = arith.index_cast %rem3A_982 : i32 to index
        %get3A_1033 = arith.index_cast %get3A_1031 : i32 to index
        %get3A_1034 = arith.index_cast %add3A_1030 : i32 to index
        %get3A_1035 = tpu.vector_load %arg8[%get3A_1032, %get3A_1033, %get3A_1034] {strides = array<i32>} : memref<2x5x2064xf32, #tpu.memory_space<vmem>>, vector<16xf32>,
        %select_n3A_1036 = arith.select %and3A_1024, %get3A_1028, %get3A_1035 : vector<16xi1>, vector<16xf32>
        %get3A_1037 = arith.constant 1 : i32
        %get3A_1038 = arith.index_cast %rem3A_982 : i32 to index
        %get3A_1039 = arith.index_cast %get3A_1037 : i32 to index
        %get3A_1040 = arith.index_cast %mul3A_1014 : i32 to index
        %get3A_1041 = tpu.vector_load %arg8[%get3A_1038, %get3A_1039, %get3A_1040] {strides = array<i32>} : memref<2x5x2064xf32, #tpu.memory_space<vmem>>, vector<16xf32>,
        %add3A_1042 = arith.constant 1 : i32
        %add3A_1043 = arith.addi %mul3A_1014, %add3A_1042 : i32
        %get3A_1044 = arith.constant 1 : i32
        %get3A_1045 = arith.index_cast %rem3A_982 : i32 to index
        %get3A_1046 = arith.index_cast %get3A_1044 : i32 to index
        %get3A_1047 = arith.index_cast %add3A_1043 : i32 to index
        %get3A_1048 = tpu.vector_load %arg8[%get3A_1045, %get3A_1046, %get3A_1047] {strides = array<i32>} : memref<2x5x2064xf32, #tpu.memory_space<vmem>>, vector<16xf32>,
        %select_n3A_1049 = arith.select %and3A_1024, %get3A_1041, %get3A_1048 : vector<16xi1>, vector<16xf32>
        %get3A_1050 = arith.constant 2 : i32
        %get3A_1051 = arith.index_cast %rem3A_982 : i32 to index
        %get3A_1052 = arith.index_cast %get3A_1050 : i32 to index
        %get3A_1053 = arith.index_cast %mul3A_1014 : i32 to index
        %get3A_1054 = tpu.vector_load %arg8[%get3A_1051, %get3A_1052, %get3A_1053] {strides = array<i32>} : memref<2x5x2064xf32, #tpu.memory_space<vmem>>, vector<16xf32>,
        %add3A_1055 = arith.constant 1 : i32
        %add3A_1056 = arith.addi %mul3A_1014, %add3A_1055 : i32
        %get3A_1057 = arith.constant 2 : i32
        %get3A_1058 = arith.index_cast %rem3A_982 : i32 to index
        %get3A_1059 = arith.index_cast %get3A_1057 : i32 to index
        %get3A_1060 = arith.index_cast %add3A_1056 : i32 to index
        %get3A_1061 = tpu.vector_load %arg8[%get3A_1058, %get3A_1059, %get3A_1060] {strides = array<i32>} : memref<2x5x2064xf32, #tpu.memory_space<vmem>>, vector<16xf32>,
        %select_n3A_1062 = arith.select %and3A_1024, %get3A_1054, %get3A_1061 : vector<16xi1>, vector<16xf32>
        %get3A_1063 = arith.constant 3 : i32
        %get3A_1064 = arith.index_cast %rem3A_982 : i32 to index
        %get3A_1065 = arith.index_cast %get3A_1063 : i32 to index
        %get3A_1066 = arith.index_cast %mul3A_1014 : i32 to index
        %get3A_1067 = tpu.vector_load %arg8[%get3A_1064, %get3A_1065, %get3A_1066] {strides = array<i32>} : memref<2x5x2064xf32, #tpu.memory_space<vmem>>, vector<16xf32>,
        %add3A_1068 = arith.constant 1 : i32
        %add3A_1069 = arith.addi %mul3A_1014, %add3A_1068 : i32
        %get3A_1070 = arith.constant 3 : i32
        %get3A_1071 = arith.index_cast %rem3A_982 : i32 to index
        %get3A_1072 = arith.index_cast %get3A_1070 : i32 to index
        %get3A_1073 = arith.index_cast %add3A_1069 : i32 to index
        %get3A_1074 = tpu.vector_load %arg8[%get3A_1071, %get3A_1072, %get3A_1073] {strides = array<i32>} : memref<2x5x2064xf32, #tpu.memory_space<vmem>>, vector<16xf32>,
        %select_n3A_1075 = arith.select %and3A_1024, %get3A_1067, %get3A_1074 : vector<16xi1>, vector<16xf32>
        %get3A_1076 = arith.constant 4 : i32
        %get3A_1077 = arith.index_cast %rem3A_982 : i32 to index
        %get3A_1078 = arith.index_cast %get3A_1076 : i32 to index
        %get3A_1079 = arith.index_cast %mul3A_1014 : i32 to index
        %get3A_1080 = tpu.vector_load %arg8[%get3A_1077, %get3A_1078, %get3A_1079] {strides = array<i32>} : memref<2x5x2064xf32, #tpu.memory_space<vmem>>, vector<16xf32>,
        %add3A_1081 = arith.constant 1 : i32
        %add3A_1082 = arith.addi %mul3A_1014, %add3A_1081 : i32
        %get3A_1083 = arith.constant 4 : i32
        %get3A_1084 = arith.index_cast %rem3A_982 : i32 to index
        %get3A_1085 = arith.index_cast %get3A_1083 : i32 to index
        %get3A_1086 = arith.index_cast %add3A_1082 : i32 to index
        %get3A_1087 = tpu.vector_load %arg8[%get3A_1084, %get3A_1085, %get3A_1086] {strides = array<i32>} : memref<2x5x2064xf32, #tpu.memory_space<vmem>>, vector<16xf32>,
        %select_n3A_1088 = arith.select %and3A_1024, %get3A_1080, %get3A_1087 : vector<16xi1>, vector<16xf32>
        %pack3A = tpu.pack_subelements %get3A_1028, %get3A_1041 {pack_format = #tpu.pack_format<interleaved>, positions = array<i32: 0, 1>} : vector<16xf32>, vector<16xf32> -> vector<32xbf16>
        %bitcast3A = vector.bitcast %pack3A : vector<32xbf16> to vector<16xf32>
        %broadcast_in_dim3A = arith.constant 0 : i32
        %broadcast_in_dim3A_1089 = vector.broadcast %broadcast_in_dim3A : i32 to vector<16xi32>
        %scatter3A = arith.constant 0 : i32
        %scatter3A_1090 = arith.constant 0 : i32
        %scatter3A_1091 = tpu.memref_slice %arg9[%rem3A_982, %scatter3A, %scatter3A_1090] : memref<2x2048x8xf32, #tpu.memory_space<vmem>> -> memref<1x2048x8xf32, #tpu.memory_space<vmem>>
        %scatter3A_1092 = tpu.memref_squeeze %scatter3A_1091 : memref<1x2048x8xf32, #tpu.memory_space<vmem>> -> memref<2048x8xf32, #tpu.memory_space<vmem>>
        tpu.vector_store_idx %scatter3A_1092[%add3A_1016, %broadcast_in_dim3A_1089], %bitcast3A : memref<2048x8xf32, #tpu.memory_space<vmem>>[vector<16xi32>, vector<16xi32>], vector<16xf32>,
        %pack3A_1093 = tpu.pack_subelements %get3A_1054, %get3A_1067 {pack_format = #tpu.pack_format<interleaved>, positions = array<i32: 0, 1>} : vector<16xf32>, vector<16xf32> -> vector<32xbf16>
        %bitcast3A_1094 = vector.bitcast %pack3A_1093 : vector<32xbf16> to vector<16xf32>
        %broadcast_in_dim3A_1095 = arith.constant 1 : i32
        %broadcast_in_dim3A_1096 = vector.broadcast %broadcast_in_dim3A_1095 : i32 to vector<16xi32>
        %scatter3A_1097 = arith.constant 0 : i32
        %scatter3A_1098 = arith.constant 0 : i32
        %scatter3A_1099 = tpu.memref_slice %arg9[%rem3A_982, %scatter3A_1097, %scatter3A_1098] : memref<2x2048x8xf32, #tpu.memory_space<vmem>> -> memref<1x2048x8xf32, #tpu.memory_space<vmem>>
        %scatter3A_1100 = tpu.memref_squeeze %scatter3A_1099 : memref<1x2048x8xf32, #tpu.memory_space<vmem>> -> memref<2048x8xf32, #tpu.memory_space<vmem>>
        tpu.vector_store_idx %scatter3A_1100[%add3A_1016, %broadcast_in_dim3A_1096], %bitcast3A_1094 : memref<2048x8xf32, #tpu.memory_space<vmem>>[vector<16xi32>, vector<16xi32>], vector<16xf32>,
        %pack3A_1101 = tpu.pack_subelements %get3A_1080, %get3A_1080 {pack_format = #tpu.pack_format<interleaved>, positions = array<i32: 0, 1>} : vector<16xf32>, vector<16xf32> -> vector<32xbf16>
        %bitcast3A_1102 = vector.bitcast %pack3A_1101 : vector<32xbf16> to vector<16xf32>
        %broadcast_in_dim3A_1103 = arith.constant 2 : i32
        %broadcast_in_dim3A_1104 = vector.broadcast %broadcast_in_dim3A_1103 : i32 to vector<16xi32>
        %scatter3A_1105 = arith.constant 0 : i32
        %scatter3A_1106 = arith.constant 0 : i32
        %scatter3A_1107 = tpu.memref_slice %arg9[%rem3A_982, %scatter3A_1105, %scatter3A_1106] : memref<2x2048x8xf32, #tpu.memory_space<vmem>> -> memref<1x2048x8xf32, #tpu.memory_space<vmem>>
        %scatter3A_1108 = tpu.memref_squeeze %scatter3A_1107 : memref<1x2048x8xf32, #tpu.memory_space<vmem>> -> memref<2048x8xf32, #tpu.memory_space<vmem>>
        tpu.vector_store_idx %scatter3A_1108[%add3A_1016, %broadcast_in_dim3A_1104], %bitcast3A_1102 : memref<2048x8xf32, #tpu.memory_space<vmem>>[vector<16xi32>, vector<16xi32>], vector<16xf32>,
        %pack3A_1109 = tpu.pack_subelements %select_n3A_1036, %select_n3A_1049 {pack_format = #tpu.pack_format<interleaved>, positions = array<i32: 0, 1>} : vector<16xf32>, vector<16xf32> -> vector<32xbf16>
        %bitcast3A_1110 = vector.bitcast %pack3A_1109 : vector<32xbf16> to vector<16xf32>
        %broadcast_in_dim3A_1111 = arith.constant 4 : i32
        %broadcast_in_dim3A_1112 = vector.broadcast %broadcast_in_dim3A_1111 : i32 to vector<16xi32>
        %scatter3A_1113 = arith.constant 0 : i32
        %scatter3A_1114 = arith.constant 0 : i32
        %scatter3A_1115 = tpu.memref_slice %arg9[%rem3A_982, %scatter3A_1113, %scatter3A_1114] : memref<2x2048x8xf32, #tpu.memory_space<vmem>> -> memref<1x2048x8xf32, #tpu.memory_space<vmem>>
        %scatter3A_1116 = tpu.memref_squeeze %scatter3A_1115 : memref<1x2048x8xf32, #tpu.memory_space<vmem>> -> memref<2048x8xf32, #tpu.memory_space<vmem>>
        tpu.vector_store_idx %scatter3A_1116[%add3A_1016, %broadcast_in_dim3A_1112], %bitcast3A_1110 : memref<2048x8xf32, #tpu.memory_space<vmem>>[vector<16xi32>, vector<16xi32>], vector<16xf32>,
        %pack3A_1117 = tpu.pack_subelements %select_n3A_1062, %select_n3A_1075 {pack_format = #tpu.pack_format<interleaved>, positions = array<i32: 0, 1>} : vector<16xf32>, vector<16xf32> -> vector<32xbf16>
        %bitcast3A_1118 = vector.bitcast %pack3A_1117 : vector<32xbf16> to vector<16xf32>
        %broadcast_in_dim3A_1119 = arith.constant 5 : i32
        %broadcast_in_dim3A_1120 = vector.broadcast %broadcast_in_dim3A_1119 : i32 to vector<16xi32>
        %scatter3A_1121 = arith.constant 0 : i32
        %scatter3A_1122 = arith.constant 0 : i32
        %scatter3A_1123 = tpu.memref_slice %arg9[%rem3A_982, %scatter3A_1121, %scatter3A_1122] : memref<2x2048x8xf32, #tpu.memory_space<vmem>> -> memref<1x2048x8xf32, #tpu.memory_space<vmem>>
        %scatter3A_1124 = tpu.memref_squeeze %scatter3A_1123 : memref<1x2048x8xf32, #tpu.memory_space<vmem>> -> memref<2048x8xf32, #tpu.memory_space<vmem>>
        tpu.vector_store_idx %scatter3A_1124[%add3A_1016, %broadcast_in_dim3A_1120], %bitcast3A_1118 : memref<2048x8xf32, #tpu.memory_space<vmem>>[vector<16xi32>, vector<16xi32>], vector<16xf32>,
        %pack3A_1125 = tpu.pack_subelements %select_n3A_1088, %select_n3A_1088 {pack_format = #tpu.pack_format<interleaved>, positions = array<i32: 0, 1>} : vector<16xf32>, vector<16xf32> -> vector<32xbf16>
        %bitcast3A_1126 = vector.bitcast %pack3A_1125 : vector<32xbf16> to vector<16xf32>
        %broadcast_in_dim3A_1127 = arith.constant 6 : i32
        %broadcast_in_dim3A_1128 = vector.broadcast %broadcast_in_dim3A_1127 : i32 to vector<16xi32>
        %scatter3A_1129 = arith.constant 0 : i32
        %scatter3A_1130 = arith.constant 0 : i32
        %scatter3A_1131 = tpu.memref_slice %arg9[%rem3A_982, %scatter3A_1129, %scatter3A_1130] : memref<2x2048x8xf32, #tpu.memory_space<vmem>> -> memref<1x2048x8xf32, #tpu.memory_space<vmem>>
        %scatter3A_1132 = tpu.memref_squeeze %scatter3A_1131 : memref<1x2048x8xf32, #tpu.memory_space<vmem>> -> memref<2048x8xf32, #tpu.memory_space<vmem>>
        tpu.vector_store_idx %scatter3A_1132[%add3A_1016, %broadcast_in_dim3A_1128], %bitcast3A_1126 : memref<2048x8xf32, #tpu.memory_space<vmem>>[vector<16xi32>, vector<16xi32>], vector<16xf32>,
      }
      %scan3A_988 = arith.constant 128 : i32
      %rem3A_989 = arith.constant 2 : i32
      %rem3A_990 = arith.remsi %scan3A_920, %rem3A_989 : i32
      %mul3A_991 = arith.constant 2048 : i32
      %mul3A_992 = arith.muli %scan3A_920, %mul3A_991 : i32
      %add3A_993 = arith.addi %mul3A_4, %mul3A_992 : i32
      %dma_start3A_994 = arith.constant 0 : i32
      %dma_start3A_995 = arith.constant 0 : i32
      %dma_start3A_996 = tpu.memref_slice %arg9[%rem3A_990, %dma_start3A_994, %dma_start3A_995] : memref<2x2048x8xf32, #tpu.memory_space<vmem>> -> memref<1x2048x8xf32, #tpu.memory_space<vmem>>
      %dma_start3A_997 = tpu.memref_squeeze %dma_start3A_996 : memref<1x2048x8xf32, #tpu.memory_space<vmem>> -> memref<2048x8xf32, #tpu.memory_space<vmem>>
      %dma_start3A_998 = arith.constant 0 : i32
      %dma_start3A_999 = tpu.memref_slice %arg7[%add3A_993, %dma_start3A_998] : memref<2097152x8xf32, #tpu.memory_space<hbm>> -> memref<2048x8xf32, #tpu.memory_space<hbm>>
      %dma_start3A_1000 = arith.constant 0 : i32
      %dma_start3A_1001 = tpu.memref_slice %arg7[%add3A_993, %dma_start3A_1000] : memref<2097152x8xf32, #tpu.memory_space<hbm>> -> memref<2048x8xf32, #tpu.memory_space<hbm>>
      %dma_start3A_1002 = arith.constant 0 : i32
      %dma_start3A_1003 = arith.constant 0 : i32
      %dma_start3A_1004 = tpu.memref_slice %arg9[%rem3A_990, %dma_start3A_1002, %dma_start3A_1003] : memref<2x2048x8xf32, #tpu.memory_space<vmem>> -> memref<1x2048x8xf32, #tpu.memory_space<vmem>>
      %dma_start3A_1005 = tpu.memref_squeeze %dma_start3A_1004 : memref<1x2048x8xf32, #tpu.memory_space<vmem>> -> memref<2048x8xf32, #tpu.memory_space<vmem>>
      tpu.enqueue_dma source(%dma_start3A_1005 : memref<2048x8xf32, #tpu.memory_space<vmem>>) target(%dma_start3A_1001 : memref<2048x8xf32, #tpu.memory_space<hbm>>) target_semaphore(%arg17 : memref<!tpu.dma_semaphore, #tpu.memory_space<semaphore_mem>>)
      %add3A_1006 = arith.constant 2 : i32
      %add3A_1007 = arith.addi %scan3A_920, %add3A_1006 : i32
      %lt3A = arith.constant 64 : i32
      %lt3A_1008 = arith.cmpi slt, %add3A_1007, %lt3A : i32
      %convert_element_type3A_1009 = arith.extui %lt3A_1008 : i1 to i32
      %cond3A_1010 = arith.constant 0 : i32
      %cond3A_1011 = arith.cmpi ne, %convert_element_type3A_1009, %cond3A_1010 : i32
      scf.if %cond3A_1011 {
        %add3A_1012 = arith.constant 2 : i32
        %add3A_1013 = arith.addi %scan3A_920, %add3A_1012 : i32
        %rem3A_1014 = arith.constant 2 : i32
        %rem3A_1015 = arith.remsi %add3A_1013, %rem3A_1014 : i32
        %mul3A_1016 = arith.constant 2048 : i32
        %mul3A_1017 = arith.muli %add3A_1013, %mul3A_1016 : i32
        %add3A_1018 = arith.addi %mul3A_4, %mul3A_1017 : i32
        %add3A_1019 = arith.constant 0 : i32
        %add3A_1020 = arith.addi %add3A_1019, %add3A_1018 : i32
        %add3A_1021 = arith.constant 2097152 : i32
        %add3A_1022 = arith.addi %add3A_1021, %add3A_1018 : i32
        %add3A_1023 = arith.constant 4194304 : i32
        %add3A_1024 = arith.addi %add3A_1023, %add3A_1018 : i32
        %add3A_1025 = arith.constant 6291456 : i32
        %add3A_1026 = arith.addi %add3A_1025, %add3A_1018 : i32
        %dma_start3A_1027 = arith.constant 0 : i32
        %dma_start3A_1028 = arith.constant 0 : i32
        %dma_start3A_1029 = tpu.memref_slice %arg8[%rem3A_1015, %dma_start3A_1027, %dma_start3A_1028] : memref<2x5x2064xf32, #tpu.memory_space<vmem>> -> memref<1x1x2048xf32, #tpu.memory_space<vmem>>
        %dma_start3A_1030 = tpu.memref_squeeze %dma_start3A_1029 : memref<1x1x2048xf32, #tpu.memory_space<vmem>> -> memref<2048xf32, #tpu.memory_space<vmem>>
        %dma_start3A_1031 = tpu.memref_slice %arg3[%add3A_1018] : memref<2097152xf32, #tpu.memory_space<hbm>> -> memref<2048xf32, #tpu.memory_space<hbm>>
        %dma_start3A_1032 = arith.constant 0 : i32
        %dma_start3A_1033 = tpu.memref_slice %arg8[%rem3A_1015, %dma_start3A_1027, %dma_start3A_1032] : memref<2x5x2064xf32, #tpu.memory_space<vmem>> -> memref<1x1x2048xf32, #tpu.memory_space<vmem>>
        %dma_start3A_1034 = tpu.memref_squeeze %dma_start3A_1033 : memref<1x1x2048xf32, #tpu.memory_space<vmem>> -> memref<2048xf32, #tpu.memory_space<vmem>>
        %dma_start3A_1035 = tpu.memref_slice %arg3[%add3A_1018] : memref<2097152xf32, #tpu.memory_space<hbm>> -> memref<2048xf32, #tpu.memory_space<hbm>>
        tpu.enqueue_dma source(%dma_start3A_1035 : memref<2048xf32, #tpu.memory_space<hbm>>) target(%dma_start3A_1034 : memref<2048xf32, #tpu.memory_space<vmem>>) target_semaphore(%arg16 : memref<!tpu.dma_semaphore, #tpu.memory_space<semaphore_mem>>)
        %dma_start3A_1036 = arith.constant 1 : i32
        %dma_start3A_1037 = arith.constant 0 : i32
        %dma_start3A_1038 = tpu.memref_slice %arg8[%rem3A_1015, %dma_start3A_1036, %dma_start3A_1037] : memref<2x5x2064xf32, #tpu.memory_space<vmem>> -> memref<1x1x2048xf32, #tpu.memory_space<vmem>>
        %dma_start3A_1039 = tpu.memref_squeeze %dma_start3A_1038 : memref<1x1x2048xf32, #tpu.memory_space<vmem>> -> memref<2048xf32, #tpu.memory_space<vmem>>
        %dma_start3A_1040 = tpu.memref_slice %arg4[%add3A_1020] : memref<8388608xf32, #tpu.memory_space<hbm>> -> memref<2048xf32, #tpu.memory_space<hbm>>
        %dma_start3A_1041 = arith.constant 0 : i32
        %dma_start3A_1042 = tpu.memref_slice %arg8[%rem3A_1015, %dma_start3A_1036, %dma_start3A_1041] : memref<2x5x2064xf32, #tpu.memory_space<vmem>> -> memref<1x1x2048xf32, #tpu.memory_space<vmem>>
        %dma_start3A_1043 = tpu.memref_squeeze %dma_start3A_1042 : memref<1x1x2048xf32, #tpu.memory_space<vmem>> -> memref<2048xf32, #tpu.memory_space<vmem>>
        %dma_start3A_1044 = tpu.memref_slice %arg4[%add3A_1020] : memref<8388608xf32, #tpu.memory_space<hbm>> -> memref<2048xf32, #tpu.memory_space<hbm>>
        tpu.enqueue_dma source(%dma_start3A_1044 : memref<2048xf32, #tpu.memory_space<hbm>>) target(%dma_start3A_1043 : memref<2048xf32, #tpu.memory_space<vmem>>) target_semaphore(%arg16 : memref<!tpu.dma_semaphore, #tpu.memory_space<semaphore_mem>>)
        %dma_start3A_1045 = arith.constant 2 : i32
        %dma_start3A_1046 = arith.constant 0 : i32
        %dma_start3A_1047 = tpu.memref_slice %arg8[%rem3A_1015, %dma_start3A_1045, %dma_start3A_1046] : memref<2x5x2064xf32, #tpu.memory_space<vmem>> -> memref<1x1x2048xf32, #tpu.memory_space<vmem>>
        %dma_start3A_1048 = tpu.memref_squeeze %dma_start3A_1047 : memref<1x1x2048xf32, #tpu.memory_space<vmem>> -> memref<2048xf32, #tpu.memory_space<vmem>>
        %dma_start3A_1049 = tpu.memref_slice %arg4[%add3A_1022] : memref<8388608xf32, #tpu.memory_space<hbm>> -> memref<2048xf32, #tpu.memory_space<hbm>>
        %dma_start3A_1050 = arith.constant 0 : i32
        %dma_start3A_1051 = tpu.memref_slice %arg8[%rem3A_1015, %dma_start3A_1045, %dma_start3A_1050] : memref<2x5x2064xf32, #tpu.memory_space<vmem>> -> memref<1x1x2048xf32, #tpu.memory_space<vmem>>
        %dma_start3A_1052 = tpu.memref_squeeze %dma_start3A_1051 : memref<1x1x2048xf32, #tpu.memory_space<vmem>> -> memref<2048xf32, #tpu.memory_space<vmem>>
        %dma_start3A_1053 = tpu.memref_slice %arg4[%add3A_1022] : memref<8388608xf32, #tpu.memory_space<hbm>> -> memref<2048xf32, #tpu.memory_space<hbm>>
        tpu.enqueue_dma source(%dma_start3A_1053 : memref<2048xf32, #tpu.memory_space<hbm>>) target(%dma_start3A_1052 : memref<2048xf32, #tpu.memory_space<vmem>>) target_semaphore(%arg16 : memref<!tpu.dma_semaphore, #tpu.memory_space<semaphore_mem>>)
        %dma_start3A_1054 = arith.constant 3 : i32
        %dma_start3A_1055 = arith.constant 0 : i32
        %dma_start3A_1056 = tpu.memref_slice %arg8[%rem3A_1015, %dma_start3A_1054, %dma_start3A_1055] : memref<2x5x2064xf32, #tpu.memory_space<vmem>> -> memref<1x1x2048xf32, #tpu.memory_space<vmem>>
        %dma_start3A_1057 = tpu.memref_squeeze %dma_start3A_1056 : memref<1x1x2048xf32, #tpu.memory_space<vmem>> -> memref<2048xf32, #tpu.memory_space<vmem>>
        %dma_start3A_1058 = tpu.memref_slice %arg4[%add3A_1024] : memref<8388608xf32, #tpu.memory_space<hbm>> -> memref<2048xf32, #tpu.memory_space<hbm>>
        %dma_start3A_1059 = arith.constant 0 : i32
        %dma_start3A_1060 = tpu.memref_slice %arg8[%rem3A_1015, %dma_start3A_1054, %dma_start3A_1059] : memref<2x5x2064xf32, #tpu.memory_space<vmem>> -> memref<1x1x2048xf32, #tpu.memory_space<vmem>>
        %dma_start3A_1061 = tpu.memref_squeeze %dma_start3A_1060 : memref<1x1x2048xf32, #tpu.memory_space<vmem>> -> memref<2048xf32, #tpu.memory_space<vmem>>
        %dma_start3A_1062 = tpu.memref_slice %arg4[%add3A_1024] : memref<8388608xf32, #tpu.memory_space<hbm>> -> memref<2048xf32, #tpu.memory_space<hbm>>
        tpu.enqueue_dma source(%dma_start3A_1062 : memref<2048xf32, #tpu.memory_space<hbm>>) target(%dma_start3A_1061 : memref<2048xf32, #tpu.memory_space<vmem>>) target_semaphore(%arg16 : memref<!tpu.dma_semaphore, #tpu.memory_space<semaphore_mem>>)
        %dma_start3A_1063 = arith.constant 4 : i32
        %dma_start3A_1064 = arith.constant 0 : i32
        %dma_start3A_1065 = tpu.memref_slice %arg8[%rem3A_1015, %dma_start3A_1063, %dma_start3A_1064] : memref<2x5x2064xf32, #tpu.memory_space<vmem>> -> memref<1x1x2048xf32, #tpu.memory_space<vmem>>
        %dma_start3A_1066 = tpu.memref_squeeze %dma_start3A_1065 : memref<1x1x2048xf32, #tpu.memory_space<vmem>> -> memref<2048xf32, #tpu.memory_space<vmem>>
        %dma_start3A_1067 = tpu.memref_slice %arg4[%add3A_1026] : memref<8388608xf32, #tpu.memory_space<hbm>> -> memref<2048xf32, #tpu.memory_space<hbm>>
        %dma_start3A_1068 = arith.constant 0 : i32
        %dma_start3A_1069 = tpu.memref_slice %arg8[%rem3A_1015, %dma_start3A_1063, %dma_start3A_1068] : memref<2x5x2064xf32, #tpu.memory_space<vmem>> -> memref<1x1x2048xf32, #tpu.memory_space<vmem>>
        %dma_start3A_1070 = tpu.memref_squeeze %dma_start3A_1069 : memref<1x1x2048xf32, #tpu.memory_space<vmem>> -> memref<2048xf32, #tpu.memory_space<vmem>>
        %dma_start3A_1071 = tpu.memref_slice %arg4[%add3A_1026] : memref<8388608xf32, #tpu.memory_space<hbm>> -> memref<2048xf32, #tpu.memory_space<hbm>>
        tpu.enqueue_dma source(%dma_start3A_1071 : memref<2048xf32, #tpu.memory_space<hbm>>) target(%dma_start3A_1070 : memref<2048xf32, #tpu.memory_space<vmem>>) target_semaphore(%arg16 : memref<!tpu.dma_semaphore, #tpu.memory_space<semaphore_mem>>)
      } else {
      }
    }
    %scan3A_123 = arith.constant 64 : i32
    %rem3A_124 = arith.constant 62 : i32
    %rem3A_125 = arith.constant 2 : i32
    %rem3A_126 = arith.remsi %rem3A_124, %rem3A_125 : i32
    %add3A_127 = arith.constant 126976 : i32
    %add3A_128 = arith.addi %mul3A_4, %add3A_127 : i32
    %dma_wait3A = arith.constant 0 : i32
    %dma_wait3A_129 = arith.constant 0 : i32
    %dma_wait3A_130 = tpu.memref_slice %arg9[%rem3A_126, %dma_wait3A, %dma_wait3A_129] : memref<2x2048x8xf32, #tpu.memory_space<vmem>> -> memref<1x2048x8xf32, #tpu.memory_space<vmem>>
    %dma_wait3A_131 = tpu.memref_squeeze %dma_wait3A_130 : memref<1x2048x8xf32, #tpu.memory_space<vmem>> -> memref<2048x8xf32, #tpu.memory_space<vmem>>
    %dma_wait3A_132 = arith.constant 0 : i32
    %dma_wait3A_133 = tpu.memref_slice %arg7[%add3A_128, %dma_wait3A_132] : memref<2097152x8xf32, #tpu.memory_space<hbm>> -> memref<2048x8xf32, #tpu.memory_space<hbm>>
    %dma_wait3A_134 = arith.constant 0 : i32
    %dma_wait3A_135 = tpu.memref_slice %arg7[%add3A_128, %dma_wait3A_134] : memref<2097152x8xf32, #tpu.memory_space<hbm>> -> memref<2048x8xf32, #tpu.memory_space<hbm>>
    %dma_wait3A_136 = arith.constant 0 : i32
    %dma_wait3A_137 = arith.constant 0 : i32
    %dma_wait3A_138 = tpu.memref_slice %arg9[%rem3A_126, %dma_wait3A_136, %dma_wait3A_137] : memref<2x2048x8xf32, #tpu.memory_space<vmem>> -> memref<1x2048x8xf32, #tpu.memory_space<vmem>>
    %dma_wait3A_139 = tpu.memref_squeeze %dma_wait3A_138 : memref<1x2048x8xf32, #tpu.memory_space<vmem>> -> memref<2048x8xf32, #tpu.memory_space<vmem>>
    tpu.wait_dma2 semaphore(%arg17 : memref<!tpu.dma_semaphore, #tpu.memory_space<semaphore_mem>>) src(%dma_wait3A_139 : memref<2048x8xf32, #tpu.memory_space<vmem>>) dst(%dma_wait3A_135 : memref<2048x8xf32, #tpu.memory_space<hbm>>)
    %rem3A_140 = arith.constant 63 : i32
    %rem3A_141 = arith.constant 2 : i32
    %rem3A_142 = arith.remsi %rem3A_140, %rem3A_141 : i32
    %add3A_143 = arith.constant 129024 : i32
    %add3A_144 = arith.addi %mul3A_4, %add3A_143 : i32
    %dma_wait3A_145 = arith.constant 0 : i32
    %dma_wait3A_146 = arith.constant 0 : i32
    %dma_wait3A_147 = tpu.memref_slice %arg9[%rem3A_142, %dma_wait3A_145, %dma_wait3A_146] : memref<2x2048x8xf32, #tpu.memory_space<vmem>> -> memref<1x2048x8xf32, #tpu.memory_space<vmem>>
    %dma_wait3A_148 = tpu.memref_squeeze %dma_wait3A_147 : memref<1x2048x8xf32, #tpu.memory_space<vmem>> -> memref<2048x8xf32, #tpu.memory_space<vmem>>
    %dma_wait3A_149 = arith.constant 0 : i32
    %dma_wait3A_150 = tpu.memref_slice %arg7[%add3A_144, %dma_wait3A_149] : memref<2097152x8xf32, #tpu.memory_space<hbm>> -> memref<2048x8xf32, #tpu.memory_space<hbm>>
    %dma_wait3A_151 = arith.constant 0 : i32
    %dma_wait3A_152 = tpu.memref_slice %arg7[%add3A_144, %dma_wait3A_151] : memref<2097152x8xf32, #tpu.memory_space<hbm>> -> memref<2048x8xf32, #tpu.memory_space<hbm>>
    %dma_wait3A_153 = arith.constant 0 : i32
    %dma_wait3A_154 = arith.constant 0 : i32
    %dma_wait3A_155 = tpu.memref_slice %arg9[%rem3A_142, %dma_wait3A_153, %dma_wait3A_154] : memref<2x2048x8xf32, #tpu.memory_space<vmem>> -> memref<1x2048x8xf32, #tpu.memory_space<vmem>>
    %dma_wait3A_156 = tpu.memref_squeeze %dma_wait3A_155 : memref<1x2048x8xf32, #tpu.memory_space<vmem>> -> memref<2048x8xf32, #tpu.memory_space<vmem>>
    tpu.wait_dma2 semaphore(%arg17 : memref<!tpu.dma_semaphore, #tpu.memory_space<semaphore_mem>>) src(%dma_wait3A_156 : memref<2048x8xf32, #tpu.memory_space<vmem>>) dst(%dma_wait3A_152 : memref<2048x8xf32, #tpu.memory_space<hbm>>)
    %barrier3A = arith.constant 0 : index
    tpu.barrier barrier_id(%barrier3A)
    %rem3A_157 = arith.constant 0 : i32
    %rem3A_158 = arith.constant 4 : i32
    %rem3A_159 = arith.remsi %rem3A_157, %rem3A_158 : i32
    %add3A_160 = arith.constant 0 : i32
    %add3A_161 = arith.addi %mul3A_2, %add3A_160 : i32
    %add3A_162 = arith.constant 0 : i32
    %add3A_163 = arith.addi %add3A_162, %add3A_161 : i32
    %add3A_164 = arith.constant 819200 : i32
    %add3A_165 = arith.addi %add3A_164, %add3A_161 : i32
    %add3A_166 = arith.constant 1638400 : i32
    %add3A_167 = arith.addi %add3A_166, %add3A_161 : i32
    %dma_start3A_168 = arith.constant 0 : i32
    %dma_start3A_169 = arith.constant 0 : i32
    %dma_start3A_170 = tpu.memref_slice %arg10[%rem3A_159, %dma_start3A_168, %dma_start3A_169] : memref<4x3x128xf32, #tpu.memory_space<vmem>> -> memref<1x1x128xf32, #tpu.memory_space<vmem>>
    %dma_start3A_171 = tpu.memref_squeeze %dma_start3A_170 : memref<1x1x128xf32, #tpu.memory_space<vmem>> -> memref<128xf32, #tpu.memory_space<vmem>>
    %dma_start3A_172 = tpu.memref_slice %arg2[%add3A_163] : memref<2457600xf32, #tpu.memory_space<hbm>> -> memref<128xf32, #tpu.memory_space<hbm>>
    %dma_start3A_173 = arith.constant 0 : i32
    %dma_start3A_174 = tpu.memref_slice %arg10[%rem3A_159, %dma_start3A_168, %dma_start3A_173] : memref<4x3x128xf32, #tpu.memory_space<vmem>> -> memref<1x1x128xf32, #tpu.memory_space<vmem>>
    %dma_start3A_175 = tpu.memref_squeeze %dma_start3A_174 : memref<1x1x128xf32, #tpu.memory_space<vmem>> -> memref<128xf32, #tpu.memory_space<vmem>>
    %dma_start3A_176 = tpu.memref_slice %arg2[%add3A_163] : memref<2457600xf32, #tpu.memory_space<hbm>> -> memref<128xf32, #tpu.memory_space<hbm>>
    tpu.enqueue_dma source(%dma_start3A_176 : memref<128xf32, #tpu.memory_space<hbm>>) target(%dma_start3A_175 : memref<128xf32, #tpu.memory_space<vmem>>) target_semaphore(%arg18 : memref<!tpu.dma_semaphore, #tpu.memory_space<semaphore_mem>>)
    %dma_start3A_177 = arith.constant 1 : i32
    %dma_start3A_178 = arith.constant 0 : i32
    %dma_start3A_179 = tpu.memref_slice %arg10[%rem3A_159, %dma_start3A_177, %dma_start3A_178] : memref<4x3x128xf32, #tpu.memory_space<vmem>> -> memref<1x1x128xf32, #tpu.memory_space<vmem>>
    %dma_start3A_180 = tpu.memref_squeeze %dma_start3A_179 : memref<1x1x128xf32, #tpu.memory_space<vmem>> -> memref<128xf32, #tpu.memory_space<vmem>>
    %dma_start3A_181 = tpu.memref_slice %arg2[%add3A_165] : memref<2457600xf32, #tpu.memory_space<hbm>> -> memref<128xf32, #tpu.memory_space<hbm>>
    %dma_start3A_182 = arith.constant 0 : i32
    %dma_start3A_183 = tpu.memref_slice %arg10[%rem3A_159, %dma_start3A_177, %dma_start3A_182] : memref<4x3x128xf32, #tpu.memory_space<vmem>> -> memref<1x1x128xf32, #tpu.memory_space<vmem>>
    %dma_start3A_184 = tpu.memref_squeeze %dma_start3A_183 : memref<1x1x128xf32, #tpu.memory_space<vmem>> -> memref<128xf32, #tpu.memory_space<vmem>>
    %dma_start3A_185 = tpu.memref_slice %arg2[%add3A_165] : memref<2457600xf32, #tpu.memory_space<hbm>> -> memref<128xf32, #tpu.memory_space<hbm>>
    tpu.enqueue_dma source(%dma_start3A_185 : memref<128xf32, #tpu.memory_space<hbm>>) target(%dma_start3A_184 : memref<128xf32, #tpu.memory_space<vmem>>) target_semaphore(%arg18 : memref<!tpu.dma_semaphore, #tpu.memory_space<semaphore_mem>>)
    %dma_start3A_186 = arith.constant 2 : i32
    %dma_start3A_187 = arith.constant 0 : i32
    %dma_start3A_188 = tpu.memref_slice %arg10[%rem3A_159, %dma_start3A_186, %dma_start3A_187] : memref<4x3x128xf32, #tpu.memory_space<vmem>> -> memref<1x1x128xf32, #tpu.memory_space<vmem>>
    %dma_start3A_189 = tpu.memref_squeeze %dma_start3A_188 : memref<1x1x128xf32, #tpu.memory_space<vmem>> -> memref<128xf32, #tpu.memory_space<vmem>>
    %dma_start3A_190 = tpu.memref_slice %arg2[%add3A_167] : memref<2457600xf32, #tpu.memory_space<hbm>> -> memref<128xf32, #tpu.memory_space<hbm>>
    %dma_start3A_191 = arith.constant 0 : i32
    %dma_start3A_192 = tpu.memref_slice %arg10[%rem3A_159, %dma_start3A_186, %dma_start3A_191] : memref<4x3x128xf32, #tpu.memory_space<vmem>> -> memref<1x1x128xf32, #tpu.memory_space<vmem>>
    %dma_start3A_193 = tpu.memref_squeeze %dma_start3A_192 : memref<1x1x128xf32, #tpu.memory_space<vmem>> -> memref<128xf32, #tpu.memory_space<vmem>>
    %dma_start3A_194 = tpu.memref_slice %arg2[%add3A_167] : memref<2457600xf32, #tpu.memory_space<hbm>> -> memref<128xf32, #tpu.memory_space<hbm>>
    tpu.enqueue_dma source(%dma_start3A_194 : memref<128xf32, #tpu.memory_space<hbm>>) target(%dma_start3A_193 : memref<128xf32, #tpu.memory_space<vmem>>) target_semaphore(%arg18 : memref<!tpu.dma_semaphore, #tpu.memory_space<semaphore_mem>>)
    %rem3A_195 = arith.constant 1 : i32
    %rem3A_196 = arith.constant 4 : i32
    %rem3A_197 = arith.remsi %rem3A_195, %rem3A_196 : i32
    %add3A_198 = arith.constant 128 : i32
    %add3A_199 = arith.addi %mul3A_2, %add3A_198 : i32
    %add3A_200 = arith.constant 0 : i32
    %add3A_201 = arith.addi %add3A_200, %add3A_199 : i32
    %add3A_202 = arith.constant 819200 : i32
    %add3A_203 = arith.addi %add3A_202, %add3A_199 : i32
    %add3A_204 = arith.constant 1638400 : i32
    %add3A_205 = arith.addi %add3A_204, %add3A_199 : i32
    %dma_start3A_206 = arith.constant 0 : i32
    %dma_start3A_207 = arith.constant 0 : i32
    %dma_start3A_208 = tpu.memref_slice %arg10[%rem3A_197, %dma_start3A_206, %dma_start3A_207] : memref<4x3x128xf32, #tpu.memory_space<vmem>> -> memref<1x1x128xf32, #tpu.memory_space<vmem>>
    %dma_start3A_209 = tpu.memref_squeeze %dma_start3A_208 : memref<1x1x128xf32, #tpu.memory_space<vmem>> -> memref<128xf32, #tpu.memory_space<vmem>>
    %dma_start3A_210 = tpu.memref_slice %arg2[%add3A_201] : memref<2457600xf32, #tpu.memory_space<hbm>> -> memref<128xf32, #tpu.memory_space<hbm>>
    %dma_start3A_211 = arith.constant 0 : i32
    %dma_start3A_212 = tpu.memref_slice %arg10[%rem3A_197, %dma_start3A_206, %dma_start3A_211] : memref<4x3x128xf32, #tpu.memory_space<vmem>> -> memref<1x1x128xf32, #tpu.memory_space<vmem>>
    %dma_start3A_213 = tpu.memref_squeeze %dma_start3A_212 : memref<1x1x128xf32, #tpu.memory_space<vmem>> -> memref<128xf32, #tpu.memory_space<vmem>>
    %dma_start3A_214 = tpu.memref_slice %arg2[%add3A_201] : memref<2457600xf32, #tpu.memory_space<hbm>> -> memref<128xf32, #tpu.memory_space<hbm>>
    tpu.enqueue_dma source(%dma_start3A_214 : memref<128xf32, #tpu.memory_space<hbm>>) target(%dma_start3A_213 : memref<128xf32, #tpu.memory_space<vmem>>) target_semaphore(%arg18 : memref<!tpu.dma_semaphore, #tpu.memory_space<semaphore_mem>>)
    %dma_start3A_215 = arith.constant 1 : i32
    %dma_start3A_216 = arith.constant 0 : i32
    %dma_start3A_217 = tpu.memref_slice %arg10[%rem3A_197, %dma_start3A_215, %dma_start3A_216] : memref<4x3x128xf32, #tpu.memory_space<vmem>> -> memref<1x1x128xf32, #tpu.memory_space<vmem>>
    %dma_start3A_218 = tpu.memref_squeeze %dma_start3A_217 : memref<1x1x128xf32, #tpu.memory_space<vmem>> -> memref<128xf32, #tpu.memory_space<vmem>>
    %dma_start3A_219 = tpu.memref_slice %arg2[%add3A_203] : memref<2457600xf32, #tpu.memory_space<hbm>> -> memref<128xf32, #tpu.memory_space<hbm>>
    %dma_start3A_220 = arith.constant 0 : i32
    %dma_start3A_221 = tpu.memref_slice %arg10[%rem3A_197, %dma_start3A_215, %dma_start3A_220] : memref<4x3x128xf32, #tpu.memory_space<vmem>> -> memref<1x1x128xf32, #tpu.memory_space<vmem>>
    %dma_start3A_222 = tpu.memref_squeeze %dma_start3A_221 : memref<1x1x128xf32, #tpu.memory_space<vmem>> -> memref<128xf32, #tpu.memory_space<vmem>>
    %dma_start3A_223 = tpu.memref_slice %arg2[%add3A_203] : memref<2457600xf32, #tpu.memory_space<hbm>> -> memref<128xf32, #tpu.memory_space<hbm>>
    tpu.enqueue_dma source(%dma_start3A_223 : memref<128xf32, #tpu.memory_space<hbm>>) target(%dma_start3A_222 : memref<128xf32, #tpu.memory_space<vmem>>) target_semaphore(%arg18 : memref<!tpu.dma_semaphore, #tpu.memory_space<semaphore_mem>>)
    %dma_start3A_224 = arith.constant 2 : i32
    %dma_start3A_225 = arith.constant 0 : i32
    %dma_start3A_226 = tpu.memref_slice %arg10[%rem3A_197, %dma_start3A_224, %dma_start3A_225] : memref<4x3x128xf32, #tpu.memory_space<vmem>> -> memref<1x1x128xf32, #tpu.memory_space<vmem>>
    %dma_start3A_227 = tpu.memref_squeeze %dma_start3A_226 : memref<1x1x128xf32, #tpu.memory_space<vmem>> -> memref<128xf32, #tpu.memory_space<vmem>>
    %dma_start3A_228 = tpu.memref_slice %arg2[%add3A_205] : memref<2457600xf32, #tpu.memory_space<hbm>> -> memref<128xf32, #tpu.memory_space<hbm>>
    %dma_start3A_229 = arith.constant 0 : i32
    %dma_start3A_230 = tpu.memref_slice %arg10[%rem3A_197, %dma_start3A_224, %dma_start3A_229] : memref<4x3x128xf32, #tpu.memory_space<vmem>> -> memref<1x1x128xf32, #tpu.memory_space<vmem>>
    %dma_start3A_231 = tpu.memref_squeeze %dma_start3A_230 : memref<1x1x128xf32, #tpu.memory_space<vmem>> -> memref<128xf32, #tpu.memory_space<vmem>>
    %dma_start3A_232 = tpu.memref_slice %arg2[%add3A_205] : memref<2457600xf32, #tpu.memory_space<hbm>> -> memref<128xf32, #tpu.memory_space<hbm>>
    tpu.enqueue_dma source(%dma_start3A_232 : memref<128xf32, #tpu.memory_space<hbm>>) target(%dma_start3A_231 : memref<128xf32, #tpu.memory_space<vmem>>) target_semaphore(%arg18 : memref<!tpu.dma_semaphore, #tpu.memory_space<semaphore_mem>>)
    %rem3A_233 = arith.constant 2 : i32
    %rem3A_234 = arith.constant 4 : i32
    %rem3A_235 = arith.remsi %rem3A_233, %rem3A_234 : i32
    %add3A_236 = arith.constant 256 : i32
    %add3A_237 = arith.addi %mul3A_2, %add3A_236 : i32
    %add3A_238 = arith.constant 0 : i32
    %add3A_239 = arith.addi %add3A_238, %add3A_237 : i32
    %add3A_240 = arith.constant 819200 : i32
    %add3A_241 = arith.addi %add3A_240, %add3A_237 : i32
    %add3A_242 = arith.constant 1638400 : i32
    %add3A_243 = arith.addi %add3A_242, %add3A_237 : i32
    %dma_start3A_244 = arith.constant 0 : i32
    %dma_start3A_245 = arith.constant 0 : i32
    %dma_start3A_246 = tpu.memref_slice %arg10[%rem3A_235, %dma_start3A_244, %dma_start3A_245] : memref<4x3x128xf32, #tpu.memory_space<vmem>> -> memref<1x1x128xf32, #tpu.memory_space<vmem>>
    %dma_start3A_247 = tpu.memref_squeeze %dma_start3A_246 : memref<1x1x128xf32, #tpu.memory_space<vmem>> -> memref<128xf32, #tpu.memory_space<vmem>>
    %dma_start3A_248 = tpu.memref_slice %arg2[%add3A_239] : memref<2457600xf32, #tpu.memory_space<hbm>> -> memref<128xf32, #tpu.memory_space<hbm>>
    %dma_start3A_249 = arith.constant 0 : i32
    %dma_start3A_250 = tpu.memref_slice %arg10[%rem3A_235, %dma_start3A_244, %dma_start3A_249] : memref<4x3x128xf32, #tpu.memory_space<vmem>> -> memref<1x1x128xf32, #tpu.memory_space<vmem>>
    %dma_start3A_251 = tpu.memref_squeeze %dma_start3A_250 : memref<1x1x128xf32, #tpu.memory_space<vmem>> -> memref<128xf32, #tpu.memory_space<vmem>>
    %dma_start3A_252 = tpu.memref_slice %arg2[%add3A_239] : memref<2457600xf32, #tpu.memory_space<hbm>> -> memref<128xf32, #tpu.memory_space<hbm>>
    tpu.enqueue_dma source(%dma_start3A_252 : memref<128xf32, #tpu.memory_space<hbm>>) target(%dma_start3A_251 : memref<128xf32, #tpu.memory_space<vmem>>) target_semaphore(%arg18 : memref<!tpu.dma_semaphore, #tpu.memory_space<semaphore_mem>>)
    %dma_start3A_253 = arith.constant 1 : i32
    %dma_start3A_254 = arith.constant 0 : i32
    %dma_start3A_255 = tpu.memref_slice %arg10[%rem3A_235, %dma_start3A_253, %dma_start3A_254] : memref<4x3x128xf32, #tpu.memory_space<vmem>> -> memref<1x1x128xf32, #tpu.memory_space<vmem>>
    %dma_start3A_256 = tpu.memref_squeeze %dma_start3A_255 : memref<1x1x128xf32, #tpu.memory_space<vmem>> -> memref<128xf32, #tpu.memory_space<vmem>>
    %dma_start3A_257 = tpu.memref_slice %arg2[%add3A_241] : memref<2457600xf32, #tpu.memory_space<hbm>> -> memref<128xf32, #tpu.memory_space<hbm>>
    %dma_start3A_258 = arith.constant 0 : i32
    %dma_start3A_259 = tpu.memref_slice %arg10[%rem3A_235, %dma_start3A_253, %dma_start3A_258] : memref<4x3x128xf32, #tpu.memory_space<vmem>> -> memref<1x1x128xf32, #tpu.memory_space<vmem>>
    %dma_start3A_260 = tpu.memref_squeeze %dma_start3A_259 : memref<1x1x128xf32, #tpu.memory_space<vmem>> -> memref<128xf32, #tpu.memory_space<vmem>>
    %dma_start3A_261 = tpu.memref_slice %arg2[%add3A_241] : memref<2457600xf32, #tpu.memory_space<hbm>> -> memref<128xf32, #tpu.memory_space<hbm>>
    tpu.enqueue_dma source(%dma_start3A_261 : memref<128xf32, #tpu.memory_space<hbm>>) target(%dma_start3A_260 : memref<128xf32, #tpu.memory_space<vmem>>) target_semaphore(%arg18 : memref<!tpu.dma_semaphore, #tpu.memory_space<semaphore_mem>>)
    %dma_start3A_262 = arith.constant 2 : i32
    %dma_start3A_263 = arith.constant 0 : i32
    %dma_start3A_264 = tpu.memref_slice %arg10[%rem3A_235, %dma_start3A_262, %dma_start3A_263] : memref<4x3x128xf32, #tpu.memory_space<vmem>> -> memref<1x1x128xf32, #tpu.memory_space<vmem>>
    %dma_start3A_265 = tpu.memref_squeeze %dma_start3A_264 : memref<1x1x128xf32, #tpu.memory_space<vmem>> -> memref<128xf32, #tpu.memory_space<vmem>>
    %dma_start3A_266 = tpu.memref_slice %arg2[%add3A_243] : memref<2457600xf32, #tpu.memory_space<hbm>> -> memref<128xf32, #tpu.memory_space<hbm>>
    %dma_start3A_267 = arith.constant 0 : i32
    %dma_start3A_268 = tpu.memref_slice %arg10[%rem3A_235, %dma_start3A_262, %dma_start3A_267] : memref<4x3x128xf32, #tpu.memory_space<vmem>> -> memref<1x1x128xf32, #tpu.memory_space<vmem>>
    %dma_start3A_269 = tpu.memref_squeeze %dma_start3A_268 : memref<1x1x128xf32, #tpu.memory_space<vmem>> -> memref<128xf32, #tpu.memory_space<vmem>>
    %dma_start3A_270 = tpu.memref_slice %arg2[%add3A_243] : memref<2457600xf32, #tpu.memory_space<hbm>> -> memref<128xf32, #tpu.memory_space<hbm>>
    tpu.enqueue_dma source(%dma_start3A_270 : memref<128xf32, #tpu.memory_space<hbm>>) target(%dma_start3A_269 : memref<128xf32, #tpu.memory_space<vmem>>) target_semaphore(%arg18 : memref<!tpu.dma_semaphore, #tpu.memory_space<semaphore_mem>>)
    %rem3A_271 = arith.constant 3 : i32
    %rem3A_272 = arith.constant 4 : i32
    %rem3A_273 = arith.remsi %rem3A_271, %rem3A_272 : i32
    %add3A_274 = arith.constant 384 : i32
    %add3A_275 = arith.addi %mul3A_2, %add3A_274 : i32
    %add3A_276 = arith.constant 0 : i32
    %add3A_277 = arith.addi %add3A_276, %add3A_275 : i32
    %add3A_278 = arith.constant 819200 : i32
    %add3A_279 = arith.addi %add3A_278, %add3A_275 : i32
    %add3A_280 = arith.constant 1638400 : i32
    %add3A_281 = arith.addi %add3A_280, %add3A_275 : i32
    %dma_start3A_282 = arith.constant 0 : i32
    %dma_start3A_283 = arith.constant 0 : i32
    %dma_start3A_284 = tpu.memref_slice %arg10[%rem3A_273, %dma_start3A_282, %dma_start3A_283] : memref<4x3x128xf32, #tpu.memory_space<vmem>> -> memref<1x1x128xf32, #tpu.memory_space<vmem>>
    %dma_start3A_285 = tpu.memref_squeeze %dma_start3A_284 : memref<1x1x128xf32, #tpu.memory_space<vmem>> -> memref<128xf32, #tpu.memory_space<vmem>>
    %dma_start3A_286 = tpu.memref_slice %arg2[%add3A_277] : memref<2457600xf32, #tpu.memory_space<hbm>> -> memref<128xf32, #tpu.memory_space<hbm>>
    %dma_start3A_287 = arith.constant 0 : i32
    %dma_start3A_288 = tpu.memref_slice %arg10[%rem3A_273, %dma_start3A_282, %dma_start3A_287] : memref<4x3x128xf32, #tpu.memory_space<vmem>> -> memref<1x1x128xf32, #tpu.memory_space<vmem>>
    %dma_start3A_289 = tpu.memref_squeeze %dma_start3A_288 : memref<1x1x128xf32, #tpu.memory_space<vmem>> -> memref<128xf32, #tpu.memory_space<vmem>>
    %dma_start3A_290 = tpu.memref_slice %arg2[%add3A_277] : memref<2457600xf32, #tpu.memory_space<hbm>> -> memref<128xf32, #tpu.memory_space<hbm>>
    tpu.enqueue_dma source(%dma_start3A_290 : memref<128xf32, #tpu.memory_space<hbm>>) target(%dma_start3A_289 : memref<128xf32, #tpu.memory_space<vmem>>) target_semaphore(%arg18 : memref<!tpu.dma_semaphore, #tpu.memory_space<semaphore_mem>>)
    %dma_start3A_291 = arith.constant 1 : i32
    %dma_start3A_292 = arith.constant 0 : i32
    %dma_start3A_293 = tpu.memref_slice %arg10[%rem3A_273, %dma_start3A_291, %dma_start3A_292] : memref<4x3x128xf32, #tpu.memory_space<vmem>> -> memref<1x1x128xf32, #tpu.memory_space<vmem>>
    %dma_start3A_294 = tpu.memref_squeeze %dma_start3A_293 : memref<1x1x128xf32, #tpu.memory_space<vmem>> -> memref<128xf32, #tpu.memory_space<vmem>>
    %dma_start3A_295 = tpu.memref_slice %arg2[%add3A_279] : memref<2457600xf32, #tpu.memory_space<hbm>> -> memref<128xf32, #tpu.memory_space<hbm>>
    %dma_start3A_296 = arith.constant 0 : i32
    %dma_start3A_297 = tpu.memref_slice %arg10[%rem3A_273, %dma_start3A_291, %dma_start3A_296] : memref<4x3x128xf32, #tpu.memory_space<vmem>> -> memref<1x1x128xf32, #tpu.memory_space<vmem>>
    %dma_start3A_298 = tpu.memref_squeeze %dma_start3A_297 : memref<1x1x128xf32, #tpu.memory_space<vmem>> -> memref<128xf32, #tpu.memory_space<vmem>>
    %dma_start3A_299 = tpu.memref_slice %arg2[%add3A_279] : memref<2457600xf32, #tpu.memory_space<hbm>> -> memref<128xf32, #tpu.memory_space<hbm>>
    tpu.enqueue_dma source(%dma_start3A_299 : memref<128xf32, #tpu.memory_space<hbm>>) target(%dma_start3A_298 : memref<128xf32, #tpu.memory_space<vmem>>) target_semaphore(%arg18 : memref<!tpu.dma_semaphore, #tpu.memory_space<semaphore_mem>>)
    %dma_start3A_300 = arith.constant 2 : i32
    %dma_start3A_301 = arith.constant 0 : i32
    %dma_start3A_302 = tpu.memref_slice %arg10[%rem3A_273, %dma_start3A_300, %dma_start3A_301] : memref<4x3x128xf32, #tpu.memory_space<vmem>> -> memref<1x1x128xf32, #tpu.memory_space<vmem>>
    %dma_start3A_303 = tpu.memref_squeeze %dma_start3A_302 : memref<1x1x128xf32, #tpu.memory_space<vmem>> -> memref<128xf32, #tpu.memory_space<vmem>>
    %dma_start3A_304 = tpu.memref_slice %arg2[%add3A_281] : memref<2457600xf32, #tpu.memory_space<hbm>> -> memref<128xf32, #tpu.memory_space<hbm>>
    %dma_start3A_305 = arith.constant 0 : i32
    %dma_start3A_306 = tpu.memref_slice %arg10[%rem3A_273, %dma_start3A_300, %dma_start3A_305] : memref<4x3x128xf32, #tpu.memory_space<vmem>> -> memref<1x1x128xf32, #tpu.memory_space<vmem>>
    %dma_start3A_307 = tpu.memref_squeeze %dma_start3A_306 : memref<1x1x128xf32, #tpu.memory_space<vmem>> -> memref<128xf32, #tpu.memory_space<vmem>>
    %dma_start3A_308 = tpu.memref_slice %arg2[%add3A_281] : memref<2457600xf32, #tpu.memory_space<hbm>> -> memref<128xf32, #tpu.memory_space<hbm>>
    tpu.enqueue_dma source(%dma_start3A_308 : memref<128xf32, #tpu.memory_space<hbm>>) target(%dma_start3A_307 : memref<128xf32, #tpu.memory_space<vmem>>) target_semaphore(%arg18 : memref<!tpu.dma_semaphore, #tpu.memory_space<semaphore_mem>>)
    %rem3A_309 = arith.constant 0 : i32
    %rem3A_310 = arith.constant 4 : i32
    %rem3A_311 = arith.remsi %rem3A_309, %rem3A_310 : i32
    %add3A_312 = arith.constant 0 : i32
    %add3A_313 = arith.addi %mul3A_2, %add3A_312 : i32
    %add3A_314 = arith.constant 0 : i32
    %add3A_315 = arith.addi %add3A_314, %add3A_313 : i32
    %add3A_316 = arith.constant 819200 : i32
    %add3A_317 = arith.addi %add3A_316, %add3A_313 : i32
    %add3A_318 = arith.constant 1638400 : i32
    %add3A_319 = arith.addi %add3A_318, %add3A_313 : i32
    %dma_wait3A_320 = arith.constant 0 : i32
    %dma_wait3A_321 = arith.constant 0 : i32
    %dma_wait3A_322 = tpu.memref_slice %arg10[%rem3A_311, %dma_wait3A_320, %dma_wait3A_321] : memref<4x3x128xf32, #tpu.memory_space<vmem>> -> memref<1x1x128xf32, #tpu.memory_space<vmem>>
    %dma_wait3A_323 = tpu.memref_squeeze %dma_wait3A_322 : memref<1x1x128xf32, #tpu.memory_space<vmem>> -> memref<128xf32, #tpu.memory_space<vmem>>
    %dma_wait3A_324 = tpu.memref_slice %arg2[%add3A_315] : memref<2457600xf32, #tpu.memory_space<hbm>> -> memref<128xf32, #tpu.memory_space<hbm>>
    %dma_wait3A_325 = arith.constant 0 : i32
    %dma_wait3A_326 = tpu.memref_slice %arg10[%rem3A_311, %dma_wait3A_320, %dma_wait3A_325] : memref<4x3x128xf32, #tpu.memory_space<vmem>> -> memref<1x1x128xf32, #tpu.memory_space<vmem>>
    %dma_wait3A_327 = tpu.memref_squeeze %dma_wait3A_326 : memref<1x1x128xf32, #tpu.memory_space<vmem>> -> memref<128xf32, #tpu.memory_space<vmem>>
    %dma_wait3A_328 = tpu.memref_slice %arg2[%add3A_315] : memref<2457600xf32, #tpu.memory_space<hbm>> -> memref<128xf32, #tpu.memory_space<hbm>>
    tpu.wait_dma2 semaphore(%arg18 : memref<!tpu.dma_semaphore, #tpu.memory_space<semaphore_mem>>) src(%dma_wait3A_328 : memref<128xf32, #tpu.memory_space<hbm>>) dst(%dma_wait3A_327 : memref<128xf32, #tpu.memory_space<vmem>>)
    %dma_wait3A_329 = arith.constant 1 : i32
    %dma_wait3A_330 = arith.constant 0 : i32
    %dma_wait3A_331 = tpu.memref_slice %arg10[%rem3A_311, %dma_wait3A_329, %dma_wait3A_330] : memref<4x3x128xf32, #tpu.memory_space<vmem>> -> memref<1x1x128xf32, #tpu.memory_space<vmem>>
    %dma_wait3A_332 = tpu.memref_squeeze %dma_wait3A_331 : memref<1x1x128xf32, #tpu.memory_space<vmem>> -> memref<128xf32, #tpu.memory_space<vmem>>
    %dma_wait3A_333 = tpu.memref_slice %arg2[%add3A_317] : memref<2457600xf32, #tpu.memory_space<hbm>> -> memref<128xf32, #tpu.memory_space<hbm>>
    %dma_wait3A_334 = arith.constant 0 : i32
    %dma_wait3A_335 = tpu.memref_slice %arg10[%rem3A_311, %dma_wait3A_329, %dma_wait3A_334] : memref<4x3x128xf32, #tpu.memory_space<vmem>> -> memref<1x1x128xf32, #tpu.memory_space<vmem>>
    %dma_wait3A_336 = tpu.memref_squeeze %dma_wait3A_335 : memref<1x1x128xf32, #tpu.memory_space<vmem>> -> memref<128xf32, #tpu.memory_space<vmem>>
    %dma_wait3A_337 = tpu.memref_slice %arg2[%add3A_317] : memref<2457600xf32, #tpu.memory_space<hbm>> -> memref<128xf32, #tpu.memory_space<hbm>>
    tpu.wait_dma2 semaphore(%arg18 : memref<!tpu.dma_semaphore, #tpu.memory_space<semaphore_mem>>) src(%dma_wait3A_337 : memref<128xf32, #tpu.memory_space<hbm>>) dst(%dma_wait3A_336 : memref<128xf32, #tpu.memory_space<vmem>>)
    %dma_wait3A_338 = arith.constant 2 : i32
    %dma_wait3A_339 = arith.constant 0 : i32
    %dma_wait3A_340 = tpu.memref_slice %arg10[%rem3A_311, %dma_wait3A_338, %dma_wait3A_339] : memref<4x3x128xf32, #tpu.memory_space<vmem>> -> memref<1x1x128xf32, #tpu.memory_space<vmem>>
    %dma_wait3A_341 = tpu.memref_squeeze %dma_wait3A_340 : memref<1x1x128xf32, #tpu.memory_space<vmem>> -> memref<128xf32, #tpu.memory_space<vmem>>
    %dma_wait3A_342 = tpu.memref_slice %arg2[%add3A_319] : memref<2457600xf32, #tpu.memory_space<hbm>> -> memref<128xf32, #tpu.memory_space<hbm>>
    %dma_wait3A_343 = arith.constant 0 : i32
    %dma_wait3A_344 = tpu.memref_slice %arg10[%rem3A_311, %dma_wait3A_338, %dma_wait3A_343] : memref<4x3x128xf32, #tpu.memory_space<vmem>> -> memref<1x1x128xf32, #tpu.memory_space<vmem>>
    %dma_wait3A_345 = tpu.memref_squeeze %dma_wait3A_344 : memref<1x1x128xf32, #tpu.memory_space<vmem>> -> memref<128xf32, #tpu.memory_space<vmem>>
    %dma_wait3A_346 = tpu.memref_slice %arg2[%add3A_319] : memref<2457600xf32, #tpu.memory_space<hbm>> -> memref<128xf32, #tpu.memory_space<hbm>>
    tpu.wait_dma2 semaphore(%arg18 : memref<!tpu.dma_semaphore, #tpu.memory_space<semaphore_mem>>) src(%dma_wait3A_346 : memref<128xf32, #tpu.memory_space<hbm>>) dst(%dma_wait3A_345 : memref<128xf32, #tpu.memory_space<vmem>>)
    %rem3A_347 = arith.constant 0 : i32
    %rem3A_348 = arith.constant 4 : i32
    %rem3A_349 = arith.remsi %rem3A_347, %rem3A_348 : i32
    %scan3A_350 = arith.constant 0 : i32
    %scan3A_351 = arith.constant 0 : i32
    %scan3A_352 = arith.constant 8 : i32
    %scan3A_353 = arith.addi %scan3A_351, %scan3A_352 : i32
    %scan3A_354 = arith.constant 1 : i32
    scf.for %scan3A_920 = %scan3A_351 to %scan3A_353 step %scan3A_354  : i32 {
      %mul3A_921 = arith.constant 16 : i32
      %mul3A_922 = arith.muli %scan3A_920, %mul3A_921 : i32
      %get3A = arith.constant 0 : i32
      %get3A_923 = arith.index_cast %rem3A_349 : i32 to index
      %get3A_924 = arith.index_cast %get3A : i32 to index
      %get3A_925 = arith.index_cast %mul3A_922 : i32 to index
      %get3A_926 = tpu.vector_load %arg10[%get3A_923, %get3A_924, %get3A_925] {strides = array<i32>} : memref<4x3x128xf32, #tpu.memory_space<vmem>>, vector<16xf32>,
      %get3A_927 = arith.constant 1 : i32
      %get3A_928 = arith.index_cast %rem3A_349 : i32 to index
      %get3A_929 = arith.index_cast %get3A_927 : i32 to index
      %get3A_930 = arith.index_cast %mul3A_922 : i32 to index
      %get3A_931 = tpu.vector_load %arg10[%get3A_928, %get3A_929, %get3A_930] {strides = array<i32>} : memref<4x3x128xf32, #tpu.memory_space<vmem>>, vector<16xf32>,
      %get3A_932 = arith.constant 2 : i32
      %get3A_933 = arith.index_cast %rem3A_349 : i32 to index
      %get3A_934 = arith.index_cast %get3A_932 : i32 to index
      %get3A_935 = arith.index_cast %mul3A_922 : i32 to index
      %get3A_936 = tpu.vector_load %arg10[%get3A_933, %get3A_934, %get3A_935] {strides = array<i32>} : memref<4x3x128xf32, #tpu.memory_space<vmem>>, vector<16xf32>,
      %add3A_937 = arith.constant 1.000000e+00 : f32
      %add3A_938 = vector.broadcast %add3A_937 : f32 to vector<16xf32>
      %add3A_939 = arith.addf %get3A_926, %add3A_938 : vector<16xf32>
      %mul3A_940 = arith.constant 6.350000e+01 : f32
      %mul3A_941 = vector.broadcast %mul3A_940 : f32 to vector<16xf32>
      %mul3A_942 = arith.mulf %add3A_939, %mul3A_941 : vector<16xf32>
      %jit3A_943 = arith.constant 0.000000e+00 : f32
      %jit3A_944 = arith.constant 1.270000e+02 : f32
      %max3A = vector.broadcast %jit3A_943 : f32 to vector<16xf32>
      %max3A_945 = arith.maximumf %max3A, %mul3A_942 : vector<16xf32>
      %min3A = vector.broadcast %jit3A_944 : f32 to vector<16xf32>
      %min3A_946 = arith.minimumf %min3A, %max3A_945 : vector<16xf32>
      %add3A_947 = arith.constant 1.000000e+00 : f32
      %add3A_948 = vector.broadcast %add3A_947 : f32 to vector<16xf32>
      %add3A_949 = arith.addf %get3A_931, %add3A_948 : vector<16xf32>
      %mul3A_950 = arith.constant 6.350000e+01 : f32
      %mul3A_951 = vector.broadcast %mul3A_950 : f32 to vector<16xf32>
      %mul3A_952 = arith.mulf %add3A_949, %mul3A_951 : vector<16xf32>
      %jit3A_953 = arith.constant 0.000000e+00 : f32
      %jit3A_954 = arith.constant 1.270000e+02 : f32
      %max3A_955 = vector.broadcast %jit3A_953 : f32 to vector<16xf32>
      %max3A_956 = arith.maximumf %max3A_955, %mul3A_952 : vector<16xf32>
      %min3A_957 = vector.broadcast %jit3A_954 : f32 to vector<16xf32>
      %min3A_958 = arith.minimumf %min3A_957, %max3A_956 : vector<16xf32>
      %add3A_959 = arith.constant 1.000000e+00 : f32
      %add3A_960 = vector.broadcast %add3A_959 : f32 to vector<16xf32>
      %add3A_961 = arith.addf %get3A_936, %add3A_960 : vector<16xf32>
      %mul3A_962 = arith.constant 6.350000e+01 : f32
      %mul3A_963 = vector.broadcast %mul3A_962 : f32 to vector<16xf32>
      %mul3A_964 = arith.mulf %add3A_961, %mul3A_963 : vector<16xf32>
      %jit3A_965 = arith.constant 0.000000e+00 : f32
      %jit3A_966 = arith.constant 1.270000e+02 : f32
      %max3A_967 = vector.broadcast %jit3A_965 : f32 to vector<16xf32>
      %max3A_968 = arith.maximumf %max3A_967, %mul3A_964 : vector<16xf32>
      %min3A_969 = vector.broadcast %jit3A_966 : f32 to vector<16xf32>
      %min3A_970 = arith.minimumf %min3A_969, %max3A_968 : vector<16xf32>
      %convert_element_type3A = arith.fptosi %min3A_946 : vector<16xf32> to vector<16xi32>
      %convert_element_type3A_971 = arith.fptosi %min3A_958 : vector<16xf32> to vector<16xi32>
      %convert_element_type3A_972 = arith.fptosi %min3A_970 : vector<16xf32> to vector<16xi32>
      %add3A_973 = arith.constant 1 : i32
      %add3A_974 = vector.broadcast %add3A_973 : i32 to vector<16xi32>
      %add3A_975 = arith.addi %convert_element_type3A_971, %add3A_974 : vector<16xi32>
      %min3A_976 = arith.constant 127 : i32
      %min3A_977 = vector.broadcast %min3A_976 : i32 to vector<16xi32>
      %min3A_978 = arith.minsi %add3A_975, %min3A_977 : vector<16xi32>
      %add3A_979 = arith.constant 1 : i32
      %add3A_980 = vector.broadcast %add3A_979 : i32 to vector<16xi32>
      %add3A_981 = arith.addi %convert_element_type3A_972, %add3A_980 : vector<16xi32>
      %min3A_982 = arith.constant 127 : i32
      %min3A_983 = vector.broadcast %min3A_982 : i32 to vector<16xi32>
      %min3A_984 = arith.minsi %add3A_981, %min3A_983 : vector<16xi32>
      %mul3A_985 = arith.constant 128 : i32
      %mul3A_986 = vector.broadcast %mul3A_985 : i32 to vector<16xi32>
      %mul3A_987 = arith.muli %convert_element_type3A_972, %mul3A_986 : vector<16xi32>
      %add3A_988 = arith.addi %mul3A_987, %convert_element_type3A_971 : vector<16xi32>
      %mul3A_989 = arith.constant 128 : i32
      %mul3A_990 = vector.broadcast %mul3A_989 : i32 to vector<16xi32>
      %mul3A_991 = arith.muli %add3A_988, %mul3A_990 : vector<16xi32>
      %add3A_992 = arith.addi %mul3A_991, %convert_element_type3A : vector<16xi32>
      %swap3A = arith.constant 0 : i32
      %swap3A_993 = arith.index_cast %rem3A_349 : i32 to index
      %swap3A_994 = arith.index_cast %swap3A : i32 to index
      %swap3A_995 = arith.index_cast %mul3A_922 : i32 to index
      %swap3A_996 = tpu.vector_load %arg12[%swap3A_993, %swap3A_994, %swap3A_995] {strides = array<i32>} : memref<4x4x128xi32, #tpu.memory_space<vmem>>, vector<16xi32>,
      tpu.vector_store %arg12[%swap3A_993, %swap3A_994, %swap3A_995], %add3A_992 {strides = array<i32>} : memref<4x4x128xi32, #tpu.memory_space<vmem>>, vector<16xi32>,
      %mul3A_997 = arith.constant 128 : i32
      %mul3A_998 = vector.broadcast %mul3A_997 : i32 to vector<16xi32>
      %mul3A_999 = arith.muli %convert_element_type3A_972, %mul3A_998 : vector<16xi32>
      %add3A_1000 = arith.addi %mul3A_999, %min3A_978 : vector<16xi32>
      %mul3A_1001 = arith.constant 128 : i32
      %mul3A_1002 = vector.broadcast %mul3A_1001 : i32 to vector<16xi32>
      %mul3A_1003 = arith.muli %add3A_1000, %mul3A_1002 : vector<16xi32>
      %add3A_1004 = arith.addi %mul3A_1003, %convert_element_type3A : vector<16xi32>
      %swap3A_1005 = arith.constant 1 : i32
      %swap3A_1006 = arith.index_cast %rem3A_349 : i32 to index
      %swap3A_1007 = arith.index_cast %swap3A_1005 : i32 to index
      %swap3A_1008 = arith.index_cast %mul3A_922 : i32 to index
      %swap3A_1009 = tpu.vector_load %arg12[%swap3A_1006, %swap3A_1007, %swap3A_1008] {strides = array<i32>} : memref<4x4x128xi32, #tpu.memory_space<vmem>>, vector<16xi32>,
      tpu.vector_store %arg12[%swap3A_1006, %swap3A_1007, %swap3A_1008], %add3A_1004 {strides = array<i32>} : memref<4x4x128xi32, #tpu.memory_space<vmem>>, vector<16xi32>,
      %mul3A_1010 = arith.constant 128 : i32
      %mul3A_1011 = vector.broadcast %mul3A_1010 : i32 to vector<16xi32>
      %mul3A_1012 = arith.muli %min3A_984, %mul3A_1011 : vector<16xi32>
      %add3A_1013 = arith.addi %mul3A_1012, %convert_element_type3A_971 : vector<16xi32>
      %mul3A_1014 = arith.constant 128 : i32
      %mul3A_1015 = vector.broadcast %mul3A_1014 : i32 to vector<16xi32>
      %mul3A_1016 = arith.muli %add3A_1013, %mul3A_1015 : vector<16xi32>
      %add3A_1017 = arith.addi %mul3A_1016, %convert_element_type3A : vector<16xi32>
      %swap3A_1018 = arith.constant 2 : i32
      %swap3A_1019 = arith.index_cast %rem3A_349 : i32 to index
      %swap3A_1020 = arith.index_cast %swap3A_1018 : i32 to index
      %swap3A_1021 = arith.index_cast %mul3A_922 : i32 to index
      %swap3A_1022 = tpu.vector_load %arg12[%swap3A_1019, %swap3A_1020, %swap3A_1021] {strides = array<i32>} : memref<4x4x128xi32, #tpu.memory_space<vmem>>, vector<16xi32>,
      tpu.vector_store %arg12[%swap3A_1019, %swap3A_1020, %swap3A_1021], %add3A_1017 {strides = array<i32>} : memref<4x4x128xi32, #tpu.memory_space<vmem>>, vector<16xi32>,
      %mul3A_1023 = arith.constant 128 : i32
      %mul3A_1024 = vector.broadcast %mul3A_1023 : i32 to vector<16xi32>
      %mul3A_1025 = arith.muli %min3A_984, %mul3A_1024 : vector<16xi32>
      %add3A_1026 = arith.addi %mul3A_1025, %min3A_978 : vector<16xi32>
      %mul3A_1027 = arith.constant 128 : i32
      %mul3A_1028 = vector.broadcast %mul3A_1027 : i32 to vector<16xi32>
      %mul3A_1029 = arith.muli %add3A_1026, %mul3A_1028 : vector<16xi32>
      %add3A_1030 = arith.addi %mul3A_1029, %convert_element_type3A : vector<16xi32>
      %swap3A_1031 = arith.constant 3 : i32
      %swap3A_1032 = arith.index_cast %rem3A_349 : i32 to index
      %swap3A_1033 = arith.index_cast %swap3A_1031 : i32 to index
      %swap3A_1034 = arith.index_cast %mul3A_922 : i32 to index
      %swap3A_1035 = tpu.vector_load %arg12[%swap3A_1032, %swap3A_1033, %swap3A_1034] {strides = array<i32>} : memref<4x4x128xi32, #tpu.memory_space<vmem>>, vector<16xi32>,
      tpu.vector_store %arg12[%swap3A_1032, %swap3A_1033, %swap3A_1034], %add3A_1030 {strides = array<i32>} : memref<4x4x128xi32, #tpu.memory_space<vmem>>, vector<16xi32>,
      %convert_element_type3A_1036 = arith.sitofp %convert_element_type3A : vector<16xi32> to vector<16xf32>
      %sub3A_1037 = arith.subf %min3A_946, %convert_element_type3A_1036 : vector<16xf32>
      %swap3A_1038 = arith.constant 0 : i32
      %swap3A_1039 = arith.index_cast %rem3A_349 : i32 to index
      %swap3A_1040 = arith.index_cast %swap3A_1038 : i32 to index
      %swap3A_1041 = arith.index_cast %mul3A_922 : i32 to index
      %swap3A_1042 = tpu.vector_load %arg11[%swap3A_1039, %swap3A_1040, %swap3A_1041] {strides = array<i32>} : memref<4x3x128xf32, #tpu.memory_space<vmem>>, vector<16xf32>,
      tpu.vector_store %arg11[%swap3A_1039, %swap3A_1040, %swap3A_1041], %sub3A_1037 {strides = array<i32>} : memref<4x3x128xf32, #tpu.memory_space<vmem>>, vector<16xf32>,
      %convert_element_type3A_1043 = arith.sitofp %convert_element_type3A_971 : vector<16xi32> to vector<16xf32>
      %sub3A_1044 = arith.subf %min3A_958, %convert_element_type3A_1043 : vector<16xf32>
      %swap3A_1045 = arith.constant 1 : i32
      %swap3A_1046 = arith.index_cast %rem3A_349 : i32 to index
      %swap3A_1047 = arith.index_cast %swap3A_1045 : i32 to index
      %swap3A_1048 = arith.index_cast %mul3A_922 : i32 to index
      %swap3A_1049 = tpu.vector_load %arg11[%swap3A_1046, %swap3A_1047, %swap3A_1048] {strides = array<i32>} : memref<4x3x128xf32, #tpu.memory_space<vmem>>, vector<16xf32>,
      tpu.vector_store %arg11[%swap3A_1046, %swap3A_1047, %swap3A_1048], %sub3A_1044 {strides = array<i32>} : memref<4x3x128xf32, #tpu.memory_space<vmem>>, vector<16xf32>,
      %convert_element_type3A_1050 = arith.sitofp %convert_element_type3A_972 : vector<16xi32> to vector<16xf32>
      %sub3A_1051 = arith.subf %min3A_970, %convert_element_type3A_1050 : vector<16xf32>
      %swap3A_1052 = arith.constant 2 : i32
      %swap3A_1053 = arith.index_cast %rem3A_349 : i32 to index
      %swap3A_1054 = arith.index_cast %swap3A_1052 : i32 to index
      %swap3A_1055 = arith.index_cast %mul3A_922 : i32 to index
      %swap3A_1056 = tpu.vector_load %arg11[%swap3A_1053, %swap3A_1054, %swap3A_1055] {strides = array<i32>} : memref<4x3x128xf32, #tpu.memory_space<vmem>>, vector<16xf32>,
      tpu.vector_store %arg11[%swap3A_1053, %swap3A_1054, %swap3A_1055], %sub3A_1051 {strides = array<i32>} : memref<4x3x128xf32, #tpu.memory_space<vmem>>, vector<16xf32>,
    }
    %scan3A_355 = arith.constant 8 : i32
    %rem3A_356 = arith.constant 0 : i32
    %rem3A_357 = arith.constant 4 : i32
    %rem3A_358 = arith.remsi %rem3A_356, %rem3A_357 : i32
    %dma_start3A_359 = arith.constant 0 : i32
    %dma_start3A_360 = arith.constant 0 : i32
    %dma_start3A_361 = arith.constant 0 : i32
    %dma_start3A_362 = arith.constant 0 : i32
    %dma_start3A_363 = tpu.memref_slice %arg13[%rem3A_358, %dma_start3A_360, %dma_start3A_361, %dma_start3A_362] : memref<4x4x128x8xf32, #tpu.memory_space<vmem>> -> memref<1x1x128x8xf32, #tpu.memory_space<vmem>>
    %dma_start3A_364 = tpu.memref_squeeze %dma_start3A_363 : memref<1x1x128x8xf32, #tpu.memory_space<vmem>> -> memref<128x8xf32, #tpu.memory_space<vmem>>
    %dma_start3A_365 = arith.constant 0 : i32
    %dma_start3A_366 = tpu.memref_slice %arg12[%rem3A_358, %dma_start3A_359, %dma_start3A_365] : memref<4x4x128xi32, #tpu.memory_space<vmem>> -> memref<1x1x128xi32, #tpu.memory_space<vmem>>
    %dma_start3A_367 = tpu.memref_squeeze %dma_start3A_366 : memref<1x1x128xi32, #tpu.memory_space<vmem>> -> memref<128xi32, #tpu.memory_space<vmem>>
    %dma_start3A_368 = arith.constant 0 : i32
    %dma_start3A_369 = arith.constant 0 : i32
    %dma_start3A_370 = tpu.memref_slice %arg7[%dma_start3A_368, %dma_start3A_369] : memref<2097152x8xf32, #tpu.memory_space<hbm>> -> memref<2097152x8xf32, #tpu.memory_space<hbm>>
    tpu.enqueue_indirect_dma source(%dma_start3A_370 : memref<2097152x8xf32, #tpu.memory_space<hbm>>) target(%dma_start3A_364 : memref<128x8xf32, #tpu.memory_space<vmem>>) offsets(%dma_start3A_367 : memref<128xi32, #tpu.memory_space<vmem>>) semaphore(%arg19 : memref<!tpu.dma_semaphore, #tpu.memory_space<semaphore_mem>>)
    %dma_start3A_371 = arith.constant 1 : i32
    %dma_start3A_372 = arith.constant 1 : i32
    %dma_start3A_373 = arith.constant 0 : i32
    %dma_start3A_374 = arith.constant 0 : i32
    %dma_start3A_375 = tpu.memref_slice %arg13[%rem3A_358, %dma_start3A_372, %dma_start3A_373, %dma_start3A_374] : memref<4x4x128x8xf32, #tpu.memory_space<vmem>> -> memref<1x1x128x8xf32, #tpu.memory_space<vmem>>
    %dma_start3A_376 = tpu.memref_squeeze %dma_start3A_375 : memref<1x1x128x8xf32, #tpu.memory_space<vmem>> -> memref<128x8xf32, #tpu.memory_space<vmem>>
    %dma_start3A_377 = arith.constant 0 : i32
    %dma_start3A_378 = tpu.memref_slice %arg12[%rem3A_358, %dma_start3A_371, %dma_start3A_377] : memref<4x4x128xi32, #tpu.memory_space<vmem>> -> memref<1x1x128xi32, #tpu.memory_space<vmem>>
    %dma_start3A_379 = tpu.memref_squeeze %dma_start3A_378 : memref<1x1x128xi32, #tpu.memory_space<vmem>> -> memref<128xi32, #tpu.memory_space<vmem>>
    %dma_start3A_380 = arith.constant 0 : i32
    %dma_start3A_381 = arith.constant 0 : i32
    %dma_start3A_382 = tpu.memref_slice %arg7[%dma_start3A_380, %dma_start3A_381] : memref<2097152x8xf32, #tpu.memory_space<hbm>> -> memref<2097152x8xf32, #tpu.memory_space<hbm>>
    tpu.enqueue_indirect_dma source(%dma_start3A_382 : memref<2097152x8xf32, #tpu.memory_space<hbm>>) target(%dma_start3A_376 : memref<128x8xf32, #tpu.memory_space<vmem>>) offsets(%dma_start3A_379 : memref<128xi32, #tpu.memory_space<vmem>>) semaphore(%arg19 : memref<!tpu.dma_semaphore, #tpu.memory_space<semaphore_mem>>)
    %dma_start3A_383 = arith.constant 2 : i32
    %dma_start3A_384 = arith.constant 2 : i32
    %dma_start3A_385 = arith.constant 0 : i32
    %dma_start3A_386 = arith.constant 0 : i32
    %dma_start3A_387 = tpu.memref_slice %arg13[%rem3A_358, %dma_start3A_384, %dma_start3A_385, %dma_start3A_386] : memref<4x4x128x8xf32, #tpu.memory_space<vmem>> -> memref<1x1x128x8xf32, #tpu.memory_space<vmem>>
    %dma_start3A_388 = tpu.memref_squeeze %dma_start3A_387 : memref<1x1x128x8xf32, #tpu.memory_space<vmem>> -> memref<128x8xf32, #tpu.memory_space<vmem>>
    %dma_start3A_389 = arith.constant 0 : i32
    %dma_start3A_390 = tpu.memref_slice %arg12[%rem3A_358, %dma_start3A_383, %dma_start3A_389] : memref<4x4x128xi32, #tpu.memory_space<vmem>> -> memref<1x1x128xi32, #tpu.memory_space<vmem>>
    %dma_start3A_391 = tpu.memref_squeeze %dma_start3A_390 : memref<1x1x128xi32, #tpu.memory_space<vmem>> -> memref<128xi32, #tpu.memory_space<vmem>>
    %dma_start3A_392 = arith.constant 0 : i32
    %dma_start3A_393 = arith.constant 0 : i32
    %dma_start3A_394 = tpu.memref_slice %arg7[%dma_start3A_392, %dma_start3A_393] : memref<2097152x8xf32, #tpu.memory_space<hbm>> -> memref<2097152x8xf32, #tpu.memory_space<hbm>>
    tpu.enqueue_indirect_dma source(%dma_start3A_394 : memref<2097152x8xf32, #tpu.memory_space<hbm>>) target(%dma_start3A_388 : memref<128x8xf32, #tpu.memory_space<vmem>>) offsets(%dma_start3A_391 : memref<128xi32, #tpu.memory_space<vmem>>) semaphore(%arg19 : memref<!tpu.dma_semaphore, #tpu.memory_space<semaphore_mem>>)
    %dma_start3A_395 = arith.constant 3 : i32
    %dma_start3A_396 = arith.constant 3 : i32
    %dma_start3A_397 = arith.constant 0 : i32
    %dma_start3A_398 = arith.constant 0 : i32
    %dma_start3A_399 = tpu.memref_slice %arg13[%rem3A_358, %dma_start3A_396, %dma_start3A_397, %dma_start3A_398] : memref<4x4x128x8xf32, #tpu.memory_space<vmem>> -> memref<1x1x128x8xf32, #tpu.memory_space<vmem>>
    %dma_start3A_400 = tpu.memref_squeeze %dma_start3A_399 : memref<1x1x128x8xf32, #tpu.memory_space<vmem>> -> memref<128x8xf32, #tpu.memory_space<vmem>>
    %dma_start3A_401 = arith.constant 0 : i32
    %dma_start3A_402 = tpu.memref_slice %arg12[%rem3A_358, %dma_start3A_395, %dma_start3A_401] : memref<4x4x128xi32, #tpu.memory_space<vmem>> -> memref<1x1x128xi32, #tpu.memory_space<vmem>>
    %dma_start3A_403 = tpu.memref_squeeze %dma_start3A_402 : memref<1x1x128xi32, #tpu.memory_space<vmem>> -> memref<128xi32, #tpu.memory_space<vmem>>
    %dma_start3A_404 = arith.constant 0 : i32
    %dma_start3A_405 = arith.constant 0 : i32
    %dma_start3A_406 = tpu.memref_slice %arg7[%dma_start3A_404, %dma_start3A_405] : memref<2097152x8xf32, #tpu.memory_space<hbm>> -> memref<2097152x8xf32, #tpu.memory_space<hbm>>
    tpu.enqueue_indirect_dma source(%dma_start3A_406 : memref<2097152x8xf32, #tpu.memory_space<hbm>>) target(%dma_start3A_400 : memref<128x8xf32, #tpu.memory_space<vmem>>) offsets(%dma_start3A_403 : memref<128xi32, #tpu.memory_space<vmem>>) semaphore(%arg19 : memref<!tpu.dma_semaphore, #tpu.memory_space<semaphore_mem>>)
    %rem3A_407 = arith.constant 1 : i32
    %rem3A_408 = arith.constant 4 : i32
    %rem3A_409 = arith.remsi %rem3A_407, %rem3A_408 : i32
    %add3A_410 = arith.constant 128 : i32
    %add3A_411 = arith.addi %mul3A_2, %add3A_410 : i32
    %add3A_412 = arith.constant 0 : i32
    %add3A_413 = arith.addi %add3A_412, %add3A_411 : i32
    %add3A_414 = arith.constant 819200 : i32
    %add3A_415 = arith.addi %add3A_414, %add3A_411 : i32
    %add3A_416 = arith.constant 1638400 : i32
    %add3A_417 = arith.addi %add3A_416, %add3A_411 : i32
    %dma_wait3A_418 = arith.constant 0 : i32
    %dma_wait3A_419 = arith.constant 0 : i32
    %dma_wait3A_420 = tpu.memref_slice %arg10[%rem3A_409, %dma_wait3A_418, %dma_wait3A_419] : memref<4x3x128xf32, #tpu.memory_space<vmem>> -> memref<1x1x128xf32, #tpu.memory_space<vmem>>
    %dma_wait3A_421 = tpu.memref_squeeze %dma_wait3A_420 : memref<1x1x128xf32, #tpu.memory_space<vmem>> -> memref<128xf32, #tpu.memory_space<vmem>>
    %dma_wait3A_422 = tpu.memref_slice %arg2[%add3A_413] : memref<2457600xf32, #tpu.memory_space<hbm>> -> memref<128xf32, #tpu.memory_space<hbm>>
    %dma_wait3A_423 = arith.constant 0 : i32
    %dma_wait3A_424 = tpu.memref_slice %arg10[%rem3A_409, %dma_wait3A_418, %dma_wait3A_423] : memref<4x3x128xf32, #tpu.memory_space<vmem>> -> memref<1x1x128xf32, #tpu.memory_space<vmem>>
    %dma_wait3A_425 = tpu.memref_squeeze %dma_wait3A_424 : memref<1x1x128xf32, #tpu.memory_space<vmem>> -> memref<128xf32, #tpu.memory_space<vmem>>
    %dma_wait3A_426 = tpu.memref_slice %arg2[%add3A_413] : memref<2457600xf32, #tpu.memory_space<hbm>> -> memref<128xf32, #tpu.memory_space<hbm>>
    tpu.wait_dma2 semaphore(%arg18 : memref<!tpu.dma_semaphore, #tpu.memory_space<semaphore_mem>>) src(%dma_wait3A_426 : memref<128xf32, #tpu.memory_space<hbm>>) dst(%dma_wait3A_425 : memref<128xf32, #tpu.memory_space<vmem>>)
    %dma_wait3A_427 = arith.constant 1 : i32
    %dma_wait3A_428 = arith.constant 0 : i32
    %dma_wait3A_429 = tpu.memref_slice %arg10[%rem3A_409, %dma_wait3A_427, %dma_wait3A_428] : memref<4x3x128xf32, #tpu.memory_space<vmem>> -> memref<1x1x128xf32, #tpu.memory_space<vmem>>
    %dma_wait3A_430 = tpu.memref_squeeze %dma_wait3A_429 : memref<1x1x128xf32, #tpu.memory_space<vmem>> -> memref<128xf32, #tpu.memory_space<vmem>>
    %dma_wait3A_431 = tpu.memref_slice %arg2[%add3A_415] : memref<2457600xf32, #tpu.memory_space<hbm>> -> memref<128xf32, #tpu.memory_space<hbm>>
    %dma_wait3A_432 = arith.constant 0 : i32
    %dma_wait3A_433 = tpu.memref_slice %arg10[%rem3A_409, %dma_wait3A_427, %dma_wait3A_432] : memref<4x3x128xf32, #tpu.memory_space<vmem>> -> memref<1x1x128xf32, #tpu.memory_space<vmem>>
    %dma_wait3A_434 = tpu.memref_squeeze %dma_wait3A_433 : memref<1x1x128xf32, #tpu.memory_space<vmem>> -> memref<128xf32, #tpu.memory_space<vmem>>
    %dma_wait3A_435 = tpu.memref_slice %arg2[%add3A_415] : memref<2457600xf32, #tpu.memory_space<hbm>> -> memref<128xf32, #tpu.memory_space<hbm>>
    tpu.wait_dma2 semaphore(%arg18 : memref<!tpu.dma_semaphore, #tpu.memory_space<semaphore_mem>>) src(%dma_wait3A_435 : memref<128xf32, #tpu.memory_space<hbm>>) dst(%dma_wait3A_434 : memref<128xf32, #tpu.memory_space<vmem>>)
    %dma_wait3A_436 = arith.constant 2 : i32
    %dma_wait3A_437 = arith.constant 0 : i32
    %dma_wait3A_438 = tpu.memref_slice %arg10[%rem3A_409, %dma_wait3A_436, %dma_wait3A_437] : memref<4x3x128xf32, #tpu.memory_space<vmem>> -> memref<1x1x128xf32, #tpu.memory_space<vmem>>
    %dma_wait3A_439 = tpu.memref_squeeze %dma_wait3A_438 : memref<1x1x128xf32, #tpu.memory_space<vmem>> -> memref<128xf32, #tpu.memory_space<vmem>>
    %dma_wait3A_440 = tpu.memref_slice %arg2[%add3A_417] : memref<2457600xf32, #tpu.memory_space<hbm>> -> memref<128xf32, #tpu.memory_space<hbm>>
    %dma_wait3A_441 = arith.constant 0 : i32
    %dma_wait3A_442 = tpu.memref_slice %arg10[%rem3A_409, %dma_wait3A_436, %dma_wait3A_441] : memref<4x3x128xf32, #tpu.memory_space<vmem>> -> memref<1x1x128xf32, #tpu.memory_space<vmem>>
    %dma_wait3A_443 = tpu.memref_squeeze %dma_wait3A_442 : memref<1x1x128xf32, #tpu.memory_space<vmem>> -> memref<128xf32, #tpu.memory_space<vmem>>
    %dma_wait3A_444 = tpu.memref_slice %arg2[%add3A_417] : memref<2457600xf32, #tpu.memory_space<hbm>> -> memref<128xf32, #tpu.memory_space<hbm>>
    tpu.wait_dma2 semaphore(%arg18 : memref<!tpu.dma_semaphore, #tpu.memory_space<semaphore_mem>>) src(%dma_wait3A_444 : memref<128xf32, #tpu.memory_space<hbm>>) dst(%dma_wait3A_443 : memref<128xf32, #tpu.memory_space<vmem>>)
    %rem3A_445 = arith.constant 1 : i32
    %rem3A_446 = arith.constant 4 : i32
    %rem3A_447 = arith.remsi %rem3A_445, %rem3A_446 : i32
    %scan3A_448 = arith.constant 0 : i32
    %scan3A_449 = arith.constant 0 : i32
    %scan3A_450 = arith.constant 8 : i32
    %scan3A_451 = arith.addi %scan3A_449, %scan3A_450 : i32
    %scan3A_452 = arith.constant 1 : i32
    scf.for %scan3A_920 = %scan3A_449 to %scan3A_451 step %scan3A_452  : i32 {
      %mul3A_921 = arith.constant 16 : i32
      %mul3A_922 = arith.muli %scan3A_920, %mul3A_921 : i32
      %get3A = arith.constant 0 : i32
      %get3A_923 = arith.index_cast %rem3A_447 : i32 to index
      %get3A_924 = arith.index_cast %get3A : i32 to index
      %get3A_925 = arith.index_cast %mul3A_922 : i32 to index
      %get3A_926 = tpu.vector_load %arg10[%get3A_923, %get3A_924, %get3A_925] {strides = array<i32>} : memref<4x3x128xf32, #tpu.memory_space<vmem>>, vector<16xf32>,
      %get3A_927 = arith.constant 1 : i32
      %get3A_928 = arith.index_cast %rem3A_447 : i32 to index
      %get3A_929 = arith.index_cast %get3A_927 : i32 to index
      %get3A_930 = arith.index_cast %mul3A_922 : i32 to index
      %get3A_931 = tpu.vector_load %arg10[%get3A_928, %get3A_929, %get3A_930] {strides = array<i32>} : memref<4x3x128xf32, #tpu.memory_space<vmem>>, vector<16xf32>,
      %get3A_932 = arith.constant 2 : i32
      %get3A_933 = arith.index_cast %rem3A_447 : i32 to index
      %get3A_934 = arith.index_cast %get3A_932 : i32 to index
      %get3A_935 = arith.index_cast %mul3A_922 : i32 to index
      %get3A_936 = tpu.vector_load %arg10[%get3A_933, %get3A_934, %get3A_935] {strides = array<i32>} : memref<4x3x128xf32, #tpu.memory_space<vmem>>, vector<16xf32>,
      %add3A_937 = arith.constant 1.000000e+00 : f32
      %add3A_938 = vector.broadcast %add3A_937 : f32 to vector<16xf32>
      %add3A_939 = arith.addf %get3A_926, %add3A_938 : vector<16xf32>
      %mul3A_940 = arith.constant 6.350000e+01 : f32
      %mul3A_941 = vector.broadcast %mul3A_940 : f32 to vector<16xf32>
      %mul3A_942 = arith.mulf %add3A_939, %mul3A_941 : vector<16xf32>
      %jit3A_943 = arith.constant 0.000000e+00 : f32
      %jit3A_944 = arith.constant 1.270000e+02 : f32
      %max3A = vector.broadcast %jit3A_943 : f32 to vector<16xf32>
      %max3A_945 = arith.maximumf %max3A, %mul3A_942 : vector<16xf32>
      %min3A = vector.broadcast %jit3A_944 : f32 to vector<16xf32>
      %min3A_946 = arith.minimumf %min3A, %max3A_945 : vector<16xf32>
      %add3A_947 = arith.constant 1.000000e+00 : f32
      %add3A_948 = vector.broadcast %add3A_947 : f32 to vector<16xf32>
      %add3A_949 = arith.addf %get3A_931, %add3A_948 : vector<16xf32>
      %mul3A_950 = arith.constant 6.350000e+01 : f32
      %mul3A_951 = vector.broadcast %mul3A_950 : f32 to vector<16xf32>
      %mul3A_952 = arith.mulf %add3A_949, %mul3A_951 : vector<16xf32>
      %jit3A_953 = arith.constant 0.000000e+00 : f32
      %jit3A_954 = arith.constant 1.270000e+02 : f32
      %max3A_955 = vector.broadcast %jit3A_953 : f32 to vector<16xf32>
      %max3A_956 = arith.maximumf %max3A_955, %mul3A_952 : vector<16xf32>
      %min3A_957 = vector.broadcast %jit3A_954 : f32 to vector<16xf32>
      %min3A_958 = arith.minimumf %min3A_957, %max3A_956 : vector<16xf32>
      %add3A_959 = arith.constant 1.000000e+00 : f32
      %add3A_960 = vector.broadcast %add3A_959 : f32 to vector<16xf32>
      %add3A_961 = arith.addf %get3A_936, %add3A_960 : vector<16xf32>
      %mul3A_962 = arith.constant 6.350000e+01 : f32
      %mul3A_963 = vector.broadcast %mul3A_962 : f32 to vector<16xf32>
      %mul3A_964 = arith.mulf %add3A_961, %mul3A_963 : vector<16xf32>
      %jit3A_965 = arith.constant 0.000000e+00 : f32
      %jit3A_966 = arith.constant 1.270000e+02 : f32
      %max3A_967 = vector.broadcast %jit3A_965 : f32 to vector<16xf32>
      %max3A_968 = arith.maximumf %max3A_967, %mul3A_964 : vector<16xf32>
      %min3A_969 = vector.broadcast %jit3A_966 : f32 to vector<16xf32>
      %min3A_970 = arith.minimumf %min3A_969, %max3A_968 : vector<16xf32>
      %convert_element_type3A = arith.fptosi %min3A_946 : vector<16xf32> to vector<16xi32>
      %convert_element_type3A_971 = arith.fptosi %min3A_958 : vector<16xf32> to vector<16xi32>
      %convert_element_type3A_972 = arith.fptosi %min3A_970 : vector<16xf32> to vector<16xi32>
      %add3A_973 = arith.constant 1 : i32
      %add3A_974 = vector.broadcast %add3A_973 : i32 to vector<16xi32>
      %add3A_975 = arith.addi %convert_element_type3A_971, %add3A_974 : vector<16xi32>
      %min3A_976 = arith.constant 127 : i32
      %min3A_977 = vector.broadcast %min3A_976 : i32 to vector<16xi32>
      %min3A_978 = arith.minsi %add3A_975, %min3A_977 : vector<16xi32>
      %add3A_979 = arith.constant 1 : i32
      %add3A_980 = vector.broadcast %add3A_979 : i32 to vector<16xi32>
      %add3A_981 = arith.addi %convert_element_type3A_972, %add3A_980 : vector<16xi32>
      %min3A_982 = arith.constant 127 : i32
      %min3A_983 = vector.broadcast %min3A_982 : i32 to vector<16xi32>
      %min3A_984 = arith.minsi %add3A_981, %min3A_983 : vector<16xi32>
      %mul3A_985 = arith.constant 128 : i32
      %mul3A_986 = vector.broadcast %mul3A_985 : i32 to vector<16xi32>
      %mul3A_987 = arith.muli %convert_element_type3A_972, %mul3A_986 : vector<16xi32>
      %add3A_988 = arith.addi %mul3A_987, %convert_element_type3A_971 : vector<16xi32>
      %mul3A_989 = arith.constant 128 : i32
      %mul3A_990 = vector.broadcast %mul3A_989 : i32 to vector<16xi32>
      %mul3A_991 = arith.muli %add3A_988, %mul3A_990 : vector<16xi32>
      %add3A_992 = arith.addi %mul3A_991, %convert_element_type3A : vector<16xi32>
      %swap3A = arith.constant 0 : i32
      %swap3A_993 = arith.index_cast %rem3A_447 : i32 to index
      %swap3A_994 = arith.index_cast %swap3A : i32 to index
      %swap3A_995 = arith.index_cast %mul3A_922 : i32 to index
      %swap3A_996 = tpu.vector_load %arg12[%swap3A_993, %swap3A_994, %swap3A_995] {strides = array<i32>} : memref<4x4x128xi32, #tpu.memory_space<vmem>>, vector<16xi32>,
      tpu.vector_store %arg12[%swap3A_993, %swap3A_994, %swap3A_995], %add3A_992 {strides = array<i32>} : memref<4x4x128xi32, #tpu.memory_space<vmem>>, vector<16xi32>,
      %mul3A_997 = arith.constant 128 : i32
      %mul3A_998 = vector.broadcast %mul3A_997 : i32 to vector<16xi32>
      %mul3A_999 = arith.muli %convert_element_type3A_972, %mul3A_998 : vector<16xi32>
      %add3A_1000 = arith.addi %mul3A_999, %min3A_978 : vector<16xi32>
      %mul3A_1001 = arith.constant 128 : i32
      %mul3A_1002 = vector.broadcast %mul3A_1001 : i32 to vector<16xi32>
      %mul3A_1003 = arith.muli %add3A_1000, %mul3A_1002 : vector<16xi32>
      %add3A_1004 = arith.addi %mul3A_1003, %convert_element_type3A : vector<16xi32>
      %swap3A_1005 = arith.constant 1 : i32
      %swap3A_1006 = arith.index_cast %rem3A_447 : i32 to index
      %swap3A_1007 = arith.index_cast %swap3A_1005 : i32 to index
      %swap3A_1008 = arith.index_cast %mul3A_922 : i32 to index
      %swap3A_1009 = tpu.vector_load %arg12[%swap3A_1006, %swap3A_1007, %swap3A_1008] {strides = array<i32>} : memref<4x4x128xi32, #tpu.memory_space<vmem>>, vector<16xi32>,
      tpu.vector_store %arg12[%swap3A_1006, %swap3A_1007, %swap3A_1008], %add3A_1004 {strides = array<i32>} : memref<4x4x128xi32, #tpu.memory_space<vmem>>, vector<16xi32>,
      %mul3A_1010 = arith.constant 128 : i32
      %mul3A_1011 = vector.broadcast %mul3A_1010 : i32 to vector<16xi32>
      %mul3A_1012 = arith.muli %min3A_984, %mul3A_1011 : vector<16xi32>
      %add3A_1013 = arith.addi %mul3A_1012, %convert_element_type3A_971 : vector<16xi32>
      %mul3A_1014 = arith.constant 128 : i32
      %mul3A_1015 = vector.broadcast %mul3A_1014 : i32 to vector<16xi32>
      %mul3A_1016 = arith.muli %add3A_1013, %mul3A_1015 : vector<16xi32>
      %add3A_1017 = arith.addi %mul3A_1016, %convert_element_type3A : vector<16xi32>
      %swap3A_1018 = arith.constant 2 : i32
      %swap3A_1019 = arith.index_cast %rem3A_447 : i32 to index
      %swap3A_1020 = arith.index_cast %swap3A_1018 : i32 to index
      %swap3A_1021 = arith.index_cast %mul3A_922 : i32 to index
      %swap3A_1022 = tpu.vector_load %arg12[%swap3A_1019, %swap3A_1020, %swap3A_1021] {strides = array<i32>} : memref<4x4x128xi32, #tpu.memory_space<vmem>>, vector<16xi32>,
      tpu.vector_store %arg12[%swap3A_1019, %swap3A_1020, %swap3A_1021], %add3A_1017 {strides = array<i32>} : memref<4x4x128xi32, #tpu.memory_space<vmem>>, vector<16xi32>,
      %mul3A_1023 = arith.constant 128 : i32
      %mul3A_1024 = vector.broadcast %mul3A_1023 : i32 to vector<16xi32>
      %mul3A_1025 = arith.muli %min3A_984, %mul3A_1024 : vector<16xi32>
      %add3A_1026 = arith.addi %mul3A_1025, %min3A_978 : vector<16xi32>
      %mul3A_1027 = arith.constant 128 : i32
      %mul3A_1028 = vector.broadcast %mul3A_1027 : i32 to vector<16xi32>
      %mul3A_1029 = arith.muli %add3A_1026, %mul3A_1028 : vector<16xi32>
      %add3A_1030 = arith.addi %mul3A_1029, %convert_element_type3A : vector<16xi32>
      %swap3A_1031 = arith.constant 3 : i32
      %swap3A_1032 = arith.index_cast %rem3A_447 : i32 to index
      %swap3A_1033 = arith.index_cast %swap3A_1031 : i32 to index
      %swap3A_1034 = arith.index_cast %mul3A_922 : i32 to index
      %swap3A_1035 = tpu.vector_load %arg12[%swap3A_1032, %swap3A_1033, %swap3A_1034] {strides = array<i32>} : memref<4x4x128xi32, #tpu.memory_space<vmem>>, vector<16xi32>,
      tpu.vector_store %arg12[%swap3A_1032, %swap3A_1033, %swap3A_1034], %add3A_1030 {strides = array<i32>} : memref<4x4x128xi32, #tpu.memory_space<vmem>>, vector<16xi32>,
      %convert_element_type3A_1036 = arith.sitofp %convert_element_type3A : vector<16xi32> to vector<16xf32>
      %sub3A_1037 = arith.subf %min3A_946, %convert_element_type3A_1036 : vector<16xf32>
      %swap3A_1038 = arith.constant 0 : i32
      %swap3A_1039 = arith.index_cast %rem3A_447 : i32 to index
      %swap3A_1040 = arith.index_cast %swap3A_1038 : i32 to index
      %swap3A_1041 = arith.index_cast %mul3A_922 : i32 to index
      %swap3A_1042 = tpu.vector_load %arg11[%swap3A_1039, %swap3A_1040, %swap3A_1041] {strides = array<i32>} : memref<4x3x128xf32, #tpu.memory_space<vmem>>, vector<16xf32>,
      tpu.vector_store %arg11[%swap3A_1039, %swap3A_1040, %swap3A_1041], %sub3A_1037 {strides = array<i32>} : memref<4x3x128xf32, #tpu.memory_space<vmem>>, vector<16xf32>,
      %convert_element_type3A_1043 = arith.sitofp %convert_element_type3A_971 : vector<16xi32> to vector<16xf32>
      %sub3A_1044 = arith.subf %min3A_958, %convert_element_type3A_1043 : vector<16xf32>
      %swap3A_1045 = arith.constant 1 : i32
      %swap3A_1046 = arith.index_cast %rem3A_447 : i32 to index
      %swap3A_1047 = arith.index_cast %swap3A_1045 : i32 to index
      %swap3A_1048 = arith.index_cast %mul3A_922 : i32 to index
      %swap3A_1049 = tpu.vector_load %arg11[%swap3A_1046, %swap3A_1047, %swap3A_1048] {strides = array<i32>} : memref<4x3x128xf32, #tpu.memory_space<vmem>>, vector<16xf32>,
      tpu.vector_store %arg11[%swap3A_1046, %swap3A_1047, %swap3A_1048], %sub3A_1044 {strides = array<i32>} : memref<4x3x128xf32, #tpu.memory_space<vmem>>, vector<16xf32>,
      %convert_element_type3A_1050 = arith.sitofp %convert_element_type3A_972 : vector<16xi32> to vector<16xf32>
      %sub3A_1051 = arith.subf %min3A_970, %convert_element_type3A_1050 : vector<16xf32>
      %swap3A_1052 = arith.constant 2 : i32
      %swap3A_1053 = arith.index_cast %rem3A_447 : i32 to index
      %swap3A_1054 = arith.index_cast %swap3A_1052 : i32 to index
      %swap3A_1055 = arith.index_cast %mul3A_922 : i32 to index
      %swap3A_1056 = tpu.vector_load %arg11[%swap3A_1053, %swap3A_1054, %swap3A_1055] {strides = array<i32>} : memref<4x3x128xf32, #tpu.memory_space<vmem>>, vector<16xf32>,
      tpu.vector_store %arg11[%swap3A_1053, %swap3A_1054, %swap3A_1055], %sub3A_1051 {strides = array<i32>} : memref<4x3x128xf32, #tpu.memory_space<vmem>>, vector<16xf32>,
    }
    %scan3A_453 = arith.constant 8 : i32
    %rem3A_454 = arith.constant 1 : i32
    %rem3A_455 = arith.constant 4 : i32
    %rem3A_456 = arith.remsi %rem3A_454, %rem3A_455 : i32
    %dma_start3A_457 = arith.constant 0 : i32
    %dma_start3A_458 = arith.constant 0 : i32
    %dma_start3A_459 = arith.constant 0 : i32
    %dma_start3A_460 = arith.constant 0 : i32
    %dma_start3A_461 = tpu.memref_slice %arg13[%rem3A_456, %dma_start3A_458, %dma_start3A_459, %dma_start3A_460] : memref<4x4x128x8xf32, #tpu.memory_space<vmem>> -> memref<1x1x128x8xf32, #tpu.memory_space<vmem>>
    %dma_start3A_462 = tpu.memref_squeeze %dma_start3A_461 : memref<1x1x128x8xf32, #tpu.memory_space<vmem>> -> memref<128x8xf32, #tpu.memory_space<vmem>>
    %dma_start3A_463 = arith.constant 0 : i32
    %dma_start3A_464 = tpu.memref_slice %arg12[%rem3A_456, %dma_start3A_457, %dma_start3A_463] : memref<4x4x128xi32, #tpu.memory_space<vmem>> -> memref<1x1x128xi32, #tpu.memory_space<vmem>>
    %dma_start3A_465 = tpu.memref_squeeze %dma_start3A_464 : memref<1x1x128xi32, #tpu.memory_space<vmem>> -> memref<128xi32, #tpu.memory_space<vmem>>
    %dma_start3A_466 = arith.constant 0 : i32
    %dma_start3A_467 = arith.constant 0 : i32
    %dma_start3A_468 = tpu.memref_slice %arg7[%dma_start3A_466, %dma_start3A_467] : memref<2097152x8xf32, #tpu.memory_space<hbm>> -> memref<2097152x8xf32, #tpu.memory_space<hbm>>
    tpu.enqueue_indirect_dma source(%dma_start3A_468 : memref<2097152x8xf32, #tpu.memory_space<hbm>>) target(%dma_start3A_462 : memref<128x8xf32, #tpu.memory_space<vmem>>) offsets(%dma_start3A_465 : memref<128xi32, #tpu.memory_space<vmem>>) semaphore(%arg19 : memref<!tpu.dma_semaphore, #tpu.memory_space<semaphore_mem>>)
    %dma_start3A_469 = arith.constant 1 : i32
    %dma_start3A_470 = arith.constant 1 : i32
    %dma_start3A_471 = arith.constant 0 : i32
    %dma_start3A_472 = arith.constant 0 : i32
    %dma_start3A_473 = tpu.memref_slice %arg13[%rem3A_456, %dma_start3A_470, %dma_start3A_471, %dma_start3A_472] : memref<4x4x128x8xf32, #tpu.memory_space<vmem>> -> memref<1x1x128x8xf32, #tpu.memory_space<vmem>>
    %dma_start3A_474 = tpu.memref_squeeze %dma_start3A_473 : memref<1x1x128x8xf32, #tpu.memory_space<vmem>> -> memref<128x8xf32, #tpu.memory_space<vmem>>
    %dma_start3A_475 = arith.constant 0 : i32
    %dma_start3A_476 = tpu.memref_slice %arg12[%rem3A_456, %dma_start3A_469, %dma_start3A_475] : memref<4x4x128xi32, #tpu.memory_space<vmem>> -> memref<1x1x128xi32, #tpu.memory_space<vmem>>
    %dma_start3A_477 = tpu.memref_squeeze %dma_start3A_476 : memref<1x1x128xi32, #tpu.memory_space<vmem>> -> memref<128xi32, #tpu.memory_space<vmem>>
    %dma_start3A_478 = arith.constant 0 : i32
    %dma_start3A_479 = arith.constant 0 : i32
    %dma_start3A_480 = tpu.memref_slice %arg7[%dma_start3A_478, %dma_start3A_479] : memref<2097152x8xf32, #tpu.memory_space<hbm>> -> memref<2097152x8xf32, #tpu.memory_space<hbm>>
    tpu.enqueue_indirect_dma source(%dma_start3A_480 : memref<2097152x8xf32, #tpu.memory_space<hbm>>) target(%dma_start3A_474 : memref<128x8xf32, #tpu.memory_space<vmem>>) offsets(%dma_start3A_477 : memref<128xi32, #tpu.memory_space<vmem>>) semaphore(%arg19 : memref<!tpu.dma_semaphore, #tpu.memory_space<semaphore_mem>>)
    %dma_start3A_481 = arith.constant 2 : i32
    %dma_start3A_482 = arith.constant 2 : i32
    %dma_start3A_483 = arith.constant 0 : i32
    %dma_start3A_484 = arith.constant 0 : i32
    %dma_start3A_485 = tpu.memref_slice %arg13[%rem3A_456, %dma_start3A_482, %dma_start3A_483, %dma_start3A_484] : memref<4x4x128x8xf32, #tpu.memory_space<vmem>> -> memref<1x1x128x8xf32, #tpu.memory_space<vmem>>
    %dma_start3A_486 = tpu.memref_squeeze %dma_start3A_485 : memref<1x1x128x8xf32, #tpu.memory_space<vmem>> -> memref<128x8xf32, #tpu.memory_space<vmem>>
    %dma_start3A_487 = arith.constant 0 : i32
    %dma_start3A_488 = tpu.memref_slice %arg12[%rem3A_456, %dma_start3A_481, %dma_start3A_487] : memref<4x4x128xi32, #tpu.memory_space<vmem>> -> memref<1x1x128xi32, #tpu.memory_space<vmem>>
    %dma_start3A_489 = tpu.memref_squeeze %dma_start3A_488 : memref<1x1x128xi32, #tpu.memory_space<vmem>> -> memref<128xi32, #tpu.memory_space<vmem>>
    %dma_start3A_490 = arith.constant 0 : i32
    %dma_start3A_491 = arith.constant 0 : i32
    %dma_start3A_492 = tpu.memref_slice %arg7[%dma_start3A_490, %dma_start3A_491] : memref<2097152x8xf32, #tpu.memory_space<hbm>> -> memref<2097152x8xf32, #tpu.memory_space<hbm>>
    tpu.enqueue_indirect_dma source(%dma_start3A_492 : memref<2097152x8xf32, #tpu.memory_space<hbm>>) target(%dma_start3A_486 : memref<128x8xf32, #tpu.memory_space<vmem>>) offsets(%dma_start3A_489 : memref<128xi32, #tpu.memory_space<vmem>>) semaphore(%arg19 : memref<!tpu.dma_semaphore, #tpu.memory_space<semaphore_mem>>)
    %dma_start3A_493 = arith.constant 3 : i32
    %dma_start3A_494 = arith.constant 3 : i32
    %dma_start3A_495 = arith.constant 0 : i32
    %dma_start3A_496 = arith.constant 0 : i32
    %dma_start3A_497 = tpu.memref_slice %arg13[%rem3A_456, %dma_start3A_494, %dma_start3A_495, %dma_start3A_496] : memref<4x4x128x8xf32, #tpu.memory_space<vmem>> -> memref<1x1x128x8xf32, #tpu.memory_space<vmem>>
    %dma_start3A_498 = tpu.memref_squeeze %dma_start3A_497 : memref<1x1x128x8xf32, #tpu.memory_space<vmem>> -> memref<128x8xf32, #tpu.memory_space<vmem>>
    %dma_start3A_499 = arith.constant 0 : i32
    %dma_start3A_500 = tpu.memref_slice %arg12[%rem3A_456, %dma_start3A_493, %dma_start3A_499] : memref<4x4x128xi32, #tpu.memory_space<vmem>> -> memref<1x1x128xi32, #tpu.memory_space<vmem>>
    %dma_start3A_501 = tpu.memref_squeeze %dma_start3A_500 : memref<1x1x128xi32, #tpu.memory_space<vmem>> -> memref<128xi32, #tpu.memory_space<vmem>>
    %dma_start3A_502 = arith.constant 0 : i32
    %dma_start3A_503 = arith.constant 0 : i32
    %dma_start3A_504 = tpu.memref_slice %arg7[%dma_start3A_502, %dma_start3A_503] : memref<2097152x8xf32, #tpu.memory_space<hbm>> -> memref<2097152x8xf32, #tpu.memory_space<hbm>>
    tpu.enqueue_indirect_dma source(%dma_start3A_504 : memref<2097152x8xf32, #tpu.memory_space<hbm>>) target(%dma_start3A_498 : memref<128x8xf32, #tpu.memory_space<vmem>>) offsets(%dma_start3A_501 : memref<128xi32, #tpu.memory_space<vmem>>) semaphore(%arg19 : memref<!tpu.dma_semaphore, #tpu.memory_space<semaphore_mem>>)
    %scan3A_505 = arith.constant 0 : i32
    %scan3A_506 = arith.constant 0 : i32
    %scan3A_507 = arith.constant 200 : i32
    %scan3A_508 = arith.addi %scan3A_506, %scan3A_507 : i32
    %scan3A_509 = arith.constant 1 : i32
    scf.for %scan3A_920 = %scan3A_506 to %scan3A_508 step %scan3A_509  : i32 {
      %add3A_921 = arith.constant 2 : i32
      %add3A_922 = arith.addi %scan3A_920, %add3A_921 : i32
      %lt3A = arith.constant 200 : i32
      %lt3A_923 = arith.cmpi slt, %add3A_922, %lt3A : i32
      %convert_element_type3A = arith.extui %lt3A_923 : i1 to i32
      %cond3A = arith.constant 0 : i32
      %cond3A_924 = arith.cmpi ne, %convert_element_type3A, %cond3A : i32
      scf.if %cond3A_924 {
        %add3A_1098 = arith.constant 2 : i32
        %add3A_1099 = arith.addi %scan3A_920, %add3A_1098 : i32
        %rem3A_1100 = arith.constant 4 : i32
        %rem3A_1101 = arith.remsi %add3A_1099, %rem3A_1100 : i32
        %mul3A_1102 = arith.constant 128 : i32
        %mul3A_1103 = arith.muli %add3A_1099, %mul3A_1102 : i32
        %add3A_1104 = arith.addi %mul3A_2, %mul3A_1103 : i32
        %add3A_1105 = arith.constant 0 : i32
        %add3A_1106 = arith.addi %add3A_1105, %add3A_1104 : i32
        %add3A_1107 = arith.constant 819200 : i32
        %add3A_1108 = arith.addi %add3A_1107, %add3A_1104 : i32
        %add3A_1109 = arith.constant 1638400 : i32
        %add3A_1110 = arith.addi %add3A_1109, %add3A_1104 : i32
        %dma_wait3A_1111 = arith.constant 0 : i32
        %dma_wait3A_1112 = arith.constant 0 : i32
        %dma_wait3A_1113 = tpu.memref_slice %arg10[%rem3A_1101, %dma_wait3A_1111, %dma_wait3A_1112] : memref<4x3x128xf32, #tpu.memory_space<vmem>> -> memref<1x1x128xf32, #tpu.memory_space<vmem>>
        %dma_wait3A_1114 = tpu.memref_squeeze %dma_wait3A_1113 : memref<1x1x128xf32, #tpu.memory_space<vmem>> -> memref<128xf32, #tpu.memory_space<vmem>>
        %dma_wait3A_1115 = tpu.memref_slice %arg2[%add3A_1106] : memref<2457600xf32, #tpu.memory_space<hbm>> -> memref<128xf32, #tpu.memory_space<hbm>>
        %dma_wait3A_1116 = arith.constant 0 : i32
        %dma_wait3A_1117 = tpu.memref_slice %arg10[%rem3A_1101, %dma_wait3A_1111, %dma_wait3A_1116] : memref<4x3x128xf32, #tpu.memory_space<vmem>> -> memref<1x1x128xf32, #tpu.memory_space<vmem>>
        %dma_wait3A_1118 = tpu.memref_squeeze %dma_wait3A_1117 : memref<1x1x128xf32, #tpu.memory_space<vmem>> -> memref<128xf32, #tpu.memory_space<vmem>>
        %dma_wait3A_1119 = tpu.memref_slice %arg2[%add3A_1106] : memref<2457600xf32, #tpu.memory_space<hbm>> -> memref<128xf32, #tpu.memory_space<hbm>>
        tpu.wait_dma2 semaphore(%arg18 : memref<!tpu.dma_semaphore, #tpu.memory_space<semaphore_mem>>) src(%dma_wait3A_1119 : memref<128xf32, #tpu.memory_space<hbm>>) dst(%dma_wait3A_1118 : memref<128xf32, #tpu.memory_space<vmem>>)
        %dma_wait3A_1120 = arith.constant 1 : i32
        %dma_wait3A_1121 = arith.constant 0 : i32
        %dma_wait3A_1122 = tpu.memref_slice %arg10[%rem3A_1101, %dma_wait3A_1120, %dma_wait3A_1121] : memref<4x3x128xf32, #tpu.memory_space<vmem>> -> memref<1x1x128xf32, #tpu.memory_space<vmem>>
        %dma_wait3A_1123 = tpu.memref_squeeze %dma_wait3A_1122 : memref<1x1x128xf32, #tpu.memory_space<vmem>> -> memref<128xf32, #tpu.memory_space<vmem>>
        %dma_wait3A_1124 = tpu.memref_slice %arg2[%add3A_1108] : memref<2457600xf32, #tpu.memory_space<hbm>> -> memref<128xf32, #tpu.memory_space<hbm>>
        %dma_wait3A_1125 = arith.constant 0 : i32
        %dma_wait3A_1126 = tpu.memref_slice %arg10[%rem3A_1101, %dma_wait3A_1120, %dma_wait3A_1125] : memref<4x3x128xf32, #tpu.memory_space<vmem>> -> memref<1x1x128xf32, #tpu.memory_space<vmem>>
        %dma_wait3A_1127 = tpu.memref_squeeze %dma_wait3A_1126 : memref<1x1x128xf32, #tpu.memory_space<vmem>> -> memref<128xf32, #tpu.memory_space<vmem>>
        %dma_wait3A_1128 = tpu.memref_slice %arg2[%add3A_1108] : memref<2457600xf32, #tpu.memory_space<hbm>> -> memref<128xf32, #tpu.memory_space<hbm>>
        tpu.wait_dma2 semaphore(%arg18 : memref<!tpu.dma_semaphore, #tpu.memory_space<semaphore_mem>>) src(%dma_wait3A_1128 : memref<128xf32, #tpu.memory_space<hbm>>) dst(%dma_wait3A_1127 : memref<128xf32, #tpu.memory_space<vmem>>)
        %dma_wait3A_1129 = arith.constant 2 : i32
        %dma_wait3A_1130 = arith.constant 0 : i32
        %dma_wait3A_1131 = tpu.memref_slice %arg10[%rem3A_1101, %dma_wait3A_1129, %dma_wait3A_1130] : memref<4x3x128xf32, #tpu.memory_space<vmem>> -> memref<1x1x128xf32, #tpu.memory_space<vmem>>
        %dma_wait3A_1132 = tpu.memref_squeeze %dma_wait3A_1131 : memref<1x1x128xf32, #tpu.memory_space<vmem>> -> memref<128xf32, #tpu.memory_space<vmem>>
        %dma_wait3A_1133 = tpu.memref_slice %arg2[%add3A_1110] : memref<2457600xf32, #tpu.memory_space<hbm>> -> memref<128xf32, #tpu.memory_space<hbm>>
        %dma_wait3A_1134 = arith.constant 0 : i32
        %dma_wait3A_1135 = tpu.memref_slice %arg10[%rem3A_1101, %dma_wait3A_1129, %dma_wait3A_1134] : memref<4x3x128xf32, #tpu.memory_space<vmem>> -> memref<1x1x128xf32, #tpu.memory_space<vmem>>
        %dma_wait3A_1136 = tpu.memref_squeeze %dma_wait3A_1135 : memref<1x1x128xf32, #tpu.memory_space<vmem>> -> memref<128xf32, #tpu.memory_space<vmem>>
        %dma_wait3A_1137 = tpu.memref_slice %arg2[%add3A_1110] : memref<2457600xf32, #tpu.memory_space<hbm>> -> memref<128xf32, #tpu.memory_space<hbm>>
        tpu.wait_dma2 semaphore(%arg18 : memref<!tpu.dma_semaphore, #tpu.memory_space<semaphore_mem>>) src(%dma_wait3A_1137 : memref<128xf32, #tpu.memory_space<hbm>>) dst(%dma_wait3A_1136 : memref<128xf32, #tpu.memory_space<vmem>>)
        %add3A_1138 = arith.constant 2 : i32
        %add3A_1139 = arith.addi %scan3A_920, %add3A_1138 : i32
        %rem3A_1140 = arith.constant 4 : i32
        %rem3A_1141 = arith.remsi %add3A_1139, %rem3A_1140 : i32
        %scan3A_1142 = arith.constant 0 : i32
        %scan3A_1143 = arith.constant 0 : i32
        %scan3A_1144 = arith.constant 8 : i32
        %scan3A_1145 = arith.addi %scan3A_1143, %scan3A_1144 : i32
        %scan3A_1146 = arith.constant 1 : i32
        scf.for %scan3A_1200 = %scan3A_1143 to %scan3A_1145 step %scan3A_1146  : i32 {
          %mul3A_1201 = arith.constant 16 : i32
          %mul3A_1202 = arith.muli %scan3A_1200, %mul3A_1201 : i32
          %get3A = arith.constant 0 : i32
          %get3A_1203 = arith.index_cast %rem3A_1141 : i32 to index
          %get3A_1204 = arith.index_cast %get3A : i32 to index
          %get3A_1205 = arith.index_cast %mul3A_1202 : i32 to index
          %get3A_1206 = tpu.vector_load %arg10[%get3A_1203, %get3A_1204, %get3A_1205] {strides = array<i32>} : memref<4x3x128xf32, #tpu.memory_space<vmem>>, vector<16xf32>,
          %get3A_1207 = arith.constant 1 : i32
          %get3A_1208 = arith.index_cast %rem3A_1141 : i32 to index
          %get3A_1209 = arith.index_cast %get3A_1207 : i32 to index
          %get3A_1210 = arith.index_cast %mul3A_1202 : i32 to index
          %get3A_1211 = tpu.vector_load %arg10[%get3A_1208, %get3A_1209, %get3A_1210] {strides = array<i32>} : memref<4x3x128xf32, #tpu.memory_space<vmem>>, vector<16xf32>,
          %get3A_1212 = arith.constant 2 : i32
          %get3A_1213 = arith.index_cast %rem3A_1141 : i32 to index
          %get3A_1214 = arith.index_cast %get3A_1212 : i32 to index
          %get3A_1215 = arith.index_cast %mul3A_1202 : i32 to index
          %get3A_1216 = tpu.vector_load %arg10[%get3A_1213, %get3A_1214, %get3A_1215] {strides = array<i32>} : memref<4x3x128xf32, #tpu.memory_space<vmem>>, vector<16xf32>,
          %add3A_1217 = arith.constant 1.000000e+00 : f32
          %add3A_1218 = vector.broadcast %add3A_1217 : f32 to vector<16xf32>
          %add3A_1219 = arith.addf %get3A_1206, %add3A_1218 : vector<16xf32>
          %mul3A_1220 = arith.constant 6.350000e+01 : f32
          %mul3A_1221 = vector.broadcast %mul3A_1220 : f32 to vector<16xf32>
          %mul3A_1222 = arith.mulf %add3A_1219, %mul3A_1221 : vector<16xf32>
          %jit3A_1223 = arith.constant 0.000000e+00 : f32
          %jit3A_1224 = arith.constant 1.270000e+02 : f32
          %max3A = vector.broadcast %jit3A_1223 : f32 to vector<16xf32>
          %max3A_1225 = arith.maximumf %max3A, %mul3A_1222 : vector<16xf32>
          %min3A = vector.broadcast %jit3A_1224 : f32 to vector<16xf32>
          %min3A_1226 = arith.minimumf %min3A, %max3A_1225 : vector<16xf32>
          %add3A_1227 = arith.constant 1.000000e+00 : f32
          %add3A_1228 = vector.broadcast %add3A_1227 : f32 to vector<16xf32>
          %add3A_1229 = arith.addf %get3A_1211, %add3A_1228 : vector<16xf32>
          %mul3A_1230 = arith.constant 6.350000e+01 : f32
          %mul3A_1231 = vector.broadcast %mul3A_1230 : f32 to vector<16xf32>
          %mul3A_1232 = arith.mulf %add3A_1229, %mul3A_1231 : vector<16xf32>
          %jit3A_1233 = arith.constant 0.000000e+00 : f32
          %jit3A_1234 = arith.constant 1.270000e+02 : f32
          %max3A_1235 = vector.broadcast %jit3A_1233 : f32 to vector<16xf32>
          %max3A_1236 = arith.maximumf %max3A_1235, %mul3A_1232 : vector<16xf32>
          %min3A_1237 = vector.broadcast %jit3A_1234 : f32 to vector<16xf32>
          %min3A_1238 = arith.minimumf %min3A_1237, %max3A_1236 : vector<16xf32>
          %add3A_1239 = arith.constant 1.000000e+00 : f32
          %add3A_1240 = vector.broadcast %add3A_1239 : f32 to vector<16xf32>
          %add3A_1241 = arith.addf %get3A_1216, %add3A_1240 : vector<16xf32>
          %mul3A_1242 = arith.constant 6.350000e+01 : f32
          %mul3A_1243 = vector.broadcast %mul3A_1242 : f32 to vector<16xf32>
          %mul3A_1244 = arith.mulf %add3A_1241, %mul3A_1243 : vector<16xf32>
          %jit3A_1245 = arith.constant 0.000000e+00 : f32
          %jit3A_1246 = arith.constant 1.270000e+02 : f32
          %max3A_1247 = vector.broadcast %jit3A_1245 : f32 to vector<16xf32>
          %max3A_1248 = arith.maximumf %max3A_1247, %mul3A_1244 : vector<16xf32>
          %min3A_1249 = vector.broadcast %jit3A_1246 : f32 to vector<16xf32>
          %min3A_1250 = arith.minimumf %min3A_1249, %max3A_1248 : vector<16xf32>
          %convert_element_type3A_1251 = arith.fptosi %min3A_1226 : vector<16xf32> to vector<16xi32>
          %convert_element_type3A_1252 = arith.fptosi %min3A_1238 : vector<16xf32> to vector<16xi32>
          %convert_element_type3A_1253 = arith.fptosi %min3A_1250 : vector<16xf32> to vector<16xi32>
          %add3A_1254 = arith.constant 1 : i32
          %add3A_1255 = vector.broadcast %add3A_1254 : i32 to vector<16xi32>
          %add3A_1256 = arith.addi %convert_element_type3A_1252, %add3A_1255 : vector<16xi32>
          %min3A_1257 = arith.constant 127 : i32
          %min3A_1258 = vector.broadcast %min3A_1257 : i32 to vector<16xi32>
          %min3A_1259 = arith.minsi %add3A_1256, %min3A_1258 : vector<16xi32>
          %add3A_1260 = arith.constant 1 : i32
          %add3A_1261 = vector.broadcast %add3A_1260 : i32 to vector<16xi32>
          %add3A_1262 = arith.addi %convert_element_type3A_1253, %add3A_1261 : vector<16xi32>
          %min3A_1263 = arith.constant 127 : i32
          %min3A_1264 = vector.broadcast %min3A_1263 : i32 to vector<16xi32>
          %min3A_1265 = arith.minsi %add3A_1262, %min3A_1264 : vector<16xi32>
          %mul3A_1266 = arith.constant 128 : i32
          %mul3A_1267 = vector.broadcast %mul3A_1266 : i32 to vector<16xi32>
          %mul3A_1268 = arith.muli %convert_element_type3A_1253, %mul3A_1267 : vector<16xi32>
          %add3A_1269 = arith.addi %mul3A_1268, %convert_element_type3A_1252 : vector<16xi32>
          %mul3A_1270 = arith.constant 128 : i32
          %mul3A_1271 = vector.broadcast %mul3A_1270 : i32 to vector<16xi32>
          %mul3A_1272 = arith.muli %add3A_1269, %mul3A_1271 : vector<16xi32>
          %add3A_1273 = arith.addi %mul3A_1272, %convert_element_type3A_1251 : vector<16xi32>
          %swap3A = arith.constant 0 : i32
          %swap3A_1274 = arith.index_cast %rem3A_1141 : i32 to index
          %swap3A_1275 = arith.index_cast %swap3A : i32 to index
          %swap3A_1276 = arith.index_cast %mul3A_1202 : i32 to index
          %swap3A_1277 = tpu.vector_load %arg12[%swap3A_1274, %swap3A_1275, %swap3A_1276] {strides = array<i32>} : memref<4x4x128xi32, #tpu.memory_space<vmem>>, vector<16xi32>,
          tpu.vector_store %arg12[%swap3A_1274, %swap3A_1275, %swap3A_1276], %add3A_1273 {strides = array<i32>} : memref<4x4x128xi32, #tpu.memory_space<vmem>>, vector<16xi32>,
          %mul3A_1278 = arith.constant 128 : i32
          %mul3A_1279 = vector.broadcast %mul3A_1278 : i32 to vector<16xi32>
          %mul3A_1280 = arith.muli %convert_element_type3A_1253, %mul3A_1279 : vector<16xi32>
          %add3A_1281 = arith.addi %mul3A_1280, %min3A_1259 : vector<16xi32>
          %mul3A_1282 = arith.constant 128 : i32
          %mul3A_1283 = vector.broadcast %mul3A_1282 : i32 to vector<16xi32>
          %mul3A_1284 = arith.muli %add3A_1281, %mul3A_1283 : vector<16xi32>
          %add3A_1285 = arith.addi %mul3A_1284, %convert_element_type3A_1251 : vector<16xi32>
          %swap3A_1286 = arith.constant 1 : i32
          %swap3A_1287 = arith.index_cast %rem3A_1141 : i32 to index
          %swap3A_1288 = arith.index_cast %swap3A_1286 : i32 to index
          %swap3A_1289 = arith.index_cast %mul3A_1202 : i32 to index
          %swap3A_1290 = tpu.vector_load %arg12[%swap3A_1287, %swap3A_1288, %swap3A_1289] {strides = array<i32>} : memref<4x4x128xi32, #tpu.memory_space<vmem>>, vector<16xi32>,
          tpu.vector_store %arg12[%swap3A_1287, %swap3A_1288, %swap3A_1289], %add3A_1285 {strides = array<i32>} : memref<4x4x128xi32, #tpu.memory_space<vmem>>, vector<16xi32>,
          %mul3A_1291 = arith.constant 128 : i32
          %mul3A_1292 = vector.broadcast %mul3A_1291 : i32 to vector<16xi32>
          %mul3A_1293 = arith.muli %min3A_1265, %mul3A_1292 : vector<16xi32>
          %add3A_1294 = arith.addi %mul3A_1293, %convert_element_type3A_1252 : vector<16xi32>
          %mul3A_1295 = arith.constant 128 : i32
          %mul3A_1296 = vector.broadcast %mul3A_1295 : i32 to vector<16xi32>
          %mul3A_1297 = arith.muli %add3A_1294, %mul3A_1296 : vector<16xi32>
          %add3A_1298 = arith.addi %mul3A_1297, %convert_element_type3A_1251 : vector<16xi32>
          %swap3A_1299 = arith.constant 2 : i32
          %swap3A_1300 = arith.index_cast %rem3A_1141 : i32 to index
          %swap3A_1301 = arith.index_cast %swap3A_1299 : i32 to index
          %swap3A_1302 = arith.index_cast %mul3A_1202 : i32 to index
          %swap3A_1303 = tpu.vector_load %arg12[%swap3A_1300, %swap3A_1301, %swap3A_1302] {strides = array<i32>} : memref<4x4x128xi32, #tpu.memory_space<vmem>>, vector<16xi32>,
          tpu.vector_store %arg12[%swap3A_1300, %swap3A_1301, %swap3A_1302], %add3A_1298 {strides = array<i32>} : memref<4x4x128xi32, #tpu.memory_space<vmem>>, vector<16xi32>,
          %mul3A_1304 = arith.constant 128 : i32
          %mul3A_1305 = vector.broadcast %mul3A_1304 : i32 to vector<16xi32>
          %mul3A_1306 = arith.muli %min3A_1265, %mul3A_1305 : vector<16xi32>
          %add3A_1307 = arith.addi %mul3A_1306, %min3A_1259 : vector<16xi32>
          %mul3A_1308 = arith.constant 128 : i32
          %mul3A_1309 = vector.broadcast %mul3A_1308 : i32 to vector<16xi32>
          %mul3A_1310 = arith.muli %add3A_1307, %mul3A_1309 : vector<16xi32>
          %add3A_1311 = arith.addi %mul3A_1310, %convert_element_type3A_1251 : vector<16xi32>
          %swap3A_1312 = arith.constant 3 : i32
          %swap3A_1313 = arith.index_cast %rem3A_1141 : i32 to index
          %swap3A_1314 = arith.index_cast %swap3A_1312 : i32 to index
          %swap3A_1315 = arith.index_cast %mul3A_1202 : i32 to index
          %swap3A_1316 = tpu.vector_load %arg12[%swap3A_1313, %swap3A_1314, %swap3A_1315] {strides = array<i32>} : memref<4x4x128xi32, #tpu.memory_space<vmem>>, vector<16xi32>,
          tpu.vector_store %arg12[%swap3A_1313, %swap3A_1314, %swap3A_1315], %add3A_1311 {strides = array<i32>} : memref<4x4x128xi32, #tpu.memory_space<vmem>>, vector<16xi32>,
          %convert_element_type3A_1317 = arith.sitofp %convert_element_type3A_1251 : vector<16xi32> to vector<16xf32>
          %sub3A_1318 = arith.subf %min3A_1226, %convert_element_type3A_1317 : vector<16xf32>
          %swap3A_1319 = arith.constant 0 : i32
          %swap3A_1320 = arith.index_cast %rem3A_1141 : i32 to index
          %swap3A_1321 = arith.index_cast %swap3A_1319 : i32 to index
          %swap3A_1322 = arith.index_cast %mul3A_1202 : i32 to index
          %swap3A_1323 = tpu.vector_load %arg11[%swap3A_1320, %swap3A_1321, %swap3A_1322] {strides = array<i32>} : memref<4x3x128xf32, #tpu.memory_space<vmem>>, vector<16xf32>,
          tpu.vector_store %arg11[%swap3A_1320, %swap3A_1321, %swap3A_1322], %sub3A_1318 {strides = array<i32>} : memref<4x3x128xf32, #tpu.memory_space<vmem>>, vector<16xf32>,
          %convert_element_type3A_1324 = arith.sitofp %convert_element_type3A_1252 : vector<16xi32> to vector<16xf32>
          %sub3A_1325 = arith.subf %min3A_1238, %convert_element_type3A_1324 : vector<16xf32>
          %swap3A_1326 = arith.constant 1 : i32
          %swap3A_1327 = arith.index_cast %rem3A_1141 : i32 to index
          %swap3A_1328 = arith.index_cast %swap3A_1326 : i32 to index
          %swap3A_1329 = arith.index_cast %mul3A_1202 : i32 to index
          %swap3A_1330 = tpu.vector_load %arg11[%swap3A_1327, %swap3A_1328, %swap3A_1329] {strides = array<i32>} : memref<4x3x128xf32, #tpu.memory_space<vmem>>, vector<16xf32>,
          tpu.vector_store %arg11[%swap3A_1327, %swap3A_1328, %swap3A_1329], %sub3A_1325 {strides = array<i32>} : memref<4x3x128xf32, #tpu.memory_space<vmem>>, vector<16xf32>,
          %convert_element_type3A_1331 = arith.sitofp %convert_element_type3A_1253 : vector<16xi32> to vector<16xf32>
          %sub3A_1332 = arith.subf %min3A_1250, %convert_element_type3A_1331 : vector<16xf32>
          %swap3A_1333 = arith.constant 2 : i32
          %swap3A_1334 = arith.index_cast %rem3A_1141 : i32 to index
          %swap3A_1335 = arith.index_cast %swap3A_1333 : i32 to index
          %swap3A_1336 = arith.index_cast %mul3A_1202 : i32 to index
          %swap3A_1337 = tpu.vector_load %arg11[%swap3A_1334, %swap3A_1335, %swap3A_1336] {strides = array<i32>} : memref<4x3x128xf32, #tpu.memory_space<vmem>>, vector<16xf32>,
          tpu.vector_store %arg11[%swap3A_1334, %swap3A_1335, %swap3A_1336], %sub3A_1332 {strides = array<i32>} : memref<4x3x128xf32, #tpu.memory_space<vmem>>, vector<16xf32>,
        }
        %scan3A_1147 = arith.constant 8 : i32
        %add3A_1148 = arith.constant 2 : i32
        %add3A_1149 = arith.addi %scan3A_920, %add3A_1148 : i32
        %rem3A_1150 = arith.constant 4 : i32
        %rem3A_1151 = arith.remsi %add3A_1149, %rem3A_1150 : i32
        %dma_start3A_1152 = arith.constant 0 : i32
        %dma_start3A_1153 = arith.constant 0 : i32
        %dma_start3A_1154 = arith.constant 0 : i32
        %dma_start3A_1155 = arith.constant 0 : i32
        %dma_start3A_1156 = tpu.memref_slice %arg13[%rem3A_1151, %dma_start3A_1153, %dma_start3A_1154, %dma_start3A_1155] : memref<4x4x128x8xf32, #tpu.memory_space<vmem>> -> memref<1x1x128x8xf32, #tpu.memory_space<vmem>>
        %dma_start3A_1157 = tpu.memref_squeeze %dma_start3A_1156 : memref<1x1x128x8xf32, #tpu.memory_space<vmem>> -> memref<128x8xf32, #tpu.memory_space<vmem>>
        %dma_start3A_1158 = arith.constant 0 : i32
        %dma_start3A_1159 = tpu.memref_slice %arg12[%rem3A_1151, %dma_start3A_1152, %dma_start3A_1158] : memref<4x4x128xi32, #tpu.memory_space<vmem>> -> memref<1x1x128xi32, #tpu.memory_space<vmem>>
        %dma_start3A_1160 = tpu.memref_squeeze %dma_start3A_1159 : memref<1x1x128xi32, #tpu.memory_space<vmem>> -> memref<128xi32, #tpu.memory_space<vmem>>
        %dma_start3A_1161 = arith.constant 0 : i32
        %dma_start3A_1162 = arith.constant 0 : i32
        %dma_start3A_1163 = tpu.memref_slice %arg7[%dma_start3A_1161, %dma_start3A_1162] : memref<2097152x8xf32, #tpu.memory_space<hbm>> -> memref<2097152x8xf32, #tpu.memory_space<hbm>>
        tpu.enqueue_indirect_dma source(%dma_start3A_1163 : memref<2097152x8xf32, #tpu.memory_space<hbm>>) target(%dma_start3A_1157 : memref<128x8xf32, #tpu.memory_space<vmem>>) offsets(%dma_start3A_1160 : memref<128xi32, #tpu.memory_space<vmem>>) semaphore(%arg19 : memref<!tpu.dma_semaphore, #tpu.memory_space<semaphore_mem>>)
        %dma_start3A_1164 = arith.constant 1 : i32
        %dma_start3A_1165 = arith.constant 1 : i32
        %dma_start3A_1166 = arith.constant 0 : i32
        %dma_start3A_1167 = arith.constant 0 : i32
        %dma_start3A_1168 = tpu.memref_slice %arg13[%rem3A_1151, %dma_start3A_1165, %dma_start3A_1166, %dma_start3A_1167] : memref<4x4x128x8xf32, #tpu.memory_space<vmem>> -> memref<1x1x128x8xf32, #tpu.memory_space<vmem>>
        %dma_start3A_1169 = tpu.memref_squeeze %dma_start3A_1168 : memref<1x1x128x8xf32, #tpu.memory_space<vmem>> -> memref<128x8xf32, #tpu.memory_space<vmem>>
        %dma_start3A_1170 = arith.constant 0 : i32
        %dma_start3A_1171 = tpu.memref_slice %arg12[%rem3A_1151, %dma_start3A_1164, %dma_start3A_1170] : memref<4x4x128xi32, #tpu.memory_space<vmem>> -> memref<1x1x128xi32, #tpu.memory_space<vmem>>
        %dma_start3A_1172 = tpu.memref_squeeze %dma_start3A_1171 : memref<1x1x128xi32, #tpu.memory_space<vmem>> -> memref<128xi32, #tpu.memory_space<vmem>>
        %dma_start3A_1173 = arith.constant 0 : i32
        %dma_start3A_1174 = arith.constant 0 : i32
        %dma_start3A_1175 = tpu.memref_slice %arg7[%dma_start3A_1173, %dma_start3A_1174] : memref<2097152x8xf32, #tpu.memory_space<hbm>> -> memref<2097152x8xf32, #tpu.memory_space<hbm>>
        tpu.enqueue_indirect_dma source(%dma_start3A_1175 : memref<2097152x8xf32, #tpu.memory_space<hbm>>) target(%dma_start3A_1169 : memref<128x8xf32, #tpu.memory_space<vmem>>) offsets(%dma_start3A_1172 : memref<128xi32, #tpu.memory_space<vmem>>) semaphore(%arg19 : memref<!tpu.dma_semaphore, #tpu.memory_space<semaphore_mem>>)
        %dma_start3A_1176 = arith.constant 2 : i32
        %dma_start3A_1177 = arith.constant 2 : i32
        %dma_start3A_1178 = arith.constant 0 : i32
        %dma_start3A_1179 = arith.constant 0 : i32
        %dma_start3A_1180 = tpu.memref_slice %arg13[%rem3A_1151, %dma_start3A_1177, %dma_start3A_1178, %dma_start3A_1179] : memref<4x4x128x8xf32, #tpu.memory_space<vmem>> -> memref<1x1x128x8xf32, #tpu.memory_space<vmem>>
        %dma_start3A_1181 = tpu.memref_squeeze %dma_start3A_1180 : memref<1x1x128x8xf32, #tpu.memory_space<vmem>> -> memref<128x8xf32, #tpu.memory_space<vmem>>
        %dma_start3A_1182 = arith.constant 0 : i32
        %dma_start3A_1183 = tpu.memref_slice %arg12[%rem3A_1151, %dma_start3A_1176, %dma_start3A_1182] : memref<4x4x128xi32, #tpu.memory_space<vmem>> -> memref<1x1x128xi32, #tpu.memory_space<vmem>>
        %dma_start3A_1184 = tpu.memref_squeeze %dma_start3A_1183 : memref<1x1x128xi32, #tpu.memory_space<vmem>> -> memref<128xi32, #tpu.memory_space<vmem>>
        %dma_start3A_1185 = arith.constant 0 : i32
        %dma_start3A_1186 = arith.constant 0 : i32
        %dma_start3A_1187 = tpu.memref_slice %arg7[%dma_start3A_1185, %dma_start3A_1186] : memref<2097152x8xf32, #tpu.memory_space<hbm>> -> memref<2097152x8xf32, #tpu.memory_space<hbm>>
        tpu.enqueue_indirect_dma source(%dma_start3A_1187 : memref<2097152x8xf32, #tpu.memory_space<hbm>>) target(%dma_start3A_1181 : memref<128x8xf32, #tpu.memory_space<vmem>>) offsets(%dma_start3A_1184 : memref<128xi32, #tpu.memory_space<vmem>>) semaphore(%arg19 : memref<!tpu.dma_semaphore, #tpu.memory_space<semaphore_mem>>)
        %dma_start3A_1188 = arith.constant 3 : i32
        %dma_start3A_1189 = arith.constant 3 : i32
        %dma_start3A_1190 = arith.constant 0 : i32
        %dma_start3A_1191 = arith.constant 0 : i32
        %dma_start3A_1192 = tpu.memref_slice %arg13[%rem3A_1151, %dma_start3A_1189, %dma_start3A_1190, %dma_start3A_1191] : memref<4x4x128x8xf32, #tpu.memory_space<vmem>> -> memref<1x1x128x8xf32, #tpu.memory_space<vmem>>
        %dma_start3A_1193 = tpu.memref_squeeze %dma_start3A_1192 : memref<1x1x128x8xf32, #tpu.memory_space<vmem>> -> memref<128x8xf32, #tpu.memory_space<vmem>>
        %dma_start3A_1194 = arith.constant 0 : i32
        %dma_start3A_1195 = tpu.memref_slice %arg12[%rem3A_1151, %dma_start3A_1188, %dma_start3A_1194] : memref<4x4x128xi32, #tpu.memory_space<vmem>> -> memref<1x1x128xi32, #tpu.memory_space<vmem>>
        %dma_start3A_1196 = tpu.memref_squeeze %dma_start3A_1195 : memref<1x1x128xi32, #tpu.memory_space<vmem>> -> memref<128xi32, #tpu.memory_space<vmem>>
        %dma_start3A_1197 = arith.constant 0 : i32
        %dma_start3A_1198 = arith.constant 0 : i32
        %dma_start3A_1199 = tpu.memref_slice %arg7[%dma_start3A_1197, %dma_start3A_1198] : memref<2097152x8xf32, #tpu.memory_space<hbm>> -> memref<2097152x8xf32, #tpu.memory_space<hbm>>
        tpu.enqueue_indirect_dma source(%dma_start3A_1199 : memref<2097152x8xf32, #tpu.memory_space<hbm>>) target(%dma_start3A_1193 : memref<128x8xf32, #tpu.memory_space<vmem>>) offsets(%dma_start3A_1196 : memref<128xi32, #tpu.memory_space<vmem>>) semaphore(%arg19 : memref<!tpu.dma_semaphore, #tpu.memory_space<semaphore_mem>>)
      } else {
      }
      %add3A_925 = arith.constant 4 : i32
      %add3A_926 = arith.addi %scan3A_920, %add3A_925 : i32
      %lt3A_927 = arith.constant 200 : i32
      %lt3A_928 = arith.cmpi slt, %add3A_926, %lt3A_927 : i32
      %convert_element_type3A_929 = arith.extui %lt3A_928 : i1 to i32
      %cond3A_930 = arith.constant 0 : i32
      %cond3A_931 = arith.cmpi ne, %convert_element_type3A_929, %cond3A_930 : i32
      scf.if %cond3A_931 {
        %add3A_1098 = arith.constant 4 : i32
        %add3A_1099 = arith.addi %scan3A_920, %add3A_1098 : i32
        %rem3A_1100 = arith.constant 4 : i32
        %rem3A_1101 = arith.remsi %add3A_1099, %rem3A_1100 : i32
        %mul3A_1102 = arith.constant 128 : i32
        %mul3A_1103 = arith.muli %add3A_1099, %mul3A_1102 : i32
        %add3A_1104 = arith.addi %mul3A_2, %mul3A_1103 : i32
        %add3A_1105 = arith.constant 0 : i32
        %add3A_1106 = arith.addi %add3A_1105, %add3A_1104 : i32
        %add3A_1107 = arith.constant 819200 : i32
        %add3A_1108 = arith.addi %add3A_1107, %add3A_1104 : i32
        %add3A_1109 = arith.constant 1638400 : i32
        %add3A_1110 = arith.addi %add3A_1109, %add3A_1104 : i32
        %dma_start3A_1111 = arith.constant 0 : i32
        %dma_start3A_1112 = arith.constant 0 : i32
        %dma_start3A_1113 = tpu.memref_slice %arg10[%rem3A_1101, %dma_start3A_1111, %dma_start3A_1112] : memref<4x3x128xf32, #tpu.memory_space<vmem>> -> memref<1x1x128xf32, #tpu.memory_space<vmem>>
        %dma_start3A_1114 = tpu.memref_squeeze %dma_start3A_1113 : memref<1x1x128xf32, #tpu.memory_space<vmem>> -> memref<128xf32, #tpu.memory_space<vmem>>
        %dma_start3A_1115 = tpu.memref_slice %arg2[%add3A_1106] : memref<2457600xf32, #tpu.memory_space<hbm>> -> memref<128xf32, #tpu.memory_space<hbm>>
        %dma_start3A_1116 = arith.constant 0 : i32
        %dma_start3A_1117 = tpu.memref_slice %arg10[%rem3A_1101, %dma_start3A_1111, %dma_start3A_1116] : memref<4x3x128xf32, #tpu.memory_space<vmem>> -> memref<1x1x128xf32, #tpu.memory_space<vmem>>
        %dma_start3A_1118 = tpu.memref_squeeze %dma_start3A_1117 : memref<1x1x128xf32, #tpu.memory_space<vmem>> -> memref<128xf32, #tpu.memory_space<vmem>>
        %dma_start3A_1119 = tpu.memref_slice %arg2[%add3A_1106] : memref<2457600xf32, #tpu.memory_space<hbm>> -> memref<128xf32, #tpu.memory_space<hbm>>
        tpu.enqueue_dma source(%dma_start3A_1119 : memref<128xf32, #tpu.memory_space<hbm>>) target(%dma_start3A_1118 : memref<128xf32, #tpu.memory_space<vmem>>) target_semaphore(%arg18 : memref<!tpu.dma_semaphore, #tpu.memory_space<semaphore_mem>>)
        %dma_start3A_1120 = arith.constant 1 : i32
        %dma_start3A_1121 = arith.constant 0 : i32
        %dma_start3A_1122 = tpu.memref_slice %arg10[%rem3A_1101, %dma_start3A_1120, %dma_start3A_1121] : memref<4x3x128xf32, #tpu.memory_space<vmem>> -> memref<1x1x128xf32, #tpu.memory_space<vmem>>
        %dma_start3A_1123 = tpu.memref_squeeze %dma_start3A_1122 : memref<1x1x128xf32, #tpu.memory_space<vmem>> -> memref<128xf32, #tpu.memory_space<vmem>>
        %dma_start3A_1124 = tpu.memref_slice %arg2[%add3A_1108] : memref<2457600xf32, #tpu.memory_space<hbm>> -> memref<128xf32, #tpu.memory_space<hbm>>
        %dma_start3A_1125 = arith.constant 0 : i32
        %dma_start3A_1126 = tpu.memref_slice %arg10[%rem3A_1101, %dma_start3A_1120, %dma_start3A_1125] : memref<4x3x128xf32, #tpu.memory_space<vmem>> -> memref<1x1x128xf32, #tpu.memory_space<vmem>>
        %dma_start3A_1127 = tpu.memref_squeeze %dma_start3A_1126 : memref<1x1x128xf32, #tpu.memory_space<vmem>> -> memref<128xf32, #tpu.memory_space<vmem>>
        %dma_start3A_1128 = tpu.memref_slice %arg2[%add3A_1108] : memref<2457600xf32, #tpu.memory_space<hbm>> -> memref<128xf32, #tpu.memory_space<hbm>>
        tpu.enqueue_dma source(%dma_start3A_1128 : memref<128xf32, #tpu.memory_space<hbm>>) target(%dma_start3A_1127 : memref<128xf32, #tpu.memory_space<vmem>>) target_semaphore(%arg18 : memref<!tpu.dma_semaphore, #tpu.memory_space<semaphore_mem>>)
        %dma_start3A_1129 = arith.constant 2 : i32
        %dma_start3A_1130 = arith.constant 0 : i32
        %dma_start3A_1131 = tpu.memref_slice %arg10[%rem3A_1101, %dma_start3A_1129, %dma_start3A_1130] : memref<4x3x128xf32, #tpu.memory_space<vmem>> -> memref<1x1x128xf32, #tpu.memory_space<vmem>>
        %dma_start3A_1132 = tpu.memref_squeeze %dma_start3A_1131 : memref<1x1x128xf32, #tpu.memory_space<vmem>> -> memref<128xf32, #tpu.memory_space<vmem>>
        %dma_start3A_1133 = tpu.memref_slice %arg2[%add3A_1110] : memref<2457600xf32, #tpu.memory_space<hbm>> -> memref<128xf32, #tpu.memory_space<hbm>>
        %dma_start3A_1134 = arith.constant 0 : i32
        %dma_start3A_1135 = tpu.memref_slice %arg10[%rem3A_1101, %dma_start3A_1129, %dma_start3A_1134] : memref<4x3x128xf32, #tpu.memory_space<vmem>> -> memref<1x1x128xf32, #tpu.memory_space<vmem>>
        %dma_start3A_1136 = tpu.memref_squeeze %dma_start3A_1135 : memref<1x1x128xf32, #tpu.memory_space<vmem>> -> memref<128xf32, #tpu.memory_space<vmem>>
        %dma_start3A_1137 = tpu.memref_slice %arg2[%add3A_1110] : memref<2457600xf32, #tpu.memory_space<hbm>> -> memref<128xf32, #tpu.memory_space<hbm>>
        tpu.enqueue_dma source(%dma_start3A_1137 : memref<128xf32, #tpu.memory_space<hbm>>) target(%dma_start3A_1136 : memref<128xf32, #tpu.memory_space<vmem>>) target_semaphore(%arg18 : memref<!tpu.dma_semaphore, #tpu.memory_space<semaphore_mem>>)
      } else {
      }
      %rem3A_932 = arith.constant 4 : i32
      %rem3A_933 = arith.remsi %scan3A_920, %rem3A_932 : i32
      %dma_wait3A_934 = arith.constant 0 : i32
      %dma_wait3A_935 = arith.constant 0 : i32
      %dma_wait3A_936 = arith.constant 0 : i32
      %dma_wait3A_937 = arith.constant 0 : i32
      %dma_wait3A_938 = tpu.memref_slice %arg13[%rem3A_933, %dma_wait3A_935, %dma_wait3A_936, %dma_wait3A_937] : memref<4x4x128x8xf32, #tpu.memory_space<vmem>> -> memref<1x1x128x8xf32, #tpu.memory_space<vmem>>
      %dma_wait3A_939 = tpu.memref_squeeze %dma_wait3A_938 : memref<1x1x128x8xf32, #tpu.memory_space<vmem>> -> memref<128x8xf32, #tpu.memory_space<vmem>>
      %dma_wait3A_940 = arith.constant 0 : i32
      %dma_wait3A_941 = tpu.memref_slice %arg12[%rem3A_933, %dma_wait3A_934, %dma_wait3A_940] : memref<4x4x128xi32, #tpu.memory_space<vmem>> -> memref<1x1x128xi32, #tpu.memory_space<vmem>>
      %dma_wait3A_942 = tpu.memref_squeeze %dma_wait3A_941 : memref<1x1x128xi32, #tpu.memory_space<vmem>> -> memref<128xi32, #tpu.memory_space<vmem>>
      %dma_wait3A_943 = arith.constant 0 : i32
      %dma_wait3A_944 = arith.constant 0 : i32
      %dma_wait3A_945 = tpu.memref_slice %arg7[%dma_wait3A_943, %dma_wait3A_944] : memref<2097152x8xf32, #tpu.memory_space<hbm>> -> memref<2097152x8xf32, #tpu.memory_space<hbm>>
      tpu.wait_indirect_dma semaphore(%arg19 : memref<!tpu.dma_semaphore, #tpu.memory_space<semaphore_mem>>) src(%dma_wait3A_945 : memref<2097152x8xf32, #tpu.memory_space<hbm>>) dst(%dma_wait3A_939 : memref<128x8xf32, #tpu.memory_space<vmem>>)
      %dma_wait3A_946 = arith.constant 1 : i32
      %dma_wait3A_947 = arith.constant 1 : i32
      %dma_wait3A_948 = arith.constant 0 : i32
      %dma_wait3A_949 = arith.constant 0 : i32
      %dma_wait3A_950 = tpu.memref_slice %arg13[%rem3A_933, %dma_wait3A_947, %dma_wait3A_948, %dma_wait3A_949] : memref<4x4x128x8xf32, #tpu.memory_space<vmem>> -> memref<1x1x128x8xf32, #tpu.memory_space<vmem>>
      %dma_wait3A_951 = tpu.memref_squeeze %dma_wait3A_950 : memref<1x1x128x8xf32, #tpu.memory_space<vmem>> -> memref<128x8xf32, #tpu.memory_space<vmem>>
      %dma_wait3A_952 = arith.constant 0 : i32
      %dma_wait3A_953 = tpu.memref_slice %arg12[%rem3A_933, %dma_wait3A_946, %dma_wait3A_952] : memref<4x4x128xi32, #tpu.memory_space<vmem>> -> memref<1x1x128xi32, #tpu.memory_space<vmem>>
      %dma_wait3A_954 = tpu.memref_squeeze %dma_wait3A_953 : memref<1x1x128xi32, #tpu.memory_space<vmem>> -> memref<128xi32, #tpu.memory_space<vmem>>
      %dma_wait3A_955 = arith.constant 0 : i32
      %dma_wait3A_956 = arith.constant 0 : i32
      %dma_wait3A_957 = tpu.memref_slice %arg7[%dma_wait3A_955, %dma_wait3A_956] : memref<2097152x8xf32, #tpu.memory_space<hbm>> -> memref<2097152x8xf32, #tpu.memory_space<hbm>>
      tpu.wait_indirect_dma semaphore(%arg19 : memref<!tpu.dma_semaphore, #tpu.memory_space<semaphore_mem>>) src(%dma_wait3A_957 : memref<2097152x8xf32, #tpu.memory_space<hbm>>) dst(%dma_wait3A_951 : memref<128x8xf32, #tpu.memory_space<vmem>>)
      %dma_wait3A_958 = arith.constant 2 : i32
      %dma_wait3A_959 = arith.constant 2 : i32
      %dma_wait3A_960 = arith.constant 0 : i32
      %dma_wait3A_961 = arith.constant 0 : i32
      %dma_wait3A_962 = tpu.memref_slice %arg13[%rem3A_933, %dma_wait3A_959, %dma_wait3A_960, %dma_wait3A_961] : memref<4x4x128x8xf32, #tpu.memory_space<vmem>> -> memref<1x1x128x8xf32, #tpu.memory_space<vmem>>
      %dma_wait3A_963 = tpu.memref_squeeze %dma_wait3A_962 : memref<1x1x128x8xf32, #tpu.memory_space<vmem>> -> memref<128x8xf32, #tpu.memory_space<vmem>>
      %dma_wait3A_964 = arith.constant 0 : i32
      %dma_wait3A_965 = tpu.memref_slice %arg12[%rem3A_933, %dma_wait3A_958, %dma_wait3A_964] : memref<4x4x128xi32, #tpu.memory_space<vmem>> -> memref<1x1x128xi32, #tpu.memory_space<vmem>>
      %dma_wait3A_966 = tpu.memref_squeeze %dma_wait3A_965 : memref<1x1x128xi32, #tpu.memory_space<vmem>> -> memref<128xi32, #tpu.memory_space<vmem>>
      %dma_wait3A_967 = arith.constant 0 : i32
      %dma_wait3A_968 = arith.constant 0 : i32
      %dma_wait3A_969 = tpu.memref_slice %arg7[%dma_wait3A_967, %dma_wait3A_968] : memref<2097152x8xf32, #tpu.memory_space<hbm>> -> memref<2097152x8xf32, #tpu.memory_space<hbm>>
      tpu.wait_indirect_dma semaphore(%arg19 : memref<!tpu.dma_semaphore, #tpu.memory_space<semaphore_mem>>) src(%dma_wait3A_969 : memref<2097152x8xf32, #tpu.memory_space<hbm>>) dst(%dma_wait3A_963 : memref<128x8xf32, #tpu.memory_space<vmem>>)
      %dma_wait3A_970 = arith.constant 3 : i32
      %dma_wait3A_971 = arith.constant 3 : i32
      %dma_wait3A_972 = arith.constant 0 : i32
      %dma_wait3A_973 = arith.constant 0 : i32
      %dma_wait3A_974 = tpu.memref_slice %arg13[%rem3A_933, %dma_wait3A_971, %dma_wait3A_972, %dma_wait3A_973] : memref<4x4x128x8xf32, #tpu.memory_space<vmem>> -> memref<1x1x128x8xf32, #tpu.memory_space<vmem>>
      %dma_wait3A_975 = tpu.memref_squeeze %dma_wait3A_974 : memref<1x1x128x8xf32, #tpu.memory_space<vmem>> -> memref<128x8xf32, #tpu.memory_space<vmem>>
      %dma_wait3A_976 = arith.constant 0 : i32
      %dma_wait3A_977 = tpu.memref_slice %arg12[%rem3A_933, %dma_wait3A_970, %dma_wait3A_976] : memref<4x4x128xi32, #tpu.memory_space<vmem>> -> memref<1x1x128xi32, #tpu.memory_space<vmem>>
      %dma_wait3A_978 = tpu.memref_squeeze %dma_wait3A_977 : memref<1x1x128xi32, #tpu.memory_space<vmem>> -> memref<128xi32, #tpu.memory_space<vmem>>
      %dma_wait3A_979 = arith.constant 0 : i32
      %dma_wait3A_980 = arith.constant 0 : i32
      %dma_wait3A_981 = tpu.memref_slice %arg7[%dma_wait3A_979, %dma_wait3A_980] : memref<2097152x8xf32, #tpu.memory_space<hbm>> -> memref<2097152x8xf32, #tpu.memory_space<hbm>>
      tpu.wait_indirect_dma semaphore(%arg19 : memref<!tpu.dma_semaphore, #tpu.memory_space<semaphore_mem>>) src(%dma_wait3A_981 : memref<2097152x8xf32, #tpu.memory_space<hbm>>) dst(%dma_wait3A_975 : memref<128x8xf32, #tpu.memory_space<vmem>>)
      %ge3A = arith.constant 4 : i32
      %ge3A_982 = arith.cmpi sge, %scan3A_920, %ge3A : i32
      %convert_element_type3A_983 = arith.extui %ge3A_982 : i1 to i32
      %cond3A_984 = arith.constant 0 : i32
      %cond3A_985 = arith.cmpi ne, %convert_element_type3A_983, %cond3A_984 : i32
      scf.if %cond3A_985 {
        %sub3A_1098 = arith.constant 4 : i32
        %sub3A_1099 = arith.subi %scan3A_920, %sub3A_1098 : i32
        %rem3A_1100 = arith.constant 4 : i32
        %rem3A_1101 = arith.remsi %sub3A_1099, %rem3A_1100 : i32
        %mul3A_1102 = arith.constant 128 : i32
        %mul3A_1103 = arith.muli %sub3A_1099, %mul3A_1102 : i32
        %add3A_1104 = arith.addi %mul3A_2, %mul3A_1103 : i32
        %jit3A_1105 = arith.constant 4096 : i32
        %div3A_1106 = arith.divsi %add3A_1104, %jit3A_1105 : i32
        %sign3A_1107 = arith.constant 0 : i32
        %sign3A_1108 = arith.cmpi sgt, %add3A_1104, %sign3A_1107 : i32
        %sign3A_1109 = arith.extui %sign3A_1108 : i1 to i32
        %sign3A_1110 = arith.constant 0 : i32
        %sign3A_1111 = arith.cmpi slt, %add3A_1104, %sign3A_1110 : i32
        %sign3A_1112 = arith.extui %sign3A_1111 : i1 to i32
        %sign3A_1113 = arith.subi %sign3A_1109, %sign3A_1112 : i32
        %sign3A_1114 = arith.constant 0 : i32
        %sign3A_1115 = arith.cmpi sgt, %jit3A_1105, %sign3A_1114 : i32
        %sign3A_1116 = arith.extui %sign3A_1115 : i1 to i32
        %sign3A_1117 = arith.constant 0 : i32
        %sign3A_1118 = arith.cmpi slt, %jit3A_1105, %sign3A_1117 : i32
        %sign3A_1119 = arith.extui %sign3A_1118 : i1 to i32
        %sign3A_1120 = arith.subi %sign3A_1116, %sign3A_1119 : i32
        %ne3A_1121 = arith.cmpi ne, %sign3A_1113, %sign3A_1120 : i32
        %rem3A_1122 = arith.remsi %add3A_1104, %jit3A_1105 : i32
        %ne3A_1123 = arith.constant 0 : i32
        %ne3A_1124 = arith.cmpi ne, %rem3A_1122, %ne3A_1123 : i32
        %and3A_1125 = arith.andi %ne3A_1121, %ne3A_1124 : i1
        %sub3A_1126 = arith.constant 1 : i32
        %sub3A_1127 = arith.subi %div3A_1106, %sub3A_1126 : i32
        %select_n3A_1128 = arith.select %and3A_1125, %sub3A_1127, %div3A_1106 : i32
        %mul3A_1129 = arith.constant 4096 : i32
        %mul3A_1130 = arith.muli %select_n3A_1128, %mul3A_1129 : i32
        %sub3A_1131 = arith.subi %add3A_1104, %mul3A_1130 : i32
        %mul3A_1132 = arith.constant 4 : i32
        %mul3A_1133 = arith.muli %select_n3A_1128, %mul3A_1132 : i32
        %mul3A_1134 = arith.constant 4096 : i32
        %mul3A_1135 = arith.muli %mul3A_1133, %mul3A_1134 : i32
        %add3A_1136 = arith.constant 0 : i32
        %add3A_1137 = arith.addi %mul3A_1135, %add3A_1136 : i32
        %add3A_1138 = arith.addi %add3A_1137, %sub3A_1131 : i32
        %mul3A_1139 = arith.constant 4 : i32
        %mul3A_1140 = arith.muli %select_n3A_1128, %mul3A_1139 : i32
        %mul3A_1141 = arith.constant 4096 : i32
        %mul3A_1142 = arith.muli %mul3A_1140, %mul3A_1141 : i32
        %add3A_1143 = arith.constant 4096 : i32
        %add3A_1144 = arith.addi %mul3A_1142, %add3A_1143 : i32
        %add3A_1145 = arith.addi %add3A_1144, %sub3A_1131 : i32
        %mul3A_1146 = arith.constant 4 : i32
        %mul3A_1147 = arith.muli %select_n3A_1128, %mul3A_1146 : i32
        %mul3A_1148 = arith.constant 4096 : i32
        %mul3A_1149 = arith.muli %mul3A_1147, %mul3A_1148 : i32
        %add3A_1150 = arith.constant 8192 : i32
        %add3A_1151 = arith.addi %mul3A_1149, %add3A_1150 : i32
        %add3A_1152 = arith.addi %add3A_1151, %sub3A_1131 : i32
        %mul3A_1153 = arith.constant 4 : i32
        %mul3A_1154 = arith.muli %select_n3A_1128, %mul3A_1153 : i32
        %mul3A_1155 = arith.constant 4096 : i32
        %mul3A_1156 = arith.muli %mul3A_1154, %mul3A_1155 : i32
        %add3A_1157 = arith.constant 12288 : i32
        %add3A_1158 = arith.addi %mul3A_1156, %add3A_1157 : i32
        %add3A_1159 = arith.addi %add3A_1158, %sub3A_1131 : i32
        %dma_wait3A_1160 = arith.constant 0 : i32
        %dma_wait3A_1161 = tpu.memref_slice %arg14[%rem3A_1101, %dma_wait3A_1160] : memref<4x128xf32, #tpu.memory_space<vmem>> -> memref<1x128xf32, #tpu.memory_space<vmem>>
        %dma_wait3A_1162 = tpu.memref_squeeze %dma_wait3A_1161 : memref<1x128xf32, #tpu.memory_space<vmem>> -> memref<128xf32, #tpu.memory_space<vmem>>
        %dma_wait3A_1163 = tpu.memref_slice %arg5[%add3A_1104] : memref<819200xf32, #tpu.memory_space<hbm>> -> memref<128xf32, #tpu.memory_space<hbm>>
        %dma_wait3A_1164 = tpu.memref_slice %arg5[%add3A_1104] : memref<819200xf32, #tpu.memory_space<hbm>> -> memref<128xf32, #tpu.memory_space<hbm>>
        %dma_wait3A_1165 = arith.constant 0 : i32
        %dma_wait3A_1166 = tpu.memref_slice %arg14[%rem3A_1101, %dma_wait3A_1165] : memref<4x128xf32, #tpu.memory_space<vmem>> -> memref<1x128xf32, #tpu.memory_space<vmem>>
        %dma_wait3A_1167 = tpu.memref_squeeze %dma_wait3A_1166 : memref<1x128xf32, #tpu.memory_space<vmem>> -> memref<128xf32, #tpu.memory_space<vmem>>
        tpu.wait_dma2 semaphore(%arg20 : memref<!tpu.dma_semaphore, #tpu.memory_space<semaphore_mem>>) src(%dma_wait3A_1167 : memref<128xf32, #tpu.memory_space<vmem>>) dst(%dma_wait3A_1164 : memref<128xf32, #tpu.memory_space<hbm>>)
        %dma_wait3A_1168 = arith.constant 0 : i32
        %dma_wait3A_1169 = arith.constant 0 : i32
        %dma_wait3A_1170 = tpu.memref_slice %arg15[%rem3A_1101, %dma_wait3A_1168, %dma_wait3A_1169] : memref<4x4x128xf32, #tpu.memory_space<vmem>> -> memref<1x1x128xf32, #tpu.memory_space<vmem>>
        %dma_wait3A_1171 = tpu.memref_squeeze %dma_wait3A_1170 : memref<1x1x128xf32, #tpu.memory_space<vmem>> -> memref<128xf32, #tpu.memory_space<vmem>>
        %dma_wait3A_1172 = tpu.memref_slice %arg6[%add3A_1138] : memref<3276800xf32, #tpu.memory_space<hbm>> -> memref<128xf32, #tpu.memory_space<hbm>>
        %dma_wait3A_1173 = tpu.memref_slice %arg6[%add3A_1138] : memref<3276800xf32, #tpu.memory_space<hbm>> -> memref<128xf32, #tpu.memory_space<hbm>>
        %dma_wait3A_1174 = arith.constant 0 : i32
        %dma_wait3A_1175 = tpu.memref_slice %arg15[%rem3A_1101, %dma_wait3A_1168, %dma_wait3A_1174] : memref<4x4x128xf32, #tpu.memory_space<vmem>> -> memref<1x1x128xf32, #tpu.memory_space<vmem>>
        %dma_wait3A_1176 = tpu.memref_squeeze %dma_wait3A_1175 : memref<1x1x128xf32, #tpu.memory_space<vmem>> -> memref<128xf32, #tpu.memory_space<vmem>>
        tpu.wait_dma2 semaphore(%arg20 : memref<!tpu.dma_semaphore, #tpu.memory_space<semaphore_mem>>) src(%dma_wait3A_1176 : memref<128xf32, #tpu.memory_space<vmem>>) dst(%dma_wait3A_1173 : memref<128xf32, #tpu.memory_space<hbm>>)
        %dma_wait3A_1177 = arith.constant 1 : i32
        %dma_wait3A_1178 = arith.constant 0 : i32
        %dma_wait3A_1179 = tpu.memref_slice %arg15[%rem3A_1101, %dma_wait3A_1177, %dma_wait3A_1178] : memref<4x4x128xf32, #tpu.memory_space<vmem>> -> memref<1x1x128xf32, #tpu.memory_space<vmem>>
        %dma_wait3A_1180 = tpu.memref_squeeze %dma_wait3A_1179 : memref<1x1x128xf32, #tpu.memory_space<vmem>> -> memref<128xf32, #tpu.memory_space<vmem>>
        %dma_wait3A_1181 = tpu.memref_slice %arg6[%add3A_1145] : memref<3276800xf32, #tpu.memory_space<hbm>> -> memref<128xf32, #tpu.memory_space<hbm>>
        %dma_wait3A_1182 = tpu.memref_slice %arg6[%add3A_1145] : memref<3276800xf32, #tpu.memory_space<hbm>> -> memref<128xf32, #tpu.memory_space<hbm>>
        %dma_wait3A_1183 = arith.constant 0 : i32
        %dma_wait3A_1184 = tpu.memref_slice %arg15[%rem3A_1101, %dma_wait3A_1177, %dma_wait3A_1183] : memref<4x4x128xf32, #tpu.memory_space<vmem>> -> memref<1x1x128xf32, #tpu.memory_space<vmem>>
        %dma_wait3A_1185 = tpu.memref_squeeze %dma_wait3A_1184 : memref<1x1x128xf32, #tpu.memory_space<vmem>> -> memref<128xf32, #tpu.memory_space<vmem>>
        tpu.wait_dma2 semaphore(%arg20 : memref<!tpu.dma_semaphore, #tpu.memory_space<semaphore_mem>>) src(%dma_wait3A_1185 : memref<128xf32, #tpu.memory_space<vmem>>) dst(%dma_wait3A_1182 : memref<128xf32, #tpu.memory_space<hbm>>)
        %dma_wait3A_1186 = arith.constant 2 : i32
        %dma_wait3A_1187 = arith.constant 0 : i32
        %dma_wait3A_1188 = tpu.memref_slice %arg15[%rem3A_1101, %dma_wait3A_1186, %dma_wait3A_1187] : memref<4x4x128xf32, #tpu.memory_space<vmem>> -> memref<1x1x128xf32, #tpu.memory_space<vmem>>
        %dma_wait3A_1189 = tpu.memref_squeeze %dma_wait3A_1188 : memref<1x1x128xf32, #tpu.memory_space<vmem>> -> memref<128xf32, #tpu.memory_space<vmem>>
        %dma_wait3A_1190 = tpu.memref_slice %arg6[%add3A_1152] : memref<3276800xf32, #tpu.memory_space<hbm>> -> memref<128xf32, #tpu.memory_space<hbm>>
        %dma_wait3A_1191 = tpu.memref_slice %arg6[%add3A_1152] : memref<3276800xf32, #tpu.memory_space<hbm>> -> memref<128xf32, #tpu.memory_space<hbm>>
        %dma_wait3A_1192 = arith.constant 0 : i32
        %dma_wait3A_1193 = tpu.memref_slice %arg15[%rem3A_1101, %dma_wait3A_1186, %dma_wait3A_1192] : memref<4x4x128xf32, #tpu.memory_space<vmem>> -> memref<1x1x128xf32, #tpu.memory_space<vmem>>
        %dma_wait3A_1194 = tpu.memref_squeeze %dma_wait3A_1193 : memref<1x1x128xf32, #tpu.memory_space<vmem>> -> memref<128xf32, #tpu.memory_space<vmem>>
        tpu.wait_dma2 semaphore(%arg20 : memref<!tpu.dma_semaphore, #tpu.memory_space<semaphore_mem>>) src(%dma_wait3A_1194 : memref<128xf32, #tpu.memory_space<vmem>>) dst(%dma_wait3A_1191 : memref<128xf32, #tpu.memory_space<hbm>>)
        %dma_wait3A_1195 = arith.constant 3 : i32
        %dma_wait3A_1196 = arith.constant 0 : i32
        %dma_wait3A_1197 = tpu.memref_slice %arg15[%rem3A_1101, %dma_wait3A_1195, %dma_wait3A_1196] : memref<4x4x128xf32, #tpu.memory_space<vmem>> -> memref<1x1x128xf32, #tpu.memory_space<vmem>>
        %dma_wait3A_1198 = tpu.memref_squeeze %dma_wait3A_1197 : memref<1x1x128xf32, #tpu.memory_space<vmem>> -> memref<128xf32, #tpu.memory_space<vmem>>
        %dma_wait3A_1199 = tpu.memref_slice %arg6[%add3A_1159] : memref<3276800xf32, #tpu.memory_space<hbm>> -> memref<128xf32, #tpu.memory_space<hbm>>
        %dma_wait3A_1200 = tpu.memref_slice %arg6[%add3A_1159] : memref<3276800xf32, #tpu.memory_space<hbm>> -> memref<128xf32, #tpu.memory_space<hbm>>
        %dma_wait3A_1201 = arith.constant 0 : i32
        %dma_wait3A_1202 = tpu.memref_slice %arg15[%rem3A_1101, %dma_wait3A_1195, %dma_wait3A_1201] : memref<4x4x128xf32, #tpu.memory_space<vmem>> -> memref<1x1x128xf32, #tpu.memory_space<vmem>>
        %dma_wait3A_1203 = tpu.memref_squeeze %dma_wait3A_1202 : memref<1x1x128xf32, #tpu.memory_space<vmem>> -> memref<128xf32, #tpu.memory_space<vmem>>
        tpu.wait_dma2 semaphore(%arg20 : memref<!tpu.dma_semaphore, #tpu.memory_space<semaphore_mem>>) src(%dma_wait3A_1203 : memref<128xf32, #tpu.memory_space<vmem>>) dst(%dma_wait3A_1200 : memref<128xf32, #tpu.memory_space<hbm>>)
      } else {
      }
      %rem3A_986 = arith.constant 4 : i32
      %rem3A_987 = arith.remsi %scan3A_920, %rem3A_986 : i32
      %scan3A_988 = arith.constant 0 : i32
      %scan3A_989 = arith.constant 0 : i32
      %scan3A_990 = arith.constant 8 : i32
      %scan3A_991 = arith.addi %scan3A_989, %scan3A_990 : i32
      %scan3A_992 = arith.constant 1 : i32
      scf.for %scan3A_1098 = %scan3A_989 to %scan3A_991 step %scan3A_992  : i32 {
        %mul3A_1099 = arith.constant 16 : i32
        %mul3A_1100 = arith.muli %scan3A_1098, %mul3A_1099 : i32
        %get3A = arith.constant 0 : i32
        %get3A_1101 = arith.index_cast %rem3A_987 : i32 to index
        %get3A_1102 = arith.index_cast %get3A : i32 to index
        %get3A_1103 = arith.index_cast %mul3A_1100 : i32 to index
        %get3A_1104 = tpu.vector_load %arg11[%get3A_1101, %get3A_1102, %get3A_1103] {strides = array<i32>} : memref<4x3x128xf32, #tpu.memory_space<vmem>>, vector<16xf32>,
        %get3A_1105 = arith.constant 1 : i32
        %get3A_1106 = arith.index_cast %rem3A_987 : i32 to index
        %get3A_1107 = arith.index_cast %get3A_1105 : i32 to index
        %get3A_1108 = arith.index_cast %mul3A_1100 : i32 to index
        %get3A_1109 = tpu.vector_load %arg11[%get3A_1106, %get3A_1107, %get3A_1108] {strides = array<i32>} : memref<4x3x128xf32, #tpu.memory_space<vmem>>, vector<16xf32>,
        %get3A_1110 = arith.constant 2 : i32
        %get3A_1111 = arith.index_cast %rem3A_987 : i32 to index
        %get3A_1112 = arith.index_cast %get3A_1110 : i32 to index
        %get3A_1113 = arith.index_cast %mul3A_1100 : i32 to index
        %get3A_1114 = tpu.vector_load %arg11[%get3A_1111, %get3A_1112, %get3A_1113] {strides = array<i32>} : memref<4x3x128xf32, #tpu.memory_space<vmem>>, vector<16xf32>,
        %sub3A_1115 = arith.constant 1.000000e+00 : f32
        %sub3A_1116 = vector.broadcast %sub3A_1115 : f32 to vector<16xf32>
        %sub3A_1117 = arith.subf %sub3A_1116, %get3A_1104 : vector<16xf32>
        %sub3A_1118 = arith.constant 1.000000e+00 : f32
        %sub3A_1119 = vector.broadcast %sub3A_1118 : f32 to vector<16xf32>
        %sub3A_1120 = arith.subf %sub3A_1119, %get3A_1114 : vector<16xf32>
        %sub3A_1121 = arith.constant 1.000000e+00 : f32
        %sub3A_1122 = vector.broadcast %sub3A_1121 : f32 to vector<16xf32>
        %sub3A_1123 = arith.subf %sub3A_1122, %get3A_1109 : vector<16xf32>
        %mul3A_1124 = arith.mulf %sub3A_1120, %sub3A_1123 : vector<16xf32>
        %sub3A_1125 = arith.constant 1.000000e+00 : f32
        %sub3A_1126 = vector.broadcast %sub3A_1125 : f32 to vector<16xf32>
        %sub3A_1127 = arith.subf %sub3A_1126, %get3A_1114 : vector<16xf32>
        %mul3A_1128 = arith.mulf %sub3A_1127, %get3A_1109 : vector<16xf32>
        %sub3A_1129 = arith.constant 1.000000e+00 : f32
        %sub3A_1130 = vector.broadcast %sub3A_1129 : f32 to vector<16xf32>
        %sub3A_1131 = arith.subf %sub3A_1130, %get3A_1109 : vector<16xf32>
        %mul3A_1132 = arith.mulf %get3A_1114, %sub3A_1131 : vector<16xf32>
        %mul3A_1133 = arith.mulf %get3A_1114, %get3A_1109 : vector<16xf32>
        %add3A_1134 = vector.broadcast %mul3A_1100 : i32 to vector<16xi32>
        %add3A_1135 = arith.addi %add3A_1134, %iota3A : vector<16xi32>
        %broadcast_in_dim3A = vector.broadcast %rem3A_987 : i32 to vector<16xi32>
        %broadcast_in_dim3A_1136 = arith.constant 0 : i32
        %broadcast_in_dim3A_1137 = vector.broadcast %broadcast_in_dim3A_1136 : i32 to vector<16xi32>
        %mul3A_1138 = arith.mulf %mul3A_1124, %sub3A_1117 : vector<16xf32>
        %mul3A_1139 = arith.mulf %mul3A_1124, %get3A_1104 : vector<16xf32>
        %broadcast_in_dim3A_1140 = arith.constant 0 : i32
        %broadcast_in_dim3A_1141 = vector.broadcast %broadcast_in_dim3A_1140 : i32 to vector<16xi32>
        %gather3A = tpu.vector_load_idx %arg13[%broadcast_in_dim3A, %broadcast_in_dim3A_1137, %add3A_1135, %broadcast_in_dim3A_1141] : memref<4x4x128x8xf32, #tpu.memory_space<vmem>>[vector<16xi32>, vector<16xi32>, vector<16xi32>, vector<16xi32>], vector<16xf32>,
        %bitcast3A = vector.bitcast %gather3A : vector<16xf32> to vector<32xbf16>
        %unpack3A = tpu.unpack_subelements %bitcast3A, 0 {pack_format = #tpu.pack_format<interleaved>} : vector<32xbf16> -> vector<16xf32>
        %unpack3A_1142 = tpu.unpack_subelements %bitcast3A, 1 {pack_format = #tpu.pack_format<interleaved>} : vector<32xbf16> -> vector<16xf32>
        %broadcast_in_dim3A_1143 = arith.constant 1 : i32
        %broadcast_in_dim3A_1144 = vector.broadcast %broadcast_in_dim3A_1143 : i32 to vector<16xi32>
        %gather3A_1145 = tpu.vector_load_idx %arg13[%broadcast_in_dim3A, %broadcast_in_dim3A_1137, %add3A_1135, %broadcast_in_dim3A_1144] : memref<4x4x128x8xf32, #tpu.memory_space<vmem>>[vector<16xi32>, vector<16xi32>, vector<16xi32>, vector<16xi32>], vector<16xf32>,
        %bitcast3A_1146 = vector.bitcast %gather3A_1145 : vector<16xf32> to vector<32xbf16>
        %unpack3A_1147 = tpu.unpack_subelements %bitcast3A_1146, 0 {pack_format = #tpu.pack_format<interleaved>} : vector<32xbf16> -> vector<16xf32>
        %unpack3A_1148 = tpu.unpack_subelements %bitcast3A_1146, 1 {pack_format = #tpu.pack_format<interleaved>} : vector<32xbf16> -> vector<16xf32>
        %broadcast_in_dim3A_1149 = arith.constant 2 : i32
        %broadcast_in_dim3A_1150 = vector.broadcast %broadcast_in_dim3A_1149 : i32 to vector<16xi32>
        %gather3A_1151 = tpu.vector_load_idx %arg13[%broadcast_in_dim3A, %broadcast_in_dim3A_1137, %add3A_1135, %broadcast_in_dim3A_1150] : memref<4x4x128x8xf32, #tpu.memory_space<vmem>>[vector<16xi32>, vector<16xi32>, vector<16xi32>, vector<16xi32>], vector<16xf32>,
        %bitcast3A_1152 = vector.bitcast %gather3A_1151 : vector<16xf32> to vector<32xbf16>
        %unpack3A_1153 = tpu.unpack_subelements %bitcast3A_1152, 0 {pack_format = #tpu.pack_format<interleaved>} : vector<32xbf16> -> vector<16xf32>
        %unpack3A_1154 = tpu.unpack_subelements %bitcast3A_1152, 1 {pack_format = #tpu.pack_format<interleaved>} : vector<32xbf16> -> vector<16xf32>
        %mul3A_1155 = arith.mulf %mul3A_1138, %unpack3A : vector<16xf32>
        %mul3A_1156 = arith.mulf %mul3A_1138, %unpack3A_1142 : vector<16xf32>
        %mul3A_1157 = arith.mulf %mul3A_1138, %unpack3A_1147 : vector<16xf32>
        %mul3A_1158 = arith.mulf %mul3A_1138, %unpack3A_1148 : vector<16xf32>
        %mul3A_1159 = arith.mulf %mul3A_1138, %unpack3A_1153 : vector<16xf32>
        %broadcast_in_dim3A_1160 = arith.constant 4 : i32
        %broadcast_in_dim3A_1161 = vector.broadcast %broadcast_in_dim3A_1160 : i32 to vector<16xi32>
        %gather3A_1162 = tpu.vector_load_idx %arg13[%broadcast_in_dim3A, %broadcast_in_dim3A_1137, %add3A_1135, %broadcast_in_dim3A_1161] : memref<4x4x128x8xf32, #tpu.memory_space<vmem>>[vector<16xi32>, vector<16xi32>, vector<16xi32>, vector<16xi32>], vector<16xf32>,
        %bitcast3A_1163 = vector.bitcast %gather3A_1162 : vector<16xf32> to vector<32xbf16>
        %unpack3A_1164 = tpu.unpack_subelements %bitcast3A_1163, 0 {pack_format = #tpu.pack_format<interleaved>} : vector<32xbf16> -> vector<16xf32>
        %unpack3A_1165 = tpu.unpack_subelements %bitcast3A_1163, 1 {pack_format = #tpu.pack_format<interleaved>} : vector<32xbf16> -> vector<16xf32>
        %broadcast_in_dim3A_1166 = arith.constant 5 : i32
        %broadcast_in_dim3A_1167 = vector.broadcast %broadcast_in_dim3A_1166 : i32 to vector<16xi32>
        %gather3A_1168 = tpu.vector_load_idx %arg13[%broadcast_in_dim3A, %broadcast_in_dim3A_1137, %add3A_1135, %broadcast_in_dim3A_1167] : memref<4x4x128x8xf32, #tpu.memory_space<vmem>>[vector<16xi32>, vector<16xi32>, vector<16xi32>, vector<16xi32>], vector<16xf32>,
        %bitcast3A_1169 = vector.bitcast %gather3A_1168 : vector<16xf32> to vector<32xbf16>
        %unpack3A_1170 = tpu.unpack_subelements %bitcast3A_1169, 0 {pack_format = #tpu.pack_format<interleaved>} : vector<32xbf16> -> vector<16xf32>
        %unpack3A_1171 = tpu.unpack_subelements %bitcast3A_1169, 1 {pack_format = #tpu.pack_format<interleaved>} : vector<32xbf16> -> vector<16xf32>
        %broadcast_in_dim3A_1172 = arith.constant 6 : i32
        %broadcast_in_dim3A_1173 = vector.broadcast %broadcast_in_dim3A_1172 : i32 to vector<16xi32>
        %gather3A_1174 = tpu.vector_load_idx %arg13[%broadcast_in_dim3A, %broadcast_in_dim3A_1137, %add3A_1135, %broadcast_in_dim3A_1173] : memref<4x4x128x8xf32, #tpu.memory_space<vmem>>[vector<16xi32>, vector<16xi32>, vector<16xi32>, vector<16xi32>], vector<16xf32>,
        %bitcast3A_1175 = vector.bitcast %gather3A_1174 : vector<16xf32> to vector<32xbf16>
        %unpack3A_1176 = tpu.unpack_subelements %bitcast3A_1175, 0 {pack_format = #tpu.pack_format<interleaved>} : vector<32xbf16> -> vector<16xf32>
        %unpack3A_1177 = tpu.unpack_subelements %bitcast3A_1175, 1 {pack_format = #tpu.pack_format<interleaved>} : vector<32xbf16> -> vector<16xf32>
        %mul3A_1178 = arith.mulf %mul3A_1139, %unpack3A_1164 : vector<16xf32>
        %add3A_1179 = arith.addf %mul3A_1155, %mul3A_1178 : vector<16xf32>
        %mul3A_1180 = arith.mulf %mul3A_1139, %unpack3A_1165 : vector<16xf32>
        %add3A_1181 = arith.addf %mul3A_1156, %mul3A_1180 : vector<16xf32>
        %mul3A_1182 = arith.mulf %mul3A_1139, %unpack3A_1170 : vector<16xf32>
        %add3A_1183 = arith.addf %mul3A_1157, %mul3A_1182 : vector<16xf32>
        %mul3A_1184 = arith.mulf %mul3A_1139, %unpack3A_1171 : vector<16xf32>
        %add3A_1185 = arith.addf %mul3A_1158, %mul3A_1184 : vector<16xf32>
        %mul3A_1186 = arith.mulf %mul3A_1139, %unpack3A_1176 : vector<16xf32>
        %add3A_1187 = arith.addf %mul3A_1159, %mul3A_1186 : vector<16xf32>
        %broadcast_in_dim3A_1188 = arith.constant 1 : i32
        %broadcast_in_dim3A_1189 = vector.broadcast %broadcast_in_dim3A_1188 : i32 to vector<16xi32>
        %mul3A_1190 = arith.mulf %mul3A_1128, %sub3A_1117 : vector<16xf32>
        %mul3A_1191 = arith.mulf %mul3A_1128, %get3A_1104 : vector<16xf32>
        %broadcast_in_dim3A_1192 = arith.constant 0 : i32
        %broadcast_in_dim3A_1193 = vector.broadcast %broadcast_in_dim3A_1192 : i32 to vector<16xi32>
        %gather3A_1194 = tpu.vector_load_idx %arg13[%broadcast_in_dim3A, %broadcast_in_dim3A_1189, %add3A_1135, %broadcast_in_dim3A_1193] : memref<4x4x128x8xf32, #tpu.memory_space<vmem>>[vector<16xi32>, vector<16xi32>, vector<16xi32>, vector<16xi32>], vector<16xf32>,
        %bitcast3A_1195 = vector.bitcast %gather3A_1194 : vector<16xf32> to vector<32xbf16>
        %unpack3A_1196 = tpu.unpack_subelements %bitcast3A_1195, 0 {pack_format = #tpu.pack_format<interleaved>} : vector<32xbf16> -> vector<16xf32>
        %unpack3A_1197 = tpu.unpack_subelements %bitcast3A_1195, 1 {pack_format = #tpu.pack_format<interleaved>} : vector<32xbf16> -> vector<16xf32>
        %broadcast_in_dim3A_1198 = arith.constant 1 : i32
        %broadcast_in_dim3A_1199 = vector.broadcast %broadcast_in_dim3A_1198 : i32 to vector<16xi32>
        %gather3A_1200 = tpu.vector_load_idx %arg13[%broadcast_in_dim3A, %broadcast_in_dim3A_1189, %add3A_1135, %broadcast_in_dim3A_1199] : memref<4x4x128x8xf32, #tpu.memory_space<vmem>>[vector<16xi32>, vector<16xi32>, vector<16xi32>, vector<16xi32>], vector<16xf32>,
        %bitcast3A_1201 = vector.bitcast %gather3A_1200 : vector<16xf32> to vector<32xbf16>
        %unpack3A_1202 = tpu.unpack_subelements %bitcast3A_1201, 0 {pack_format = #tpu.pack_format<interleaved>} : vector<32xbf16> -> vector<16xf32>
        %unpack3A_1203 = tpu.unpack_subelements %bitcast3A_1201, 1 {pack_format = #tpu.pack_format<interleaved>} : vector<32xbf16> -> vector<16xf32>
        %broadcast_in_dim3A_1204 = arith.constant 2 : i32
        %broadcast_in_dim3A_1205 = vector.broadcast %broadcast_in_dim3A_1204 : i32 to vector<16xi32>
        %gather3A_1206 = tpu.vector_load_idx %arg13[%broadcast_in_dim3A, %broadcast_in_dim3A_1189, %add3A_1135, %broadcast_in_dim3A_1205] : memref<4x4x128x8xf32, #tpu.memory_space<vmem>>[vector<16xi32>, vector<16xi32>, vector<16xi32>, vector<16xi32>], vector<16xf32>,
        %bitcast3A_1207 = vector.bitcast %gather3A_1206 : vector<16xf32> to vector<32xbf16>
        %unpack3A_1208 = tpu.unpack_subelements %bitcast3A_1207, 0 {pack_format = #tpu.pack_format<interleaved>} : vector<32xbf16> -> vector<16xf32>
        %unpack3A_1209 = tpu.unpack_subelements %bitcast3A_1207, 1 {pack_format = #tpu.pack_format<interleaved>} : vector<32xbf16> -> vector<16xf32>
        %mul3A_1210 = arith.mulf %mul3A_1190, %unpack3A_1196 : vector<16xf32>
        %add3A_1211 = arith.addf %add3A_1179, %mul3A_1210 : vector<16xf32>
        %mul3A_1212 = arith.mulf %mul3A_1190, %unpack3A_1197 : vector<16xf32>
        %add3A_1213 = arith.addf %add3A_1181, %mul3A_1212 : vector<16xf32>
        %mul3A_1214 = arith.mulf %mul3A_1190, %unpack3A_1202 : vector<16xf32>
        %add3A_1215 = arith.addf %add3A_1183, %mul3A_1214 : vector<16xf32>
        %mul3A_1216 = arith.mulf %mul3A_1190, %unpack3A_1203 : vector<16xf32>
        %add3A_1217 = arith.addf %add3A_1185, %mul3A_1216 : vector<16xf32>
        %mul3A_1218 = arith.mulf %mul3A_1190, %unpack3A_1208 : vector<16xf32>
        %add3A_1219 = arith.addf %add3A_1187, %mul3A_1218 : vector<16xf32>
        %broadcast_in_dim3A_1220 = arith.constant 4 : i32
        %broadcast_in_dim3A_1221 = vector.broadcast %broadcast_in_dim3A_1220 : i32 to vector<16xi32>
        %gather3A_1222 = tpu.vector_load_idx %arg13[%broadcast_in_dim3A, %broadcast_in_dim3A_1189, %add3A_1135, %broadcast_in_dim3A_1221] : memref<4x4x128x8xf32, #tpu.memory_space<vmem>>[vector<16xi32>, vector<16xi32>, vector<16xi32>, vector<16xi32>], vector<16xf32>,
        %bitcast3A_1223 = vector.bitcast %gather3A_1222 : vector<16xf32> to vector<32xbf16>
        %unpack3A_1224 = tpu.unpack_subelements %bitcast3A_1223, 0 {pack_format = #tpu.pack_format<interleaved>} : vector<32xbf16> -> vector<16xf32>
        %unpack3A_1225 = tpu.unpack_subelements %bitcast3A_1223, 1 {pack_format = #tpu.pack_format<interleaved>} : vector<32xbf16> -> vector<16xf32>
        %broadcast_in_dim3A_1226 = arith.constant 5 : i32
        %broadcast_in_dim3A_1227 = vector.broadcast %broadcast_in_dim3A_1226 : i32 to vector<16xi32>
        %gather3A_1228 = tpu.vector_load_idx %arg13[%broadcast_in_dim3A, %broadcast_in_dim3A_1189, %add3A_1135, %broadcast_in_dim3A_1227] : memref<4x4x128x8xf32, #tpu.memory_space<vmem>>[vector<16xi32>, vector<16xi32>, vector<16xi32>, vector<16xi32>], vector<16xf32>,
        %bitcast3A_1229 = vector.bitcast %gather3A_1228 : vector<16xf32> to vector<32xbf16>
        %unpack3A_1230 = tpu.unpack_subelements %bitcast3A_1229, 0 {pack_format = #tpu.pack_format<interleaved>} : vector<32xbf16> -> vector<16xf32>
        %unpack3A_1231 = tpu.unpack_subelements %bitcast3A_1229, 1 {pack_format = #tpu.pack_format<interleaved>} : vector<32xbf16> -> vector<16xf32>
        %broadcast_in_dim3A_1232 = arith.constant 6 : i32
        %broadcast_in_dim3A_1233 = vector.broadcast %broadcast_in_dim3A_1232 : i32 to vector<16xi32>
        %gather3A_1234 = tpu.vector_load_idx %arg13[%broadcast_in_dim3A, %broadcast_in_dim3A_1189, %add3A_1135, %broadcast_in_dim3A_1233] : memref<4x4x128x8xf32, #tpu.memory_space<vmem>>[vector<16xi32>, vector<16xi32>, vector<16xi32>, vector<16xi32>], vector<16xf32>,
        %bitcast3A_1235 = vector.bitcast %gather3A_1234 : vector<16xf32> to vector<32xbf16>
        %unpack3A_1236 = tpu.unpack_subelements %bitcast3A_1235, 0 {pack_format = #tpu.pack_format<interleaved>} : vector<32xbf16> -> vector<16xf32>
        %unpack3A_1237 = tpu.unpack_subelements %bitcast3A_1235, 1 {pack_format = #tpu.pack_format<interleaved>} : vector<32xbf16> -> vector<16xf32>
        %mul3A_1238 = arith.mulf %mul3A_1191, %unpack3A_1224 : vector<16xf32>
        %add3A_1239 = arith.addf %add3A_1211, %mul3A_1238 : vector<16xf32>
        %mul3A_1240 = arith.mulf %mul3A_1191, %unpack3A_1225 : vector<16xf32>
        %add3A_1241 = arith.addf %add3A_1213, %mul3A_1240 : vector<16xf32>
        %mul3A_1242 = arith.mulf %mul3A_1191, %unpack3A_1230 : vector<16xf32>
        %add3A_1243 = arith.addf %add3A_1215, %mul3A_1242 : vector<16xf32>
        %mul3A_1244 = arith.mulf %mul3A_1191, %unpack3A_1231 : vector<16xf32>
        %add3A_1245 = arith.addf %add3A_1217, %mul3A_1244 : vector<16xf32>
        %mul3A_1246 = arith.mulf %mul3A_1191, %unpack3A_1236 : vector<16xf32>
        %add3A_1247 = arith.addf %add3A_1219, %mul3A_1246 : vector<16xf32>
        %broadcast_in_dim3A_1248 = arith.constant 2 : i32
        %broadcast_in_dim3A_1249 = vector.broadcast %broadcast_in_dim3A_1248 : i32 to vector<16xi32>
        %mul3A_1250 = arith.mulf %mul3A_1132, %sub3A_1117 : vector<16xf32>
        %mul3A_1251 = arith.mulf %mul3A_1132, %get3A_1104 : vector<16xf32>
        %broadcast_in_dim3A_1252 = arith.constant 0 : i32
        %broadcast_in_dim3A_1253 = vector.broadcast %broadcast_in_dim3A_1252 : i32 to vector<16xi32>
        %gather3A_1254 = tpu.vector_load_idx %arg13[%broadcast_in_dim3A, %broadcast_in_dim3A_1249, %add3A_1135, %broadcast_in_dim3A_1253] : memref<4x4x128x8xf32, #tpu.memory_space<vmem>>[vector<16xi32>, vector<16xi32>, vector<16xi32>, vector<16xi32>], vector<16xf32>,
        %bitcast3A_1255 = vector.bitcast %gather3A_1254 : vector<16xf32> to vector<32xbf16>
        %unpack3A_1256 = tpu.unpack_subelements %bitcast3A_1255, 0 {pack_format = #tpu.pack_format<interleaved>} : vector<32xbf16> -> vector<16xf32>
        %unpack3A_1257 = tpu.unpack_subelements %bitcast3A_1255, 1 {pack_format = #tpu.pack_format<interleaved>} : vector<32xbf16> -> vector<16xf32>
        %broadcast_in_dim3A_1258 = arith.constant 1 : i32
        %broadcast_in_dim3A_1259 = vector.broadcast %broadcast_in_dim3A_1258 : i32 to vector<16xi32>
        %gather3A_1260 = tpu.vector_load_idx %arg13[%broadcast_in_dim3A, %broadcast_in_dim3A_1249, %add3A_1135, %broadcast_in_dim3A_1259] : memref<4x4x128x8xf32, #tpu.memory_space<vmem>>[vector<16xi32>, vector<16xi32>, vector<16xi32>, vector<16xi32>], vector<16xf32>,
        %bitcast3A_1261 = vector.bitcast %gather3A_1260 : vector<16xf32> to vector<32xbf16>
        %unpack3A_1262 = tpu.unpack_subelements %bitcast3A_1261, 0 {pack_format = #tpu.pack_format<interleaved>} : vector<32xbf16> -> vector<16xf32>
        %unpack3A_1263 = tpu.unpack_subelements %bitcast3A_1261, 1 {pack_format = #tpu.pack_format<interleaved>} : vector<32xbf16> -> vector<16xf32>
        %broadcast_in_dim3A_1264 = arith.constant 2 : i32
        %broadcast_in_dim3A_1265 = vector.broadcast %broadcast_in_dim3A_1264 : i32 to vector<16xi32>
        %gather3A_1266 = tpu.vector_load_idx %arg13[%broadcast_in_dim3A, %broadcast_in_dim3A_1249, %add3A_1135, %broadcast_in_dim3A_1265] : memref<4x4x128x8xf32, #tpu.memory_space<vmem>>[vector<16xi32>, vector<16xi32>, vector<16xi32>, vector<16xi32>], vector<16xf32>,
        %bitcast3A_1267 = vector.bitcast %gather3A_1266 : vector<16xf32> to vector<32xbf16>
        %unpack3A_1268 = tpu.unpack_subelements %bitcast3A_1267, 0 {pack_format = #tpu.pack_format<interleaved>} : vector<32xbf16> -> vector<16xf32>
        %unpack3A_1269 = tpu.unpack_subelements %bitcast3A_1267, 1 {pack_format = #tpu.pack_format<interleaved>} : vector<32xbf16> -> vector<16xf32>
        %mul3A_1270 = arith.mulf %mul3A_1250, %unpack3A_1256 : vector<16xf32>
        %add3A_1271 = arith.addf %add3A_1239, %mul3A_1270 : vector<16xf32>
        %mul3A_1272 = arith.mulf %mul3A_1250, %unpack3A_1257 : vector<16xf32>
        %add3A_1273 = arith.addf %add3A_1241, %mul3A_1272 : vector<16xf32>
        %mul3A_1274 = arith.mulf %mul3A_1250, %unpack3A_1262 : vector<16xf32>
        %add3A_1275 = arith.addf %add3A_1243, %mul3A_1274 : vector<16xf32>
        %mul3A_1276 = arith.mulf %mul3A_1250, %unpack3A_1263 : vector<16xf32>
        %add3A_1277 = arith.addf %add3A_1245, %mul3A_1276 : vector<16xf32>
        %mul3A_1278 = arith.mulf %mul3A_1250, %unpack3A_1268 : vector<16xf32>
        %add3A_1279 = arith.addf %add3A_1247, %mul3A_1278 : vector<16xf32>
        %broadcast_in_dim3A_1280 = arith.constant 4 : i32
        %broadcast_in_dim3A_1281 = vector.broadcast %broadcast_in_dim3A_1280 : i32 to vector<16xi32>
        %gather3A_1282 = tpu.vector_load_idx %arg13[%broadcast_in_dim3A, %broadcast_in_dim3A_1249, %add3A_1135, %broadcast_in_dim3A_1281] : memref<4x4x128x8xf32, #tpu.memory_space<vmem>>[vector<16xi32>, vector<16xi32>, vector<16xi32>, vector<16xi32>], vector<16xf32>,
        %bitcast3A_1283 = vector.bitcast %gather3A_1282 : vector<16xf32> to vector<32xbf16>
        %unpack3A_1284 = tpu.unpack_subelements %bitcast3A_1283, 0 {pack_format = #tpu.pack_format<interleaved>} : vector<32xbf16> -> vector<16xf32>
        %unpack3A_1285 = tpu.unpack_subelements %bitcast3A_1283, 1 {pack_format = #tpu.pack_format<interleaved>} : vector<32xbf16> -> vector<16xf32>
        %broadcast_in_dim3A_1286 = arith.constant 5 : i32
        %broadcast_in_dim3A_1287 = vector.broadcast %broadcast_in_dim3A_1286 : i32 to vector<16xi32>
        %gather3A_1288 = tpu.vector_load_idx %arg13[%broadcast_in_dim3A, %broadcast_in_dim3A_1249, %add3A_1135, %broadcast_in_dim3A_1287] : memref<4x4x128x8xf32, #tpu.memory_space<vmem>>[vector<16xi32>, vector<16xi32>, vector<16xi32>, vector<16xi32>], vector<16xf32>,
        %bitcast3A_1289 = vector.bitcast %gather3A_1288 : vector<16xf32> to vector<32xbf16>
        %unpack3A_1290 = tpu.unpack_subelements %bitcast3A_1289, 0 {pack_format = #tpu.pack_format<interleaved>} : vector<32xbf16> -> vector<16xf32>
        %unpack3A_1291 = tpu.unpack_subelements %bitcast3A_1289, 1 {pack_format = #tpu.pack_format<interleaved>} : vector<32xbf16> -> vector<16xf32>
        %broadcast_in_dim3A_1292 = arith.constant 6 : i32
        %broadcast_in_dim3A_1293 = vector.broadcast %broadcast_in_dim3A_1292 : i32 to vector<16xi32>
        %gather3A_1294 = tpu.vector_load_idx %arg13[%broadcast_in_dim3A, %broadcast_in_dim3A_1249, %add3A_1135, %broadcast_in_dim3A_1293] : memref<4x4x128x8xf32, #tpu.memory_space<vmem>>[vector<16xi32>, vector<16xi32>, vector<16xi32>, vector<16xi32>], vector<16xf32>,
        %bitcast3A_1295 = vector.bitcast %gather3A_1294 : vector<16xf32> to vector<32xbf16>
        %unpack3A_1296 = tpu.unpack_subelements %bitcast3A_1295, 0 {pack_format = #tpu.pack_format<interleaved>} : vector<32xbf16> -> vector<16xf32>
        %unpack3A_1297 = tpu.unpack_subelements %bitcast3A_1295, 1 {pack_format = #tpu.pack_format<interleaved>} : vector<32xbf16> -> vector<16xf32>
        %mul3A_1298 = arith.mulf %mul3A_1251, %unpack3A_1284 : vector<16xf32>
        %add3A_1299 = arith.addf %add3A_1271, %mul3A_1298 : vector<16xf32>
        %mul3A_1300 = arith.mulf %mul3A_1251, %unpack3A_1285 : vector<16xf32>
        %add3A_1301 = arith.addf %add3A_1273, %mul3A_1300 : vector<16xf32>
        %mul3A_1302 = arith.mulf %mul3A_1251, %unpack3A_1290 : vector<16xf32>
        %add3A_1303 = arith.addf %add3A_1275, %mul3A_1302 : vector<16xf32>
        %mul3A_1304 = arith.mulf %mul3A_1251, %unpack3A_1291 : vector<16xf32>
        %add3A_1305 = arith.addf %add3A_1277, %mul3A_1304 : vector<16xf32>
        %mul3A_1306 = arith.mulf %mul3A_1251, %unpack3A_1296 : vector<16xf32>
        %add3A_1307 = arith.addf %add3A_1279, %mul3A_1306 : vector<16xf32>
        %broadcast_in_dim3A_1308 = arith.constant 3 : i32
        %broadcast_in_dim3A_1309 = vector.broadcast %broadcast_in_dim3A_1308 : i32 to vector<16xi32>
        %mul3A_1310 = arith.mulf %mul3A_1133, %sub3A_1117 : vector<16xf32>
        %mul3A_1311 = arith.mulf %mul3A_1133, %get3A_1104 : vector<16xf32>
        %broadcast_in_dim3A_1312 = arith.constant 0 : i32
        %broadcast_in_dim3A_1313 = vector.broadcast %broadcast_in_dim3A_1312 : i32 to vector<16xi32>
        %gather3A_1314 = tpu.vector_load_idx %arg13[%broadcast_in_dim3A, %broadcast_in_dim3A_1309, %add3A_1135, %broadcast_in_dim3A_1313] : memref<4x4x128x8xf32, #tpu.memory_space<vmem>>[vector<16xi32>, vector<16xi32>, vector<16xi32>, vector<16xi32>], vector<16xf32>,
        %bitcast3A_1315 = vector.bitcast %gather3A_1314 : vector<16xf32> to vector<32xbf16>
        %unpack3A_1316 = tpu.unpack_subelements %bitcast3A_1315, 0 {pack_format = #tpu.pack_format<interleaved>} : vector<32xbf16> -> vector<16xf32>
        %unpack3A_1317 = tpu.unpack_subelements %bitcast3A_1315, 1 {pack_format = #tpu.pack_format<interleaved>} : vector<32xbf16> -> vector<16xf32>
        %broadcast_in_dim3A_1318 = arith.constant 1 : i32
        %broadcast_in_dim3A_1319 = vector.broadcast %broadcast_in_dim3A_1318 : i32 to vector<16xi32>
        %gather3A_1320 = tpu.vector_load_idx %arg13[%broadcast_in_dim3A, %broadcast_in_dim3A_1309, %add3A_1135, %broadcast_in_dim3A_1319] : memref<4x4x128x8xf32, #tpu.memory_space<vmem>>[vector<16xi32>, vector<16xi32>, vector<16xi32>, vector<16xi32>], vector<16xf32>,
        %bitcast3A_1321 = vector.bitcast %gather3A_1320 : vector<16xf32> to vector<32xbf16>
        %unpack3A_1322 = tpu.unpack_subelements %bitcast3A_1321, 0 {pack_format = #tpu.pack_format<interleaved>} : vector<32xbf16> -> vector<16xf32>
        %unpack3A_1323 = tpu.unpack_subelements %bitcast3A_1321, 1 {pack_format = #tpu.pack_format<interleaved>} : vector<32xbf16> -> vector<16xf32>
        %broadcast_in_dim3A_1324 = arith.constant 2 : i32
        %broadcast_in_dim3A_1325 = vector.broadcast %broadcast_in_dim3A_1324 : i32 to vector<16xi32>
        %gather3A_1326 = tpu.vector_load_idx %arg13[%broadcast_in_dim3A, %broadcast_in_dim3A_1309, %add3A_1135, %broadcast_in_dim3A_1325] : memref<4x4x128x8xf32, #tpu.memory_space<vmem>>[vector<16xi32>, vector<16xi32>, vector<16xi32>, vector<16xi32>], vector<16xf32>,
        %bitcast3A_1327 = vector.bitcast %gather3A_1326 : vector<16xf32> to vector<32xbf16>
        %unpack3A_1328 = tpu.unpack_subelements %bitcast3A_1327, 0 {pack_format = #tpu.pack_format<interleaved>} : vector<32xbf16> -> vector<16xf32>
        %unpack3A_1329 = tpu.unpack_subelements %bitcast3A_1327, 1 {pack_format = #tpu.pack_format<interleaved>} : vector<32xbf16> -> vector<16xf32>
        %mul3A_1330 = arith.mulf %mul3A_1310, %unpack3A_1316 : vector<16xf32>
        %add3A_1331 = arith.addf %add3A_1299, %mul3A_1330 : vector<16xf32>
        %mul3A_1332 = arith.mulf %mul3A_1310, %unpack3A_1317 : vector<16xf32>
        %add3A_1333 = arith.addf %add3A_1301, %mul3A_1332 : vector<16xf32>
        %mul3A_1334 = arith.mulf %mul3A_1310, %unpack3A_1322 : vector<16xf32>
        %add3A_1335 = arith.addf %add3A_1303, %mul3A_1334 : vector<16xf32>
        %mul3A_1336 = arith.mulf %mul3A_1310, %unpack3A_1323 : vector<16xf32>
        %add3A_1337 = arith.addf %add3A_1305, %mul3A_1336 : vector<16xf32>
        %mul3A_1338 = arith.mulf %mul3A_1310, %unpack3A_1328 : vector<16xf32>
        %add3A_1339 = arith.addf %add3A_1307, %mul3A_1338 : vector<16xf32>
        %broadcast_in_dim3A_1340 = arith.constant 4 : i32
        %broadcast_in_dim3A_1341 = vector.broadcast %broadcast_in_dim3A_1340 : i32 to vector<16xi32>
        %gather3A_1342 = tpu.vector_load_idx %arg13[%broadcast_in_dim3A, %broadcast_in_dim3A_1309, %add3A_1135, %broadcast_in_dim3A_1341] : memref<4x4x128x8xf32, #tpu.memory_space<vmem>>[vector<16xi32>, vector<16xi32>, vector<16xi32>, vector<16xi32>], vector<16xf32>,
        %bitcast3A_1343 = vector.bitcast %gather3A_1342 : vector<16xf32> to vector<32xbf16>
        %unpack3A_1344 = tpu.unpack_subelements %bitcast3A_1343, 0 {pack_format = #tpu.pack_format<interleaved>} : vector<32xbf16> -> vector<16xf32>
        %unpack3A_1345 = tpu.unpack_subelements %bitcast3A_1343, 1 {pack_format = #tpu.pack_format<interleaved>} : vector<32xbf16> -> vector<16xf32>
        %broadcast_in_dim3A_1346 = arith.constant 5 : i32
        %broadcast_in_dim3A_1347 = vector.broadcast %broadcast_in_dim3A_1346 : i32 to vector<16xi32>
        %gather3A_1348 = tpu.vector_load_idx %arg13[%broadcast_in_dim3A, %broadcast_in_dim3A_1309, %add3A_1135, %broadcast_in_dim3A_1347] : memref<4x4x128x8xf32, #tpu.memory_space<vmem>>[vector<16xi32>, vector<16xi32>, vector<16xi32>, vector<16xi32>], vector<16xf32>,
        %bitcast3A_1349 = vector.bitcast %gather3A_1348 : vector<16xf32> to vector<32xbf16>
        %unpack3A_1350 = tpu.unpack_subelements %bitcast3A_1349, 0 {pack_format = #tpu.pack_format<interleaved>} : vector<32xbf16> -> vector<16xf32>
        %unpack3A_1351 = tpu.unpack_subelements %bitcast3A_1349, 1 {pack_format = #tpu.pack_format<interleaved>} : vector<32xbf16> -> vector<16xf32>
        %broadcast_in_dim3A_1352 = arith.constant 6 : i32
        %broadcast_in_dim3A_1353 = vector.broadcast %broadcast_in_dim3A_1352 : i32 to vector<16xi32>
        %gather3A_1354 = tpu.vector_load_idx %arg13[%broadcast_in_dim3A, %broadcast_in_dim3A_1309, %add3A_1135, %broadcast_in_dim3A_1353] : memref<4x4x128x8xf32, #tpu.memory_space<vmem>>[vector<16xi32>, vector<16xi32>, vector<16xi32>, vector<16xi32>], vector<16xf32>,
        %bitcast3A_1355 = vector.bitcast %gather3A_1354 : vector<16xf32> to vector<32xbf16>
        %unpack3A_1356 = tpu.unpack_subelements %bitcast3A_1355, 0 {pack_format = #tpu.pack_format<interleaved>} : vector<32xbf16> -> vector<16xf32>
        %unpack3A_1357 = tpu.unpack_subelements %bitcast3A_1355, 1 {pack_format = #tpu.pack_format<interleaved>} : vector<32xbf16> -> vector<16xf32>
        %mul3A_1358 = arith.mulf %mul3A_1311, %unpack3A_1344 : vector<16xf32>
        %add3A_1359 = arith.addf %add3A_1331, %mul3A_1358 : vector<16xf32>
        %mul3A_1360 = arith.mulf %mul3A_1311, %unpack3A_1345 : vector<16xf32>
        %add3A_1361 = arith.addf %add3A_1333, %mul3A_1360 : vector<16xf32>
        %mul3A_1362 = arith.mulf %mul3A_1311, %unpack3A_1350 : vector<16xf32>
        %add3A_1363 = arith.addf %add3A_1335, %mul3A_1362 : vector<16xf32>
        %mul3A_1364 = arith.mulf %mul3A_1311, %unpack3A_1351 : vector<16xf32>
        %add3A_1365 = arith.addf %add3A_1337, %mul3A_1364 : vector<16xf32>
        %mul3A_1366 = arith.mulf %mul3A_1311, %unpack3A_1356 : vector<16xf32>
        %add3A_1367 = arith.addf %add3A_1339, %mul3A_1366 : vector<16xf32>
        %swap3A = arith.index_cast %rem3A_987 : i32 to index
        %swap3A_1368 = arith.index_cast %mul3A_1100 : i32 to index
        %swap3A_1369 = tpu.vector_load %arg14[%swap3A, %swap3A_1368] {strides = array<i32>} : memref<4x128xf32, #tpu.memory_space<vmem>>, vector<16xf32>,
        tpu.vector_store %arg14[%swap3A, %swap3A_1368], %add3A_1359 {strides = array<i32>} : memref<4x128xf32, #tpu.memory_space<vmem>>, vector<16xf32>,
        %swap3A_1370 = arith.constant 0 : i32
        %swap3A_1371 = arith.index_cast %rem3A_987 : i32 to index
        %swap3A_1372 = arith.index_cast %swap3A_1370 : i32 to index
        %swap3A_1373 = arith.index_cast %mul3A_1100 : i32 to index
        %swap3A_1374 = tpu.vector_load %arg15[%swap3A_1371, %swap3A_1372, %swap3A_1373] {strides = array<i32>} : memref<4x4x128xf32, #tpu.memory_space<vmem>>, vector<16xf32>,
        tpu.vector_store %arg15[%swap3A_1371, %swap3A_1372, %swap3A_1373], %add3A_1361 {strides = array<i32>} : memref<4x4x128xf32, #tpu.memory_space<vmem>>, vector<16xf32>,
        %swap3A_1375 = arith.constant 1 : i32
        %swap3A_1376 = arith.index_cast %rem3A_987 : i32 to index
        %swap3A_1377 = arith.index_cast %swap3A_1375 : i32 to index
        %swap3A_1378 = arith.index_cast %mul3A_1100 : i32 to index
        %swap3A_1379 = tpu.vector_load %arg15[%swap3A_1376, %swap3A_1377, %swap3A_1378] {strides = array<i32>} : memref<4x4x128xf32, #tpu.memory_space<vmem>>, vector<16xf32>,
        tpu.vector_store %arg15[%swap3A_1376, %swap3A_1377, %swap3A_1378], %add3A_1363 {strides = array<i32>} : memref<4x4x128xf32, #tpu.memory_space<vmem>>, vector<16xf32>,
        %swap3A_1380 = arith.constant 2 : i32
        %swap3A_1381 = arith.index_cast %rem3A_987 : i32 to index
        %swap3A_1382 = arith.index_cast %swap3A_1380 : i32 to index
        %swap3A_1383 = arith.index_cast %mul3A_1100 : i32 to index
        %swap3A_1384 = tpu.vector_load %arg15[%swap3A_1381, %swap3A_1382, %swap3A_1383] {strides = array<i32>} : memref<4x4x128xf32, #tpu.memory_space<vmem>>, vector<16xf32>,
        tpu.vector_store %arg15[%swap3A_1381, %swap3A_1382, %swap3A_1383], %add3A_1365 {strides = array<i32>} : memref<4x4x128xf32, #tpu.memory_space<vmem>>, vector<16xf32>,
        %swap3A_1385 = arith.constant 3 : i32
        %swap3A_1386 = arith.index_cast %rem3A_987 : i32 to index
        %swap3A_1387 = arith.index_cast %swap3A_1385 : i32 to index
        %swap3A_1388 = arith.index_cast %mul3A_1100 : i32 to index
        %swap3A_1389 = tpu.vector_load %arg15[%swap3A_1386, %swap3A_1387, %swap3A_1388] {strides = array<i32>} : memref<4x4x128xf32, #tpu.memory_space<vmem>>, vector<16xf32>,
        tpu.vector_store %arg15[%swap3A_1386, %swap3A_1387, %swap3A_1388], %add3A_1367 {strides = array<i32>} : memref<4x4x128xf32, #tpu.memory_space<vmem>>, vector<16xf32>,
      }
      %scan3A_993 = arith.constant 8 : i32
      %rem3A_994 = arith.constant 4 : i32
      %rem3A_995 = arith.remsi %scan3A_920, %rem3A_994 : i32
      %mul3A_996 = arith.constant 128 : i32
      %mul3A_997 = arith.muli %scan3A_920, %mul3A_996 : i32
      %add3A_998 = arith.addi %mul3A_2, %mul3A_997 : i32
      %jit3A_999 = arith.constant 4096 : i32
      %div3A_1000 = arith.divsi %add3A_998, %jit3A_999 : i32
      %sign3A_1001 = arith.constant 0 : i32
      %sign3A_1002 = arith.cmpi sgt, %add3A_998, %sign3A_1001 : i32
      %sign3A_1003 = arith.extui %sign3A_1002 : i1 to i32
      %sign3A_1004 = arith.constant 0 : i32
      %sign3A_1005 = arith.cmpi slt, %add3A_998, %sign3A_1004 : i32
      %sign3A_1006 = arith.extui %sign3A_1005 : i1 to i32
      %sign3A_1007 = arith.subi %sign3A_1003, %sign3A_1006 : i32
      %sign3A_1008 = arith.constant 0 : i32
      %sign3A_1009 = arith.cmpi sgt, %jit3A_999, %sign3A_1008 : i32
      %sign3A_1010 = arith.extui %sign3A_1009 : i1 to i32
      %sign3A_1011 = arith.constant 0 : i32
      %sign3A_1012 = arith.cmpi slt, %jit3A_999, %sign3A_1011 : i32
      %sign3A_1013 = arith.extui %sign3A_1012 : i1 to i32
      %sign3A_1014 = arith.subi %sign3A_1010, %sign3A_1013 : i32
      %ne3A_1015 = arith.cmpi ne, %sign3A_1007, %sign3A_1014 : i32
      %rem3A_1016 = arith.remsi %add3A_998, %jit3A_999 : i32
      %ne3A_1017 = arith.constant 0 : i32
      %ne3A_1018 = arith.cmpi ne, %rem3A_1016, %ne3A_1017 : i32
      %and3A_1019 = arith.andi %ne3A_1015, %ne3A_1018 : i1
      %sub3A_1020 = arith.constant 1 : i32
      %sub3A_1021 = arith.subi %div3A_1000, %sub3A_1020 : i32
      %select_n3A_1022 = arith.select %and3A_1019, %sub3A_1021, %div3A_1000 : i32
      %mul3A_1023 = arith.constant 4096 : i32
      %mul3A_1024 = arith.muli %select_n3A_1022, %mul3A_1023 : i32
      %sub3A_1025 = arith.subi %add3A_998, %mul3A_1024 : i32
      %mul3A_1026 = arith.constant 4 : i32
      %mul3A_1027 = arith.muli %select_n3A_1022, %mul3A_1026 : i32
      %mul3A_1028 = arith.constant 4096 : i32
      %mul3A_1029 = arith.muli %mul3A_1027, %mul3A_1028 : i32
      %add3A_1030 = arith.constant 0 : i32
      %add3A_1031 = arith.addi %mul3A_1029, %add3A_1030 : i32
      %add3A_1032 = arith.addi %add3A_1031, %sub3A_1025 : i32
      %mul3A_1033 = arith.constant 4 : i32
      %mul3A_1034 = arith.muli %select_n3A_1022, %mul3A_1033 : i32
      %mul3A_1035 = arith.constant 4096 : i32
      %mul3A_1036 = arith.muli %mul3A_1034, %mul3A_1035 : i32
      %add3A_1037 = arith.constant 4096 : i32
      %add3A_1038 = arith.addi %mul3A_1036, %add3A_1037 : i32
      %add3A_1039 = arith.addi %add3A_1038, %sub3A_1025 : i32
      %mul3A_1040 = arith.constant 4 : i32
      %mul3A_1041 = arith.muli %select_n3A_1022, %mul3A_1040 : i32
      %mul3A_1042 = arith.constant 4096 : i32
      %mul3A_1043 = arith.muli %mul3A_1041, %mul3A_1042 : i32
      %add3A_1044 = arith.constant 8192 : i32
      %add3A_1045 = arith.addi %mul3A_1043, %add3A_1044 : i32
      %add3A_1046 = arith.addi %add3A_1045, %sub3A_1025 : i32
      %mul3A_1047 = arith.constant 4 : i32
      %mul3A_1048 = arith.muli %select_n3A_1022, %mul3A_1047 : i32
      %mul3A_1049 = arith.constant 4096 : i32
      %mul3A_1050 = arith.muli %mul3A_1048, %mul3A_1049 : i32
      %add3A_1051 = arith.constant 12288 : i32
      %add3A_1052 = arith.addi %mul3A_1050, %add3A_1051 : i32
      %add3A_1053 = arith.addi %add3A_1052, %sub3A_1025 : i32
      %dma_start3A_1054 = arith.constant 0 : i32
      %dma_start3A_1055 = tpu.memref_slice %arg14[%rem3A_995, %dma_start3A_1054] : memref<4x128xf32, #tpu.memory_space<vmem>> -> memref<1x128xf32, #tpu.memory_space<vmem>>
      %dma_start3A_1056 = tpu.memref_squeeze %dma_start3A_1055 : memref<1x128xf32, #tpu.memory_space<vmem>> -> memref<128xf32, #tpu.memory_space<vmem>>
      %dma_start3A_1057 = tpu.memref_slice %arg5[%add3A_998] : memref<819200xf32, #tpu.memory_space<hbm>> -> memref<128xf32, #tpu.memory_space<hbm>>
      %dma_start3A_1058 = tpu.memref_slice %arg5[%add3A_998] : memref<819200xf32, #tpu.memory_space<hbm>> -> memref<128xf32, #tpu.memory_space<hbm>>
      %dma_start3A_1059 = arith.constant 0 : i32
      %dma_start3A_1060 = tpu.memref_slice %arg14[%rem3A_995, %dma_start3A_1059] : memref<4x128xf32, #tpu.memory_space<vmem>> -> memref<1x128xf32, #tpu.memory_space<vmem>>
      %dma_start3A_1061 = tpu.memref_squeeze %dma_start3A_1060 : memref<1x128xf32, #tpu.memory_space<vmem>> -> memref<128xf32, #tpu.memory_space<vmem>>
      tpu.enqueue_dma source(%dma_start3A_1061 : memref<128xf32, #tpu.memory_space<vmem>>) target(%dma_start3A_1058 : memref<128xf32, #tpu.memory_space<hbm>>) target_semaphore(%arg20 : memref<!tpu.dma_semaphore, #tpu.memory_space<semaphore_mem>>)
      %dma_start3A_1062 = arith.constant 0 : i32
      %dma_start3A_1063 = arith.constant 0 : i32
      %dma_start3A_1064 = tpu.memref_slice %arg15[%rem3A_995, %dma_start3A_1062, %dma_start3A_1063] : memref<4x4x128xf32, #tpu.memory_space<vmem>> -> memref<1x1x128xf32, #tpu.memory_space<vmem>>
      %dma_start3A_1065 = tpu.memref_squeeze %dma_start3A_1064 : memref<1x1x128xf32, #tpu.memory_space<vmem>> -> memref<128xf32, #tpu.memory_space<vmem>>
      %dma_start3A_1066 = tpu.memref_slice %arg6[%add3A_1032] : memref<3276800xf32, #tpu.memory_space<hbm>> -> memref<128xf32, #tpu.memory_space<hbm>>
      %dma_start3A_1067 = tpu.memref_slice %arg6[%add3A_1032] : memref<3276800xf32, #tpu.memory_space<hbm>> -> memref<128xf32, #tpu.memory_space<hbm>>
      %dma_start3A_1068 = arith.constant 0 : i32
      %dma_start3A_1069 = tpu.memref_slice %arg15[%rem3A_995, %dma_start3A_1062, %dma_start3A_1068] : memref<4x4x128xf32, #tpu.memory_space<vmem>> -> memref<1x1x128xf32, #tpu.memory_space<vmem>>
      %dma_start3A_1070 = tpu.memref_squeeze %dma_start3A_1069 : memref<1x1x128xf32, #tpu.memory_space<vmem>> -> memref<128xf32, #tpu.memory_space<vmem>>
      tpu.enqueue_dma source(%dma_start3A_1070 : memref<128xf32, #tpu.memory_space<vmem>>) target(%dma_start3A_1067 : memref<128xf32, #tpu.memory_space<hbm>>) target_semaphore(%arg20 : memref<!tpu.dma_semaphore, #tpu.memory_space<semaphore_mem>>)
      %dma_start3A_1071 = arith.constant 1 : i32
      %dma_start3A_1072 = arith.constant 0 : i32
      %dma_start3A_1073 = tpu.memref_slice %arg15[%rem3A_995, %dma_start3A_1071, %dma_start3A_1072] : memref<4x4x128xf32, #tpu.memory_space<vmem>> -> memref<1x1x128xf32, #tpu.memory_space<vmem>>
      %dma_start3A_1074 = tpu.memref_squeeze %dma_start3A_1073 : memref<1x1x128xf32, #tpu.memory_space<vmem>> -> memref<128xf32, #tpu.memory_space<vmem>>
      %dma_start3A_1075 = tpu.memref_slice %arg6[%add3A_1039] : memref<3276800xf32, #tpu.memory_space<hbm>> -> memref<128xf32, #tpu.memory_space<hbm>>
      %dma_start3A_1076 = tpu.memref_slice %arg6[%add3A_1039] : memref<3276800xf32, #tpu.memory_space<hbm>> -> memref<128xf32, #tpu.memory_space<hbm>>
      %dma_start3A_1077 = arith.constant 0 : i32
      %dma_start3A_1078 = tpu.memref_slice %arg15[%rem3A_995, %dma_start3A_1071, %dma_start3A_1077] : memref<4x4x128xf32, #tpu.memory_space<vmem>> -> memref<1x1x128xf32, #tpu.memory_space<vmem>>
      %dma_start3A_1079 = tpu.memref_squeeze %dma_start3A_1078 : memref<1x1x128xf32, #tpu.memory_space<vmem>> -> memref<128xf32, #tpu.memory_space<vmem>>
      tpu.enqueue_dma source(%dma_start3A_1079 : memref<128xf32, #tpu.memory_space<vmem>>) target(%dma_start3A_1076 : memref<128xf32, #tpu.memory_space<hbm>>) target_semaphore(%arg20 : memref<!tpu.dma_semaphore, #tpu.memory_space<semaphore_mem>>)
      %dma_start3A_1080 = arith.constant 2 : i32
      %dma_start3A_1081 = arith.constant 0 : i32
      %dma_start3A_1082 = tpu.memref_slice %arg15[%rem3A_995, %dma_start3A_1080, %dma_start3A_1081] : memref<4x4x128xf32, #tpu.memory_space<vmem>> -> memref<1x1x128xf32, #tpu.memory_space<vmem>>
      %dma_start3A_1083 = tpu.memref_squeeze %dma_start3A_1082 : memref<1x1x128xf32, #tpu.memory_space<vmem>> -> memref<128xf32, #tpu.memory_space<vmem>>
      %dma_start3A_1084 = tpu.memref_slice %arg6[%add3A_1046] : memref<3276800xf32, #tpu.memory_space<hbm>> -> memref<128xf32, #tpu.memory_space<hbm>>
      %dma_start3A_1085 = tpu.memref_slice %arg6[%add3A_1046] : memref<3276800xf32, #tpu.memory_space<hbm>> -> memref<128xf32, #tpu.memory_space<hbm>>
      %dma_start3A_1086 = arith.constant 0 : i32
      %dma_start3A_1087 = tpu.memref_slice %arg15[%rem3A_995, %dma_start3A_1080, %dma_start3A_1086] : memref<4x4x128xf32, #tpu.memory_space<vmem>> -> memref<1x1x128xf32, #tpu.memory_space<vmem>>
      %dma_start3A_1088 = tpu.memref_squeeze %dma_start3A_1087 : memref<1x1x128xf32, #tpu.memory_space<vmem>> -> memref<128xf32, #tpu.memory_space<vmem>>
      tpu.enqueue_dma source(%dma_start3A_1088 : memref<128xf32, #tpu.memory_space<vmem>>) target(%dma_start3A_1085 : memref<128xf32, #tpu.memory_space<hbm>>) target_semaphore(%arg20 : memref<!tpu.dma_semaphore, #tpu.memory_space<semaphore_mem>>)
      %dma_start3A_1089 = arith.constant 3 : i32
      %dma_start3A_1090 = arith.constant 0 : i32
      %dma_start3A_1091 = tpu.memref_slice %arg15[%rem3A_995, %dma_start3A_1089, %dma_start3A_1090] : memref<4x4x128xf32, #tpu.memory_space<vmem>> -> memref<1x1x128xf32, #tpu.memory_space<vmem>>
      %dma_start3A_1092 = tpu.memref_squeeze %dma_start3A_1091 : memref<1x1x128xf32, #tpu.memory_space<vmem>> -> memref<128xf32, #tpu.memory_space<vmem>>
      %dma_start3A_1093 = tpu.memref_slice %arg6[%add3A_1053] : memref<3276800xf32, #tpu.memory_space<hbm>> -> memref<128xf32, #tpu.memory_space<hbm>>
      %dma_start3A_1094 = tpu.memref_slice %arg6[%add3A_1053] : memref<3276800xf32, #tpu.memory_space<hbm>> -> memref<128xf32, #tpu.memory_space<hbm>>
      %dma_start3A_1095 = arith.constant 0 : i32
      %dma_start3A_1096 = tpu.memref_slice %arg15[%rem3A_995, %dma_start3A_1089, %dma_start3A_1095] : memref<4x4x128xf32, #tpu.memory_space<vmem>> -> memref<1x1x128xf32, #tpu.memory_space<vmem>>
      %dma_start3A_1097 = tpu.memref_squeeze %dma_start3A_1096 : memref<1x1x128xf32, #tpu.memory_space<vmem>> -> memref<128xf32, #tpu.memory_space<vmem>>
      tpu.enqueue_dma source(%dma_start3A_1097 : memref<128xf32, #tpu.memory_space<vmem>>) target(%dma_start3A_1094 : memref<128xf32, #tpu.memory_space<hbm>>) target_semaphore(%arg20 : memref<!tpu.dma_semaphore, #tpu.memory_space<semaphore_mem>>)
    }
    %scan3A_510 = arith.constant 200 : i32
    %rem3A_511 = arith.constant 196 : i32
    %rem3A_512 = arith.constant 4 : i32
    %rem3A_513 = arith.remsi %rem3A_511, %rem3A_512 : i32
    %add3A_514 = arith.constant 25088 : i32
    %add3A_515 = arith.addi %mul3A_2, %add3A_514 : i32
    %jit3A = arith.constant 4096 : i32
    %div3A = arith.divsi %add3A_515, %jit3A : i32
    %sign3A = arith.constant 0 : i32
    %sign3A_516 = arith.cmpi sgt, %add3A_515, %sign3A : i32
    %sign3A_517 = arith.extui %sign3A_516 : i1 to i32
    %sign3A_518 = arith.constant 0 : i32
    %sign3A_519 = arith.cmpi slt, %add3A_515, %sign3A_518 : i32
    %sign3A_520 = arith.extui %sign3A_519 : i1 to i32
    %sign3A_521 = arith.subi %sign3A_517, %sign3A_520 : i32
    %sign3A_522 = arith.constant 0 : i32
    %sign3A_523 = arith.cmpi sgt, %jit3A, %sign3A_522 : i32
    %sign3A_524 = arith.extui %sign3A_523 : i1 to i32
    %sign3A_525 = arith.constant 0 : i32
    %sign3A_526 = arith.cmpi slt, %jit3A, %sign3A_525 : i32
    %sign3A_527 = arith.extui %sign3A_526 : i1 to i32
    %sign3A_528 = arith.subi %sign3A_524, %sign3A_527 : i32
    %ne3A = arith.cmpi ne, %sign3A_521, %sign3A_528 : i32
    %rem3A_529 = arith.remsi %add3A_515, %jit3A : i32
    %ne3A_530 = arith.constant 0 : i32
    %ne3A_531 = arith.cmpi ne, %rem3A_529, %ne3A_530 : i32
    %and3A = arith.andi %ne3A, %ne3A_531 : i1
    %sub3A = arith.constant 1 : i32
    %sub3A_532 = arith.subi %div3A, %sub3A : i32
    %select_n3A = arith.select %and3A, %sub3A_532, %div3A : i32
    %mul3A_533 = arith.constant 4096 : i32
    %mul3A_534 = arith.muli %select_n3A, %mul3A_533 : i32
    %sub3A_535 = arith.subi %add3A_515, %mul3A_534 : i32
    %mul3A_536 = arith.constant 4 : i32
    %mul3A_537 = arith.muli %select_n3A, %mul3A_536 : i32
    %mul3A_538 = arith.constant 4096 : i32
    %mul3A_539 = arith.muli %mul3A_537, %mul3A_538 : i32
    %add3A_540 = arith.constant 0 : i32
    %add3A_541 = arith.addi %mul3A_539, %add3A_540 : i32
    %add3A_542 = arith.addi %add3A_541, %sub3A_535 : i32
    %mul3A_543 = arith.constant 4 : i32
    %mul3A_544 = arith.muli %select_n3A, %mul3A_543 : i32
    %mul3A_545 = arith.constant 4096 : i32
    %mul3A_546 = arith.muli %mul3A_544, %mul3A_545 : i32
    %add3A_547 = arith.constant 4096 : i32
    %add3A_548 = arith.addi %mul3A_546, %add3A_547 : i32
    %add3A_549 = arith.addi %add3A_548, %sub3A_535 : i32
    %mul3A_550 = arith.constant 4 : i32
    %mul3A_551 = arith.muli %select_n3A, %mul3A_550 : i32
    %mul3A_552 = arith.constant 4096 : i32
    %mul3A_553 = arith.muli %mul3A_551, %mul3A_552 : i32
    %add3A_554 = arith.constant 8192 : i32
    %add3A_555 = arith.addi %mul3A_553, %add3A_554 : i32
    %add3A_556 = arith.addi %add3A_555, %sub3A_535 : i32
    %mul3A_557 = arith.constant 4 : i32
    %mul3A_558 = arith.muli %select_n3A, %mul3A_557 : i32
    %mul3A_559 = arith.constant 4096 : i32
    %mul3A_560 = arith.muli %mul3A_558, %mul3A_559 : i32
    %add3A_561 = arith.constant 12288 : i32
    %add3A_562 = arith.addi %mul3A_560, %add3A_561 : i32
    %add3A_563 = arith.addi %add3A_562, %sub3A_535 : i32
    %dma_wait3A_564 = arith.constant 0 : i32
    %dma_wait3A_565 = tpu.memref_slice %arg14[%rem3A_513, %dma_wait3A_564] : memref<4x128xf32, #tpu.memory_space<vmem>> -> memref<1x128xf32, #tpu.memory_space<vmem>>
    %dma_wait3A_566 = tpu.memref_squeeze %dma_wait3A_565 : memref<1x128xf32, #tpu.memory_space<vmem>> -> memref<128xf32, #tpu.memory_space<vmem>>
    %dma_wait3A_567 = tpu.memref_slice %arg5[%add3A_515] : memref<819200xf32, #tpu.memory_space<hbm>> -> memref<128xf32, #tpu.memory_space<hbm>>
    %dma_wait3A_568 = tpu.memref_slice %arg5[%add3A_515] : memref<819200xf32, #tpu.memory_space<hbm>> -> memref<128xf32, #tpu.memory_space<hbm>>
    %dma_wait3A_569 = arith.constant 0 : i32
    %dma_wait3A_570 = tpu.memref_slice %arg14[%rem3A_513, %dma_wait3A_569] : memref<4x128xf32, #tpu.memory_space<vmem>> -> memref<1x128xf32, #tpu.memory_space<vmem>>
    %dma_wait3A_571 = tpu.memref_squeeze %dma_wait3A_570 : memref<1x128xf32, #tpu.memory_space<vmem>> -> memref<128xf32, #tpu.memory_space<vmem>>
    tpu.wait_dma2 semaphore(%arg20 : memref<!tpu.dma_semaphore, #tpu.memory_space<semaphore_mem>>) src(%dma_wait3A_571 : memref<128xf32, #tpu.memory_space<vmem>>) dst(%dma_wait3A_568 : memref<128xf32, #tpu.memory_space<hbm>>)
    %dma_wait3A_572 = arith.constant 0 : i32
    %dma_wait3A_573 = arith.constant 0 : i32
    %dma_wait3A_574 = tpu.memref_slice %arg15[%rem3A_513, %dma_wait3A_572, %dma_wait3A_573] : memref<4x4x128xf32, #tpu.memory_space<vmem>> -> memref<1x1x128xf32, #tpu.memory_space<vmem>>
    %dma_wait3A_575 = tpu.memref_squeeze %dma_wait3A_574 : memref<1x1x128xf32, #tpu.memory_space<vmem>> -> memref<128xf32, #tpu.memory_space<vmem>>
    %dma_wait3A_576 = tpu.memref_slice %arg6[%add3A_542] : memref<3276800xf32, #tpu.memory_space<hbm>> -> memref<128xf32, #tpu.memory_space<hbm>>
    %dma_wait3A_577 = tpu.memref_slice %arg6[%add3A_542] : memref<3276800xf32, #tpu.memory_space<hbm>> -> memref<128xf32, #tpu.memory_space<hbm>>
    %dma_wait3A_578 = arith.constant 0 : i32
    %dma_wait3A_579 = tpu.memref_slice %arg15[%rem3A_513, %dma_wait3A_572, %dma_wait3A_578] : memref<4x4x128xf32, #tpu.memory_space<vmem>> -> memref<1x1x128xf32, #tpu.memory_space<vmem>>
    %dma_wait3A_580 = tpu.memref_squeeze %dma_wait3A_579 : memref<1x1x128xf32, #tpu.memory_space<vmem>> -> memref<128xf32, #tpu.memory_space<vmem>>
    tpu.wait_dma2 semaphore(%arg20 : memref<!tpu.dma_semaphore, #tpu.memory_space<semaphore_mem>>) src(%dma_wait3A_580 : memref<128xf32, #tpu.memory_space<vmem>>) dst(%dma_wait3A_577 : memref<128xf32, #tpu.memory_space<hbm>>)
    %dma_wait3A_581 = arith.constant 1 : i32
    %dma_wait3A_582 = arith.constant 0 : i32
    %dma_wait3A_583 = tpu.memref_slice %arg15[%rem3A_513, %dma_wait3A_581, %dma_wait3A_582] : memref<4x4x128xf32, #tpu.memory_space<vmem>> -> memref<1x1x128xf32, #tpu.memory_space<vmem>>
    %dma_wait3A_584 = tpu.memref_squeeze %dma_wait3A_583 : memref<1x1x128xf32, #tpu.memory_space<vmem>> -> memref<128xf32, #tpu.memory_space<vmem>>
    %dma_wait3A_585 = tpu.memref_slice %arg6[%add3A_549] : memref<3276800xf32, #tpu.memory_space<hbm>> -> memref<128xf32, #tpu.memory_space<hbm>>
    %dma_wait3A_586 = tpu.memref_slice %arg6[%add3A_549] : memref<3276800xf32, #tpu.memory_space<hbm>> -> memref<128xf32, #tpu.memory_space<hbm>>
    %dma_wait3A_587 = arith.constant 0 : i32
    %dma_wait3A_588 = tpu.memref_slice %arg15[%rem3A_513, %dma_wait3A_581, %dma_wait3A_587] : memref<4x4x128xf32, #tpu.memory_space<vmem>> -> memref<1x1x128xf32, #tpu.memory_space<vmem>>
    %dma_wait3A_589 = tpu.memref_squeeze %dma_wait3A_588 : memref<1x1x128xf32, #tpu.memory_space<vmem>> -> memref<128xf32, #tpu.memory_space<vmem>>
    tpu.wait_dma2 semaphore(%arg20 : memref<!tpu.dma_semaphore, #tpu.memory_space<semaphore_mem>>) src(%dma_wait3A_589 : memref<128xf32, #tpu.memory_space<vmem>>) dst(%dma_wait3A_586 : memref<128xf32, #tpu.memory_space<hbm>>)
    %dma_wait3A_590 = arith.constant 2 : i32
    %dma_wait3A_591 = arith.constant 0 : i32
    %dma_wait3A_592 = tpu.memref_slice %arg15[%rem3A_513, %dma_wait3A_590, %dma_wait3A_591] : memref<4x4x128xf32, #tpu.memory_space<vmem>> -> memref<1x1x128xf32, #tpu.memory_space<vmem>>
    %dma_wait3A_593 = tpu.memref_squeeze %dma_wait3A_592 : memref<1x1x128xf32, #tpu.memory_space<vmem>> -> memref<128xf32, #tpu.memory_space<vmem>>
    %dma_wait3A_594 = tpu.memref_slice %arg6[%add3A_556] : memref<3276800xf32, #tpu.memory_space<hbm>> -> memref<128xf32, #tpu.memory_space<hbm>>
    %dma_wait3A_595 = tpu.memref_slice %arg6[%add3A_556] : memref<3276800xf32, #tpu.memory_space<hbm>> -> memref<128xf32, #tpu.memory_space<hbm>>
    %dma_wait3A_596 = arith.constant 0 : i32
    %dma_wait3A_597 = tpu.memref_slice %arg15[%rem3A_513, %dma_wait3A_590, %dma_wait3A_596] : memref<4x4x128xf32, #tpu.memory_space<vmem>> -> memref<1x1x128xf32, #tpu.memory_space<vmem>>
    %dma_wait3A_598 = tpu.memref_squeeze %dma_wait3A_597 : memref<1x1x128xf32, #tpu.memory_space<vmem>> -> memref<128xf32, #tpu.memory_space<vmem>>
    tpu.wait_dma2 semaphore(%arg20 : memref<!tpu.dma_semaphore, #tpu.memory_space<semaphore_mem>>) src(%dma_wait3A_598 : memref<128xf32, #tpu.memory_space<vmem>>) dst(%dma_wait3A_595 : memref<128xf32, #tpu.memory_space<hbm>>)
    %dma_wait3A_599 = arith.constant 3 : i32
    %dma_wait3A_600 = arith.constant 0 : i32
    %dma_wait3A_601 = tpu.memref_slice %arg15[%rem3A_513, %dma_wait3A_599, %dma_wait3A_600] : memref<4x4x128xf32, #tpu.memory_space<vmem>> -> memref<1x1x128xf32, #tpu.memory_space<vmem>>
    %dma_wait3A_602 = tpu.memref_squeeze %dma_wait3A_601 : memref<1x1x128xf32, #tpu.memory_space<vmem>> -> memref<128xf32, #tpu.memory_space<vmem>>
    %dma_wait3A_603 = tpu.memref_slice %arg6[%add3A_563] : memref<3276800xf32, #tpu.memory_space<hbm>> -> memref<128xf32, #tpu.memory_space<hbm>>
    %dma_wait3A_604 = tpu.memref_slice %arg6[%add3A_563] : memref<3276800xf32, #tpu.memory_space<hbm>> -> memref<128xf32, #tpu.memory_space<hbm>>
    %dma_wait3A_605 = arith.constant 0 : i32
    %dma_wait3A_606 = tpu.memref_slice %arg15[%rem3A_513, %dma_wait3A_599, %dma_wait3A_605] : memref<4x4x128xf32, #tpu.memory_space<vmem>> -> memref<1x1x128xf32, #tpu.memory_space<vmem>>
    %dma_wait3A_607 = tpu.memref_squeeze %dma_wait3A_606 : memref<1x1x128xf32, #tpu.memory_space<vmem>> -> memref<128xf32, #tpu.memory_space<vmem>>
    tpu.wait_dma2 semaphore(%arg20 : memref<!tpu.dma_semaphore, #tpu.memory_space<semaphore_mem>>) src(%dma_wait3A_607 : memref<128xf32, #tpu.memory_space<vmem>>) dst(%dma_wait3A_604 : memref<128xf32, #tpu.memory_space<hbm>>)
    %rem3A_608 = arith.constant 197 : i32
    %rem3A_609 = arith.constant 4 : i32
    %rem3A_610 = arith.remsi %rem3A_608, %rem3A_609 : i32
    %add3A_611 = arith.constant 25216 : i32
    %add3A_612 = arith.addi %mul3A_2, %add3A_611 : i32
    %jit3A_613 = arith.constant 4096 : i32
    %div3A_614 = arith.divsi %add3A_612, %jit3A_613 : i32
    %sign3A_615 = arith.constant 0 : i32
    %sign3A_616 = arith.cmpi sgt, %add3A_612, %sign3A_615 : i32
    %sign3A_617 = arith.extui %sign3A_616 : i1 to i32
    %sign3A_618 = arith.constant 0 : i32
    %sign3A_619 = arith.cmpi slt, %add3A_612, %sign3A_618 : i32
    %sign3A_620 = arith.extui %sign3A_619 : i1 to i32
    %sign3A_621 = arith.subi %sign3A_617, %sign3A_620 : i32
    %sign3A_622 = arith.constant 0 : i32
    %sign3A_623 = arith.cmpi sgt, %jit3A_613, %sign3A_622 : i32
    %sign3A_624 = arith.extui %sign3A_623 : i1 to i32
    %sign3A_625 = arith.constant 0 : i32
    %sign3A_626 = arith.cmpi slt, %jit3A_613, %sign3A_625 : i32
    %sign3A_627 = arith.extui %sign3A_626 : i1 to i32
    %sign3A_628 = arith.subi %sign3A_624, %sign3A_627 : i32
    %ne3A_629 = arith.cmpi ne, %sign3A_621, %sign3A_628 : i32
    %rem3A_630 = arith.remsi %add3A_612, %jit3A_613 : i32
    %ne3A_631 = arith.constant 0 : i32
    %ne3A_632 = arith.cmpi ne, %rem3A_630, %ne3A_631 : i32
    %and3A_633 = arith.andi %ne3A_629, %ne3A_632 : i1
    %sub3A_634 = arith.constant 1 : i32
    %sub3A_635 = arith.subi %div3A_614, %sub3A_634 : i32
    %select_n3A_636 = arith.select %and3A_633, %sub3A_635, %div3A_614 : i32
    %mul3A_637 = arith.constant 4096 : i32
    %mul3A_638 = arith.muli %select_n3A_636, %mul3A_637 : i32
    %sub3A_639 = arith.subi %add3A_612, %mul3A_638 : i32
    %mul3A_640 = arith.constant 4 : i32
    %mul3A_641 = arith.muli %select_n3A_636, %mul3A_640 : i32
    %mul3A_642 = arith.constant 4096 : i32
    %mul3A_643 = arith.muli %mul3A_641, %mul3A_642 : i32
    %add3A_644 = arith.constant 0 : i32
    %add3A_645 = arith.addi %mul3A_643, %add3A_644 : i32
    %add3A_646 = arith.addi %add3A_645, %sub3A_639 : i32
    %mul3A_647 = arith.constant 4 : i32
    %mul3A_648 = arith.muli %select_n3A_636, %mul3A_647 : i32
    %mul3A_649 = arith.constant 4096 : i32
    %mul3A_650 = arith.muli %mul3A_648, %mul3A_649 : i32
    %add3A_651 = arith.constant 4096 : i32
    %add3A_652 = arith.addi %mul3A_650, %add3A_651 : i32
    %add3A_653 = arith.addi %add3A_652, %sub3A_639 : i32
    %mul3A_654 = arith.constant 4 : i32
    %mul3A_655 = arith.muli %select_n3A_636, %mul3A_654 : i32
    %mul3A_656 = arith.constant 4096 : i32
    %mul3A_657 = arith.muli %mul3A_655, %mul3A_656 : i32
    %add3A_658 = arith.constant 8192 : i32
    %add3A_659 = arith.addi %mul3A_657, %add3A_658 : i32
    %add3A_660 = arith.addi %add3A_659, %sub3A_639 : i32
    %mul3A_661 = arith.constant 4 : i32
    %mul3A_662 = arith.muli %select_n3A_636, %mul3A_661 : i32
    %mul3A_663 = arith.constant 4096 : i32
    %mul3A_664 = arith.muli %mul3A_662, %mul3A_663 : i32
    %add3A_665 = arith.constant 12288 : i32
    %add3A_666 = arith.addi %mul3A_664, %add3A_665 : i32
    %add3A_667 = arith.addi %add3A_666, %sub3A_639 : i32
    %dma_wait3A_668 = arith.constant 0 : i32
    %dma_wait3A_669 = tpu.memref_slice %arg14[%rem3A_610, %dma_wait3A_668] : memref<4x128xf32, #tpu.memory_space<vmem>> -> memref<1x128xf32, #tpu.memory_space<vmem>>
    %dma_wait3A_670 = tpu.memref_squeeze %dma_wait3A_669 : memref<1x128xf32, #tpu.memory_space<vmem>> -> memref<128xf32, #tpu.memory_space<vmem>>
    %dma_wait3A_671 = tpu.memref_slice %arg5[%add3A_612] : memref<819200xf32, #tpu.memory_space<hbm>> -> memref<128xf32, #tpu.memory_space<hbm>>
    %dma_wait3A_672 = tpu.memref_slice %arg5[%add3A_612] : memref<819200xf32, #tpu.memory_space<hbm>> -> memref<128xf32, #tpu.memory_space<hbm>>
    %dma_wait3A_673 = arith.constant 0 : i32
    %dma_wait3A_674 = tpu.memref_slice %arg14[%rem3A_610, %dma_wait3A_673] : memref<4x128xf32, #tpu.memory_space<vmem>> -> memref<1x128xf32, #tpu.memory_space<vmem>>
    %dma_wait3A_675 = tpu.memref_squeeze %dma_wait3A_674 : memref<1x128xf32, #tpu.memory_space<vmem>> -> memref<128xf32, #tpu.memory_space<vmem>>
    tpu.wait_dma2 semaphore(%arg20 : memref<!tpu.dma_semaphore, #tpu.memory_space<semaphore_mem>>) src(%dma_wait3A_675 : memref<128xf32, #tpu.memory_space<vmem>>) dst(%dma_wait3A_672 : memref<128xf32, #tpu.memory_space<hbm>>)
    %dma_wait3A_676 = arith.constant 0 : i32
    %dma_wait3A_677 = arith.constant 0 : i32
    %dma_wait3A_678 = tpu.memref_slice %arg15[%rem3A_610, %dma_wait3A_676, %dma_wait3A_677] : memref<4x4x128xf32, #tpu.memory_space<vmem>> -> memref<1x1x128xf32, #tpu.memory_space<vmem>>
    %dma_wait3A_679 = tpu.memref_squeeze %dma_wait3A_678 : memref<1x1x128xf32, #tpu.memory_space<vmem>> -> memref<128xf32, #tpu.memory_space<vmem>>
    %dma_wait3A_680 = tpu.memref_slice %arg6[%add3A_646] : memref<3276800xf32, #tpu.memory_space<hbm>> -> memref<128xf32, #tpu.memory_space<hbm>>
    %dma_wait3A_681 = tpu.memref_slice %arg6[%add3A_646] : memref<3276800xf32, #tpu.memory_space<hbm>> -> memref<128xf32, #tpu.memory_space<hbm>>
    %dma_wait3A_682 = arith.constant 0 : i32
    %dma_wait3A_683 = tpu.memref_slice %arg15[%rem3A_610, %dma_wait3A_676, %dma_wait3A_682] : memref<4x4x128xf32, #tpu.memory_space<vmem>> -> memref<1x1x128xf32, #tpu.memory_space<vmem>>
    %dma_wait3A_684 = tpu.memref_squeeze %dma_wait3A_683 : memref<1x1x128xf32, #tpu.memory_space<vmem>> -> memref<128xf32, #tpu.memory_space<vmem>>
    tpu.wait_dma2 semaphore(%arg20 : memref<!tpu.dma_semaphore, #tpu.memory_space<semaphore_mem>>) src(%dma_wait3A_684 : memref<128xf32, #tpu.memory_space<vmem>>) dst(%dma_wait3A_681 : memref<128xf32, #tpu.memory_space<hbm>>)
    %dma_wait3A_685 = arith.constant 1 : i32
    %dma_wait3A_686 = arith.constant 0 : i32
    %dma_wait3A_687 = tpu.memref_slice %arg15[%rem3A_610, %dma_wait3A_685, %dma_wait3A_686] : memref<4x4x128xf32, #tpu.memory_space<vmem>> -> memref<1x1x128xf32, #tpu.memory_space<vmem>>
    %dma_wait3A_688 = tpu.memref_squeeze %dma_wait3A_687 : memref<1x1x128xf32, #tpu.memory_space<vmem>> -> memref<128xf32, #tpu.memory_space<vmem>>
    %dma_wait3A_689 = tpu.memref_slice %arg6[%add3A_653] : memref<3276800xf32, #tpu.memory_space<hbm>> -> memref<128xf32, #tpu.memory_space<hbm>>
    %dma_wait3A_690 = tpu.memref_slice %arg6[%add3A_653] : memref<3276800xf32, #tpu.memory_space<hbm>> -> memref<128xf32, #tpu.memory_space<hbm>>
    %dma_wait3A_691 = arith.constant 0 : i32
    %dma_wait3A_692 = tpu.memref_slice %arg15[%rem3A_610, %dma_wait3A_685, %dma_wait3A_691] : memref<4x4x128xf32, #tpu.memory_space<vmem>> -> memref<1x1x128xf32, #tpu.memory_space<vmem>>
    %dma_wait3A_693 = tpu.memref_squeeze %dma_wait3A_692 : memref<1x1x128xf32, #tpu.memory_space<vmem>> -> memref<128xf32, #tpu.memory_space<vmem>>
    tpu.wait_dma2 semaphore(%arg20 : memref<!tpu.dma_semaphore, #tpu.memory_space<semaphore_mem>>) src(%dma_wait3A_693 : memref<128xf32, #tpu.memory_space<vmem>>) dst(%dma_wait3A_690 : memref<128xf32, #tpu.memory_space<hbm>>)
    %dma_wait3A_694 = arith.constant 2 : i32
    %dma_wait3A_695 = arith.constant 0 : i32
    %dma_wait3A_696 = tpu.memref_slice %arg15[%rem3A_610, %dma_wait3A_694, %dma_wait3A_695] : memref<4x4x128xf32, #tpu.memory_space<vmem>> -> memref<1x1x128xf32, #tpu.memory_space<vmem>>
    %dma_wait3A_697 = tpu.memref_squeeze %dma_wait3A_696 : memref<1x1x128xf32, #tpu.memory_space<vmem>> -> memref<128xf32, #tpu.memory_space<vmem>>
    %dma_wait3A_698 = tpu.memref_slice %arg6[%add3A_660] : memref<3276800xf32, #tpu.memory_space<hbm>> -> memref<128xf32, #tpu.memory_space<hbm>>
    %dma_wait3A_699 = tpu.memref_slice %arg6[%add3A_660] : memref<3276800xf32, #tpu.memory_space<hbm>> -> memref<128xf32, #tpu.memory_space<hbm>>
    %dma_wait3A_700 = arith.constant 0 : i32
    %dma_wait3A_701 = tpu.memref_slice %arg15[%rem3A_610, %dma_wait3A_694, %dma_wait3A_700] : memref<4x4x128xf32, #tpu.memory_space<vmem>> -> memref<1x1x128xf32, #tpu.memory_space<vmem>>
    %dma_wait3A_702 = tpu.memref_squeeze %dma_wait3A_701 : memref<1x1x128xf32, #tpu.memory_space<vmem>> -> memref<128xf32, #tpu.memory_space<vmem>>
    tpu.wait_dma2 semaphore(%arg20 : memref<!tpu.dma_semaphore, #tpu.memory_space<semaphore_mem>>) src(%dma_wait3A_702 : memref<128xf32, #tpu.memory_space<vmem>>) dst(%dma_wait3A_699 : memref<128xf32, #tpu.memory_space<hbm>>)
    %dma_wait3A_703 = arith.constant 3 : i32
    %dma_wait3A_704 = arith.constant 0 : i32
    %dma_wait3A_705 = tpu.memref_slice %arg15[%rem3A_610, %dma_wait3A_703, %dma_wait3A_704] : memref<4x4x128xf32, #tpu.memory_space<vmem>> -> memref<1x1x128xf32, #tpu.memory_space<vmem>>
    %dma_wait3A_706 = tpu.memref_squeeze %dma_wait3A_705 : memref<1x1x128xf32, #tpu.memory_space<vmem>> -> memref<128xf32, #tpu.memory_space<vmem>>
    %dma_wait3A_707 = tpu.memref_slice %arg6[%add3A_667] : memref<3276800xf32, #tpu.memory_space<hbm>> -> memref<128xf32, #tpu.memory_space<hbm>>
    %dma_wait3A_708 = tpu.memref_slice %arg6[%add3A_667] : memref<3276800xf32, #tpu.memory_space<hbm>> -> memref<128xf32, #tpu.memory_space<hbm>>
    %dma_wait3A_709 = arith.constant 0 : i32
    %dma_wait3A_710 = tpu.memref_slice %arg15[%rem3A_610, %dma_wait3A_703, %dma_wait3A_709] : memref<4x4x128xf32, #tpu.memory_space<vmem>> -> memref<1x1x128xf32, #tpu.memory_space<vmem>>
    %dma_wait3A_711 = tpu.memref_squeeze %dma_wait3A_710 : memref<1x1x128xf32, #tpu.memory_space<vmem>> -> memref<128xf32, #tpu.memory_space<vmem>>
    tpu.wait_dma2 semaphore(%arg20 : memref<!tpu.dma_semaphore, #tpu.memory_space<semaphore_mem>>) src(%dma_wait3A_711 : memref<128xf32, #tpu.memory_space<vmem>>) dst(%dma_wait3A_708 : memref<128xf32, #tpu.memory_space<hbm>>)
    %rem3A_712 = arith.constant 198 : i32
    %rem3A_713 = arith.constant 4 : i32
    %rem3A_714 = arith.remsi %rem3A_712, %rem3A_713 : i32
    %add3A_715 = arith.constant 25344 : i32
    %add3A_716 = arith.addi %mul3A_2, %add3A_715 : i32
    %jit3A_717 = arith.constant 4096 : i32
    %div3A_718 = arith.divsi %add3A_716, %jit3A_717 : i32
    %sign3A_719 = arith.constant 0 : i32
    %sign3A_720 = arith.cmpi sgt, %add3A_716, %sign3A_719 : i32
    %sign3A_721 = arith.extui %sign3A_720 : i1 to i32
    %sign3A_722 = arith.constant 0 : i32
    %sign3A_723 = arith.cmpi slt, %add3A_716, %sign3A_722 : i32
    %sign3A_724 = arith.extui %sign3A_723 : i1 to i32
    %sign3A_725 = arith.subi %sign3A_721, %sign3A_724 : i32
    %sign3A_726 = arith.constant 0 : i32
    %sign3A_727 = arith.cmpi sgt, %jit3A_717, %sign3A_726 : i32
    %sign3A_728 = arith.extui %sign3A_727 : i1 to i32
    %sign3A_729 = arith.constant 0 : i32
    %sign3A_730 = arith.cmpi slt, %jit3A_717, %sign3A_729 : i32
    %sign3A_731 = arith.extui %sign3A_730 : i1 to i32
    %sign3A_732 = arith.subi %sign3A_728, %sign3A_731 : i32
    %ne3A_733 = arith.cmpi ne, %sign3A_725, %sign3A_732 : i32
    %rem3A_734 = arith.remsi %add3A_716, %jit3A_717 : i32
    %ne3A_735 = arith.constant 0 : i32
    %ne3A_736 = arith.cmpi ne, %rem3A_734, %ne3A_735 : i32
    %and3A_737 = arith.andi %ne3A_733, %ne3A_736 : i1
    %sub3A_738 = arith.constant 1 : i32
    %sub3A_739 = arith.subi %div3A_718, %sub3A_738 : i32
    %select_n3A_740 = arith.select %and3A_737, %sub3A_739, %div3A_718 : i32
    %mul3A_741 = arith.constant 4096 : i32
    %mul3A_742 = arith.muli %select_n3A_740, %mul3A_741 : i32
    %sub3A_743 = arith.subi %add3A_716, %mul3A_742 : i32
    %mul3A_744 = arith.constant 4 : i32
    %mul3A_745 = arith.muli %select_n3A_740, %mul3A_744 : i32
    %mul3A_746 = arith.constant 4096 : i32
    %mul3A_747 = arith.muli %mul3A_745, %mul3A_746 : i32
    %add3A_748 = arith.constant 0 : i32
    %add3A_749 = arith.addi %mul3A_747, %add3A_748 : i32
    %add3A_750 = arith.addi %add3A_749, %sub3A_743 : i32
    %mul3A_751 = arith.constant 4 : i32
    %mul3A_752 = arith.muli %select_n3A_740, %mul3A_751 : i32
    %mul3A_753 = arith.constant 4096 : i32
    %mul3A_754 = arith.muli %mul3A_752, %mul3A_753 : i32
    %add3A_755 = arith.constant 4096 : i32
    %add3A_756 = arith.addi %mul3A_754, %add3A_755 : i32
    %add3A_757 = arith.addi %add3A_756, %sub3A_743 : i32
    %mul3A_758 = arith.constant 4 : i32
    %mul3A_759 = arith.muli %select_n3A_740, %mul3A_758 : i32
    %mul3A_760 = arith.constant 4096 : i32
    %mul3A_761 = arith.muli %mul3A_759, %mul3A_760 : i32
    %add3A_762 = arith.constant 8192 : i32
    %add3A_763 = arith.addi %mul3A_761, %add3A_762 : i32
    %add3A_764 = arith.addi %add3A_763, %sub3A_743 : i32
    %mul3A_765 = arith.constant 4 : i32
    %mul3A_766 = arith.muli %select_n3A_740, %mul3A_765 : i32
    %mul3A_767 = arith.constant 4096 : i32
    %mul3A_768 = arith.muli %mul3A_766, %mul3A_767 : i32
    %add3A_769 = arith.constant 12288 : i32
    %add3A_770 = arith.addi %mul3A_768, %add3A_769 : i32
    %add3A_771 = arith.addi %add3A_770, %sub3A_743 : i32
    %dma_wait3A_772 = arith.constant 0 : i32
    %dma_wait3A_773 = tpu.memref_slice %arg14[%rem3A_714, %dma_wait3A_772] : memref<4x128xf32, #tpu.memory_space<vmem>> -> memref<1x128xf32, #tpu.memory_space<vmem>>
    %dma_wait3A_774 = tpu.memref_squeeze %dma_wait3A_773 : memref<1x128xf32, #tpu.memory_space<vmem>> -> memref<128xf32, #tpu.memory_space<vmem>>
    %dma_wait3A_775 = tpu.memref_slice %arg5[%add3A_716] : memref<819200xf32, #tpu.memory_space<hbm>> -> memref<128xf32, #tpu.memory_space<hbm>>
    %dma_wait3A_776 = tpu.memref_slice %arg5[%add3A_716] : memref<819200xf32, #tpu.memory_space<hbm>> -> memref<128xf32, #tpu.memory_space<hbm>>
    %dma_wait3A_777 = arith.constant 0 : i32
    %dma_wait3A_778 = tpu.memref_slice %arg14[%rem3A_714, %dma_wait3A_777] : memref<4x128xf32, #tpu.memory_space<vmem>> -> memref<1x128xf32, #tpu.memory_space<vmem>>
    %dma_wait3A_779 = tpu.memref_squeeze %dma_wait3A_778 : memref<1x128xf32, #tpu.memory_space<vmem>> -> memref<128xf32, #tpu.memory_space<vmem>>
    tpu.wait_dma2 semaphore(%arg20 : memref<!tpu.dma_semaphore, #tpu.memory_space<semaphore_mem>>) src(%dma_wait3A_779 : memref<128xf32, #tpu.memory_space<vmem>>) dst(%dma_wait3A_776 : memref<128xf32, #tpu.memory_space<hbm>>)
    %dma_wait3A_780 = arith.constant 0 : i32
    %dma_wait3A_781 = arith.constant 0 : i32
    %dma_wait3A_782 = tpu.memref_slice %arg15[%rem3A_714, %dma_wait3A_780, %dma_wait3A_781] : memref<4x4x128xf32, #tpu.memory_space<vmem>> -> memref<1x1x128xf32, #tpu.memory_space<vmem>>
    %dma_wait3A_783 = tpu.memref_squeeze %dma_wait3A_782 : memref<1x1x128xf32, #tpu.memory_space<vmem>> -> memref<128xf32, #tpu.memory_space<vmem>>
    %dma_wait3A_784 = tpu.memref_slice %arg6[%add3A_750] : memref<3276800xf32, #tpu.memory_space<hbm>> -> memref<128xf32, #tpu.memory_space<hbm>>
    %dma_wait3A_785 = tpu.memref_slice %arg6[%add3A_750] : memref<3276800xf32, #tpu.memory_space<hbm>> -> memref<128xf32, #tpu.memory_space<hbm>>
    %dma_wait3A_786 = arith.constant 0 : i32
    %dma_wait3A_787 = tpu.memref_slice %arg15[%rem3A_714, %dma_wait3A_780, %dma_wait3A_786] : memref<4x4x128xf32, #tpu.memory_space<vmem>> -> memref<1x1x128xf32, #tpu.memory_space<vmem>>
    %dma_wait3A_788 = tpu.memref_squeeze %dma_wait3A_787 : memref<1x1x128xf32, #tpu.memory_space<vmem>> -> memref<128xf32, #tpu.memory_space<vmem>>
    tpu.wait_dma2 semaphore(%arg20 : memref<!tpu.dma_semaphore, #tpu.memory_space<semaphore_mem>>) src(%dma_wait3A_788 : memref<128xf32, #tpu.memory_space<vmem>>) dst(%dma_wait3A_785 : memref<128xf32, #tpu.memory_space<hbm>>)
    %dma_wait3A_789 = arith.constant 1 : i32
    %dma_wait3A_790 = arith.constant 0 : i32
    %dma_wait3A_791 = tpu.memref_slice %arg15[%rem3A_714, %dma_wait3A_789, %dma_wait3A_790] : memref<4x4x128xf32, #tpu.memory_space<vmem>> -> memref<1x1x128xf32, #tpu.memory_space<vmem>>
    %dma_wait3A_792 = tpu.memref_squeeze %dma_wait3A_791 : memref<1x1x128xf32, #tpu.memory_space<vmem>> -> memref<128xf32, #tpu.memory_space<vmem>>
    %dma_wait3A_793 = tpu.memref_slice %arg6[%add3A_757] : memref<3276800xf32, #tpu.memory_space<hbm>> -> memref<128xf32, #tpu.memory_space<hbm>>
    %dma_wait3A_794 = tpu.memref_slice %arg6[%add3A_757] : memref<3276800xf32, #tpu.memory_space<hbm>> -> memref<128xf32, #tpu.memory_space<hbm>>
    %dma_wait3A_795 = arith.constant 0 : i32
    %dma_wait3A_796 = tpu.memref_slice %arg15[%rem3A_714, %dma_wait3A_789, %dma_wait3A_795] : memref<4x4x128xf32, #tpu.memory_space<vmem>> -> memref<1x1x128xf32, #tpu.memory_space<vmem>>
    %dma_wait3A_797 = tpu.memref_squeeze %dma_wait3A_796 : memref<1x1x128xf32, #tpu.memory_space<vmem>> -> memref<128xf32, #tpu.memory_space<vmem>>
    tpu.wait_dma2 semaphore(%arg20 : memref<!tpu.dma_semaphore, #tpu.memory_space<semaphore_mem>>) src(%dma_wait3A_797 : memref<128xf32, #tpu.memory_space<vmem>>) dst(%dma_wait3A_794 : memref<128xf32, #tpu.memory_space<hbm>>)
    %dma_wait3A_798 = arith.constant 2 : i32
    %dma_wait3A_799 = arith.constant 0 : i32
    %dma_wait3A_800 = tpu.memref_slice %arg15[%rem3A_714, %dma_wait3A_798, %dma_wait3A_799] : memref<4x4x128xf32, #tpu.memory_space<vmem>> -> memref<1x1x128xf32, #tpu.memory_space<vmem>>
    %dma_wait3A_801 = tpu.memref_squeeze %dma_wait3A_800 : memref<1x1x128xf32, #tpu.memory_space<vmem>> -> memref<128xf32, #tpu.memory_space<vmem>>
    %dma_wait3A_802 = tpu.memref_slice %arg6[%add3A_764] : memref<3276800xf32, #tpu.memory_space<hbm>> -> memref<128xf32, #tpu.memory_space<hbm>>
    %dma_wait3A_803 = tpu.memref_slice %arg6[%add3A_764] : memref<3276800xf32, #tpu.memory_space<hbm>> -> memref<128xf32, #tpu.memory_space<hbm>>
    %dma_wait3A_804 = arith.constant 0 : i32
    %dma_wait3A_805 = tpu.memref_slice %arg15[%rem3A_714, %dma_wait3A_798, %dma_wait3A_804] : memref<4x4x128xf32, #tpu.memory_space<vmem>> -> memref<1x1x128xf32, #tpu.memory_space<vmem>>
    %dma_wait3A_806 = tpu.memref_squeeze %dma_wait3A_805 : memref<1x1x128xf32, #tpu.memory_space<vmem>> -> memref<128xf32, #tpu.memory_space<vmem>>
    tpu.wait_dma2 semaphore(%arg20 : memref<!tpu.dma_semaphore, #tpu.memory_space<semaphore_mem>>) src(%dma_wait3A_806 : memref<128xf32, #tpu.memory_space<vmem>>) dst(%dma_wait3A_803 : memref<128xf32, #tpu.memory_space<hbm>>)
    %dma_wait3A_807 = arith.constant 3 : i32
    %dma_wait3A_808 = arith.constant 0 : i32
    %dma_wait3A_809 = tpu.memref_slice %arg15[%rem3A_714, %dma_wait3A_807, %dma_wait3A_808] : memref<4x4x128xf32, #tpu.memory_space<vmem>> -> memref<1x1x128xf32, #tpu.memory_space<vmem>>
    %dma_wait3A_810 = tpu.memref_squeeze %dma_wait3A_809 : memref<1x1x128xf32, #tpu.memory_space<vmem>> -> memref<128xf32, #tpu.memory_space<vmem>>
    %dma_wait3A_811 = tpu.memref_slice %arg6[%add3A_771] : memref<3276800xf32, #tpu.memory_space<hbm>> -> memref<128xf32, #tpu.memory_space<hbm>>
    %dma_wait3A_812 = tpu.memref_slice %arg6[%add3A_771] : memref<3276800xf32, #tpu.memory_space<hbm>> -> memref<128xf32, #tpu.memory_space<hbm>>
    %dma_wait3A_813 = arith.constant 0 : i32
    %dma_wait3A_814 = tpu.memref_slice %arg15[%rem3A_714, %dma_wait3A_807, %dma_wait3A_813] : memref<4x4x128xf32, #tpu.memory_space<vmem>> -> memref<1x1x128xf32, #tpu.memory_space<vmem>>
    %dma_wait3A_815 = tpu.memref_squeeze %dma_wait3A_814 : memref<1x1x128xf32, #tpu.memory_space<vmem>> -> memref<128xf32, #tpu.memory_space<vmem>>
    tpu.wait_dma2 semaphore(%arg20 : memref<!tpu.dma_semaphore, #tpu.memory_space<semaphore_mem>>) src(%dma_wait3A_815 : memref<128xf32, #tpu.memory_space<vmem>>) dst(%dma_wait3A_812 : memref<128xf32, #tpu.memory_space<hbm>>)
    %rem3A_816 = arith.constant 199 : i32
    %rem3A_817 = arith.constant 4 : i32
    %rem3A_818 = arith.remsi %rem3A_816, %rem3A_817 : i32
    %add3A_819 = arith.constant 25472 : i32
    %add3A_820 = arith.addi %mul3A_2, %add3A_819 : i32
    %jit3A_821 = arith.constant 4096 : i32
    %div3A_822 = arith.divsi %add3A_820, %jit3A_821 : i32
    %sign3A_823 = arith.constant 0 : i32
    %sign3A_824 = arith.cmpi sgt, %add3A_820, %sign3A_823 : i32
    %sign3A_825 = arith.extui %sign3A_824 : i1 to i32
    %sign3A_826 = arith.constant 0 : i32
    %sign3A_827 = arith.cmpi slt, %add3A_820, %sign3A_826 : i32
    %sign3A_828 = arith.extui %sign3A_827 : i1 to i32
    %sign3A_829 = arith.subi %sign3A_825, %sign3A_828 : i32
    %sign3A_830 = arith.constant 0 : i32
    %sign3A_831 = arith.cmpi sgt, %jit3A_821, %sign3A_830 : i32
    %sign3A_832 = arith.extui %sign3A_831 : i1 to i32
    %sign3A_833 = arith.constant 0 : i32
    %sign3A_834 = arith.cmpi slt, %jit3A_821, %sign3A_833 : i32
    %sign3A_835 = arith.extui %sign3A_834 : i1 to i32
    %sign3A_836 = arith.subi %sign3A_832, %sign3A_835 : i32
    %ne3A_837 = arith.cmpi ne, %sign3A_829, %sign3A_836 : i32
    %rem3A_838 = arith.remsi %add3A_820, %jit3A_821 : i32
    %ne3A_839 = arith.constant 0 : i32
    %ne3A_840 = arith.cmpi ne, %rem3A_838, %ne3A_839 : i32
    %and3A_841 = arith.andi %ne3A_837, %ne3A_840 : i1
    %sub3A_842 = arith.constant 1 : i32
    %sub3A_843 = arith.subi %div3A_822, %sub3A_842 : i32
    %select_n3A_844 = arith.select %and3A_841, %sub3A_843, %div3A_822 : i32
    %mul3A_845 = arith.constant 4096 : i32
    %mul3A_846 = arith.muli %select_n3A_844, %mul3A_845 : i32
    %sub3A_847 = arith.subi %add3A_820, %mul3A_846 : i32
    %mul3A_848 = arith.constant 4 : i32
    %mul3A_849 = arith.muli %select_n3A_844, %mul3A_848 : i32
    %mul3A_850 = arith.constant 4096 : i32
    %mul3A_851 = arith.muli %mul3A_849, %mul3A_850 : i32
    %add3A_852 = arith.constant 0 : i32
    %add3A_853 = arith.addi %mul3A_851, %add3A_852 : i32
    %add3A_854 = arith.addi %add3A_853, %sub3A_847 : i32
    %mul3A_855 = arith.constant 4 : i32
    %mul3A_856 = arith.muli %select_n3A_844, %mul3A_855 : i32
    %mul3A_857 = arith.constant 4096 : i32
    %mul3A_858 = arith.muli %mul3A_856, %mul3A_857 : i32
    %add3A_859 = arith.constant 4096 : i32
    %add3A_860 = arith.addi %mul3A_858, %add3A_859 : i32
    %add3A_861 = arith.addi %add3A_860, %sub3A_847 : i32
    %mul3A_862 = arith.constant 4 : i32
    %mul3A_863 = arith.muli %select_n3A_844, %mul3A_862 : i32
    %mul3A_864 = arith.constant 4096 : i32
    %mul3A_865 = arith.muli %mul3A_863, %mul3A_864 : i32
    %add3A_866 = arith.constant 8192 : i32
    %add3A_867 = arith.addi %mul3A_865, %add3A_866 : i32
    %add3A_868 = arith.addi %add3A_867, %sub3A_847 : i32
    %mul3A_869 = arith.constant 4 : i32
    %mul3A_870 = arith.muli %select_n3A_844, %mul3A_869 : i32
    %mul3A_871 = arith.constant 4096 : i32
    %mul3A_872 = arith.muli %mul3A_870, %mul3A_871 : i32
    %add3A_873 = arith.constant 12288 : i32
    %add3A_874 = arith.addi %mul3A_872, %add3A_873 : i32
    %add3A_875 = arith.addi %add3A_874, %sub3A_847 : i32
    %dma_wait3A_876 = arith.constant 0 : i32
    %dma_wait3A_877 = tpu.memref_slice %arg14[%rem3A_818, %dma_wait3A_876] : memref<4x128xf32, #tpu.memory_space<vmem>> -> memref<1x128xf32, #tpu.memory_space<vmem>>
    %dma_wait3A_878 = tpu.memref_squeeze %dma_wait3A_877 : memref<1x128xf32, #tpu.memory_space<vmem>> -> memref<128xf32, #tpu.memory_space<vmem>>
    %dma_wait3A_879 = tpu.memref_slice %arg5[%add3A_820] : memref<819200xf32, #tpu.memory_space<hbm>> -> memref<128xf32, #tpu.memory_space<hbm>>
    %dma_wait3A_880 = tpu.memref_slice %arg5[%add3A_820] : memref<819200xf32, #tpu.memory_space<hbm>> -> memref<128xf32, #tpu.memory_space<hbm>>
    %dma_wait3A_881 = arith.constant 0 : i32
    %dma_wait3A_882 = tpu.memref_slice %arg14[%rem3A_818, %dma_wait3A_881] : memref<4x128xf32, #tpu.memory_space<vmem>> -> memref<1x128xf32, #tpu.memory_space<vmem>>
    %dma_wait3A_883 = tpu.memref_squeeze %dma_wait3A_882 : memref<1x128xf32, #tpu.memory_space<vmem>> -> memref<128xf32, #tpu.memory_space<vmem>>
    tpu.wait_dma2 semaphore(%arg20 : memref<!tpu.dma_semaphore, #tpu.memory_space<semaphore_mem>>) src(%dma_wait3A_883 : memref<128xf32, #tpu.memory_space<vmem>>) dst(%dma_wait3A_880 : memref<128xf32, #tpu.memory_space<hbm>>)
    %dma_wait3A_884 = arith.constant 0 : i32
    %dma_wait3A_885 = arith.constant 0 : i32
    %dma_wait3A_886 = tpu.memref_slice %arg15[%rem3A_818, %dma_wait3A_884, %dma_wait3A_885] : memref<4x4x128xf32, #tpu.memory_space<vmem>> -> memref<1x1x128xf32, #tpu.memory_space<vmem>>
    %dma_wait3A_887 = tpu.memref_squeeze %dma_wait3A_886 : memref<1x1x128xf32, #tpu.memory_space<vmem>> -> memref<128xf32, #tpu.memory_space<vmem>>
    %dma_wait3A_888 = tpu.memref_slice %arg6[%add3A_854] : memref<3276800xf32, #tpu.memory_space<hbm>> -> memref<128xf32, #tpu.memory_space<hbm>>
    %dma_wait3A_889 = tpu.memref_slice %arg6[%add3A_854] : memref<3276800xf32, #tpu.memory_space<hbm>> -> memref<128xf32, #tpu.memory_space<hbm>>
    %dma_wait3A_890 = arith.constant 0 : i32
    %dma_wait3A_891 = tpu.memref_slice %arg15[%rem3A_818, %dma_wait3A_884, %dma_wait3A_890] : memref<4x4x128xf32, #tpu.memory_space<vmem>> -> memref<1x1x128xf32, #tpu.memory_space<vmem>>
    %dma_wait3A_892 = tpu.memref_squeeze %dma_wait3A_891 : memref<1x1x128xf32, #tpu.memory_space<vmem>> -> memref<128xf32, #tpu.memory_space<vmem>>
    tpu.wait_dma2 semaphore(%arg20 : memref<!tpu.dma_semaphore, #tpu.memory_space<semaphore_mem>>) src(%dma_wait3A_892 : memref<128xf32, #tpu.memory_space<vmem>>) dst(%dma_wait3A_889 : memref<128xf32, #tpu.memory_space<hbm>>)
    %dma_wait3A_893 = arith.constant 1 : i32
    %dma_wait3A_894 = arith.constant 0 : i32
    %dma_wait3A_895 = tpu.memref_slice %arg15[%rem3A_818, %dma_wait3A_893, %dma_wait3A_894] : memref<4x4x128xf32, #tpu.memory_space<vmem>> -> memref<1x1x128xf32, #tpu.memory_space<vmem>>
    %dma_wait3A_896 = tpu.memref_squeeze %dma_wait3A_895 : memref<1x1x128xf32, #tpu.memory_space<vmem>> -> memref<128xf32, #tpu.memory_space<vmem>>
    %dma_wait3A_897 = tpu.memref_slice %arg6[%add3A_861] : memref<3276800xf32, #tpu.memory_space<hbm>> -> memref<128xf32, #tpu.memory_space<hbm>>
    %dma_wait3A_898 = tpu.memref_slice %arg6[%add3A_861] : memref<3276800xf32, #tpu.memory_space<hbm>> -> memref<128xf32, #tpu.memory_space<hbm>>
    %dma_wait3A_899 = arith.constant 0 : i32
    %dma_wait3A_900 = tpu.memref_slice %arg15[%rem3A_818, %dma_wait3A_893, %dma_wait3A_899] : memref<4x4x128xf32, #tpu.memory_space<vmem>> -> memref<1x1x128xf32, #tpu.memory_space<vmem>>
    %dma_wait3A_901 = tpu.memref_squeeze %dma_wait3A_900 : memref<1x1x128xf32, #tpu.memory_space<vmem>> -> memref<128xf32, #tpu.memory_space<vmem>>
    tpu.wait_dma2 semaphore(%arg20 : memref<!tpu.dma_semaphore, #tpu.memory_space<semaphore_mem>>) src(%dma_wait3A_901 : memref<128xf32, #tpu.memory_space<vmem>>) dst(%dma_wait3A_898 : memref<128xf32, #tpu.memory_space<hbm>>)
    %dma_wait3A_902 = arith.constant 2 : i32
    %dma_wait3A_903 = arith.constant 0 : i32
    %dma_wait3A_904 = tpu.memref_slice %arg15[%rem3A_818, %dma_wait3A_902, %dma_wait3A_903] : memref<4x4x128xf32, #tpu.memory_space<vmem>> -> memref<1x1x128xf32, #tpu.memory_space<vmem>>
    %dma_wait3A_905 = tpu.memref_squeeze %dma_wait3A_904 : memref<1x1x128xf32, #tpu.memory_space<vmem>> -> memref<128xf32, #tpu.memory_space<vmem>>
    %dma_wait3A_906 = tpu.memref_slice %arg6[%add3A_868] : memref<3276800xf32, #tpu.memory_space<hbm>> -> memref<128xf32, #tpu.memory_space<hbm>>
    %dma_wait3A_907 = tpu.memref_slice %arg6[%add3A_868] : memref<3276800xf32, #tpu.memory_space<hbm>> -> memref<128xf32, #tpu.memory_space<hbm>>
    %dma_wait3A_908 = arith.constant 0 : i32
    %dma_wait3A_909 = tpu.memref_slice %arg15[%rem3A_818, %dma_wait3A_902, %dma_wait3A_908] : memref<4x4x128xf32, #tpu.memory_space<vmem>> -> memref<1x1x128xf32, #tpu.memory_space<vmem>>
    %dma_wait3A_910 = tpu.memref_squeeze %dma_wait3A_909 : memref<1x1x128xf32, #tpu.memory_space<vmem>> -> memref<128xf32, #tpu.memory_space<vmem>>
    tpu.wait_dma2 semaphore(%arg20 : memref<!tpu.dma_semaphore, #tpu.memory_space<semaphore_mem>>) src(%dma_wait3A_910 : memref<128xf32, #tpu.memory_space<vmem>>) dst(%dma_wait3A_907 : memref<128xf32, #tpu.memory_space<hbm>>)
    %dma_wait3A_911 = arith.constant 3 : i32
    %dma_wait3A_912 = arith.constant 0 : i32
    %dma_wait3A_913 = tpu.memref_slice %arg15[%rem3A_818, %dma_wait3A_911, %dma_wait3A_912] : memref<4x4x128xf32, #tpu.memory_space<vmem>> -> memref<1x1x128xf32, #tpu.memory_space<vmem>>
    %dma_wait3A_914 = tpu.memref_squeeze %dma_wait3A_913 : memref<1x1x128xf32, #tpu.memory_space<vmem>> -> memref<128xf32, #tpu.memory_space<vmem>>
    %dma_wait3A_915 = tpu.memref_slice %arg6[%add3A_875] : memref<3276800xf32, #tpu.memory_space<hbm>> -> memref<128xf32, #tpu.memory_space<hbm>>
    %dma_wait3A_916 = tpu.memref_slice %arg6[%add3A_875] : memref<3276800xf32, #tpu.memory_space<hbm>> -> memref<128xf32, #tpu.memory_space<hbm>>
    %dma_wait3A_917 = arith.constant 0 : i32
    %dma_wait3A_918 = tpu.memref_slice %arg15[%rem3A_818, %dma_wait3A_911, %dma_wait3A_917] : memref<4x4x128xf32, #tpu.memory_space<vmem>> -> memref<1x1x128xf32, #tpu.memory_space<vmem>>
    %dma_wait3A_919 = tpu.memref_squeeze %dma_wait3A_918 : memref<1x1x128xf32, #tpu.memory_space<vmem>> -> memref<128xf32, #tpu.memory_space<vmem>>
    tpu.wait_dma2 semaphore(%arg20 : memref<!tpu.dma_semaphore, #tpu.memory_space<semaphore_mem>>) src(%dma_wait3A_919 : memref<128xf32, #tpu.memory_space<vmem>>) dst(%dma_wait3A_916 : memref<128xf32, #tpu.memory_space<hbm>>)
    return
  }
}

</mosaic_0001>

<sc_bundles>
// kernel: kernel.3.cloned.1.call-start
scs
__scs_entry_jumppad:
0x0: {  	(pc) =	sbr.rel $0x88, $3  }
0x1: {  	(tag) =	ssettag $0x0;
	lr =	simm.s32 $0x1  }
0x2: {  	[smem:$0x3F9E] =	sst lr;
	_ =	strace $0xD0000000  }
0x3: {  	_ = 	snop  }
0x4: {  	_ = 	snop  }
0x5: {  	_ = 	snop  }
0x6: {  	_ = 	snop  }
0x7: {  	_ = 	snop  }
__scs_overlays_trampoline_lowered:
0x8: {  	[smem:$0x3FAD] =	sst s0  }
0x9: {  	[smem:$0x3FAE] =	sst s1  }
0xa: {  	[smem:$0x3FAF] =	sst s2  }
0xb: {  	[smem:$0x3FB0] =	sst s3  }
0xc: {  	[smem:$0x3FB1] =	sst s4  }
0xd: {  	[smem:$0x3FB2] =	sst s5  }
0xe: {  	[smem:$0x3FB3] =	sst s6  }
0xf: {  	[smem:$0x3FB4] =	sst s7  }
0x10: {  	[smem:$0x3FB5] =	sst s8  }
0x11: {  	[smem:$0x3FB6] =	sst s9;
	s0 =	simm.s32 @!p0 $0x0  }
0x12: {  	s1 =	sld [smem:$0x3F9C];
	s0 =	simm.s32 @p0 $0x1  }
0x13: {  	[smem:$0x3FB7] =	sst s0;
	s0 =	simm.s32 @!p1 $0x0  }
0x14: {  	s2 =	sld [smem:$0x3F9B];
	s0 =	simm.s32 @p1 $0x1  }
0x15: {  	[smem:$0x3FB8] =	sst s0;
	s0 =	simm.s32 @!p2 $0x0  }
0x16: {  	s3 =	sld [smem:$0x3FDB];
	s0 =	simm.s32 @p2 $0x1  }
0x17: {  	s4 =	simm.s32 $0x1BF5;
	[smem:$0x3FBA] =	sst s0  }
0x18: {  	s0 =	sld [smem:$0x3F9D];
	_ =	swait.ge [sflag:s4], $0x0  }
0x19: {  	s7 =	sld [smem:$0x3F9E]  }
0x1a: {  	s8 =	sadd.s32 $0xFFFFE003, lr  }
0x1b: {  	s9 =	sadd.s32 $0xFFFFFEF7, lr;
	s5 =	simm.s32 $0xFFFFFFFF;
	p2 =	slt.u32 s8, $0xFFFFF086  }
0x1c: {  	p1 =	slt.u32 s9, $0xF7A;
	s5 =	simm.s32 @!p2 $0x0  }
0x1d: {  	s5 =	simm.s32 @p1 $0x1;
	p0 =	seq.s32 s7, s2  }
0x1e: {  	s7 =	smul.u32 @!p0 $0xF7A, s2;
	p2 =	seq.s32 @!p0 s5, $0x0  }
0x1f: {  	s9 =	smul.u32 $0xF7A, s1;
	s8 =	simm.s32 @!p0 $0x1BF5;
	p2 =	por !p2, p0  }
0x20: {  	[sflag:s8] =	ssyncset.s32 @!p0 $0xFFFFF086;
	s6 =	sadd.s32 @!p0 s3, s7;
	s7 =	simm.s32 @!p0 $0x108  }
0x21: {  	s3 =	sadd.s32 s3, s9;
	s6 =	sadd.s32 @!p0 $0x88, s6;
	s7 =	simm.s32 @p2 $0x1082  }
0x22: {  	[simem:s7], [sflag:s8] =	dma.local @!p0 [hbm:s6], $0xF7A  }
0x23: {  	s9 =	sor.u32 $0xD0000000, s2;
	s6 =	simm.s32 $0x108;
	_ =	swait.ge @!p0 [sflag:s8], $0x0  }
0x24: {  	s3 =	sadd.s32 $0x88, s3;
	s6 =	simm.s32 @!p1 $0x1082;
	[sflag:s4] =	ssyncset.s32 $0xFFFFF086  }
0x25: {  	[simem:s6], [sflag:s4] =	dma.local [hbm:s3], $0xF7A  }
0x26: {  	[smem:$0x3F9E] =	sst s1;
	(tag) =	ssettag s2;
	_ =	strace s9  }
0x27: {  	s1 =	sld [smem:$0x3FAE]  }
0x28: {  	s2 =	sld [smem:$0x3FAF]  }
0x29: {  	s4 =	sld [smem:$0x3FB1]  }
0x2a: {  	p0 =	seq.s32 s5, $0x0;
	s5 =	sld [smem:$0x3FB2]  }
0x2b: {  	s6 =	sld [smem:$0x3FB3]  }
0x2c: {  	s7 =	sld [smem:$0x3FB4]  }
0x2d: {  	s3 =	simm.s32 $0x108;
	s8 =	sld [smem:$0x3FB5]  }
0x2e: {  	s3 =	simm.s32 @!p0 $0x1082;
	s9 =	sld [smem:$0x3FB6]  }
0x2f: {  	lr =	sadd.s32 s0, s3;
	s0 =	sld [smem:$0x3FAD]  }
0x30: {  	s3 =	sld [smem:$0x3FB0]  }
0x31: {  	[smem:$0x3FB9] =	sst s10  }
0x32: {  	s10 =	sld [smem:$0x3FB7];
	_ =	sdelay $0x3  }
0x33: {  	p0 =	seq.s32 s10, $0x1;
	s10 =	sld [smem:$0x3FB9];
	_ =	sdelay $0x3  }
0x34: {  	[smem:$0x3FB9] =	sst s10  }
0x35: {  	s10 =	sld [smem:$0x3FB8];
	_ =	sdelay $0x3  }
0x36: {  	p1 =	seq.s32 s10, $0x1;
	s10 =	sld [smem:$0x3FB9];
	_ =	sdelay $0x3  }
0x37: {  	[smem:$0x3FB9] =	sst s10  }
0x38: {  	s10 =	sld [smem:$0x3FBA]  }
0x39: {  	_ = 	snop;
	(pc) =	sbr.ind lr, $3  }
0x3a: {  	_ = 	snop  }
0x3b: {  	_ = 	snop  }
0x3c: {  	p2 =	seq.s32 s10, $0x1;
	s10 =	sld [smem:$0x3FB9]  }
0x3d: {  	_ =	shalt  }
0x3e: {  	_ =	shalt  }
0x3f: {  	_ =	shalt  }
0x40: {  	_ =	shalt  }
0x41: {  	_ =	shalt  }
0x42: {  	_ =	shalt  }
0x43: {  	_ =	shalt  }
0x44: {  	_ =	shalt  }
0x45: {  	_ =	shalt  }
0x46: {  	_ =	shalt  }
0x47: {  	_ =	shalt  }
0x48: {  	_ =	shalt  }
0x49: {  	_ =	shalt  }
0x4a: {  	_ =	shalt  }
0x4b: {  	_ =	shalt  }
0x4c: {  	_ =	shalt  }
0x4d: {  	_ =	shalt  }
0x4e: {  	_ =	shalt  }
0x4f: {  	_ =	shalt  }
0x50: {  	_ =	shalt  }
0x51: {  	_ =	shalt  }
0x52: {  	_ =	shalt  }
0x53: {  	_ =	shalt  }
0x54: {  	_ =	shalt  }
0x55: {  	_ =	shalt  }
0x56: {  	_ =	shalt  }
0x57: {  	_ =	shalt  }
0x58: {  	_ =	shalt  }
0x59: {  	_ =	shalt  }
0x5a: {  	_ =	shalt  }
0x5b: {  	_ =	shalt  }
0x5c: {  	_ =	shalt  }
0x5d: {  	_ =	shalt  }
0x5e: {  	_ =	shalt  }
0x5f: {  	_ =	shalt  }
0x60: {  	_ =	shalt  }
0x61: {  	_ =	shalt  }
0x62: {  	_ =	shalt  }
0x63: {  	_ =	shalt  }
0x64: {  	_ =	shalt  }
0x65: {  	_ =	shalt  }
0x66: {  	_ =	shalt  }
0x67: {  	_ =	shalt  }
0x68: {  	_ =	shalt  }
0x69: {  	_ =	shalt  }
0x6a: {  	_ =	shalt  }
0x6b: {  	_ =	shalt  }
0x6c: {  	_ =	shalt  }
0x6d: {  	_ =	shalt  }
0x6e: {  	_ =	shalt  }
0x6f: {  	_ =	shalt  }
0x70: {  	_ =	shalt  }
0x71: {  	_ =	shalt  }
0x72: {  	_ =	shalt  }
0x73: {  	_ =	shalt  }
0x74: {  	_ =	shalt  }
0x75: {  	_ =	shalt  }
0x76: {  	_ =	shalt  }
0x77: {  	_ =	shalt  }
0x78: {  	_ =	shalt  }
0x79: {  	_ =	shalt  }
0x7a: {  	_ =	shalt  }
0x7b: {  	_ =	shalt  }
0x7c: {  	_ =	shalt  }
0x7d: {  	_ =	shalt  }
0x7e: {  	_ =	shalt  }
0x7f: {  	_ =	shalt  }
0x80: {  	_ =	shalt  }
0x81: {  	_ =	shalt  }
0x82: {  	_ =	shalt  }
0x83: {  	_ =	shalt  }
0x84: {  	_ =	shalt  }
0x85: {  	_ =	shalt  }
0x86: {  	_ =	shalt  }
0x87: {  	_ =	shalt  }
.Lfunc_end0:
.L_simem_size_0:
called_computation_lowered:
.L_overlay_start_0:
0x88: {  	s2 =	sld [smem:$0x3FD9]  }
0x89: {  	s3 =	sld [smem:$0x3FFE];
	_ =	sdelay $0x1  }
0x8a: {  	s1 =	srdreg.scid  }
0x8b: {  	s0 =	sand.u32 $0x1, s1  }
0x8c: {  	s15 =	sshll.u32 s0, $0xA;
	s2 =	sadd.s32 s3, s2  }
0x8d: {  	s3 =	sadd.s32 s2, s15  }
0x8e: {  	[smem:$0x3FC5] =	sst s3  }
0x8f: {  	_ = 	snop  }
0x90: {  	s3 =	sld [smem:$0x3FD0];
	_ =	sdelay $0x1  }
0x91: {  	s4 =	sld [smem:$0x3FC8]  }
0x92: {  	s6 =	simm.s32 $0xA;
	s7 =	simm.s32 $0x10;
	s5 =	sld [smem:$0x3FC7]  }
0x93: {  	[smem:s7], [sflag:s6] =	dma.local [hbm:s3], $0x1  }
0x94: {  	_ =	swait.eq [sflag:s6], $0x1  }
0x95: {  	[sflag:s6] =	ssyncset.done $0x0  }
0x96: {  	[sflag:s6] =	ssyncadd.s32 $0xFFFFFFFF  }
0x97: {  	s16 =	sld [smem:$0x11];
	(tm) =	ssettm $0x1  }
0x98: {  	s17 =	sld [smem:$0x3FFB];
	_ =	sdelay $0x3  }
0x99: {  	_ =	strace s17  }
0x9a: {  	s6 =	sld [smem:$0x3FFC];
	_ =	sdelay $0x3  }
0x9b: {  	_ =	strace s6  }
0x9c: {  	s6 =	sld [smem:$0x3FFD];
	_ =	sdelay $0x3  }
0x9d: {  	_ =	strace s6  }
0x9e: {  	_ =	strace $0x8FFFFFFF  }
0x9f: {  	s18 =	sld [smem:$0x3FDB];
	_ =	sdelay $0x1  }
0xa0: {  	s19 =	simm.s32 $_scs_section_size  }
0xa1: {  	s8 =	simm.s32 $_size__tile_overlayer_lowered;
	s9 =	simm.s32 $_tile_overlayer_lowered  }
0xa2: {  	s22 =	simm.s32 $0x1BFF;
	s21 =	sshll.u32 s9, $0x1;
	s6 =	sadd.s32 s19, s18  }
0xa3: {  	s10 =	simm.s32 $0x0;
	s20 =	sshll.u32 s8, $0x1;
	s8 =	sadd.s32 s21, s6  }
0xa4: {  	[timem:s10], [sflag:s22] =	dma.local [hbm:s8], s20  }
0xa5: {  	_ =	swait.ge [sflag:s22], s20  }
0xa6: {  	s7 =	ssub.s32 $0x0, s20;
	[sflag:s22] =	ssyncset.done $0x0  }
0xa7: {  	[sflag:s22] =	ssyncadd.s32 s7;
	_ =	sdelay $0x1  }
0xa8: {  	s23 =	simm.s32 $0x1B8B  }
0xa9: {  	_ =	swait.ge [sflag:s23], $0x1  }
0xaa: {  	[sflag:s23] =	ssyncset.done $0x0  }
0xab: {  	s25 =	simm.s32 $0x1B8E;
	s24 =	sld [smem:$0x3FFE];
	[sflag:s23] =	ssyncadd.s32 $0xFFFFFFFF  }
0xac: {  	s26 =	simm.s32 $execute0_lowered;
	[smem:$0x3FD2] =	sst s25  }
0xad: {  	s8 =	sshll.u32 s26, $0x1;
	_ =	strace $0x80000046;
	[dreg:$0x1] =	wrdreg $0xFFFFFFFF  }
0xae: {  	s28 =	simm.s32 $_size_execute0_lowered;
	s6 =	sadd.s32 s6, s8;
	[dreg:$0x0] =	wrdreg $0x0  }
0xaf: {  	s8 =	sshll.u32 s28, $0x1;
	[dreg:$0x2] =	wrdreg s6  }
0xb0: {  	[dreg:$0x3] =	wrdreg s8  }
0xb1: {  	[dreg:$0x4] =	wrdreg $0xC0  }
0xb2: {  	_ =	task [dreg:s10], $0x5FFFF  }
0xb3: {  	[dreg:$0x1] =	wrdreg $0xFFFFFFFF  }
0xb4: {  	[dreg:$0x0] =	wrdreg $0x60  }
0xb5: {  	[dreg:$0x2] =	wrdreg s16  }
0xb6: {  	[dreg:$0x3] =	wrdreg s4  }
0xb7: {  	[dreg:$0x4] =	wrdreg s5  }
0xb8: {  	s2 =	sadd.s32 $0x800, s2;
	[dreg:$0x5] =	wrdreg s24  }
0xb9: {  	[dreg:$0x6] =	wrdreg s2  }
0xba: {  	[dreg:$0x7] =	wrdreg $0x9  }
0xbb: {  	_ =	task.clear_ibuf [dreg:s10], $0x8FFFF;
	_ =	strace $0x90000046  }
0xbc: {  	s29 =	simm.s32 $0x9;
	_ =	strace $0x80000048  }
0xbd: {  	_ =	swait.ge [sflag:s29], $0x1  }
0xbe: {  	[sflag:s29] =	ssyncadd.s32 $0xFFFFFFFF  }
0xbf: {  	_ =	strace $0x90000048  }
0xc0: {  	_ =	sfence  }
0xc1: {  	s30 =	sld [smem:$0x0];
	_ =	sdelay $0x2  }
0xc2: {  	s31 =	sshll.u32 s1, $0xD;
	s1 =	sshrl.u32 s1, $0x2  }
0xc3: {  	s3 =	sand.u32 $0x4000, s31;
	s1 =	sadd.s32 s1, s30  }
0xc4: {  	s0 =	sor.u32 s3, s0;
	s1 =	sshll.u32 s1, $0x11  }
0xc5: {  	s0 =	sor.u32 s1, s0  }
0xc6: {  	s0 =	sadd.s32 $0x8F2B, s0  }
0xc7: {  	[sflag:s0] =	ssyncadd.remote.s32 $0x1  }
0xc8: {  	_ =	sfence.sel $0xFFFF  }
0xc9: {  	[dreg:$0x0] =	wrdreg $0xFFFFFFFF;
	(pc) =	sbr.abs _section_cstart, $3  }
0xca: {  	[dreg:$0x1] =	wrdreg $0xFFFFFFFF  }
0xcb: {  	_ =	task.clear_ibuf [dreg:s10], $0x2FFFF;
	_ =	strace $0x9FFFFFFF  }
0xcc: {  	(tm) =	ssettm $0x7FFFFFFF  }
0xcd: {  	_ =	shalt  }
tec
execute0_lowered:
.L_overlay_start_1:
0x0: {  	(tag) =	ssettag $0x1  }
0x1: {  	s11 =	rddreg [dreg:$0x0]  }
0x2: {  	s15 =	rddreg [dreg:$0x1]  }
0x3: {  	s16 =	rddreg [dreg:$0x2]  }
0x4: {  	s0 =	rddreg [dreg:$0x3]  }
0x5: {  	s4 =	rddreg [dreg:$0x4];
	s5 =	simm.s32 $0x0;
	s12 =	stileid.u32  }
0x6: {  	s1 =	srdreg.scid;
	[smem:$0x7FF] =	sst s5;
	s14 =	sshll.u32 s12, $0xE  }
0x7: {  	s1 =	sand.u32 $0x1, s1;
	s13 =	sadd.s32 $0x80000, s16;
	s17 =	sadd.s32 s15, s14  }
0x8: {  	_ =	strace $0x80000047;
	s20 =	sadd.s32 s14, s13;
	[dreg:$0x6] =	wrdreg s17  }
0x9: {  	s6 =	sshll.u32 s12, $0x1;
	s18 =	sadd.s32 s16, s14;
	[dreg:$0x9] =	wrdreg s20  }
0xa: {  	s2 =	ssub.s32 $0x2, s1;
	s19 =	sadd.s32 $0x40000, s18;
	[dreg:$0x7] =	wrdreg s18  }
0xb: {  	s1 =	sor.u32 s1, s6;
	s21 =	sadd.s32 $0xC0000, s18;
	[dreg:$0x8] =	wrdreg s19  }
0xc: {  	s9 =	smul.u32 $0x6400, s1;
	s23 =	sadd.s32 $0x40100, s18;
	[dreg:$0xa] =	wrdreg s21  }
0xd: {  	s1 =	sor.u32 $0x100, s14;
	s24 =	sadd.s32 $0x80100, s18;
	[dreg:$0xd] =	wrdreg s23  }
0xe: {  	s3 =	sshrl.u32 s2, $0x1;
	s22 =	sadd.s32 s15, s1;
	[dreg:$0xe] =	wrdreg s24  }
0xf: {  	s2 =	ssub.s32 s2, s3;
	s1 =	sadd.s32 s16, s1;
	[dreg:$0xb] =	wrdreg s22  }
0x10: {  	[dreg:$0xc] =	wrdreg s1;
	s26 =	smax.u32 s2, $0x1  }
0x11: {  	s25 =	sshrl.u32 s9, $0x3;
	s2 =	sadd.s32 $0xC0100, s18;
	[dreg:$0x10] =	wrdreg s26  }
0x12: {  	s1 =	sadd.s32 s11, s25;
	[dreg:$0x11] =	wrdreg s2  }
0x13: {  	s29 =	simm.s32 $0x80;
	s26 =	sor.u32 $0x200, s9;
	[dreg:$0xf] =	wrdreg s1  }
0x14: {  	s30 =	simm.s32 $0xE4A0;
	s3 =	sadd.s32 $0x19000, s1;
	[dreg:$0x1d] =	wrdreg s26  }
0x15: {  	s31 =	simm.s32 $0x4;
	s6 =	sadd.s32 $0x32000, s1;
	[dreg:$0x12] =	wrdreg s3  }
0x16: {  	s7 =	sadd.s32 $0x800, s0;
	s11 =	sadd.s32 $0x10, s1;
	[dreg:$0x13] =	wrdreg s6  }
0x17: {  	s10 =	sshll.u32 s12, $0x11;
	s12 =	sadd.s32 $0x19010, s1;
	[dreg:$0x14] =	wrdreg s11  }
0x18: {  	s8 =	sadd.s32 $0x19800, s0;
	s14 =	sadd.s32 $0x32010, s1;
	[dreg:$0x15] =	wrdreg s12  }
0x19: {  	s28 =	sor.u32 $0x1000, s10;
	s17 =	sadd.s32 $0x20, s1;
	[dreg:$0x16] =	wrdreg s14  }
0x1a: {  	s23 =	sadd.s32 $0x19C00, s0;
	s18 =	sadd.s32 $0x19020, s1;
	[dreg:$0x17] =	wrdreg s17  }
0x1b: {  	s24 =	sadd.s32 $0x19E00, s0;
	s19 =	sadd.s32 $0x32020, s1;
	[dreg:$0x18] =	wrdreg s18  }
0x1c: {  	s22 =	sadd.s32 $0x19A00, s0;
	s20 =	sadd.s32 $0x30, s1;
	[dreg:$0x19] =	wrdreg s19  }
0x1d: {  	s0 =	simm.s32 $0x5;
	s21 =	sadd.s32 $0x19030, s1;
	[dreg:$0x1a] =	wrdreg s20  }
0x1e: {  	v0 =	vlaneseq.u32;
	s2 =	simm.s32 $0x0;
	s25 =	sadd.s32 $0x32030, s1;
	[dreg:$0x1b] =	wrdreg s21  }
0x1f: {  	vm0 =	vmxor vm0, vm0;
	vm1 =	vcmask $0x3F3C;
	v0 =	vmul.u32 $0x8, v0;
	s26 =	simm.s32 $0x3;
	[dreg:$0x1c] =	wrdreg s25;
	s20 =	simm.s32 $0x1  }
.LBB2_1:
0x20: {  	[dreg:$0x1e] =	wrdreg s2  }
0x21: {  	s1 =	rddreg [dreg:$0x6]  }
0x22: {  	[tilespmem:s5], [sflag:$0x1] =	stream.linear.gather [hbm4b:s1+s5], $0x800, $0x38;
	[tilespmem:$0x12EA0] =	vst v63  }
0x23: {  	s11 =	rddreg [dreg:$0x7];
	s12 =	simm.s32 $0x810  }
0x24: {  	[tilespmem:s12], [sflag:$0x1] =	stream.linear.gather [hbm4b:s11+s5], $0x800, $0x38;
	[tilespmem:$0x12EA0] =	vst v63  }
0x25: {  	s14 =	rddreg [dreg:$0x8];
	s17 =	simm.s32 $0x1020  }
0x26: {  	[tilespmem:s17], [sflag:$0x1] =	stream.linear.gather [hbm4b:s14+s5], $0x800, $0x38;
	[tilespmem:$0x12EA0] =	vst v63  }
0x27: {  	s18 =	rddreg [dreg:$0x9];
	s19 =	simm.s32 $0x1830  }
0x28: {  	[tilespmem:s19], [sflag:$0x1] =	stream.linear.gather [hbm4b:s18+s5], $0x800, $0x38;
	[tilespmem:$0x12EA0] =	vst v63  }
0x29: {  	s21 =	rddreg [dreg:$0xa];
	s25 =	simm.s32 $0x2040  }
0x2a: {  	[tilespmem:s25], [sflag:$0x1] =	stream.linear.gather [hbm4b:s21+s5], $0x800, $0x38;
	[tilespmem:$0x12EA0] =	vst v63  }
0x2b: {  	s3 =	rddreg [dreg:$0xb];
	s6 =	simm.s32 $0x2850  }
0x2c: {  	[tilespmem:s6], [sflag:$0x1] =	stream.linear.gather [hbm4b:s3+s5], $0x800, $0x38;
	[tilespmem:$0x12EA0] =	vst v63  }
0x2d: {  	s11 =	rddreg [dreg:$0xc];
	s12 =	simm.s32 $0x3060  }
0x2e: {  	[tilespmem:s12], [sflag:$0x1] =	stream.linear.gather [hbm4b:s11+s5], $0x800, $0x38;
	[tilespmem:$0x12EA0] =	vst v63  }
0x2f: {  	s14 =	rddreg [dreg:$0xd];
	s17 =	simm.s32 $0x3870  }
0x30: {  	[tilespmem:s17], [sflag:$0x1] =	stream.linear.gather [hbm4b:s14+s5], $0x800, $0x38;
	[tilespmem:$0x12EA0] =	vst v63  }
0x31: {  	p0 =	por $0x0, $0x0;
	s18 =	rddreg [dreg:$0xe];
	s19 =	simm.s32 $0x4080  }
0x32: {  	[tilespmem:s19], [sflag:$0x1] =	stream.linear.gather [hbm4b:s18+s5], $0x800, $0x38;
	[tilespmem:$0x12EA0] =	vst v63  }
0x33: {  	s1 =	simm.s32 $0x0;
	s21 =	rddreg [dreg:$0x11];
	s25 =	simm.s32 $0x4890  }
0x34: {  	[tilespmem:s25], [sflag:$0x1] =	stream.linear.gather [hbm4b:s21+s5], $0x800, $0x38;
	[tilespmem:$0x12EA0] =	vst v63  }
.LBB2_2:
0x35: {  	_ =	swait.ge [sflag:s20], $0x800  }
0x36: {  	[sflag:s20] =	ssyncset.done $0x0  }
0x37: {  	[sflag:s20] =	ssyncadd.s32 $0xFFFFF800  }
0x38: {  	_ =	swait.ge [sflag:s20], $0x800  }
0x39: {  	[sflag:s20] =	ssyncset.done $0x0  }
0x3a: {  	[sflag:s20] =	ssyncadd.s32 $0xFFFFF800  }
0x3b: {  	_ =	swait.ge [sflag:s20], $0x800  }
0x3c: {  	[sflag:s20] =	ssyncset.done $0x0  }
0x3d: {  	[sflag:s20] =	ssyncadd.s32 $0xFFFFF800  }
0x3e: {  	_ =	swait.ge [sflag:s20], $0x800  }
0x3f: {  	[sflag:s20] =	ssyncset.done $0x0  }
0x40: {  	[sflag:s20] =	ssyncadd.s32 $0xFFFFF800  }
0x41: {  	s2 =	simm.s32 $0x1;
	_ =	swait.ge [sflag:s20], $0x800  }
0x42: {  	p1 =	slt.u32 s1, $0x2;
	s2 =	simm.s32 @!p0 $0x0;
	[sflag:s20] =	ssyncset.done $0x0  }
0x43: {  	s3 =	simm.s32 @!p1 $0x2;
	s2 =	smul.u32 $0xA140, s2;
	[sflag:s20] =	ssyncadd.s32 $0xFFFFF800  }
0x44: {  	_ =	swait.ge @!p1 [sflag:s3], $0x4000  }
0x45: {  	s2 =	sshrl.u32 s2, $0x2;
	[sflag:s3] =	ssyncset.done @!p1 $0x0  }
0x46: {  	s2 =	sadd.s32 $0x1021, s2;
	[sflag:s3] =	ssyncadd.s32 @!p1 $0xFFFFC000  }
0x47: {  	v1 =	vld [tilespmem:s2+$0xFFFFFFFF]  }
0x48: {  	v2 =	vld [tilespmem:s2+$0xFFFFEFDF]  }
0x49: {  	v3 =	vld [tilespmem:s2+$0xFFFFF7EF]  }
0x4a: {  	s3 =	simm.s32 $0x0;
	v4 =	vld [tilespmem:s2+$0x80F]  }
0x4b: {  	v5 =	vmov s3;
	v6 =	vld [tilespmem:s2+$0xFFFFEFE0]  }
0x4c: {  	v7 =	vld [tilespmem:s2+$0x101F];
	v5 =	vshll.u32 v5, $0x3  }
0x4d: {  	s6 =	sand.u32 $0x7, s3;
	v8 =	vld [tilespmem:s2+$0x810];
	v5 =	vor.u32 v0, v5  }
0x4e: {  	vm2 =	vmmov vm0;
	v9 =	vld [tilespmem:s2+$0xFFFFF7F0];
	p1 =	seq.s32 s6, $0x7;
	v10 =	vor.u32 $0x1, v5  }
0x4f: {  	s25 =	sand.u32 $0x1, s1;
	v11 =	vld [tilespmem:s2+$0x0];
	vm2 =	vmneg @p1 vm2;
	v12 =	vor.u32 $0x2, v5  }
0x50: {  	s6 =	sshll.u32 s25, $0xE;
	vm2 =	vmand vm2, vm1;
	v14 =	vor.u32 $0x4, v5  }
0x51: {  	s6 =	sadd.s32 $0x50A0, s6;
	v6 =	vsel vm2, v2, v6;
	v2 =	vpack.i.f32.bf16 v3, v2  }
0x52: {  	v13 =	vld [tilespmem:s2+$0x1020];
	v8 =	vsel vm2, v4, v8;
	[tilespmem:v5+s6+$0x0] =	vst.idx.msk $0xffff, v2;
	v2 =	vpack.i.f32.bf16 v4, v1  }
0x53: {  	v3 =	vsel vm2, v3, v9;
	[tilespmem:v10+s6+$0x0] =	vst.idx.msk $0xffff, v2;
	v2 =	vpack.i.f32.bf16 v7, v7  }
0x54: {  	v15 =	vor.u32 $0x5, v5;
	v1 =	vsel vm2, v1, v11;
	[tilespmem:v12+s6+$0x0] =	vst.idx.msk $0xffff, v2;
	v2 =	vpack.i.f32.bf16 v3, v6  }
0x55: {  	[tilespmem:v14+s6+$0x0] =	vst.idx.msk $0xffff, v2;
	v2 =	vpack.i.f32.bf16 v8, v1;
	v1 =	vor.u32 $0x6, v5;
	_ =	sdelay $0x2  }
0x56: {  	v3 =	vsel vm2, v7, v13  }
0x57: {  	s11 =	simm.s32 $0x1;
	[tilespmem:v15+s6+$0x0] =	vst.idx.msk $0xffff, v2;
	v2 =	vpack.i.f32.bf16 v3, v3  }
.LBB2_3:
0x58: {  	p1 =	sne.s32 s11, $0x7F;
	[tilespmem:v1+s6+$0x0] =	vst.idx.msk $0xffff, v2;
	s3 =	sadd.s32 $0x10, s3;
	s2 =	sadd.s32 $0x10, s2  }
0x59: {  	s12 =	smov.u32 s11;
	s11 =	sadd.s32 $0x1, s11;
	v2 =	vld [tilespmem:s2+$0xFFFFFFFF]  }
0x5a: {  	v1 =	vld [tilespmem:s2+$0xFFFFEFDF]  }
0x5b: {  	v3 =	vld [tilespmem:s2+$0xFFFFF7EF]  }
0x5c: {  	v4 =	vld [tilespmem:s2+$0x80F]  }
0x5d: {  	v5 =	vmov s3;
	v6 =	vld [tilespmem:s2+$0xFFFFEFE0]  }
0x5e: {  	v5 =	vshll.u32 v5, $0x3;
	v7 =	vld [tilespmem:s2+$0x101F]  }
0x5f: {  	s12 =	sand.u32 $0x7, s12;
	v5 =	vor.u32 v0, v5;
	v8 =	vld [tilespmem:s2+$0x810]  }
0x60: {  	vm2 =	vmmov vm0;
	p2 =	seq.s32 s12, $0x7;
	v10 =	vor.u32 $0x1, v5;
	v9 =	vld [tilespmem:s2+$0xFFFFF7F0]  }
0x61: {  	vm2 =	vmneg @p2 vm2;
	v12 =	vor.u32 $0x2, v5;
	v11 =	vld [tilespmem:s2+$0x0]  }
0x62: {  	vm2 =	vmand vm2, vm1;
	v14 =	vor.u32 $0x4, v5;
	v13 =	vld [tilespmem:s2+$0x1020]  }
0x63: {  	v15 =	vor.u32 $0x5, v5;
	v6 =	vsel vm2, v1, v6;
	v1 =	vpack.i.f32.bf16 v3, v1  }
.Ltmp0:
0x64: {  	v8 =	vsel vm2, v4, v8;
	[tilespmem:v5+s6+$0x0] =	vst.idx.msk $0xffff, v1;
	v4 =	vpack.i.f32.bf16 v4, v2;
	v1 =	vor.u32 $0x6, v5;
	(pc) =	sbr.rel @p1 .LBB2_3-.Ltmp0, $4  }
0x65: {  	v3 =	vsel vm2, v3, v9;
	[tilespmem:v10+s6+$0x0] =	vst.idx.msk $0xffff, v4;
	v4 =	vpack.i.f32.bf16 v7, v7  }
0x66: {  	v2 =	vsel vm2, v2, v11;
	[tilespmem:v12+s6+$0x0] =	vst.idx.msk $0xffff, v4;
	v3 =	vpack.i.f32.bf16 v3, v6  }
0x67: {  	v4 =	vsel vm2, v7, v13;
	[tilespmem:v14+s6+$0x0] =	vst.idx.msk $0xffff, v3;
	v2 =	vpack.i.f32.bf16 v8, v2  }
0x68: {  	[tilespmem:v15+s6+$0x0] =	vst.idx.msk $0xffff, v2;
	v2 =	vpack.i.f32.bf16 v4, v4  }
0x69: {  	_ =	sdelay $0x1  }
0x6a: {  	s2 =	sshll.u32 s1, $0xB  }
0x6b: {  	s3 =	sadd.s32 s10, s2  }
0x6c: {  	[tilespmem:v1+s6+$0x0] =	vst.idx.msk $0xffff, v2;
	p1 =	sgt.u32 s1, $0x3D;
	s3 =	sadd.s32 s4, s3  }
0x6d: {  	[hbm4b:s3+s5] =	stream.linear.scatter [tilespmem:s6], [sflag:$0x2], $0x4000, $0x38;
	[tilespmem:$0x12EA0] =	vst v63  }
0x6e: {  	s3 =	sand.u32 @!p1 $0x1, s1  }
0x6f: {  	s2 =	sadd.s32 @!p1 s2, s28;
	p2 =	seq.s32 @!p1 s3, $0x1  }
0x70: {  	s2 =	sshrl.u32 @!p1 s2, $0x3;
	s3 =	simm.s32 @!p1 $0x2850;
	p2 =	por !p2, p1  }
0x71: {  	s11 =	simm.s32 @!p1 $0x0;
	s6 =	sadd.s32 @!p1 s15, s2;
	s3 =	simm.s32 @p2 $0x0  }
0x72: {  	[tilespmem:s3], [sflag:$0x1] =	stream.linear.gather @!p1 [hbm4b:s6+s11], $0x800, $0x38;
	[tilespmem:$0x12EA0] =	vst v63  }
0x73: {  	s12 =	sadd.s32 @!p1 s16, s2;
	s6 =	sadd.s32 @!p1 $0x810, s3  }
0x74: {  	[tilespmem:s6], [sflag:$0x1] =	stream.linear.gather @!p1 [hbm4b:s12+s11], $0x800, $0x38;
	[tilespmem:$0x12EA0] =	vst v63  }
0x75: {  	s14 =	sadd.s32 @!p1 $0x40000, s12;
	s6 =	sor.u32 @!p1 $0x1020, s3  }
0x76: {  	[tilespmem:s6], [sflag:$0x1] =	stream.linear.gather @!p1 [hbm4b:s14+s11], $0x800, $0x38;
	[tilespmem:$0x12EA0] =	vst v63  }
0x77: {  	s2 =	sadd.s32 @!p1 s2, s13;
	s6 =	sadd.s32 @!p1 $0x1830, s3  }
0x78: {  	[tilespmem:s6], [sflag:$0x1] =	stream.linear.gather @!p1 [hbm4b:s2+s11], $0x800, $0x38;
	[tilespmem:$0x12EA0] =	vst v63  }
0x79: {  	s1 =	sadd.s32 $0x1, s1;
	s2 =	sadd.s32 @!p1 $0x2040, s3;
	s3 =	sadd.s32 @!p1 $0xC0000, s12  }
0x7a: {  	[tilespmem:s2], [sflag:$0x1] =	stream.linear.gather @!p1 [hbm4b:s3+s11], $0x800, $0x38;
	[tilespmem:$0x12EA0] =	vst v63  }
0x7b: {  	p1 =	sne.s32 s1, $0x40  }
.Ltmp1:
0x7c: {  	_ = 	snop;
	(pc) =	sbr.rel @p1 .LBB2_2-.Ltmp1, $2  }
0x7d: {  	_ =	sdelay $0x2  }
0x7e: {  	p0 =	por !p0, !p0  }
0x7f: {  	s1 =	simm.s32 $0x2  }
0x80: {  	_ =	swait.ge [sflag:s1], $0x4000  }
0x81: {  	[sflag:s1] =	ssyncset.done $0x0  }
0x82: {  	[sflag:s1] =	ssyncadd.s32 $0xFFFFC000  }
0x83: {  	_ =	swait.ge [sflag:s1], $0x4000  }
0x84: {  	[sflag:s1] =	ssyncset.done $0x0  }
0x85: {  	[sflag:s1] =	ssyncadd.s32 $0xFFFFC000  }
0x86: {  	[bflag:$0x0] =	sbarrier.arrive $0xFFFF  }
0x87: {  	s3 =	simm.s32 $0xD0A0;
	s1 =	simm.s32 $0x0;
	s2 =	rddreg [dreg:$0xf]  }
0x88: {  	[tilespmem:s3], [sflag:$0x3] =	stream.linear.gather [hbm4b:s2+s1], $0x80, $0x38;
	[tilespmem:$0x12EA0] =	vst v63  }
0x89: {  	s12 =	simm.s32 $0xD120;
	s11 =	rddreg [dreg:$0x12]  }
0x8a: {  	[tilespmem:s12], [sflag:$0x3] =	stream.linear.gather [hbm4b:s11+s1], $0x80, $0x38;
	[tilespmem:$0x12EA0] =	vst v63  }
0x8b: {  	s15 =	simm.s32 $0xD1A0;
	s14 =	rddreg [dreg:$0x13]  }
0x8c: {  	[tilespmem:s15], [sflag:$0x3] =	stream.linear.gather [hbm4b:s14+s1], $0x80, $0x38;
	[tilespmem:$0x12EA0] =	vst v63  }
0x8d: {  	s17 =	simm.s32 $0xD220;
	s16 =	rddreg [dreg:$0x14]  }
0x8e: {  	[tilespmem:s17], [sflag:$0x3] =	stream.linear.gather [hbm4b:s16+s1], $0x80, $0x38;
	[tilespmem:$0x12EA0] =	vst v63  }
0x8f: {  	s19 =	simm.s32 $0xD2A0;
	s18 =	rddreg [dreg:$0x15]  }
0x90: {  	[tilespmem:s19], [sflag:$0x3] =	stream.linear.gather [hbm4b:s18+s1], $0x80, $0x38;
	[tilespmem:$0x12EA0] =	vst v63  }
0x91: {  	s25 =	simm.s32 $0xD320;
	s21 =	rddreg [dreg:$0x16]  }
0x92: {  	[tilespmem:s25], [sflag:$0x3] =	stream.linear.gather [hbm4b:s21+s1], $0x80, $0x38;
	[tilespmem:$0x12EA0] =	vst v63  }
0x93: {  	s6 =	simm.s32 $0xD3A0;
	s3 =	rddreg [dreg:$0x17]  }
0x94: {  	[tilespmem:s6], [sflag:$0x3] =	stream.linear.gather [hbm4b:s3+s1], $0x80, $0x38;
	[tilespmem:$0x12EA0] =	vst v63  }
0x95: {  	s11 =	rddreg [dreg:$0x18];
	s12 =	simm.s32 $0xD420  }
0x96: {  	[tilespmem:s12], [sflag:$0x3] =	stream.linear.gather [hbm4b:s11+s1], $0x80, $0x38;
	[tilespmem:$0x12EA0] =	vst v63  }
0x97: {  	s14 =	rddreg [dreg:$0x19];
	s15 =	simm.s32 $0xD4A0  }
0x98: {  	[tilespmem:s15], [sflag:$0x3] =	stream.linear.gather [hbm4b:s14+s1], $0x80, $0x38;
	[tilespmem:$0x12EA0] =	vst v63  }
0x99: {  	s16 =	rddreg [dreg:$0x1a];
	s17 =	simm.s32 $0xD520  }
0x9a: {  	[tilespmem:s17], [sflag:$0x3] =	stream.linear.gather [hbm4b:s16+s1], $0x80, $0x38;
	[tilespmem:$0x12EA0] =	vst v63  }
0x9b: {  	s18 =	rddreg [dreg:$0x1b];
	s19 =	simm.s32 $0xD5A0  }
0x9c: {  	[tilespmem:s19], [sflag:$0x3] =	stream.linear.gather [hbm4b:s18+s1], $0x80, $0x38;
	[tilespmem:$0x12EA0] =	vst v63  }
0x9d: {  	s21 =	rddreg [dreg:$0x1c];
	s25 =	simm.s32 $0xD620  }
0x9e: {  	[tilespmem:s25], [sflag:$0x3] =	stream.linear.gather [hbm4b:s21+s1], $0x80, $0x38;
	[tilespmem:$0x12EA0] =	vst v63  }
0x9f: {  	_ =	swait.ge [sflag:s26], $0x80  }
0xa0: {  	[sflag:s26] =	ssyncset.done $0x0  }
0xa1: {  	[sflag:s26] =	ssyncadd.s32 $0xFFFFFF80  }
0xa2: {  	_ =	swait.ge [sflag:s26], $0x80  }
0xa3: {  	[sflag:s26] =	ssyncset.done $0x0  }
0xa4: {  	[sflag:s26] =	ssyncadd.s32 $0xFFFFFF80  }
0xa5: {  	_ =	swait.ge [sflag:s26], $0x80  }
0xa6: {  	[sflag:s26] =	ssyncset.done $0x0  }
0xa7: {  	s2 =	simm.s32 $0x0;
	[sflag:s26] =	ssyncadd.s32 $0xFFFFFF80  }
0xa8: {  	v1 =	vld [tilespmem:s2+$0xD1A0]  }
0xa9: {  	v2 =	vld [tilespmem:s2+$0xD120];
	_ =	sdelay $0x4  }
0xaa: {  	v3 =	vld [tilespmem:s2+$0xD0A0];
	v1 =	vadd.f32 $1.000000000e+00, v1;
	v2 =	vadd.f32 $1.000000000e+00, v2  }
0xab: {  	s1 =	simm.s32 $0x10  }
0xac: {  	v8 =	vld [tilespmem:s1+$0xD1A0];
	v1 =	vmul.f32 $6.350000000e+01, v1;
	v2 =	vmul.f32 $6.350000000e+01, v2  }
0xad: {  	v10 =	vld [tilespmem:s1+$0xD120]  }
0xae: {  	v1 =	vmax.f32 v1, $0.0e+00;
	v2 =	vmax.f32 v2, $0.0e+00  }
0xaf: {  	v4 =	vmin.f32 v1, $1.270000000e+02;
	v1 =	vadd.f32 $1.000000000e+00, v3;
	v2 =	vmin.f32 v2, $1.270000000e+02  }
0xb0: {  	v3 =	vtrunc.f32 v4;
	v5 =	vtrunc.f32 v2  }
0xb1: {  	v3 =	vcvt.f32.s32 v3;
	v1 =	vmul.f32 $6.350000000e+01, v1  }
0xb2: {  	v8 =	vadd.f32 $1.000000000e+00, v8;
	v10 =	vadd.f32 $1.000000000e+00, v10;
	v5 =	vcvt.f32.s32 v5  }
0xb3: {  	v6 =	vadd.s32 $0x1, v3;
	v7 =	vshll.u32 v3, $0x7;
	v1 =	vmax.f32 v1, $0.0e+00  }
0xb4: {  	v9 =	vadd.s32 $0x1, v5;
	v3 =	vcvt.s32.f32 v3;
	v13 =	vcvt.s32.f32 v5  }
0xb5: {  	vm2 =	vlt.s32 v6, $0x7F;
	v1 =	vmin.f32 v1, $1.270000000e+02;
	vm3 =	vlt.s32 v9, $0x7F  }
0xb6: {  	v6 =	vnsel vm2, $0x7F, v6;
	v11 =	vtrunc.f32 v1;
	v9 =	vnsel vm3, $0x7F, v9  }
0xb7: {  	v63 =	vsub.f32 v2, v13;
	v6 =	vshll.u32 v6, $0x7;
	v11 =	vcvt.f32.s32 v11  }
0xb8: {  	v12 =	vadd.s32 v9, v6;
	v9 =	vadd.s32 v9, v7;
	v6 =	vadd.s32 v5, v6  }
0xb9: {  	v15 =	vld [tilespmem:s1+$0xD0A0];
	v5 =	vadd.s32 v5, v7;
	v7 =	vmul.f32 $6.350000000e+01, v8;
	v12 =	vshll.u32 v12, $0x7  }
0xba: {  	v14 =	vcvt.s32.f32 v11;
	v6 =	vshll.u32 v6, $0x7;
	v5 =	vshll.u32 v5, $0x7  }
0xbb: {  	v8 =	vshll.u32 v9, $0x7;
	v9 =	vmul.f32 $6.350000000e+01, v10;
	v12 =	vadd.s32 v11, v12  }
0xbc: {  	[tilespmem:s2+$0xD720] =	vst v63;
	v2 =	vadd.s32 v11, v6;
	v10 =	vsub.f32 v1, v14;
	v1 =	vmax.f32 v7, $0.0e+00  }
0xbd: {  	[tilespmem:s2+$0xDE20] =	vst v12;
	v6 =	vmax.f32 v9, $0.0e+00;
	v7 =	vadd.s32 v11, v8;
	v1 =	vmin.f32 v1, $1.270000000e+02  }
0xbe: {  	[tilespmem:s2+$0xDDA0] =	vst v2;
	v8 =	vadd.f32 $1.000000000e+00, v15;
	v2 =	vmin.f32 v6, $1.270000000e+02;
	v6 =	vtrunc.f32 v1  }
0xbf: {  	v5 =	vadd.s32 v11, v5;
	[tilespmem:s2+$0xDD20] =	vst v7;
	v7 =	vtrunc.f32 v2;
	v9 =	vcvt.f32.s32 v6  }
0xc0: {  	[tilespmem:s2+$0xDCA0] =	vst v5;
	v8 =	vmul.f32 $6.350000000e+01, v8;
	v6 =	vsub.f32 v4, v3;
	v4 =	vcvt.f32.s32 v7  }
0xc1: {  	s3 =	simm.s32 $0x20;
	s6 =	simm.s32 $0xC0;
	[tilespmem:s2+$0xD6A0] =	vst v10;
	v7 =	vadd.s32 $0x1, v9;
	v5 =	vshll.u32 v9, $0x7;
	v3 =	vcvt.s32.f32 v9  }
.LBB2_6:
0xc2: {  	p0 =	sne.s32 s6, $0x1C0;
	v9 =	vld [tilespmem:s3+$0xD1A0];
	v8 =	vmax.f32 v8, $0.0e+00;
	v10 =	vadd.s32 $0x1, v4;
	vm2 =	vlt.s32 v7, $0x7F;
	[tilespmem:s2+$0xD7A0] =	vst v6;
	s2 =	smov.u32 s1;
	s1 =	smov.u32 s3  }
0xc3: {  	v6 =	vld [tilespmem:s1+$0xD120];
	v8 =	vmin.f32 v8, $1.270000000e+02;
	vm3 =	vlt.s32 v10, $0x7F;
	v7 =	vnsel vm2, $0x7F, v7  }
0xc4: {  	v11 =	vtrunc.f32 v8;
	v10 =	vnsel vm3, $0x7F, v10;
	v7 =	vshll.u32 v7, $0x7  }
0xc5: {  	v13 =	vcvt.s32.f32 v4;
	v11 =	vcvt.f32.s32 v11;
	v12 =	vadd.s32 v10, v7  }
0xc6: {  	v10 =	vadd.s32 v10, v5;
	v7 =	vadd.s32 v4, v7;
	v12 =	vshll.u32 v12, $0x7  }
0xc7: {  	v9 =	vadd.f32 $1.000000000e+00, v9;
	v12 =	vadd.s32 v11, v12;
	v14 =	vcvt.s32.f32 v11  }
0xc8: {  	v4 =	vadd.s32 v4, v5;
	v5 =	vshll.u32 v7, $0x7;
	v15 =	vld [tilespmem:s1+$0xD0A0];
	v6 =	vadd.f32 $1.000000000e+00, v6;
	[tilespmem:s2+$0xDE20] =	vst v12  }
0xc9: {  	v4 =	vshll.u32 v4, $0x7;
	v7 =	vmul.f32 $6.350000000e+01, v9;
	v9 =	vshll.u32 v10, $0x7  }
0xca: {  	v12 =	vsub.f32 v2, v13;
	v8 =	vsub.f32 v8, v14;
	v10 =	vmul.f32 $6.350000000e+01, v6  }
0xcb: {  	v5 =	vadd.s32 v11, v5;
	v6 =	vsub.f32 v1, v3;
	v2 =	vmax.f32 v7, $0.0e+00  }
.Ltmp2:
0xcc: {  	v7 =	vadd.s32 v11, v9;
	v3 =	vmax.f32 v10, $0.0e+00;
	v1 =	vmin.f32 v2, $1.270000000e+02;
	[tilespmem:s2+$0xDDA0] =	vst v5;
	(pc) =	sbr.rel @p0 .LBB2_6-.Ltmp2, $4  }
0xcd: {  	v5 =	vadd.f32 $1.000000000e+00, v15;
	v2 =	vmin.f32 v3, $1.270000000e+02;
	v3 =	vtrunc.f32 v1;
	[tilespmem:s2+$0xDD20] =	vst v7  }
0xce: {  	v9 =	vadd.s32 v11, v4;
	v7 =	vtrunc.f32 v2;
	v3 =	vcvt.f32.s32 v3;
	[tilespmem:s2+$0xD6A0] =	vst v8  }
0xcf: {  	v8 =	vmul.f32 $6.350000000e+01, v5;
	v4 =	vcvt.f32.s32 v7;
	[tilespmem:s2+$0xDCA0] =	vst v9  }
0xd0: {  	s3 =	sshra.s32 s6, $0x2;
	s6 =	sadd.s32 $0x40, s6;
	v7 =	vadd.s32 $0x1, v3;
	v5 =	vshll.u32 v3, $0x7;
	v3 =	vcvt.s32.f32 v3;
	[tilespmem:s2+$0xD720] =	vst v12  }
0xd1: {  	v9 =	vld [tilespmem:s3+$0xD1A0];
	[tilespmem:s2+$0xD7A0] =	vst v6;
	v6 =	vmax.f32 v8, $0.0e+00  }
0xd2: {  	v8 =	vadd.s32 $0x1, v4;
	vm2 =	vlt.s32 v7, $0x7F;
	v13 =	vcvt.s32.f32 v4;
	v10 =	vld [tilespmem:s3+$0xD120]  }
0xd3: {  	v6 =	vmin.f32 v6, $1.270000000e+02;
	vm3 =	vlt.s32 v8, $0x7F;
	v7 =	vnsel vm2, $0x7F, v7  }
0xd4: {  	v1 =	vsub.f32 v1, v3;
	v11 =	vtrunc.f32 v6;
	v8 =	vnsel vm3, $0x7F, v8  }
0xd5: {  	v14 =	vld [tilespmem:s3+$0xD0A0];
	v7 =	vshll.u32 v7, $0x7;
	v2 =	vsub.f32 v2, v13;
	v11 =	vcvt.f32.s32 v11  }
0xd6: {  	v12 =	vadd.s32 v8, v7;
	v8 =	vadd.s32 v8, v5;
	v9 =	vadd.f32 $1.000000000e+00, v9  }
0xd7: {  	v7 =	vadd.s32 v4, v7;
	v4 =	vadd.s32 v4, v5;
	v10 =	vadd.f32 $1.000000000e+00, v10  }
0xd8: {  	v12 =	vshll.u32 v12, $0x7;
	v7 =	vshll.u32 v7, $0x7;
	v5 =	vmul.f32 $6.350000000e+01, v9  }
0xd9: {  	v4 =	vshll.u32 v4, $0x7;
	v8 =	vshll.u32 v8, $0x7;
	v9 =	vmul.f32 $6.350000000e+01, v10  }
0xda: {  	v12 =	vadd.s32 v11, v12;
	v10 =	vadd.f32 $1.000000000e+00, v14;
	v5 =	vmax.f32 v5, $0.0e+00  }
0xdb: {  	v15 =	vcvt.s32.f32 v11;
	v9 =	vmax.f32 v9, $0.0e+00;
	v5 =	vmin.f32 v5, $1.270000000e+02  }
0xdc: {  	v3 =	vmul.f32 $6.350000000e+01, v10;
	v9 =	vmin.f32 v9, $1.270000000e+02;
	v57 =	vtrunc.f32 v5  }
0xdd: {  	v7 =	vadd.s32 v11, v7;
	v58 =	vtrunc.f32 v9;
	v13 =	vcvt.f32.s32 v57  }
0xde: {  	v8 =	vadd.s32 v11, v8;
	v4 =	vadd.s32 v11, v4;
	v10 =	vcvt.f32.s32 v58  }
0xdf: {  	[tilespmem:s1+$0xDDA0] =	vst v7;
	v6 =	vsub.f32 v6, v15;
	v3 =	vmax.f32 v3, $0.0e+00;
	v11 =	vadd.s32 $0x1, v13  }
0xe0: {  	[tilespmem:s1+$0xDD20] =	vst v8;
	v3 =	vmin.f32 v3, $1.270000000e+02;
	v7 =	vadd.s32 $0x1, v10;
	vm2 =	vlt.s32 v11, $0x7F  }
0xe1: {  	[tilespmem:s1+$0xD6A0] =	vst v6;
	v6 =	vtrunc.f32 v3;
	vm3 =	vlt.s32 v7, $0x7F;
	v8 =	vnsel vm2, $0x7F, v11  }
0xe2: {  	[tilespmem:s1+$0xDCA0] =	vst v4;
	v4 =	vshll.u32 v13, $0x7;
	v7 =	vnsel vm3, $0x7F, v7;
	v8 =	vshll.u32 v8, $0x7  }
0xe3: {  	[tilespmem:s1+$0xD720] =	vst v2;
	v6 =	vcvt.f32.s32 v6;
	v11 =	vadd.s32 v7, v8;
	v2 =	vadd.s32 v7, v4  }
0xe4: {  	[tilespmem:s1+$0xD7A0] =	vst v1;
	v7 =	vadd.s32 v10, v8;
	v4 =	vadd.s32 v10, v4;
	v8 =	vshll.u32 v11, $0x7  }
0xe5: {  	[tilespmem:s1+$0xDE20] =	vst v12;
	v4 =	vshll.u32 v4, $0x7;
	v1 =	vadd.s32 v6, v8  }
0xe6: {  	v7 =	vshll.u32 v7, $0x7;
	v8 =	vcvt.s32.f32 v6;
	v4 =	vadd.s32 v6, v4;
	[tilespmem:s3+$0xDE20] =	vst v1  }
0xe7: {  	v11 =	vcvt.s32.f32 v10;
	v1 =	vshll.u32 v2, $0x7;
	v2 =	vadd.s32 v6, v7;
	[tilespmem:s3+$0xDCA0] =	vst v4  }
0xe8: {  	v3 =	vsub.f32 v3, v8;
	v1 =	vadd.s32 v6, v1;
	[tilespmem:s3+$0xDDA0] =	vst v2;
	v2 =	vcvt.s32.f32 v13  }
0xe9: {  	[tilespmem:s3+$0xDD20] =	vst v1;
	v1 =	vsub.f32 v9, v11  }
0xea: {  	[tilespmem:s3+$0xD6A0] =	vst v3;
	v2 =	vsub.f32 v5, v2  }
0xeb: {  	[tilespmem:s3+$0xD720] =	vst v1  }
0xec: {  	s15 =	simm.s32 $0xDCA0;
	[tilespmem:s3+$0xD7A0] =	vst v2  }
0xed: {  	[tilespmem:s30], [sflag:$0x4] =	stream.indirect.gather [hbm4b:s4+s29], $0x8, s15, s29, $0xb8;
	[tilespmem:$0x12EA0] =	vst v63  }
0xee: {  	s16 =	simm.s32 $0xDD20;
	s17 =	simm.s32 $0xE8A0  }
0xef: {  	[tilespmem:s17], [sflag:$0x4] =	stream.indirect.gather [hbm4b:s4+s29], $0x8, s16, s29, $0xb8;
	[tilespmem:$0x12EA0] =	vst v63  }
0xf0: {  	s18 =	simm.s32 $0xDDA0;
	s19 =	simm.s32 $0xECA0  }
0xf1: {  	[tilespmem:s19], [sflag:$0x4] =	stream.indirect.gather [hbm4b:s4+s29], $0x8, s18, s29, $0xb8;
	[tilespmem:$0x12EA0] =	vst v63  }
0xf2: {  	s21 =	simm.s32 $0xDE20;
	s25 =	simm.s32 $0xF0A0  }
0xf3: {  	[tilespmem:s25], [sflag:$0x4] =	stream.indirect.gather [hbm4b:s4+s29], $0x8, s21, s29, $0xb8;
	[tilespmem:$0x12EA0] =	vst v63  }
0xf4: {  	_ =	swait.ge [sflag:s26], $0x80  }
0xf5: {  	[sflag:s26] =	ssyncset.done $0x0  }
0xf6: {  	[sflag:s26] =	ssyncadd.s32 $0xFFFFFF80  }
0xf7: {  	_ =	swait.ge [sflag:s26], $0x80  }
0xf8: {  	[sflag:s26] =	ssyncset.done $0x0  }
0xf9: {  	[sflag:s26] =	ssyncadd.s32 $0xFFFFFF80  }
0xfa: {  	_ =	swait.ge [sflag:s26], $0x80  }
0xfb: {  	[sflag:s26] =	ssyncset.done $0x0  }
0xfc: {  	s2 =	simm.s32 $0x0;
	[sflag:s26] =	ssyncadd.s32 $0xFFFFFF80  }
0xfd: {  	v1 =	vld [tilespmem:s2+$0xD320]  }
0xfe: {  	v2 =	vld [tilespmem:s2+$0xD2A0];
	_ =	sdelay $0x4  }
0xff: {  	v3 =	vld [tilespmem:s2+$0xD220];
	v1 =	vadd.f32 $1.000000000e+00, v1;
	v2 =	vadd.f32 $1.000000000e+00, v2  }
0x100: {  	s1 =	simm.s32 $0x10  }
0x101: {  	v8 =	vld [tilespmem:s1+$0xD320];
	v1 =	vmul.f32 $6.350000000e+01, v1;
	v2 =	vmul.f32 $6.350000000e+01, v2  }
0x102: {  	v10 =	vld [tilespmem:s1+$0xD2A0]  }
0x103: {  	v1 =	vmax.f32 v1, $0.0e+00;
	v2 =	vmax.f32 v2, $0.0e+00  }
0x104: {  	v4 =	vmin.f32 v1, $1.270000000e+02;
	v1 =	vadd.f32 $1.000000000e+00, v3;
	v2 =	vmin.f32 v2, $1.270000000e+02  }
0x105: {  	v3 =	vtrunc.f32 v4;
	v5 =	vtrunc.f32 v2  }
0x106: {  	v3 =	vcvt.f32.s32 v3;
	v1 =	vmul.f32 $6.350000000e+01, v1  }
0x107: {  	v8 =	vadd.f32 $1.000000000e+00, v8;
	v10 =	vadd.f32 $1.000000000e+00, v10;
	v5 =	vcvt.f32.s32 v5  }
0x108: {  	v6 =	vadd.s32 $0x1, v3;
	v7 =	vshll.u32 v3, $0x7;
	v1 =	vmax.f32 v1, $0.0e+00  }
0x109: {  	v9 =	vadd.s32 $0x1, v5;
	v3 =	vcvt.s32.f32 v3;
	v60 =	vcvt.s32.f32 v5  }
0x10a: {  	vm2 =	vlt.s32 v6, $0x7F;
	v1 =	vmin.f32 v1, $1.270000000e+02;
	vm3 =	vlt.s32 v9, $0x7F  }
0x10b: {  	v6 =	vnsel vm2, $0x7F, v6;
	v11 =	vtrunc.f32 v1;
	v9 =	vnsel vm3, $0x7F, v9  }
0x10c: {  	v63 =	vsub.f32 v2, v60;
	v6 =	vshll.u32 v6, $0x7;
	v11 =	vcvt.f32.s32 v11  }
0x10d: {  	v59 =	vadd.s32 v9, v6;
	v9 =	vadd.s32 v9, v7;
	v6 =	vadd.s32 v5, v6  }
0x10e: {  	v62 =	vld [tilespmem:s1+$0xD220];
	v5 =	vadd.s32 v5, v7;
	v7 =	vmul.f32 $6.350000000e+01, v8;
	v12 =	vshll.u32 v59, $0x7  }
0x10f: {  	v61 =	vcvt.s32.f32 v11;
	v6 =	vshll.u32 v6, $0x7;
	v5 =	vshll.u32 v5, $0x7  }
0x110: {  	v8 =	vshll.u32 v9, $0x7;
	v9 =	vmul.f32 $6.350000000e+01, v10;
	v12 =	vadd.s32 v11, v12  }
0x111: {  	[tilespmem:s2+$0xD8A0] =	vst v63;
	v2 =	vadd.s32 v11, v6;
	v10 =	vsub.f32 v1, v61;
	v1 =	vmax.f32 v7, $0.0e+00  }
0x112: {  	[tilespmem:s2+$0xE020] =	vst v12;
	v6 =	vmax.f32 v9, $0.0e+00;
	v7 =	vadd.s32 v11, v8;
	v1 =	vmin.f32 v1, $1.270000000e+02  }
0x113: {  	[tilespmem:s2+$0xDFA0] =	vst v2;
	v8 =	vadd.f32 $1.000000000e+00, v62;
	v2 =	vmin.f32 v6, $1.270000000e+02;
	v6 =	vtrunc.f32 v1  }
0x114: {  	v5 =	vadd.s32 v11, v5;
	[tilespmem:s2+$0xDF20] =	vst v7;
	v7 =	vtrunc.f32 v2;
	v9 =	vcvt.f32.s32 v6  }
0x115: {  	[tilespmem:s2+$0xDEA0] =	vst v5;
	v8 =	vmul.f32 $6.350000000e+01, v8;
	v6 =	vsub.f32 v4, v3;
	v4 =	vcvt.f32.s32 v7  }
0x116: {  	s6 =	simm.s32 $0xC0;
	s3 =	simm.s32 $0x20;
	[tilespmem:s2+$0xD820] =	vst v10;
	v7 =	vadd.s32 $0x1, v9;
	v5 =	vshll.u32 v9, $0x7;
	v3 =	vcvt.s32.f32 v9  }
.LBB2_8:
0x117: {  	p0 =	sne.s32 s6, $0x1C0;
	v9 =	vld [tilespmem:s3+$0xD320];
	v8 =	vmax.f32 v8, $0.0e+00;
	v10 =	vadd.s32 $0x1, v4;
	vm2 =	vlt.s32 v7, $0x7F;
	[tilespmem:s2+$0xD920] =	vst v6;
	s2 =	smov.u32 s1;
	s1 =	smov.u32 s3  }
0x118: {  	v6 =	vld [tilespmem:s1+$0xD2A0];
	v8 =	vmin.f32 v8, $1.270000000e+02;
	vm3 =	vlt.s32 v10, $0x7F;
	v7 =	vnsel vm2, $0x7F, v7  }
0x119: {  	v11 =	vtrunc.f32 v8;
	v10 =	vnsel vm3, $0x7F, v10;
	v7 =	vshll.u32 v7, $0x7  }
0x11a: {  	v13 =	vcvt.s32.f32 v4;
	v11 =	vcvt.f32.s32 v11;
	v12 =	vadd.s32 v10, v7  }
0x11b: {  	v10 =	vadd.s32 v10, v5;
	v7 =	vadd.s32 v4, v7;
	v12 =	vshll.u32 v12, $0x7  }
0x11c: {  	v9 =	vadd.f32 $1.000000000e+00, v9;
	v12 =	vadd.s32 v11, v12;
	v14 =	vcvt.s32.f32 v11  }
0x11d: {  	v4 =	vadd.s32 v4, v5;
	v5 =	vshll.u32 v7, $0x7;
	v15 =	vld [tilespmem:s1+$0xD220];
	v6 =	vadd.f32 $1.000000000e+00, v6;
	[tilespmem:s2+$0xE020] =	vst v12  }
0x11e: {  	v4 =	vshll.u32 v4, $0x7;
	v7 =	vmul.f32 $6.350000000e+01, v9;
	v9 =	vshll.u32 v10, $0x7  }
0x11f: {  	v12 =	vsub.f32 v2, v13;
	v8 =	vsub.f32 v8, v14;
	v10 =	vmul.f32 $6.350000000e+01, v6  }
0x120: {  	v5 =	vadd.s32 v11, v5;
	v6 =	vsub.f32 v1, v3;
	v2 =	vmax.f32 v7, $0.0e+00  }
.Ltmp3:
0x121: {  	v7 =	vadd.s32 v11, v9;
	v3 =	vmax.f32 v10, $0.0e+00;
	v1 =	vmin.f32 v2, $1.270000000e+02;
	[tilespmem:s2+$0xDFA0] =	vst v5;
	(pc) =	sbr.rel @p0 .LBB2_8-.Ltmp3, $4  }
0x122: {  	v5 =	vadd.f32 $1.000000000e+00, v15;
	v2 =	vmin.f32 v3, $1.270000000e+02;
	v3 =	vtrunc.f32 v1;
	[tilespmem:s2+$0xDF20] =	vst v7  }
0x123: {  	v9 =	vadd.s32 v11, v4;
	v7 =	vtrunc.f32 v2;
	v3 =	vcvt.f32.s32 v3;
	[tilespmem:s2+$0xD820] =	vst v8  }
0x124: {  	v8 =	vmul.f32 $6.350000000e+01, v5;
	v4 =	vcvt.f32.s32 v7;
	[tilespmem:s2+$0xDEA0] =	vst v9  }
0x125: {  	s3 =	sshra.s32 s6, $0x2;
	s6 =	sadd.s32 $0x40, s6;
	v7 =	vadd.s32 $0x1, v3;
	v5 =	vshll.u32 v3, $0x7;
	v3 =	vcvt.s32.f32 v3;
	[tilespmem:s2+$0xD8A0] =	vst v12  }
0x126: {  	v9 =	vld [tilespmem:s3+$0xD320];
	[tilespmem:s2+$0xD920] =	vst v6;
	v45 =	vmax.f32 v8, $0.0e+00;
	v46 =	vadd.s32 $0x1, v4;
	vm2 =	vlt.s32 v7, $0x7F  }
0x127: {  	v13 =	vcvt.s32.f32 v4;
	v47 =	vadd.s32 v4, v5;
	v10 =	vld [tilespmem:s3+$0xD2A0];
	v6 =	vmin.f32 v45, $1.270000000e+02  }
0x128: {  	vm3 =	vlt.s32 v46, $0x7F;
	v7 =	vnsel vm2, $0x7F, v7;
	v1 =	vsub.f32 v1, v3  }
0x129: {  	v14 =	vld [tilespmem:s3+$0xD220];
	v11 =	vtrunc.f32 v6;
	v8 =	vnsel vm3, $0x7F, v46;
	v7 =	vshll.u32 v7, $0x7  }
0x12a: {  	v2 =	vsub.f32 v2, v13;
	v11 =	vcvt.f32.s32 v11;
	v12 =	vadd.s32 v8, v7  }
0x12b: {  	v8 =	vadd.s32 v8, v5;
	v7 =	vadd.s32 v4, v7;
	v9 =	vadd.f32 $1.000000000e+00, v9  }
0x12c: {  	v4 =	vshll.u32 v47, $0x7;
	v12 =	vshll.u32 v12, $0x7;
	v10 =	vadd.f32 $1.000000000e+00, v10  }
0x12d: {  	v7 =	vshll.u32 v7, $0x7;
	v8 =	vshll.u32 v8, $0x7;
	v48 =	vmul.f32 $6.350000000e+01, v9  }
0x12e: {  	v12 =	vadd.s32 v11, v12;
	v50 =	vadd.f32 $1.000000000e+00, v14;
	v49 =	vmul.f32 $6.350000000e+01, v10  }
0x12f: {  	v15 =	vcvt.s32.f32 v11;
	v7 =	vadd.s32 v11, v7;
	v5 =	vmax.f32 v48, $0.0e+00  }
0x130: {  	v3 =	vmul.f32 $6.350000000e+01, v50;
	v9 =	vmax.f32 v49, $0.0e+00;
	v5 =	vmin.f32 v5, $1.270000000e+02  }
0x131: {  	v8 =	vadd.s32 v11, v8;
	v9 =	vmin.f32 v9, $1.270000000e+02;
	v51 =	vtrunc.f32 v5  }
0x132: {  	v3 =	vmax.f32 v3, $0.0e+00;
	v52 =	vtrunc.f32 v9;
	v13 =	vcvt.f32.s32 v51  }
0x133: {  	[tilespmem:s1+$0xD920] =	vst v1;
	v6 =	vsub.f32 v6, v15;
	v3 =	vmin.f32 v3, $1.270000000e+02;
	v53 =	vcvt.f32.s32 v52  }
0x134: {  	v4 =	vadd.s32 v11, v4;
	[tilespmem:s1+$0xDFA0] =	vst v7;
	v57 =	vtrunc.f32 v3;
	v54 =	vadd.s32 $0x1, v13  }
0x135: {  	[tilespmem:s1+$0xD820] =	vst v6;
	v6 =	vcvt.f32.s32 v57;
	v55 =	vadd.s32 $0x1, v53;
	vm2 =	vlt.s32 v54, $0x7F  }
0x136: {  	[tilespmem:s1+$0xDF20] =	vst v8;
	v58 =	vshll.u32 v13, $0x7;
	vm3 =	vlt.s32 v55, $0x7F;
	v56 =	vnsel vm2, $0x7F, v54  }
0x137: {  	[tilespmem:s1+$0xDEA0] =	vst v4;
	v4 =	vadd.s32 v53, v58;
	v7 =	vnsel vm3, $0x7F, v55;
	v8 =	vshll.u32 v56, $0x7  }
0x138: {  	[tilespmem:s1+$0xD8A0] =	vst v2;
	v62 =	vcvt.s32.f32 v6;
	v4 =	vshll.u32 v4, $0x7;
	v59 =	vadd.s32 v7, v8  }
0x139: {  	[tilespmem:s1+$0xE020] =	vst v12;
	v4 =	vadd.s32 v6, v4;
	v60 =	vadd.s32 v53, v8;
	v61 =	vshll.u32 v59, $0x7  }
0x13a: {  	v2 =	vadd.s32 v7, v58;
	[tilespmem:s3+$0xDEA0] =	vst v4;
	v7 =	vshll.u32 v60, $0x7;
	v1 =	vadd.s32 v6, v61  }
0x13b: {  	v63 =	vcvt.s32.f32 v53;
	[tilespmem:s3+$0xE020] =	vst v1;
	v1 =	vshll.u32 v2, $0x7;
	v2 =	vadd.s32 v6, v7  }
0x13c: {  	v3 =	vsub.f32 v3, v62;
	v1 =	vadd.s32 v6, v1;
	[tilespmem:s3+$0xDFA0] =	vst v2;
	v2 =	vcvt.s32.f32 v13  }
0x13d: {  	[tilespmem:s3+$0xDF20] =	vst v1;
	v1 =	vsub.f32 v9, v63  }
0x13e: {  	[tilespmem:s3+$0xD820] =	vst v3;
	v2 =	vsub.f32 v5, v2  }
0x13f: {  	[tilespmem:s3+$0xD8A0] =	vst v1  }
0x140: {  	s14 =	simm.s32 $0xDEA0;
	s15 =	simm.s32 $0xF4A0;
	[tilespmem:s3+$0xD920] =	vst v2  }
0x141: {  	[tilespmem:s15], [sflag:$0x4] =	stream.indirect.gather [hbm4b:s4+s29], $0x8, s14, s29, $0xb8;
	[tilespmem:$0x12EA0] =	vst v63  }
0x142: {  	s16 =	simm.s32 $0xDF20;
	s17 =	simm.s32 $0xF8A0  }
0x143: {  	[tilespmem:s17], [sflag:$0x4] =	stream.indirect.gather [hbm4b:s4+s29], $0x8, s16, s29, $0xb8;
	[tilespmem:$0x12EA0] =	vst v63  }
0x144: {  	s18 =	simm.s32 $0xDFA0;
	s19 =	simm.s32 $0xFCA0;
	s21 =	simm.s32 $0xE020  }
0x145: {  	[tilespmem:s19], [sflag:$0x4] =	stream.indirect.gather [hbm4b:s4+s29], $0x8, s18, s29, $0xb8;
	[tilespmem:$0x12EA0] =	vst v63  }
0x146: {  	s25 =	simm.s32 $0x100A0;
	s11 =	simm.s32 $0x0;
	s14 =	simm.s32 $0x0  }
0x147: {  	[tilespmem:s25], [sflag:$0x4] =	stream.indirect.gather [hbm4b:s4+s29], $0x8, s21, s29, $0xb8;
	[tilespmem:$0x12EA0] =	vst v63  }
.LBB2_10:
0x148: {  	p0 =	sgt.u32 s14, $0xC5  }
.Ltmp4:
0x149: {  	_ = 	snop;
	(pc) =	sbr.rel @p0 .LBB2_14-.Ltmp4, $2  }
0x14a: {  	_ =	sdelay $0x2  }
0x14b: {  	s12 =	sand.u32 $0x3, s14  }
0x14c: {  	s1 =	sxor.u32 $0x2, s12  }
0x14d: {  	_ =	swait.ge [sflag:s26], $0x80;
	s2 =	smul.u32 $0x600, s1  }
0x14e: {  	[sflag:s26] =	ssyncset.done $0x0  }
0x14f: {  	[sflag:s26] =	ssyncadd.s32 $0xFFFFFF80;
	s6 =	sshrl.u32 s2, $0x2  }
0x150: {  	_ =	swait.ge [sflag:s26], $0x80;
	s2 =	sadd.s32 $0xD120, s6  }
0x151: {  	[sflag:s26] =	ssyncset.done $0x0;
	v1 =	vmov s2  }
0x152: {  	[sflag:s26] =	ssyncadd.s32 $0xFFFFFF80  }
0x153: {  	_ =	swait.ge [sflag:s26], $0x80  }
0x154: {  	[sflag:s26] =	ssyncset.done $0x0  }
0x155: {  	s2 =	simm.s32 $0x0;
	[sflag:s26] =	ssyncadd.s32 $0xFFFFFF80  }
0x156: {  	v2 =	vld.idx.msk [tilespmem:v1+s2+$0x80 ss:$0x1], $0xffff  }
0x157: {  	v3 =	vld.idx.msk [tilespmem:v1+s2+$0x0 ss:$0x1], $0xffff  }
0x158: {  	v4 =	vld.idx.msk [tilespmem:v1+s2+$0xFFFFFF80 ss:$0x1], $0xffff;
	_ =	sdelay $0x2  }
0x159: {  	v2 =	vadd.f32 $1.000000000e+00, v2  }
0x15a: {  	v3 =	vadd.f32 $1.000000000e+00, v3  }
0x15b: {  	v4 =	vadd.f32 $1.000000000e+00, v4;
	v2 =	vmul.f32 $6.350000000e+01, v2  }
0x15c: {  	v3 =	vmul.f32 $6.350000000e+01, v3  }
0x15d: {  	v6 =	vmul.f32 $6.350000000e+01, v4;
	v2 =	vmax.f32 v2, $0.0e+00  }
0x15e: {  	v3 =	vmax.f32 v3, $0.0e+00;
	v4 =	vmin.f32 v2, $1.270000000e+02  }
0x15f: {  	s15 =	sshll.u32 s1, $0x9;
	v6 =	vmax.f32 v6, $0.0e+00;
	v5 =	vmin.f32 v3, $1.270000000e+02;
	v2 =	vtrunc.f32 v4  }
0x160: {  	s3 =	sadd.s32 $0xDE20, s15;
	v10 =	vmin.f32 v6, $1.270000000e+02;
	v7 =	vtrunc.f32 v5;
	v8 =	vcvt.f32.s32 v2  }
0x161: {  	s6 =	sadd.s32 $0xD720, s6;
	v3 =	vmov s3;
	v6 =	vcvt.f32.s32 v7;
	v7 =	vtrunc.f32 v10  }
0x162: {  	v2 =	vmov s6;
	v14 =	vcvt.f32.s32 v7;
	v9 =	vadd.s32 $0x1, v8  }
0x163: {  	v11 =	vshll.u32 v8, $0x7;
	v12 =	vadd.s32 $0x1, v6;
	vm2 =	vlt.s32 v9, $0x7F  }
0x164: {  	v13 =	vadd.s32 v6, v11;
	vm3 =	vlt.s32 v12, $0x7F;
	v9 =	vnsel vm2, $0x7F, v9  }
0x165: {  	v7 =	vnsel vm3, $0x7F, v12;
	v61 =	vshll.u32 v13, $0x7;
	v9 =	vshll.u32 v9, $0x7  }
0x166: {  	v11 =	vadd.s32 v7, v11;
	v62 =	vadd.s32 v6, v9;
	v7 =	vadd.s32 v7, v9  }
0x167: {  	v9 =	vadd.s32 v14, v61;
	v11 =	vshll.u32 v11, $0x7;
	v6 =	vcvt.s32.f32 v6  }
0x168: {  	v63 =	vshll.u32 v62, $0x7;
	[tilespmem:v3+s2+$0xFFFFFE80 ss:$0x1] =	vst.idx.msk $0xffff, v9;
	v9 =	vadd.s32 v14, v11;
	v11 =	vcvt.s32.f32 v14  }
0x169: {  	s17 =	simm.s32 $0x40;
	v12 =	vadd.s32 v14, v63;
	[tilespmem:v3+s2+$0xFFFFFF00 ss:$0x1] =	vst.idx.msk $0xffff, v9;
	v9 =	vshll.u32 v7, $0x7;
	v7 =	vcvt.s32.f32 v8  }
0x16a: {  	s16 =	sadd.s32 $0xDD20, s15;
	s6 =	sadd.s32 $0xDCA0, s15;
	s15 =	sadd.s32 $0xDDA0, s15;
	[tilespmem:v3+s2+$0xFFFFFF80 ss:$0x1] =	vst.idx.msk $0xffff, v12;
	v9 =	vadd.s32 v14, v9;
	v8 =	vsub.f32 v10, v11  }
.LBB2_12:
0x16b: {  	p0 =	sne.s32 s17, $0x1C0;
	[tilespmem:v3+s2+$0x0 ss:$0x1] =	vst.idx.msk $0xffff, v9;
	v5 =	vsub.f32 v5, v6;
	v4 =	vsub.f32 v4, v7;
	s18 =	smov.u32 s17;
	s17 =	sadd.s32 $0x40, s17  }
0x16c: {  	[tilespmem:v2+s2+$0xFFFFFF80 ss:$0x1] =	vst.idx.msk $0xffff, v8  }
0x16d: {  	s18 =	sshra.s32 s18, $0x2;
	[tilespmem:v2+s2+$0x0 ss:$0x1] =	vst.idx.msk $0xffff, v5  }
0x16e: {  	[tilespmem:v2+s2+$0x80 ss:$0x1] =	vst.idx.msk $0xffff, v4;
	s2 =	smov.u32 s18  }
0x16f: {  	v4 =	vld.idx.msk [tilespmem:v1+s2+$0x80 ss:$0x1], $0xffff  }
0x170: {  	v5 =	vld.idx.msk [tilespmem:v1+s2+$0x0 ss:$0x1], $0xffff;
	_ =	sdelay $0x1  }
0x171: {  	v6 =	vld.idx.msk [tilespmem:v1+s2+$0xFFFFFF80 ss:$0x1], $0xffff;
	_ =	sdelay $0x2  }
0x172: {  	v4 =	vadd.f32 $1.000000000e+00, v4  }
0x173: {  	v5 =	vadd.f32 $1.000000000e+00, v5  }
0x174: {  	v4 =	vmul.f32 $6.350000000e+01, v4  }
0x175: {  	v6 =	vadd.f32 $1.000000000e+00, v6;
	v5 =	vmul.f32 $6.350000000e+01, v5  }
0x176: {  	v4 =	vmax.f32 v4, $0.0e+00  }
0x177: {  	v6 =	vmul.f32 $6.350000000e+01, v6;
	v5 =	vmax.f32 v5, $0.0e+00;
	v4 =	vmin.f32 v4, $1.270000000e+02  }
0x178: {  	v5 =	vmin.f32 v5, $1.270000000e+02;
	v7 =	vtrunc.f32 v4  }
0x179: {  	v6 =	vmax.f32 v6, $0.0e+00;
	v8 =	vtrunc.f32 v5;
	v7 =	vcvt.f32.s32 v7  }
0x17a: {  	v10 =	vmin.f32 v6, $1.270000000e+02;
	v6 =	vcvt.f32.s32 v8  }
0x17b: {  	v8 =	vtrunc.f32 v10;
	v9 =	vadd.s32 $0x1, v7;
	v11 =	vshll.u32 v7, $0x7  }
0x17c: {  	v12 =	vadd.s32 $0x1, v6;
	vm2 =	vlt.s32 v9, $0x7F;
	v13 =	vadd.s32 v6, v11  }
0x17d: {  	vm3 =	vlt.s32 v12, $0x7F;
	v9 =	vnsel vm2, $0x7F, v9;
	v13 =	vshll.u32 v13, $0x7  }
0x17e: {  	v8 =	vcvt.f32.s32 v8;
	v12 =	vnsel vm3, $0x7F, v12;
	v9 =	vshll.u32 v9, $0x7  }
.Ltmp5:
0x17f: {  	v11 =	vadd.s32 v12, v11;
	v14 =	vadd.s32 v6, v9;
	v9 =	vadd.s32 v12, v9;
	(pc) =	sbr.rel @p0 .LBB2_12-.Ltmp5, $4  }
0x180: {  	v12 =	vadd.s32 v8, v13;
	v11 =	vshll.u32 v11, $0x7;
	v13 =	vshll.u32 v14, $0x7  }
0x181: {  	v11 =	vadd.s32 v8, v11;
	[tilespmem:v3+s2+$0xFFFFFE80 ss:$0x1] =	vst.idx.msk $0xffff, v12;
	v12 =	vadd.s32 v8, v13;
	v13 =	vcvt.s32.f32 v8  }
0x182: {  	v7 =	vcvt.s32.f32 v7;
	v6 =	vcvt.s32.f32 v6;
	v9 =	vshll.u32 v9, $0x7;
	[tilespmem:v3+s2+$0xFFFFFF00 ss:$0x1] =	vst.idx.msk $0xffff, v11  }
0x183: {  	v9 =	vadd.s32 v8, v9;
	[tilespmem:v3+s2+$0xFFFFFF80 ss:$0x1] =	vst.idx.msk $0xffff, v12;
	v8 =	vsub.f32 v10, v13  }
0x184: {  	_ =	sdelay $0x3  }
0x185: {  	[tilespmem:v3+s2+$0x0 ss:$0x1] =	vst.idx.msk $0xffff, v9;
	v1 =	vsub.f32 v5, v6  }
0x186: {  	v3 =	vsub.f32 v4, v7;
	[tilespmem:v2+s2+$0xFFFFFF80 ss:$0x1] =	vst.idx.msk $0xffff, v8  }
0x187: {  	s1 =	sshll.u32 s1, $0xC;
	[tilespmem:v2+s2+$0x0 ss:$0x1] =	vst.idx.msk $0xffff, v1  }
0x188: {  	s19 =	sadd.s32 $0xE4A0, s1;
	[tilespmem:v2+s2+$0x80 ss:$0x1] =	vst.idx.msk $0xffff, v3  }
0x189: {  	[tilespmem:s19], [sflag:$0x4] =	stream.indirect.gather [hbm4b:s4+s29], $0x8, s6, s29, $0xb8;
	[tilespmem:$0x12EA0] =	vst v63  }
0x18a: {  	s21 =	sadd.s32 $0xE8A0, s1  }
0x18b: {  	[tilespmem:s21], [sflag:$0x4] =	stream.indirect.gather [hbm4b:s4+s29], $0x8, s16, s29, $0xb8;
	[tilespmem:$0x12EA0] =	vst v63  }
0x18c: {  	s25 =	sadd.s32 $0xECA0, s1  }
0x18d: {  	[tilespmem:s25], [sflag:$0x4] =	stream.indirect.gather [hbm4b:s4+s29], $0x8, s15, s29, $0xb8;
	[tilespmem:$0x12EA0] =	vst v63  }
0x18e: {  	p0 =	sgt.u32 s14, $0xC3;
	s1 =	sadd.s32 $0xF0A0, s1  }
0x18f: {  	[tilespmem:s1], [sflag:$0x4] =	stream.indirect.gather [hbm4b:s4+s29], $0x8, s3, s29, $0xb8;
	[tilespmem:$0x12EA0] =	vst v63  }
0x190: {  	s2 =	smul.u32 @!p0 $0x600, s12;
	s1 =	sshll.u32 @!p0 s14, $0x7;
	s3 =	rddreg [dreg:$0x1d]  }
0x191: {  	s1 =	sadd.s32 @!p0 s1, s3  }
0x192: {  	s6 =	rddreg [dreg:$0x0];
	s2 =	sshrl.u32 @!p0 s2, $0x2;
	s1 =	sshrl.u32 @!p0 s1, $0x3  }
0x193: {  	s3 =	sadd.s32 @!p0 $0xD0A0, s2;
	s1 =	sadd.s32 @!p0 s6, s1;
	s6 =	simm.s32 @!p0 $0x0  }
0x194: {  	[tilespmem:s3], [sflag:$0x3] =	stream.linear.gather @!p0 [hbm4b:s1+s6], $0x80, $0x38;
	[tilespmem:$0x12EA0] =	vst v63  }
0x195: {  	s3 =	sadd.s32 @!p0 $0xD120, s2;
	s15 =	sadd.s32 @!p0 $0x19000, s1  }
0x196: {  	[tilespmem:s3], [sflag:$0x3] =	stream.linear.gather @!p0 [hbm4b:s15+s6], $0x80, $0x38;
	[tilespmem:$0x12EA0] =	vst v63  }
0x197: {  	s2 =	sadd.s32 @!p0 $0xD1A0, s2;
	s1 =	sadd.s32 @!p0 $0x32000, s1  }
0x198: {  	[tilespmem:s2], [sflag:$0x3] =	stream.linear.gather @!p0 [hbm4b:s1+s6], $0x80, $0x38;
	[tilespmem:$0x12EA0] =	vst v63  }
.LBB2_14:
0x199: {  	_ =	swait.ge [sflag:s31], $0x400  }
0x19a: {  	[sflag:s31] =	ssyncset.done $0x0  }
0x19b: {  	[sflag:s31] =	ssyncadd.s32 $0xFFFFFC00  }
0x19c: {  	_ =	swait.ge [sflag:s31], $0x400  }
0x19d: {  	[sflag:s31] =	ssyncset.done $0x0  }
0x19e: {  	[sflag:s31] =	ssyncadd.s32 $0xFFFFFC00  }
0x19f: {  	_ =	swait.ge [sflag:s31], $0x400  }
0x1a0: {  	[sflag:s31] =	ssyncset.done $0x0  }
0x1a1: {  	[sflag:s31] =	ssyncadd.s32 $0xFFFFFC00  }
0x1a2: {  	_ =	swait.ge [sflag:s31], $0x400  }
0x1a3: {  	p0 =	slt.u32 s14, $0x4;
	[sflag:s31] =	ssyncset.done $0x0  }
0x1a4: {  	s2 =	simm.s32 @!p0 $0x5;
	[sflag:s31] =	ssyncadd.s32 $0xFFFFFC00  }
0x1a5: {  	_ =	swait.ge @!p0 [sflag:s2], $0x80  }
0x1a6: {  	[sflag:s2] =	ssyncset.done @!p0 $0x0  }
0x1a7: {  	[sflag:s2] =	ssyncadd.s32 @!p0 $0xFFFFFF80  }
0x1a8: {  	_ =	swait.ge @!p0 [sflag:s2], $0x80  }
0x1a9: {  	[sflag:s2] =	ssyncset.done @!p0 $0x0  }
0x1aa: {  	[sflag:s2] =	ssyncadd.s32 @!p0 $0xFFFFFF80  }
0x1ab: {  	_ =	swait.ge @!p0 [sflag:s2], $0x80  }
0x1ac: {  	[sflag:s2] =	ssyncset.done @!p0 $0x0  }
0x1ad: {  	[sflag:s2] =	ssyncadd.s32 @!p0 $0xFFFFFF80  }
0x1ae: {  	s6 =	simm.s32 $0x0;
	_ =	swait.ge @!p0 [sflag:s2], $0x80  }
0x1af: {  	s1 =	sand.u32 $0x3, s11;
	v2 =	vmov s6;
	[sflag:s2] =	ssyncset.done @!p0 $0x0  }
0x1b0: {  	s15 =	sshll.u32 s12, $0xC;
	s3 =	smul.u32 $0x600, s1;
	v4 =	vshll.u32 v2, $0x3;
	[sflag:s2] =	ssyncadd.s32 @!p0 $0xFFFFFF80  }
0x1b1: {  	v1 =	vmov s15;
	v5 =	vor.u32 v0, v4;
	_ =	swait.ge @!p0 [sflag:s2], $0x80  }
0x1b2: {  	v2 =	vor.u32 $0x400, v1;
	s3 =	sshrl.u32 s3, $0x2;
	v7 =	vor.u32 v1, v5;
	[sflag:s2] =	ssyncset.done @!p0 $0x0  }
0x1b3: {  	s15 =	sadd.s32 $0xD7A0, s3;
	v15 =	vor.u32 v2, v5;
	[sflag:s2] =	ssyncadd.s32 @!p0 $0xFFFFFF80  }
0x1b4: {  	v11 =	vor.u32 $0x1, v7;
	v6 =	vld [tilespmem:s15+$0x0]  }
0x1b5: {  	v3 =	vor.u32 $0x800, v1;
	v4 =	vor.u32 $0xC00, v1;
	v18 =	vor.u32 $0x6, v15;
	v10 =	vld [tilespmem:s15+$0xFFFFFF80]  }
0x1b6: {  	v23 =	vor.u32 v3, v5;
	v8 =	vor.u32 v4, v5;
	v24 =	vor.u32 $0x6, v7;
	v5 =	vld [tilespmem:s15+$0xFFFFFF00]  }
0x1b7: {  	v20 =	vor.u32 $0x1, v15;
	v26 =	vld.idx.msk [tilespmem:v7+s30+$0x0], $0xffff  }
0x1b8: {  	v9 =	vor.u32 $0x2, v23;
	v29 =	vld.idx.msk [tilespmem:v15+s30+$0x0], $0xffff  }
0x1b9: {  	v16 =	vor.u32 $0x2, v7;
	v41 =	vor.u32 $0x2, v15;
	v35 =	vld.idx.msk [tilespmem:v11+s30+$0x0], $0xffff  }
0x1ba: {  	v19 =	vor.u32 $0x4, v7;
	v17 =	vor.u32 $0x5, v7;
	v21 =	vor.u32 $0x4, v15;
	v39 =	vld.idx.msk [tilespmem:v18+s30+$0x0], $0xffff  }
0x1bb: {  	v22 =	vor.u32 $0x5, v15;
	v25 =	vor.u32 $0x1, v23;
	v30 =	vor.u32 $0x4, v23;
	v24 =	vld.idx.msk [tilespmem:v24+s30+$0x0], $0xffff  }
0x1bc: {  	v32 =	vor.u32 $0x5, v23;
	v14 =	vor.u32 $0x6, v23;
	v13 =	vor.u32 $0x1, v8;
	v20 =	vld.idx.msk [tilespmem:v20+s30+$0x0], $0xffff  }
0x1bd: {  	v12 =	vor.u32 $0x2, v8;
	v31 =	vld.idx.msk [tilespmem:v9+s30+$0x0], $0xffff;
	v9 =	vor.u32 $0x4, v8;
	v11 =	vor.u32 $0x6, v8  }
0x1be: {  	v61 =	vld.idx.msk [tilespmem:v41+s30+$0x0], $0xffff;
	v27 =	vsub.f32 $1.000000000e+00, v6;
	v28 =	vsub.f32 $1.000000000e+00, v10;
	v7 =	vmul.f32 v6, v10  }
0x1bf: {  	v38 =	vld.idx.msk [tilespmem:v16+s30+$0x0], $0xffff;
	v33 =	vsub.f32 $1.000000000e+00, v5;
	v16 =	vunpack.i.u.bf16.f32 v26;
	v26 =	vunpack.i.l.bf16.f32 v26  }
0x1c0: {  	v58 =	vld.idx.msk [tilespmem:v19+s30+$0x0], $0xffff;
	v19 =	vunpack.i.u.bf16.f32 v35;
	v35 =	vunpack.i.l.bf16.f32 v35;
	v59 =	vunpack.i.l.bf16.f32 v39  }
0x1c1: {  	v60 =	vunpack.i.l.bf16.f32 v24;
	v24 =	vunpack.i.u.bf16.f32 v20;
	v34 =	vmul.f32 v27, v28  }
0x1c2: {  	v36 =	vld.idx.msk [tilespmem:v17+s30+$0x0], $0xffff;
	v20 =	vunpack.i.l.bf16.f32 v20;
	v28 =	vmul.f32 v28, v6;
	v27 =	vmul.f32 v27, v10  }
0x1c3: {  	v63 =	vunpack.i.l.bf16.f32 v61;
	v6 =	vmul.f32 v7, v33;
	v37 =	vmul.f32 v34, v33  }
0x1c4: {  	v10 =	vor.u32 $0x5, v8;
	v34 =	vmul.f32 v34, v5;
	v40 =	vmul.f32 v27, v5  }
0x1c5: {  	v42 =	vmul.f32 v27, v33;
	v27 =	vunpack.i.l.bf16.f32 v29;
	v17 =	vmul.f32 v28, v33  }
0x1c6: {  	v15 =	vmul.f32 v28, v5;
	v28 =	vunpack.i.u.bf16.f32 v29;
	v18 =	vmul.f32 v37, v16  }
0x1c7: {  	v62 =	vld.idx.msk [tilespmem:v23+s30+$0x0], $0xffff;
	v29 =	vunpack.i.u.bf16.f32 v36;
	v57 =	vmul.f32 v26, v37;
	v35 =	vmul.f32 v35, v37  }
0x1c8: {  	v45 =	vld.idx.msk [tilespmem:v25+s30+$0x0], $0xffff;
	v16 =	vunpack.i.l.bf16.f32 v31;
	v43 =	vmul.f32 v29, v34;
	v44 =	vmul.f32 v19, v37  }
0x1c9: {  	v26 =	vunpack.i.l.bf16.f32 v36;
	v31 =	vld.idx.msk [tilespmem:v22+s30+$0x0], $0xffff;
	v19 =	vmul.f32 v27, v42;
	v24 =	vmul.f32 v24, v42  }
0x1ca: {  	v22 =	vunpack.i.l.bf16.f32 v38;
	v27 =	vld.idx.msk [tilespmem:v21+s30+$0x0], $0xffff;
	v25 =	vmul.f32 v20, v42;
	v21 =	vmul.f32 v59, v40  }
0x1cb: {  	v29 =	vunpack.i.u.bf16.f32 v58;
	v20 =	vmul.f32 v28, v42;
	v39 =	vmul.f32 v60, v34  }
0x1cc: {  	v28 =	vunpack.i.l.bf16.f32 v58;
	v36 =	vunpack.i.u.bf16.f32 v62;
	v16 =	vmul.f32 v16, v17  }
0x1cd: {  	v38 =	vunpack.i.l.bf16.f32 v62;
	v37 =	vmul.f32 v22, v37;
	v28 =	vmul.f32 v28, v34  }
0x1ce: {  	v26 =	vmul.f32 v26, v34;
	v29 =	vmul.f32 v29, v34;
	v34 =	vadd.f32 v43, v44  }
0x1cf: {  	s19 =	sshll.u32 s12, $0x9;
	s1 =	sshll.u32 s1, $0x9;
	v28 =	vadd.f32 v28, v57;
	v33 =	vadd.f32 v39, v37;
	v22 =	vunpack.i.l.bf16.f32 v31  }
0x1d0: {  	s21 =	sshrl.u32 s19, $0x2;
	s17 =	sadd.s32 $0x126A0, s19;
	s16 =	sadd.s32 $0x12720, s19;
	v30 =	vld.idx.msk [tilespmem:v30+s30+$0x0], $0xffff;
	v23 =	vunpack.i.u.bf16.f32 v31;
	v31 =	vadd.f32 v26, v35;
	v35 =	vmul.f32 v63, v42  }
0x1d1: {  	s18 =	sshrl.u32 s1, $0x2;
	s25 =	sadd.s32 $0x127A0, s1;
	s12 =	sadd.s32 $0x124A0, s21;
	v37 =	vunpack.i.u.bf16.f32 v45;
	v22 =	vmul.f32 v22, v40;
	v26 =	vmul.f32 v23, v40  }
0x1d2: {  	s21 =	sadd.s32 $0x127A0, s19;
	s6 =	sadd.s32 $0x124A0, s18;
	s18 =	sor.u32 $0x12820, s19;
	v32 =	vld.idx.msk [tilespmem:v32+s30+$0x0], $0xffff;
	v23 =	vunpack.i.u.bf16.f32 v27;
	v27 =	vunpack.i.l.bf16.f32 v27;
	v25 =	vadd.f32 v25, v31  }
0x1d3: {  	s3 =	simm.s32 $0x10;
	s1 =	smov.u32 s6;
	s2 =	smov.u32 s25;
	v23 =	vmul.f32 v23, v40;
	v31 =	vunpack.i.l.bf16.f32 v45;
	v27 =	vmul.f32 v27, v40  }
.LBB2_15:
0x1d4: {  	v18 =	vadd.f32 v29, v18;
	v29 =	vmul.f32 v38, v17;
	v36 =	vmul.f32 v36, v17;
	s15 =	sadd.s32 $0x10, s15;
	s6 =	sadd.s32 $0x10, s6;
	s25 =	sadd.s32 $0x10, s25  }
0x1d5: {  	p0 =	sne.s32 s3, $0x70;
	v24 =	vadd.f32 v24, v34;
	v34 =	vmul.f32 v37, v17;
	v37 =	vunpack.i.u.bf16.f32 v30;
	s19 =	smov.u32 s3;
	s3 =	sadd.s32 $0x10, s3;
	v14 =	vld.idx.msk [tilespmem:v14+s30+$0x0], $0xffff  }
0x1d6: {  	v17 =	vmul.f32 v31, v17;
	v33 =	vadd.f32 v35, v33;
	v31 =	vmul.f32 v37, v15;
	v12 =	vld.idx.msk [tilespmem:v12+s30+$0x0], $0xffff  }
0x1d7: {  	v30 =	vunpack.i.l.bf16.f32 v30;
	v35 =	vunpack.i.l.bf16.f32 v32;
	v13 =	vld.idx.msk [tilespmem:v13+s30+$0x0], $0xffff  }
0x1d8: {  	v30 =	vmul.f32 v30, v15;
	v24 =	vadd.f32 v26, v24;
	v26 =	vunpack.i.u.bf16.f32 v32;
	v8 =	vld.idx.msk [tilespmem:v8+s30+$0x0], $0xffff  }
0x1d9: {  	v19 =	vadd.f32 v19, v28;
	v28 =	vmul.f32 v35, v15;
	v21 =	vadd.f32 v21, v33  }
0x1da: {  	v22 =	vadd.f32 v22, v25;
	v25 =	vmul.f32 v26, v15;
	v24 =	vadd.f32 v34, v24;
	v9 =	vld.idx.msk [tilespmem:v9+s30+$0x0], $0xffff  }
0x1db: {  	v18 =	vadd.f32 v20, v18;
	v19 =	vadd.f32 v27, v19;
	v14 =	vunpack.i.l.bf16.f32 v14;
	v10 =	vld.idx.msk [tilespmem:v10+s30+$0x0], $0xffff  }
0x1dc: {  	v16 =	vadd.f32 v16, v21;
	v14 =	vmul.f32 v14, v15;
	v11 =	vld.idx.msk [tilespmem:v11+s30+$0x0], $0xffff  }
0x1dd: {  	v15 =	vadd.f32 v23, v18;
	v18 =	vadd.f32 v29, v19;
	v19 =	vunpack.i.l.bf16.f32 v13  }
0x1de: {  	v5 =	vmul.f32 v7, v5;
	v14 =	vadd.f32 v14, v16;
	v7 =	vunpack.i.l.bf16.f32 v8  }
0x1df: {  	v13 =	vunpack.i.u.bf16.f32 v13;
	v15 =	vadd.f32 v36, v15;
	v16 =	vadd.f32 v17, v22  }
0x1e0: {  	v12 =	vunpack.i.l.bf16.f32 v12;
	v17 =	vadd.f32 v30, v18;
	v18 =	vmul.f32 v19, v6  }
0x1e1: {  	v13 =	vmul.f32 v13, v6;
	v16 =	vadd.f32 v28, v16;
	v19 =	vunpack.i.l.bf16.f32 v9  }
0x1e2: {  	v8 =	vunpack.i.u.bf16.f32 v8;
	v7 =	vmul.f32 v7, v6;
	v11 =	vunpack.i.l.bf16.f32 v11  }
0x1e3: {  	v8 =	vmul.f32 v8, v6;
	v6 =	vmul.f32 v12, v6;
	v15 =	vadd.f32 v31, v15  }
0x1e4: {  	v12 =	vadd.f32 v25, v24;
	v9 =	vunpack.i.u.bf16.f32 v9;
	v20 =	vunpack.i.l.bf16.f32 v10  }
0x1e5: {  	v7 =	vadd.f32 v7, v17;
	v17 =	vmul.f32 v19, v5;
	v9 =	vmul.f32 v9, v5  }
0x1e6: {  	v8 =	vadd.f32 v8, v15;
	v15 =	vadd.f32 v18, v16;
	v16 =	vmul.f32 v20, v5  }
0x1e7: {  	v12 =	vadd.f32 v13, v12;
	v10 =	vunpack.i.u.bf16.f32 v10;
	v7 =	vadd.f32 v17, v7  }
0x1e8: {  	v10 =	vmul.f32 v10, v5;
	v8 =	vadd.f32 v9, v8;
	v9 =	vadd.f32 v16, v15  }
0x1e9: {  	v6 =	vadd.f32 v6, v14;
	v5 =	vmul.f32 v11, v5;
	[tilespmem:s1+$0x0] =	vst v7;
	s1 =	smov.u32 s6  }
0x1ea: {  	v7 =	vadd.f32 v10, v12;
	[tilespmem:s2+$0xFFFFFF00] =	vst v8  }
0x1eb: {  	v5 =	vadd.f32 v5, v6;
	[tilespmem:s2+$0xFFFFFF80] =	vst v9  }
0x1ec: {  	[tilespmem:s2+$0x0] =	vst v7  }
0x1ed: {  	[tilespmem:s2+$0x80] =	vst v5;
	s2 =	smov.u32 s25  }
0x1ee: {  	v5 =	vmov s19  }
0x1ef: {  	v5 =	vshll.u32 v5, $0x3  }
0x1f0: {  	v5 =	vor.u32 v0, v5  }
0x1f1: {  	v7 =	vor.u32 v1, v5;
	v15 =	vor.u32 v2, v5;
	v23 =	vor.u32 v3, v5;
	v6 =	vld [tilespmem:s15+$0x0]  }
0x1f2: {  	v8 =	vor.u32 v4, v5;
	v16 =	vor.u32 $0x2, v7;
	v19 =	vor.u32 $0x4, v7;
	v10 =	vld [tilespmem:s15+$0xFFFFFF80]  }
0x1f3: {  	v11 =	vor.u32 $0x1, v7;
	v17 =	vor.u32 $0x5, v7;
	v9 =	vor.u32 $0x2, v23  }
0x1f4: {  	v20 =	vor.u32 $0x1, v15;
	v21 =	vor.u32 $0x4, v15;
	v22 =	vor.u32 $0x5, v15;
	v5 =	vld [tilespmem:s15+$0xFFFFFF00]  }
0x1f5: {  	v18 =	vor.u32 $0x6, v15;
	v24 =	vor.u32 $0x1, v23;
	v25 =	vor.u32 $0x4, v23  }
0x1f6: {  	v27 =	vor.u32 $0x6, v7;
	v28 =	vor.u32 $0x5, v23;
	v14 =	vor.u32 $0x6, v23;
	v26 =	vld.idx.msk [tilespmem:v7+s30+$0x0], $0xffff  }
0x1f7: {  	v29 =	vsub.f32 $1.000000000e+00, v6;
	v30 =	vsub.f32 $1.000000000e+00, v10;
	v7 =	vmul.f32 v6, v10;
	v31 =	vld.idx.msk [tilespmem:v15+s30+$0x0], $0xffff  }
0x1f8: {  	v13 =	vor.u32 $0x1, v8;
	v12 =	vor.u32 $0x2, v8;
	v32 =	vld.idx.msk [tilespmem:v9+s30+$0x0], $0xffff;
	v9 =	vor.u32 $0x4, v8  }
0x1f9: {  	v33 =	vsub.f32 $1.000000000e+00, v5;
	v34 =	vmul.f32 v29, v30;
	v30 =	vmul.f32 v30, v6;
	v35 =	vld.idx.msk [tilespmem:v11+s30+$0x0], $0xffff  }
0x1fa: {  	v29 =	vmul.f32 v29, v10;
	v10 =	vor.u32 $0x5, v8;
	v11 =	vor.u32 $0x6, v8;
	v36 =	vld.idx.msk [tilespmem:v17+s30+$0x0], $0xffff  }
0x1fb: {  	v37 =	vmul.f32 v34, v33;
	v38 =	vld.idx.msk [tilespmem:v16+s30+$0x0], $0xffff;
	v6 =	vmul.f32 v7, v33  }
0x1fc: {  	v34 =	vmul.f32 v34, v5;
	v16 =	vunpack.i.u.bf16.f32 v26;
	v26 =	vunpack.i.l.bf16.f32 v26;
	v39 =	vld.idx.msk [tilespmem:v18+s30+$0x0], $0xffff  }
0x1fd: {  	v41 =	vor.u32 $0x2, v15;
	v40 =	vmul.f32 v29, v5;
	v18 =	vmul.f32 v37, v16;
	v27 =	vld.idx.msk [tilespmem:v27+s30+$0x0], $0xffff  }
0x1fe: {  	v42 =	vmul.f32 v29, v33;
	v17 =	vmul.f32 v30, v33;
	v29 =	vunpack.i.l.bf16.f32 v31;
	v20 =	vld.idx.msk [tilespmem:v20+s30+$0x0], $0xffff  }
0x1ff: {  	v15 =	vmul.f32 v30, v5;
	v33 =	vmul.f32 v26, v37;
	v16 =	vunpack.i.l.bf16.f32 v32;
	v26 =	vld.idx.msk [tilespmem:v19+s30+$0x0], $0xffff  }
0x200: {  	v30 =	vunpack.i.u.bf16.f32 v31;
	v16 =	vmul.f32 v16, v17;
	v19 =	vunpack.i.l.bf16.f32 v36;
	v31 =	vld.idx.msk [tilespmem:v22+s30+$0x0], $0xffff  }
0x201: {  	v32 =	vunpack.i.u.bf16.f32 v36;
	v22 =	vunpack.i.l.bf16.f32 v38;
	v36 =	vmul.f32 v19, v34;
	v38 =	vld.idx.msk [tilespmem:v21+s30+$0x0], $0xffff  }
0x202: {  	v19 =	vunpack.i.u.bf16.f32 v35;
	v21 =	vunpack.i.l.bf16.f32 v35;
	v35 =	vunpack.i.l.bf16.f32 v39  }
0x203: {  	v43 =	vmul.f32 v32, v34;
	v39 =	vmul.f32 v21, v37;
	v27 =	vunpack.i.l.bf16.f32 v27;
	v41 =	vld.idx.msk [tilespmem:v41+s30+$0x0], $0xffff  }
0x204: {  	v44 =	vmul.f32 v19, v37;
	v19 =	vmul.f32 v29, v42;
	v21 =	vunpack.i.u.bf16.f32 v20;
	v45 =	vld.idx.msk [tilespmem:v24+s30+$0x0], $0xffff  }
0x205: {  	v37 =	vmul.f32 v22, v37;
	v20 =	vunpack.i.l.bf16.f32 v20;
	v24 =	vmul.f32 v21, v42  }
0x206: {  	v32 =	vmul.f32 v20, v42;
	v21 =	vmul.f32 v35, v40;
	v22 =	vunpack.i.l.bf16.f32 v31  }
0x207: {  	v29 =	vunpack.i.u.bf16.f32 v26;
	v20 =	vmul.f32 v30, v42;
	v22 =	vmul.f32 v22, v40;
	v46 =	vld.idx.msk [tilespmem:v23+s30+$0x0], $0xffff  }
0x208: {  	v35 =	vmul.f32 v27, v34;
	v29 =	vmul.f32 v29, v34;
	v23 =	vunpack.i.u.bf16.f32 v31  }
0x209: {  	v27 =	vunpack.i.l.bf16.f32 v26;
	v31 =	vadd.f32 v36, v39;
	v26 =	vmul.f32 v23, v40  }
.Ltmp6:
0x20a: {  	v27 =	vmul.f32 v27, v34;
	v34 =	vunpack.i.l.bf16.f32 v38;
	v23 =	vunpack.i.u.bf16.f32 v38;
	v30 =	vld.idx.msk [tilespmem:v25+s30+$0x0], $0xffff;
	(pc) =	sbr.rel @p0 .LBB2_15-.Ltmp6, $4  }
0x20b: {  	v23 =	vmul.f32 v23, v40;
	v25 =	vadd.f32 v32, v31;
	v31 =	vunpack.i.l.bf16.f32 v45;
	v32 =	vld.idx.msk [tilespmem:v28+s30+$0x0], $0xffff  }
0x20c: {  	v38 =	vunpack.i.l.bf16.f32 v41;
	v28 =	vadd.f32 v27, v33;
	v27 =	vmul.f32 v34, v40  }
0x20d: {  	v34 =	vadd.f32 v43, v44;
	v33 =	vadd.f32 v35, v37;
	v36 =	vunpack.i.u.bf16.f32 v46  }
0x20e: {  	v35 =	vmul.f32 v38, v42;
	v37 =	vunpack.i.u.bf16.f32 v45;
	v38 =	vunpack.i.l.bf16.f32 v46  }
0x20f: {  	_ =	sdelay $0x3  }
0x210: {  	v1 =	vadd.f32 v29, v18;
	v2 =	vmul.f32 v38, v17;
	v3 =	vmul.f32 v36, v17;
	v14 =	vld.idx.msk [tilespmem:v14+s30+$0x0], $0xffff  }
0x211: {  	v4 =	vadd.f32 v24, v34;
	v46 =	vmul.f32 v37, v17;
	v47 =	vunpack.i.u.bf16.f32 v30;
	v13 =	vld.idx.msk [tilespmem:v13+s30+$0x0], $0xffff  }
0x212: {  	v49 =	vmul.f32 v31, v17;
	v50 =	vunpack.i.l.bf16.f32 v30;
	v19 =	vadd.f32 v19, v28;
	v8 =	vld.idx.msk [tilespmem:v8+s30+$0x0], $0xffff  }
0x213: {  	v22 =	vadd.f32 v22, v25;
	v12 =	vld.idx.msk [tilespmem:v12+s30+$0x0], $0xffff;
	v5 =	vmul.f32 v7, v5;
	v48 =	vadd.f32 v35, v33  }
0x214: {  	v9 =	vld.idx.msk [tilespmem:v9+s30+$0x0], $0xffff;
	v24 =	vmul.f32 v47, v15;
	v51 =	vunpack.i.l.bf16.f32 v32;
	v52 =	vunpack.i.u.bf16.f32 v32  }
0x215: {  	v11 =	vld.idx.msk [tilespmem:v11+s30+$0x0], $0xffff;
	v30 =	vmul.f32 v50, v15;
	v4 =	vadd.f32 v26, v4;
	v1 =	vadd.f32 v20, v1  }
0x216: {  	v10 =	vld.idx.msk [tilespmem:v10+s30+$0x0], $0xffff;
	v53 =	vmul.f32 v51, v15;
	v19 =	vadd.f32 v27, v19;
	v21 =	vadd.f32 v21, v48  }
0x217: {  	v54 =	vmul.f32 v52, v15;
	v4 =	vadd.f32 v46, v4;
	v1 =	vadd.f32 v23, v1  }
0x218: {  	v2 =	vadd.f32 v2, v19;
	v14 =	vunpack.i.l.bf16.f32 v14;
	v16 =	vadd.f32 v16, v21  }
0x219: {  	v55 =	vunpack.i.l.bf16.f32 v13;
	v56 =	vunpack.i.l.bf16.f32 v8;
	v13 =	vunpack.i.u.bf16.f32 v13  }
0x21a: {  	v12 =	vunpack.i.l.bf16.f32 v12;
	v58 =	vunpack.i.l.bf16.f32 v9;
	v8 =	vunpack.i.u.bf16.f32 v8  }
0x21b: {  	v11 =	vunpack.i.l.bf16.f32 v11;
	v9 =	vunpack.i.u.bf16.f32 v9;
	v60 =	vunpack.i.l.bf16.f32 v10  }
0x21c: {  	v10 =	vunpack.i.u.bf16.f32 v10;
	v14 =	vmul.f32 v14, v15;
	v1 =	vadd.f32 v3, v1  }
0x21d: {  	v3 =	vadd.f32 v49, v22;
	v57 =	vmul.f32 v55, v6;
	v13 =	vmul.f32 v13, v6  }
0x21e: {  	v2 =	vadd.f32 v30, v2;
	v7 =	vmul.f32 v56, v6;
	v8 =	vmul.f32 v8, v6  }
0x21f: {  	v59 =	vmul.f32 v12, v6;
	v4 =	vadd.f32 v54, v4;
	v1 =	vadd.f32 v24, v1  }
0x220: {  	v61 =	vmul.f32 v58, v5;
	v3 =	vadd.f32 v53, v3;
	v2 =	vadd.f32 v7, v2  }
0x221: {  	v9 =	vmul.f32 v9, v5;
	v14 =	vadd.f32 v14, v16;
	v1 =	vadd.f32 v8, v1  }
0x222: {  	v62 =	vmul.f32 v60, v5;
	v3 =	vadd.f32 v57, v3;
	v2 =	vadd.f32 v61, v2  }
0x223: {  	s3 =	sshll.u32 s14, $0x7;
	v63 =	vmul.f32 v10, v5;
	v4 =	vadd.f32 v13, v4;
	v1 =	vadd.f32 v9, v1  }
0x224: {  	v5 =	vmul.f32 v11, v5;
	v6 =	vadd.f32 v59, v14;
	v3 =	vadd.f32 v62, v3;
	[tilespmem:s1+$0x0] =	vst v2;
	s1 =	sadd.s32 s9, s3  }
0x225: {  	v2 =	vadd.f32 v63, v4;
	s3 =	sshll.u32 s1, $0x2;
	[tilespmem:s2+$0xFFFFFF00] =	vst v1  }
0x226: {  	s6 =	sand.u32 $0xF80, s1;
	v1 =	vadd.f32 v5, v6;
	[tilespmem:s2+$0xFFFFFF80] =	vst v3;
	s3 =	sand.u32 $0x7FFFC000, s3  }
0x227: {  	s1 =	sshrl.u32 s1, $0x3;
	[tilespmem:s2+$0x0] =	vst v2;
	s6 =	sor.u32 s6, s3  }
0x228: {  	s1 =	sadd.s32 s7, s1;
	[tilespmem:s2+$0x80] =	vst v1;
	s15 =	sshrl.u32 s6, $0x3  }
0x229: {  	[hbm4b:s1+s5] =	stream.linear.scatter [tilespmem:s12], [sflag:$0x5], $0x80, $0x38;
	[tilespmem:$0x12EA0] =	vst v63  }
0x22a: {  	s14 =	sadd.s32 $0x1, s14;
	s2 =	sadd.s32 s8, s15  }
0x22b: {  	[hbm4b:s2+s5] =	stream.linear.scatter [tilespmem:s17], [sflag:$0x5], $0x80, $0x38;
	[tilespmem:$0x12EA0] =	vst v63  }
0x22c: {  	p0 =	sne.s32 s14, $0xC8;
	s19 =	sadd.s32 s15, s22  }
0x22d: {  	[hbm4b:s19+s5] =	stream.linear.scatter [tilespmem:s16], [sflag:$0x5], $0x80, $0x38;
	[tilespmem:$0x12EA0] =	vst v63  }
.Ltmp7:
0x22e: {  	_ = 	snop;
	(pc) =	sbr.rel @p0 .LBB2_10-.Ltmp7, $4  }
0x22f: {  	s25 =	sadd.s32 s15, s23  }
0x230: {  	[hbm4b:s25+s5] =	stream.linear.scatter [tilespmem:s21], [sflag:$0x5], $0x80, $0x38;
	[tilespmem:$0x12EA0] =	vst v63  }
0x231: {  	s11 =	sadd.s32 $0x1, s11;
	s1 =	sadd.s32 s15, s24  }
0x232: {  	[hbm4b:s1+s5] =	stream.linear.scatter [tilespmem:s18], [sflag:$0x5], $0x80, $0x38;
	[tilespmem:$0x12EA0] =	vst v63  }
0x233: {  	_ =	swait.ge [sflag:s0], $0x80  }
0x234: {  	[sflag:s0] =	ssyncset.done $0x0  }
0x235: {  	[sflag:s0] =	ssyncadd.s32 $0xFFFFFF80  }
0x236: {  	_ =	swait.ge [sflag:s0], $0x80  }
0x237: {  	[sflag:s0] =	ssyncset.done $0x0  }
0x238: {  	[sflag:s0] =	ssyncadd.s32 $0xFFFFFF80  }
0x239: {  	_ =	swait.ge [sflag:s0], $0x80  }
0x23a: {  	[sflag:s0] =	ssyncset.done $0x0  }
0x23b: {  	[sflag:s0] =	ssyncadd.s32 $0xFFFFFF80  }
0x23c: {  	_ =	swait.ge [sflag:s0], $0x80  }
0x23d: {  	[sflag:s0] =	ssyncset.done $0x0  }
0x23e: {  	[sflag:s0] =	ssyncadd.s32 $0xFFFFFF80  }
0x23f: {  	_ =	swait.ge [sflag:s0], $0x80  }
0x240: {  	[sflag:s0] =	ssyncset.done $0x0  }
0x241: {  	[sflag:s0] =	ssyncadd.s32 $0xFFFFFF80  }
0x242: {  	_ =	swait.ge [sflag:s0], $0x80  }
0x243: {  	[sflag:s0] =	ssyncset.done $0x0  }
0x244: {  	[sflag:s0] =	ssyncadd.s32 $0xFFFFFF80  }
0x245: {  	_ =	swait.ge [sflag:s0], $0x80  }
0x246: {  	[sflag:s0] =	ssyncset.done $0x0  }
0x247: {  	[sflag:s0] =	ssyncadd.s32 $0xFFFFFF80  }
0x248: {  	_ =	swait.ge [sflag:s0], $0x80  }
0x249: {  	[sflag:s0] =	ssyncset.done $0x0  }
0x24a: {  	[sflag:s0] =	ssyncadd.s32 $0xFFFFFF80  }
0x24b: {  	_ =	swait.ge [sflag:s0], $0x80  }
0x24c: {  	[sflag:s0] =	ssyncset.done $0x0  }
0x24d: {  	[sflag:s0] =	ssyncadd.s32 $0xFFFFFF80  }
0x24e: {  	_ =	swait.ge [sflag:s0], $0x80  }
0x24f: {  	[sflag:s0] =	ssyncset.done $0x0  }
0x250: {  	[sflag:s0] =	ssyncadd.s32 $0xFFFFFF80  }
0x251: {  	_ =	swait.ge [sflag:s0], $0x80  }
0x252: {  	[sflag:s0] =	ssyncset.done $0x0  }
0x253: {  	[sflag:s0] =	ssyncadd.s32 $0xFFFFFF80  }
0x254: {  	_ =	swait.ge [sflag:s0], $0x80  }
0x255: {  	[sflag:s0] =	ssyncset.done $0x0  }
0x256: {  	[sflag:s0] =	ssyncadd.s32 $0xFFFFFF80  }
0x257: {  	_ =	swait.ge [sflag:s0], $0x80  }
0x258: {  	[sflag:s0] =	ssyncset.done $0x0  }
0x259: {  	[sflag:s0] =	ssyncadd.s32 $0xFFFFFF80  }
0x25a: {  	_ =	swait.ge [sflag:s0], $0x80  }
0x25b: {  	[sflag:s0] =	ssyncset.done $0x0  }
0x25c: {  	[sflag:s0] =	ssyncadd.s32 $0xFFFFFF80  }
0x25d: {  	_ =	swait.ge [sflag:s0], $0x80  }
0x25e: {  	[sflag:s0] =	ssyncset.done $0x0  }
0x25f: {  	[sflag:s0] =	ssyncadd.s32 $0xFFFFFF80  }
0x260: {  	_ =	swait.ge [sflag:s0], $0x80  }
0x261: {  	[sflag:s0] =	ssyncset.done $0x0  }
0x262: {  	[sflag:s0] =	ssyncadd.s32 $0xFFFFFF80  }
0x263: {  	_ =	swait.ge [sflag:s0], $0x80  }
0x264: {  	[sflag:s0] =	ssyncset.done $0x0  }
0x265: {  	[sflag:s0] =	ssyncadd.s32 $0xFFFFFF80  }
0x266: {  	_ =	swait.ge [sflag:s0], $0x80  }
0x267: {  	[sflag:s0] =	ssyncset.done $0x0  }
0x268: {  	[sflag:s0] =	ssyncadd.s32 $0xFFFFFF80  }
0x269: {  	_ =	swait.ge [sflag:s0], $0x80  }
0x26a: {  	[sflag:s0] =	ssyncset.done $0x0  }
0x26b: {  	[sflag:s0] =	ssyncadd.s32 $0xFFFFFF80  }
0x26c: {  	_ =	swait.ge [sflag:s0], $0x80  }
0x26d: {  	s2 =	rddreg [dreg:$0x1e]  }
0x26e: {  	s1 =	rddreg [dreg:$0x10];
	s2 =	sadd.s32 $0x1, s2  }
0x26f: {  	p0 =	sne.s32 s2, s1  }
.Ltmp8:
0x270: {  	_ = 	snop;
	(pc) =	sbr.rel @p0 .LBB2_1-.Ltmp8, $4  }
0x271: {  	[sflag:s0] =	ssyncset.done $0x0  }
0x272: {  	[sflag:s0] =	ssyncadd.s32 $0xFFFFFF80  }
0x273: {  	s15 =	rddreg [dreg:$0x1]  }
0x274: {  	s16 =	rddreg [dreg:$0x2]  }
0x275: {  	_ =	sfence.sel $0x180000  }
0x276: {  	[bflag:$0x0] =	sbarrier.arrive $0xFFFF  }
0x277: {  	_ =	strace $0x90000047  }
0x278: {  	s0 =	stileid.u32;
	[bflag:$0x2] =	sbarrier.arrive $0xFFFF  }
0x279: {  	p0 =	sne.s32 s0, $0x0;
	s0 =	rddreg [dreg:$0x5]  }
0x27a: {  	s0 =	sadd.s32 @!p0 $0x100000, s0  }
0x27b: {  	[sflag:s0] =	ssyncadd.tile.s32 @!p0 $0x1;
	_ =	shalt  }
.Lfunc_end2:
_tile_overlayer_lowered:
.L_overlay_start_2:
0x27c: {  	(tag) =	ssettag $0x2  }
0x27d: {  	s0 =	rddreg [dreg:$0x0];
	s2 =	stileid.u32  }
0x27e: {  	s1 =	rddreg [dreg:$0x1];
	p0 =	sne.s32 s2, $0x0  }
0x27f: {  	s3 =	rddreg [dreg:$0x2];
	[bflag:$0x3] =	sbarrier.arrive $0xFFFF;
	s2 =	simm.s32 @!p0 $0x1C06  }
0x280: {  	[timem:s3], [sflag:s2] =	dma.local @!p0 [hbm:s0], s1  }
0x281: {  	s0 =	simm.s32 @!p0 $0x6  }
0x282: {  	_ =	swait.ge @!p0 [sflag:s0], s1  }
0x283: {  	s1 =	ssub.s32 @!p0 $0x0, s1;
	[sflag:s0] =	ssyncset.done @!p0 $0x0  }
0x284: {  	[sflag:s0] =	ssyncadd.s32 @!p0 s1  }
0x285: {  	[bflag:$0x3] =	sbarrier.arrive $0xFFFF  }
0x286: {  	_ =	shalt  }

</sc_bundles>
